<compile_context>
chip_gen: v7x
topology: tpu7x:2x2x1
jax: 0.10.2.dev20260603
libtpu: 0.0.44.dev20260713+nightly
codegen_flags: <defaults>
</compile_context>

<pallas_src>
import functools

import jax
import jax.numpy as jnp
from jax import lax
from jax.experimental import pallas as pl
from jax.experimental.pallas import tpu as pltpu
from jax.experimental.pallas import tpu_sc as plsc

_B = 4
_N = 2500
_E = 40000
_H = 128
_NP = 2560
_TIMESTEPS = (2, 2)

_ROWS = 40
_CHUNKS = _NP // _ROWS
_NW = 32
_ITEMS_PER_W = (_B * _CHUNKS) // _NW
_SLAB = 8000
_NSLABS = _E // _SLAB


def _build_adj(src, tgt):
    mesh = plsc.VectorSubcoreMesh(core_axis_name="c", subcore_axis_name="s")

    @functools.partial(
        pl.kernel,
        out_type=jax.ShapeDtypeStruct((_B * _NP * _NP,), jnp.float32),
        mesh=mesh,
        scratch_types=[
            pltpu.VMEM((_SLAB,), jnp.int32),
            pltpu.VMEM((_SLAB,), jnp.int32),
            pltpu.VMEM((_ROWS * _NP,), jnp.float32),
        ],
        compiler_params=pltpu.CompilerParams(needs_layout_passes=False),
    )
    def builder(src_hbm, tgt_hbm, adj_hbm, src_v, tgt_v, acc_v):
        wid = lax.axis_index("s") * 2 + lax.axis_index("c")
        ones16 = jnp.full((16,), 1.0, dtype=jnp.float32)
        zeros16 = jnp.zeros((16,), dtype=jnp.float32)
        for k in range(_ITEMS_PER_W):
            item = wid * _ITEMS_PER_W + k
            b = item // _CHUNKS
            base = (item % _CHUNKS) * _ROWS

            def zero_step(j, carry):
                acc_v[pl.ds(j * 16, 16)] = zeros16
                return carry
            lax.fori_loop(0, _ROWS * _NP // 16, zero_step, 0)

            for sl in range(_NSLABS):
                off = b * _E + sl * _SLAB
                pltpu.sync_copy(src_hbm.at[pl.ds(off, _SLAB)], src_v)
                pltpu.sync_copy(tgt_hbm.at[pl.ds(off, _SLAB)], tgt_v)

                def step(i, carry):
                    s16 = src_v[pl.ds(i * 16, 16)]
                    t16 = tgt_v[pl.ds(i * 16, 16)]
                    m = (t16 >= base) & (t16 < base + _ROWS)
                    idx = jnp.where(m, (t16 - base) * _NP + s16, 0)
                    plsc.addupdate_scatter(acc_v, [idx], ones16, mask=m)
                    return carry
                lax.fori_loop(0, _SLAB // 16, step, 0)

            pltpu.sync_copy(
                acc_v, adj_hbm.at[pl.ds(b * _NP * _NP + base * _NP, _ROWS * _NP)])

    return builder(src, tgt)


def _initial_transform(xcat, w_hidden, b_hidden, s1, t1):
    def body(x_ref, w_ref, b_ref, s_ref, t_ref, o_ref):
        x = x_ref[0]
        l1 = jnp.sum(jnp.abs(x), axis=1, keepdims=True)
        xn = x / jnp.maximum(l1, 1e-12)
        y = jnp.dot(xn, w_ref[...], preferred_element_type=jnp.float32)
        y = y + b_ref[...]
        o_ref[0] = y * s_ref[...] + t_ref[...]

    ha = xcat.shape[-1]
    return pl.pallas_call(
        body,
        grid=(_B,),
        in_specs=[
            pl.BlockSpec((1, _NP, ha), lambda b: (b, 0, 0)),
            pl.BlockSpec((ha, _H), lambda b: (0, 0)),
            pl.BlockSpec((1, _H), lambda b: (0, 0)),
            pl.BlockSpec((_NP, 1), lambda b: (0, 0)),
            pl.BlockSpec((_NP, 1), lambda b: (0, 0)),
        ],
        out_specs=pl.BlockSpec((1, _NP, _H), lambda b: (b, 0, 0)),
        out_shape=jax.ShapeDtypeStruct((_B, _NP, _H), jnp.float32),
    )(xcat, w_hidden, b_hidden, s1, t1)


_MT = 1280
_NT = _NP // _MT


def _timestep(h, adj, s, t, wm, bm, wih, whh, bih, bhh):
    def body(h_ref, ht_ref, adj_ref, s_ref, t_ref, st_ref, tt_ref, wm_ref,
             bm_ref, wih_ref, whh_ref, bih_ref, bhh_ref, o_ref):
        he_full = h_ref[0] * s_ref[...] + t_ref[...]
        hw = jnp.dot(he_full, wm_ref[...], preferred_element_type=jnp.float32)
        adj_t = adj_ref[0]
        deg = jnp.sum(adj_t, axis=1, keepdims=True)
        inc = jnp.dot(adj_t, hw, preferred_element_type=jnp.float32)
        inc = inc + deg * bm_ref[...]
        he_t = ht_ref[0] * st_ref[...] + tt_ref[...]
        gi = jnp.dot(inc, wih_ref[...], preferred_element_type=jnp.float32)
        gi = gi + bih_ref[...]
        gh = jnp.dot(he_t, whh_ref[...], preferred_element_type=jnp.float32)
        gh = gh + bhh_ref[...]
        r = jax.nn.sigmoid(gi[:, :_H] + gh[:, :_H])
        z = jax.nn.sigmoid(gi[:, _H:2 * _H] + gh[:, _H:2 * _H])
        n = jnp.tanh(gi[:, 2 * _H:] + r * gh[:, 2 * _H:])
        o_ref[0] = (1.0 - z) * n + z * he_t

    return pl.pallas_call(
        body,
        grid=(_B, _NT),
        in_specs=[
            pl.BlockSpec((1, _NP, _H), lambda b, i: (b, 0, 0)),
            pl.BlockSpec((1, _MT, _H), lambda b, i: (b, i, 0)),
            pl.BlockSpec((1, _MT, _NP), lambda b, i: (b, i, 0)),
            pl.BlockSpec((_NP, 1), lambda b, i: (0, 0)),
            pl.BlockSpec((_NP, 1), lambda b, i: (0, 0)),
            pl.BlockSpec((_MT, 1), lambda b, i: (i, 0)),
            pl.BlockSpec((_MT, 1), lambda b, i: (i, 0)),
            pl.BlockSpec((_H, _H), lambda b, i: (0, 0)),
            pl.BlockSpec((1, _H), lambda b, i: (0, 0)),
            pl.BlockSpec((_H, 3 * _H), lambda b, i: (0, 0)),
            pl.BlockSpec((_H, 3 * _H), lambda b, i: (0, 0)),
            pl.BlockSpec((1, 3 * _H), lambda b, i: (0, 0)),
            pl.BlockSpec((1, 3 * _H), lambda b, i: (0, 0)),
        ],
        out_specs=pl.BlockSpec((1, _MT, _H), lambda b, i: (b, i, 0)),
        out_shape=jax.ShapeDtypeStruct((_B, _NP, _H), jnp.float32),
        compiler_params=pltpu.CompilerParams(
            dimension_semantics=("arbitrary", "arbitrary"),
        ),
    )(h, h, adj, s, t, s, t, wm, bm, wih, whh, bih, bhh)


def kernel(initial_node_representation, annotations, adj_values, adj_lengths,
           W_hidden, b_hidden, W_msg, b_msg, W_ih, W_hh, b_ih, b_hh,
           bn1_gamma, bn1_beta, bn2_gamma, bn2_beta):
    del adj_lengths
    f32 = jnp.float32
    pad = _NP - _N

    xcat = jnp.concatenate([initial_node_representation, annotations], axis=2)
    xcat = jnp.pad(xcat, ((0, 0), (0, pad), (0, 0)))
    src = adj_values[:, :, 0].astype(jnp.int32).reshape(-1)
    tgt = adj_values[:, :, 1].astype(jnp.int32).reshape(-1)
    adj = _build_adj(src, tgt).reshape(_B, _NP, _NP)

    inv = f32(1.0) / jnp.sqrt(f32(1.0 + 1e-5))
    s1 = jnp.pad(bn1_gamma * inv, (0, pad))[:, None]
    t1 = jnp.pad(bn1_beta, (0, pad))[:, None]
    s2 = jnp.pad(bn2_gamma * inv, (0, pad))[:, None]
    t2 = jnp.pad(bn2_beta, (0, pad))[:, None]
    s_id = jnp.ones((_NP, 1), f32)
    t_id = jnp.zeros((_NP, 1), f32)

    h = _initial_transform(xcat, W_hidden.T, b_hidden.reshape(1, _H), s1, t1)
    for li, steps in enumerate(_TIMESTEPS):
        wm = W_msg[li].T
        bm = b_msg[li].reshape(1, _H)
        wih = W_ih[li].T
        whh = W_hh[li].T
        bih = b_ih[li].reshape(1, 3 * _H)
        bhh = b_hh[li].reshape(1, 3 * _H)
        for ti in range(steps):
            s, t = (s2, t2) if ti == 0 else (s_id, t_id)
            h = _timestep(h, adj, s, t, wm, bm, wih, whh, bih, bhh)
    return h[:, :_N, :]

# --- scband reference (transcript-rebuilt; emitter-appended) ---
"""Pipeline reference for scband-gated-graph-neural-network-22471268893187 (READ-ONLY COPY).

The authoritative reference and input builder live on the scoring server;
editing this copy changes nothing except your own understanding.
"""

import jax, jax.numpy as jnp
import numpy as np

B, N, E, H, A = 4, 2500, 40000, 128, 128
LAYER_TIMESTEPS = [2, 2]


def setup_inputs(seed: int = 0) -> dict:
    key = jax.random.key(seed)
    ks = jax.random.split(key, 16)
    inp = {}
    inp["initial_node_representation"] = jax.random.normal(ks[0], (B, N, H), dtype=jnp.float32)
    inp["annotations"] = jax.random.normal(ks[1], (B, N, A), dtype=jnp.float32)
    inp["adj_values"] = jax.random.randint(ks[2], (B, E, 2), 0, N, dtype=jnp.int32)
    inp["adj_lengths"] = jnp.full((B,), E, dtype=jnp.int32)
    L = len(LAYER_TIMESTEPS)
    s = 1.0 / np.sqrt(H + A)
    inp["W_hidden"] = jax.random.uniform(ks[3], (H, H + A), minval=-s, maxval=s, dtype=jnp.float32)
    inp["b_hidden"] = jax.random.uniform(ks[4], (H,), minval=-s, maxval=s, dtype=jnp.float32)
    sm = 1.0 / np.sqrt(H)
    inp["W_msg"] = jax.random.uniform(ks[5], (L, H, H), minval=-sm, maxval=sm, dtype=jnp.float32)
    inp["b_msg"] = jax.random.uniform(ks[6], (L, H), minval=-sm, maxval=sm, dtype=jnp.float32)
    inp["W_ih"] = jax.random.uniform(ks[7], (L, 3 * H, H), minval=-sm, maxval=sm, dtype=jnp.float32)
    inp["W_hh"] = jax.random.uniform(ks[8], (L, 3 * H, H), minval=-sm, maxval=sm, dtype=jnp.float32)
    inp["b_ih"] = jax.random.uniform(ks[9], (L, 3 * H), minval=-sm, maxval=sm, dtype=jnp.float32)
    inp["b_hh"] = jax.random.uniform(ks[10], (L, 3 * H), minval=-sm, maxval=sm, dtype=jnp.float32)
    inp["bn1_gamma"] = jnp.ones((N,), dtype=jnp.float32)
    inp["bn1_beta"] = jnp.zeros((N,), dtype=jnp.float32)
    inp["bn2_gamma"] = jnp.ones((N,), dtype=jnp.float32)
    inp["bn2_beta"] = jnp.zeros((N,), dtype=jnp.float32)
    return inp


def _bn_eval(x, gamma, beta, eps=1e-5):
    # eval-mode BatchNorm1d over the node/channel dim (running_mean=0, running_var=1)
    return (x / jnp.sqrt(1.0 + eps)) * gamma[None, :, None] + beta[None, :, None]


def reference(initial_node_representation, annotations, adj_values, adj_lengths, W_hidden, b_hidden, W_msg, b_msg, W_ih, W_hh, b_ih, b_hh, bn1_gamma, bn1_beta, bn2_gamma, bn2_beta):
    max_edge_count = adj_values.shape[1]
    edge_mask = (jnp.arange(max_edge_count, dtype=jnp.int32) < jnp.max(adj_lengths)).astype(jnp.float32)
    sources = adj_values[:, :max_edge_count, 0].astype(jnp.int32)
    targets = adj_values[:, :max_edge_count, 1].astype(jnp.int32)

    # 3D path: cat annotations, L1-normalize, hidden linear, batch norm
    x = jnp.concatenate([initial_node_representation, annotations], axis=2)
    l1 = jnp.sum(jnp.abs(x), axis=2, keepdims=True)
    x = x / jnp.maximum(l1, 1e-12)
    x = jnp.einsum('bnd,hd->bnh', x, W_hidden) + b_hidden
    x = _bn_eval(x, bn1_gamma, bn1_beta)

    node_states = [x]
    for li, T in enumerate(LAYER_TIMESTEPS):
        h = _bn_eval(node_states[-1], bn2_gamma, bn2_beta)
        for _ in range(T):
            idx = jnp.broadcast_to(sources[:, :, None], (sources.shape[0], sources.shape[1], h.shape[2]))
            edge_source_states = jnp.take_along_axis(h, idx, axis=1)
            msgs = jnp.einsum('beh,oh->beo', edge_source_states, W_msg[li]) + b_msg[li]
            msgs = msgs * edge_mask[None, :, None]
            incoming = jax.vmap(lambda m, t: jnp.zeros((N, H), dtype=m.dtype).at[t].add(m))(msgs, targets)
            xf = incoming.reshape(-1, H)
            hf = h.reshape(-1, H)
            gi = xf @ W_ih[li].T + b_ih[li]
            gh = hf @ W_hh[li].T + b_hh[li]
            i_r, i_z, i_n = jnp.split(gi, 3, axis=1)
            h_r, h_z, h_n = jnp.split(gh, 3, axis=1)
            r = jax.nn.sigmoid(i_r + h_r)
            z = jax.nn.sigmoid(i_z + h_z)
            n = jnp.tanh(i_n + r * h_n)
            hf = (1.0 - z) * n + z * hf
            h = hf.reshape(node_states[-1].shape)
        node_states.append(h)
    return node_states[-1]

if __name__ == "__main__":
    import jax
    _d = setup_inputs()
    print(jax.jit(kernel)(*tuple(_d.values())))

</pallas_src>

<mosaic_0001>
#map = affine_map<(d0, d1) -> (0)>
module attributes {stable_mosaic.version = 14 : i64} {
  func.func @builder(%arg0: i32, %arg1: i32, %arg2: memref<160000xi32, #tpu.memory_space<hbm>>, %arg3: memref<160000xi32, #tpu.memory_space<hbm>>, %arg4: memref<26214400xf32, #tpu.memory_space<hbm>>, %arg5: memref<8000xi32, #tpu.memory_space<vmem>>, %arg6: memref<8000xi32, #tpu.memory_space<vmem>>, %arg7: memref<102400xf32, #tpu.memory_space<vmem>>) attributes {dimension_semantics = [#tpu.dimension_semantics<core_parallel>, #tpu.dimension_semantics<subcore_parallel>], iteration_bounds = array<i64: 2, 16>, scalar_prefetch = 0 : i64, scratch_operands = 3 : i64, tpu.core_type = #tpu.core_type<sc_vector_subcore>, window_params = [{transform_indices = #map}, {transform_indices = #map}, {transform_indices = #map}]} {
    %mul3A = arith.constant 2 : i32
    %mul3A_0 = arith.muli %arg1, %mul3A : i32
    %add3A = arith.addi %mul3A_0, %arg0 : i32
    %broadcast_in_dim3A = arith.constant 1.000000e+00 : f32
    %broadcast_in_dim3A_1 = vector.broadcast %broadcast_in_dim3A : f32 to vector<16xf32>
    %broadcast_in_dim3A_2 = arith.constant 0.000000e+00 : f32
    %broadcast_in_dim3A_3 = vector.broadcast %broadcast_in_dim3A_2 : f32 to vector<16xf32>
    %mul3A_4 = arith.constant 8 : i32
    %mul3A_5 = arith.muli %add3A, %mul3A_4 : i32
    %add3A_6 = arith.constant 0 : i32
    %add3A_7 = arith.addi %mul3A_5, %add3A_6 : i32
    %jit3A = arith.constant 64 : i32
    %div3A = arith.divsi %add3A_7, %jit3A : i32
    %sign3A = arith.constant 0 : i32
    %sign3A_8 = arith.cmpi sgt, %add3A_7, %sign3A : i32
    %sign3A_9 = arith.extui %sign3A_8 : i1 to i32
    %sign3A_10 = arith.constant 0 : i32
    %sign3A_11 = arith.cmpi slt, %add3A_7, %sign3A_10 : i32
    %sign3A_12 = arith.extui %sign3A_11 : i1 to i32
    %sign3A_13 = arith.subi %sign3A_9, %sign3A_12 : i32
    %sign3A_14 = arith.constant 0 : i32
    %sign3A_15 = arith.cmpi sgt, %jit3A, %sign3A_14 : i32
    %sign3A_16 = arith.extui %sign3A_15 : i1 to i32
    %sign3A_17 = arith.constant 0 : i32
    %sign3A_18 = arith.cmpi slt, %jit3A, %sign3A_17 : i32
    %sign3A_19 = arith.extui %sign3A_18 : i1 to i32
    %sign3A_20 = arith.subi %sign3A_16, %sign3A_19 : i32
    %ne3A = arith.cmpi ne, %sign3A_13, %sign3A_20 : i32
    %rem3A = arith.remsi %add3A_7, %jit3A : i32
    %ne3A_21 = arith.constant 0 : i32
    %ne3A_22 = arith.cmpi ne, %rem3A, %ne3A_21 : i32
    %and3A = arith.andi %ne3A, %ne3A_22 : i1
    %sub3A = arith.constant 1 : i32
    %sub3A_23 = arith.subi %div3A, %sub3A : i32
    %select_n3A = arith.select %and3A, %sub3A_23, %div3A : i32
    %jit3A_24 = arith.constant 64 : i32
    %eq3A = arith.constant 0 : i32
    %eq3A_25 = arith.cmpi eq, %jit3A_24, %eq3A : i32
    %jit3A_26 = arith.constant 1 : i32
    %select_n3A_27 = arith.select %eq3A_25, %jit3A_26, %jit3A_24 : i32
    %rem3A_28 = arith.remsi %add3A_7, %select_n3A_27 : i32
    %ne3A_29 = arith.constant 0 : i32
    %ne3A_30 = arith.cmpi ne, %rem3A_28, %ne3A_29 : i32
    %lt3A = arith.constant 0 : i32
    %lt3A_31 = arith.cmpi slt, %rem3A_28, %lt3A : i32
    %lt3A_32 = arith.constant 0 : i32
    %lt3A_33 = arith.cmpi slt, %select_n3A_27, %lt3A_32 : i32
    %ne3A_34 = arith.xori %lt3A_31, %lt3A_33 : i1
    %and3A_35 = arith.andi %ne3A_34, %ne3A_30 : i1
    %add3A_36 = arith.addi %rem3A_28, %select_n3A_27 : i32
    %select_n3A_37 = arith.select %and3A_35, %add3A_36, %rem3A_28 : i32
    %mul3A_38 = arith.constant 40 : i32
    %mul3A_39 = arith.muli %select_n3A_37, %mul3A_38 : i32
    %scan3A = arith.constant 0 : i32
    %scan3A_40 = arith.constant 0 : i32
    %scan3A_41 = arith.constant 6400 : i32
    %scan3A_42 = arith.addi %scan3A_40, %scan3A_41 : i32
    %scan3A_43 = arith.constant 1 : i32
    scf.for %scan3A_865 = %scan3A_40 to %scan3A_42 step %scan3A_43  : i32 {
      %mul3A_866 = arith.constant 16 : i32
      %mul3A_867 = arith.muli %scan3A_865, %mul3A_866 : i32
      %swap3A = arith.index_cast %mul3A_867 : i32 to index
      %swap3A_868 = tpu.vector_load %arg7[%swap3A] {strides = array<i32>} : memref<102400xf32, #tpu.memory_space<vmem>>, vector<16xf32>,
      tpu.vector_store %arg7[%swap3A], %broadcast_in_dim3A_3 {strides = array<i32>} : memref<102400xf32, #tpu.memory_space<vmem>>, vector<16xf32>,
    }
    %scan3A_44 = arith.constant 6400 : i32
    %mul3A_45 = arith.constant 40000 : i32
    %mul3A_46 = arith.muli %select_n3A, %mul3A_45 : i32
    %add3A_47 = arith.constant 0 : i32
    %add3A_48 = arith.addi %mul3A_46, %add3A_47 : i32
    "tpu.region"() ({
      %run_scoped3A = tpu.sem_alloc : memref<!tpu.dma_semaphore, #tpu.memory_space<semaphore_mem>>
      %dma_start3A = tpu.memref_slice %arg2[%add3A_48] : memref<160000xi32, #tpu.memory_space<hbm>> -> memref<8000xi32, #tpu.memory_space<hbm>>
      %dma_start3A_865 = tpu.memref_slice %arg2[%add3A_48] : memref<160000xi32, #tpu.memory_space<hbm>> -> memref<8000xi32, #tpu.memory_space<hbm>>
      tpu.enqueue_dma source(%dma_start3A_865 : memref<8000xi32, #tpu.memory_space<hbm>>) target(%arg5 : memref<8000xi32, #tpu.memory_space<vmem>>) target_semaphore(%run_scoped3A : memref<!tpu.dma_semaphore, #tpu.memory_space<semaphore_mem>>)
      %dma_wait3A = tpu.memref_slice %arg2[%add3A_48] : memref<160000xi32, #tpu.memory_space<hbm>> -> memref<8000xi32, #tpu.memory_space<hbm>>
      %dma_wait3A_866 = tpu.memref_slice %arg2[%add3A_48] : memref<160000xi32, #tpu.memory_space<hbm>> -> memref<8000xi32, #tpu.memory_space<hbm>>
      tpu.wait_dma2 semaphore(%run_scoped3A : memref<!tpu.dma_semaphore, #tpu.memory_space<semaphore_mem>>) src(%dma_wait3A_866 : memref<8000xi32, #tpu.memory_space<hbm>>) dst(%arg5 : memref<8000xi32, #tpu.memory_space<vmem>>)
      tpu.yield
    }) : () -> ()
    "tpu.region"() ({
      %run_scoped3A = tpu.sem_alloc : memref<!tpu.dma_semaphore, #tpu.memory_space<semaphore_mem>>
      %dma_start3A = tpu.memref_slice %arg3[%add3A_48] : memref<160000xi32, #tpu.memory_space<hbm>> -> memref<8000xi32, #tpu.memory_space<hbm>>
      %dma_start3A_865 = tpu.memref_slice %arg3[%add3A_48] : memref<160000xi32, #tpu.memory_space<hbm>> -> memref<8000xi32, #tpu.memory_space<hbm>>
      tpu.enqueue_dma source(%dma_start3A_865 : memref<8000xi32, #tpu.memory_space<hbm>>) target(%arg6 : memref<8000xi32, #tpu.memory_space<vmem>>) target_semaphore(%run_scoped3A : memref<!tpu.dma_semaphore, #tpu.memory_space<semaphore_mem>>)
      %dma_wait3A = tpu.memref_slice %arg3[%add3A_48] : memref<160000xi32, #tpu.memory_space<hbm>> -> memref<8000xi32, #tpu.memory_space<hbm>>
      %dma_wait3A_866 = tpu.memref_slice %arg3[%add3A_48] : memref<160000xi32, #tpu.memory_space<hbm>> -> memref<8000xi32, #tpu.memory_space<hbm>>
      tpu.wait_dma2 semaphore(%run_scoped3A : memref<!tpu.dma_semaphore, #tpu.memory_space<semaphore_mem>>) src(%dma_wait3A_866 : memref<8000xi32, #tpu.memory_space<hbm>>) dst(%arg6 : memref<8000xi32, #tpu.memory_space<vmem>>)
      tpu.yield
    }) : () -> ()
    %scan3A_49 = arith.constant 0 : i32
    %scan3A_50 = arith.constant 0 : i32
    %scan3A_51 = arith.constant 500 : i32
    %scan3A_52 = arith.addi %scan3A_50, %scan3A_51 : i32
    %scan3A_53 = arith.constant 1 : i32
    scf.for %scan3A_865 = %scan3A_50 to %scan3A_52 step %scan3A_53  : i32 {
      %mul3A_866 = arith.constant 16 : i32
      %mul3A_867 = arith.muli %scan3A_865, %mul3A_866 : i32
      %get3A = arith.index_cast %mul3A_867 : i32 to index
      %get3A_868 = tpu.vector_load %arg5[%get3A] {strides = array<i32>} : memref<8000xi32, #tpu.memory_space<vmem>>, vector<16xi32>,
      %mul3A_869 = arith.constant 16 : i32
      %mul3A_870 = arith.muli %scan3A_865, %mul3A_869 : i32
      %get3A_871 = arith.index_cast %mul3A_870 : i32 to index
      %get3A_872 = tpu.vector_load %arg6[%get3A_871] {strides = array<i32>} : memref<8000xi32, #tpu.memory_space<vmem>>, vector<16xi32>,
      %ge3A = vector.broadcast %mul3A_39 : i32 to vector<16xi32>
      %ge3A_873 = arith.cmpi sge, %get3A_872, %ge3A : vector<16xi32>
      %add3A_874 = arith.constant 40 : i32
      %add3A_875 = arith.addi %mul3A_39, %add3A_874 : i32
      %lt3A_876 = vector.broadcast %add3A_875 : i32 to vector<16xi32>
      %lt3A_877 = arith.cmpi slt, %get3A_872, %lt3A_876 : vector<16xi32>
      %and3A_878 = arith.andi %ge3A_873, %lt3A_877 : vector<16xi1>
      %sub3A_879 = vector.broadcast %mul3A_39 : i32 to vector<16xi32>
      %sub3A_880 = arith.subi %get3A_872, %sub3A_879 : vector<16xi32>
      %mul3A_881 = arith.constant 2560 : i32
      %mul3A_882 = vector.broadcast %mul3A_881 : i32 to vector<16xi32>
      %mul3A_883 = arith.muli %sub3A_880, %mul3A_882 : vector<16xi32>
      %add3A_884 = arith.addi %mul3A_883, %get3A_868 : vector<16xi32>
      %jit3A_885 = arith.constant 0 : i32
      %broadcast_in_dim3A_886 = vector.broadcast %jit3A_885 : i32 to vector<16xi32>
      %select_n3A_887 = arith.select %and3A_878, %add3A_884, %broadcast_in_dim3A_886 : vector<16xi1>, vector<16xi32>
      tpu.vector_store_idx %arg7[%select_n3A_887], %broadcast_in_dim3A_1 masked %and3A_878 {add = true} : memref<102400xf32, #tpu.memory_space<vmem>>[vector<16xi32>], vector<16xf32>, vector<16xi1>
    }
    %scan3A_54 = arith.constant 500 : i32
    %mul3A_55 = arith.constant 40000 : i32
    %mul3A_56 = arith.muli %select_n3A, %mul3A_55 : i32
    %add3A_57 = arith.constant 8000 : i32
    %add3A_58 = arith.addi %mul3A_56, %add3A_57 : i32
    "tpu.region"() ({
      %run_scoped3A = tpu.sem_alloc : memref<!tpu.dma_semaphore, #tpu.memory_space<semaphore_mem>>
      %dma_start3A = tpu.memref_slice %arg2[%add3A_58] : memref<160000xi32, #tpu.memory_space<hbm>> -> memref<8000xi32, #tpu.memory_space<hbm>>
      %dma_start3A_865 = tpu.memref_slice %arg2[%add3A_58] : memref<160000xi32, #tpu.memory_space<hbm>> -> memref<8000xi32, #tpu.memory_space<hbm>>
      tpu.enqueue_dma source(%dma_start3A_865 : memref<8000xi32, #tpu.memory_space<hbm>>) target(%arg5 : memref<8000xi32, #tpu.memory_space<vmem>>) target_semaphore(%run_scoped3A : memref<!tpu.dma_semaphore, #tpu.memory_space<semaphore_mem>>)
      %dma_wait3A = tpu.memref_slice %arg2[%add3A_58] : memref<160000xi32, #tpu.memory_space<hbm>> -> memref<8000xi32, #tpu.memory_space<hbm>>
      %dma_wait3A_866 = tpu.memref_slice %arg2[%add3A_58] : memref<160000xi32, #tpu.memory_space<hbm>> -> memref<8000xi32, #tpu.memory_space<hbm>>
      tpu.wait_dma2 semaphore(%run_scoped3A : memref<!tpu.dma_semaphore, #tpu.memory_space<semaphore_mem>>) src(%dma_wait3A_866 : memref<8000xi32, #tpu.memory_space<hbm>>) dst(%arg5 : memref<8000xi32, #tpu.memory_space<vmem>>)
      tpu.yield
    }) : () -> ()
    "tpu.region"() ({
      %run_scoped3A = tpu.sem_alloc : memref<!tpu.dma_semaphore, #tpu.memory_space<semaphore_mem>>
      %dma_start3A = tpu.memref_slice %arg3[%add3A_58] : memref<160000xi32, #tpu.memory_space<hbm>> -> memref<8000xi32, #tpu.memory_space<hbm>>
      %dma_start3A_865 = tpu.memref_slice %arg3[%add3A_58] : memref<160000xi32, #tpu.memory_space<hbm>> -> memref<8000xi32, #tpu.memory_space<hbm>>
      tpu.enqueue_dma source(%dma_start3A_865 : memref<8000xi32, #tpu.memory_space<hbm>>) target(%arg6 : memref<8000xi32, #tpu.memory_space<vmem>>) target_semaphore(%run_scoped3A : memref<!tpu.dma_semaphore, #tpu.memory_space<semaphore_mem>>)
      %dma_wait3A = tpu.memref_slice %arg3[%add3A_58] : memref<160000xi32, #tpu.memory_space<hbm>> -> memref<8000xi32, #tpu.memory_space<hbm>>
      %dma_wait3A_866 = tpu.memref_slice %arg3[%add3A_58] : memref<160000xi32, #tpu.memory_space<hbm>> -> memref<8000xi32, #tpu.memory_space<hbm>>
      tpu.wait_dma2 semaphore(%run_scoped3A : memref<!tpu.dma_semaphore, #tpu.memory_space<semaphore_mem>>) src(%dma_wait3A_866 : memref<8000xi32, #tpu.memory_space<hbm>>) dst(%arg6 : memref<8000xi32, #tpu.memory_space<vmem>>)
      tpu.yield
    }) : () -> ()
    %scan3A_59 = arith.constant 0 : i32
    %scan3A_60 = arith.constant 0 : i32
    %scan3A_61 = arith.constant 500 : i32
    %scan3A_62 = arith.addi %scan3A_60, %scan3A_61 : i32
    %scan3A_63 = arith.constant 1 : i32
    scf.for %scan3A_865 = %scan3A_60 to %scan3A_62 step %scan3A_63  : i32 {
      %mul3A_866 = arith.constant 16 : i32
      %mul3A_867 = arith.muli %scan3A_865, %mul3A_866 : i32
      %get3A = arith.index_cast %mul3A_867 : i32 to index
      %get3A_868 = tpu.vector_load %arg5[%get3A] {strides = array<i32>} : memref<8000xi32, #tpu.memory_space<vmem>>, vector<16xi32>,
      %mul3A_869 = arith.constant 16 : i32
      %mul3A_870 = arith.muli %scan3A_865, %mul3A_869 : i32
      %get3A_871 = arith.index_cast %mul3A_870 : i32 to index
      %get3A_872 = tpu.vector_load %arg6[%get3A_871] {strides = array<i32>} : memref<8000xi32, #tpu.memory_space<vmem>>, vector<16xi32>,
      %ge3A = vector.broadcast %mul3A_39 : i32 to vector<16xi32>
      %ge3A_873 = arith.cmpi sge, %get3A_872, %ge3A : vector<16xi32>
      %add3A_874 = arith.constant 40 : i32
      %add3A_875 = arith.addi %mul3A_39, %add3A_874 : i32
      %lt3A_876 = vector.broadcast %add3A_875 : i32 to vector<16xi32>
      %lt3A_877 = arith.cmpi slt, %get3A_872, %lt3A_876 : vector<16xi32>
      %and3A_878 = arith.andi %ge3A_873, %lt3A_877 : vector<16xi1>
      %sub3A_879 = vector.broadcast %mul3A_39 : i32 to vector<16xi32>
      %sub3A_880 = arith.subi %get3A_872, %sub3A_879 : vector<16xi32>
      %mul3A_881 = arith.constant 2560 : i32
      %mul3A_882 = vector.broadcast %mul3A_881 : i32 to vector<16xi32>
      %mul3A_883 = arith.muli %sub3A_880, %mul3A_882 : vector<16xi32>
      %add3A_884 = arith.addi %mul3A_883, %get3A_868 : vector<16xi32>
      %jit3A_885 = arith.constant 0 : i32
      %broadcast_in_dim3A_886 = vector.broadcast %jit3A_885 : i32 to vector<16xi32>
      %select_n3A_887 = arith.select %and3A_878, %add3A_884, %broadcast_in_dim3A_886 : vector<16xi1>, vector<16xi32>
      tpu.vector_store_idx %arg7[%select_n3A_887], %broadcast_in_dim3A_1 masked %and3A_878 {add = true} : memref<102400xf32, #tpu.memory_space<vmem>>[vector<16xi32>], vector<16xf32>, vector<16xi1>
    }
    %scan3A_64 = arith.constant 500 : i32
    %mul3A_65 = arith.constant 40000 : i32
    %mul3A_66 = arith.muli %select_n3A, %mul3A_65 : i32
    %add3A_67 = arith.constant 16000 : i32
    %add3A_68 = arith.addi %mul3A_66, %add3A_67 : i32
    "tpu.region"() ({
      %run_scoped3A = tpu.sem_alloc : memref<!tpu.dma_semaphore, #tpu.memory_space<semaphore_mem>>
      %dma_start3A = tpu.memref_slice %arg2[%add3A_68] : memref<160000xi32, #tpu.memory_space<hbm>> -> memref<8000xi32, #tpu.memory_space<hbm>>
      %dma_start3A_865 = tpu.memref_slice %arg2[%add3A_68] : memref<160000xi32, #tpu.memory_space<hbm>> -> memref<8000xi32, #tpu.memory_space<hbm>>
      tpu.enqueue_dma source(%dma_start3A_865 : memref<8000xi32, #tpu.memory_space<hbm>>) target(%arg5 : memref<8000xi32, #tpu.memory_space<vmem>>) target_semaphore(%run_scoped3A : memref<!tpu.dma_semaphore, #tpu.memory_space<semaphore_mem>>)
      %dma_wait3A = tpu.memref_slice %arg2[%add3A_68] : memref<160000xi32, #tpu.memory_space<hbm>> -> memref<8000xi32, #tpu.memory_space<hbm>>
      %dma_wait3A_866 = tpu.memref_slice %arg2[%add3A_68] : memref<160000xi32, #tpu.memory_space<hbm>> -> memref<8000xi32, #tpu.memory_space<hbm>>
      tpu.wait_dma2 semaphore(%run_scoped3A : memref<!tpu.dma_semaphore, #tpu.memory_space<semaphore_mem>>) src(%dma_wait3A_866 : memref<8000xi32, #tpu.memory_space<hbm>>) dst(%arg5 : memref<8000xi32, #tpu.memory_space<vmem>>)
      tpu.yield
    }) : () -> ()
    "tpu.region"() ({
      %run_scoped3A = tpu.sem_alloc : memref<!tpu.dma_semaphore, #tpu.memory_space<semaphore_mem>>
      %dma_start3A = tpu.memref_slice %arg3[%add3A_68] : memref<160000xi32, #tpu.memory_space<hbm>> -> memref<8000xi32, #tpu.memory_space<hbm>>
      %dma_start3A_865 = tpu.memref_slice %arg3[%add3A_68] : memref<160000xi32, #tpu.memory_space<hbm>> -> memref<8000xi32, #tpu.memory_space<hbm>>
      tpu.enqueue_dma source(%dma_start3A_865 : memref<8000xi32, #tpu.memory_space<hbm>>) target(%arg6 : memref<8000xi32, #tpu.memory_space<vmem>>) target_semaphore(%run_scoped3A : memref<!tpu.dma_semaphore, #tpu.memory_space<semaphore_mem>>)
      %dma_wait3A = tpu.memref_slice %arg3[%add3A_68] : memref<160000xi32, #tpu.memory_space<hbm>> -> memref<8000xi32, #tpu.memory_space<hbm>>
      %dma_wait3A_866 = tpu.memref_slice %arg3[%add3A_68] : memref<160000xi32, #tpu.memory_space<hbm>> -> memref<8000xi32, #tpu.memory_space<hbm>>
      tpu.wait_dma2 semaphore(%run_scoped3A : memref<!tpu.dma_semaphore, #tpu.memory_space<semaphore_mem>>) src(%dma_wait3A_866 : memref<8000xi32, #tpu.memory_space<hbm>>) dst(%arg6 : memref<8000xi32, #tpu.memory_space<vmem>>)
      tpu.yield
    }) : () -> ()
    %scan3A_69 = arith.constant 0 : i32
    %scan3A_70 = arith.constant 0 : i32
    %scan3A_71 = arith.constant 500 : i32
    %scan3A_72 = arith.addi %scan3A_70, %scan3A_71 : i32
    %scan3A_73 = arith.constant 1 : i32
    scf.for %scan3A_865 = %scan3A_70 to %scan3A_72 step %scan3A_73  : i32 {
      %mul3A_866 = arith.constant 16 : i32
      %mul3A_867 = arith.muli %scan3A_865, %mul3A_866 : i32
      %get3A = arith.index_cast %mul3A_867 : i32 to index
      %get3A_868 = tpu.vector_load %arg5[%get3A] {strides = array<i32>} : memref<8000xi32, #tpu.memory_space<vmem>>, vector<16xi32>,
      %mul3A_869 = arith.constant 16 : i32
      %mul3A_870 = arith.muli %scan3A_865, %mul3A_869 : i32
      %get3A_871 = arith.index_cast %mul3A_870 : i32 to index
      %get3A_872 = tpu.vector_load %arg6[%get3A_871] {strides = array<i32>} : memref<8000xi32, #tpu.memory_space<vmem>>, vector<16xi32>,
      %ge3A = vector.broadcast %mul3A_39 : i32 to vector<16xi32>
      %ge3A_873 = arith.cmpi sge, %get3A_872, %ge3A : vector<16xi32>
      %add3A_874 = arith.constant 40 : i32
      %add3A_875 = arith.addi %mul3A_39, %add3A_874 : i32
      %lt3A_876 = vector.broadcast %add3A_875 : i32 to vector<16xi32>
      %lt3A_877 = arith.cmpi slt, %get3A_872, %lt3A_876 : vector<16xi32>
      %and3A_878 = arith.andi %ge3A_873, %lt3A_877 : vector<16xi1>
      %sub3A_879 = vector.broadcast %mul3A_39 : i32 to vector<16xi32>
      %sub3A_880 = arith.subi %get3A_872, %sub3A_879 : vector<16xi32>
      %mul3A_881 = arith.constant 2560 : i32
      %mul3A_882 = vector.broadcast %mul3A_881 : i32 to vector<16xi32>
      %mul3A_883 = arith.muli %sub3A_880, %mul3A_882 : vector<16xi32>
      %add3A_884 = arith.addi %mul3A_883, %get3A_868 : vector<16xi32>
      %jit3A_885 = arith.constant 0 : i32
      %broadcast_in_dim3A_886 = vector.broadcast %jit3A_885 : i32 to vector<16xi32>
      %select_n3A_887 = arith.select %and3A_878, %add3A_884, %broadcast_in_dim3A_886 : vector<16xi1>, vector<16xi32>
      tpu.vector_store_idx %arg7[%select_n3A_887], %broadcast_in_dim3A_1 masked %and3A_878 {add = true} : memref<102400xf32, #tpu.memory_space<vmem>>[vector<16xi32>], vector<16xf32>, vector<16xi1>
    }
    %scan3A_74 = arith.constant 500 : i32
    %mul3A_75 = arith.constant 40000 : i32
    %mul3A_76 = arith.muli %select_n3A, %mul3A_75 : i32
    %add3A_77 = arith.constant 24000 : i32
    %add3A_78 = arith.addi %mul3A_76, %add3A_77 : i32
    "tpu.region"() ({
      %run_scoped3A = tpu.sem_alloc : memref<!tpu.dma_semaphore, #tpu.memory_space<semaphore_mem>>
      %dma_start3A = tpu.memref_slice %arg2[%add3A_78] : memref<160000xi32, #tpu.memory_space<hbm>> -> memref<8000xi32, #tpu.memory_space<hbm>>
      %dma_start3A_865 = tpu.memref_slice %arg2[%add3A_78] : memref<160000xi32, #tpu.memory_space<hbm>> -> memref<8000xi32, #tpu.memory_space<hbm>>
      tpu.enqueue_dma source(%dma_start3A_865 : memref<8000xi32, #tpu.memory_space<hbm>>) target(%arg5 : memref<8000xi32, #tpu.memory_space<vmem>>) target_semaphore(%run_scoped3A : memref<!tpu.dma_semaphore, #tpu.memory_space<semaphore_mem>>)
      %dma_wait3A = tpu.memref_slice %arg2[%add3A_78] : memref<160000xi32, #tpu.memory_space<hbm>> -> memref<8000xi32, #tpu.memory_space<hbm>>
      %dma_wait3A_866 = tpu.memref_slice %arg2[%add3A_78] : memref<160000xi32, #tpu.memory_space<hbm>> -> memref<8000xi32, #tpu.memory_space<hbm>>
      tpu.wait_dma2 semaphore(%run_scoped3A : memref<!tpu.dma_semaphore, #tpu.memory_space<semaphore_mem>>) src(%dma_wait3A_866 : memref<8000xi32, #tpu.memory_space<hbm>>) dst(%arg5 : memref<8000xi32, #tpu.memory_space<vmem>>)
      tpu.yield
    }) : () -> ()
    "tpu.region"() ({
      %run_scoped3A = tpu.sem_alloc : memref<!tpu.dma_semaphore, #tpu.memory_space<semaphore_mem>>
      %dma_start3A = tpu.memref_slice %arg3[%add3A_78] : memref<160000xi32, #tpu.memory_space<hbm>> -> memref<8000xi32, #tpu.memory_space<hbm>>
      %dma_start3A_865 = tpu.memref_slice %arg3[%add3A_78] : memref<160000xi32, #tpu.memory_space<hbm>> -> memref<8000xi32, #tpu.memory_space<hbm>>
      tpu.enqueue_dma source(%dma_start3A_865 : memref<8000xi32, #tpu.memory_space<hbm>>) target(%arg6 : memref<8000xi32, #tpu.memory_space<vmem>>) target_semaphore(%run_scoped3A : memref<!tpu.dma_semaphore, #tpu.memory_space<semaphore_mem>>)
      %dma_wait3A = tpu.memref_slice %arg3[%add3A_78] : memref<160000xi32, #tpu.memory_space<hbm>> -> memref<8000xi32, #tpu.memory_space<hbm>>
      %dma_wait3A_866 = tpu.memref_slice %arg3[%add3A_78] : memref<160000xi32, #tpu.memory_space<hbm>> -> memref<8000xi32, #tpu.memory_space<hbm>>
      tpu.wait_dma2 semaphore(%run_scoped3A : memref<!tpu.dma_semaphore, #tpu.memory_space<semaphore_mem>>) src(%dma_wait3A_866 : memref<8000xi32, #tpu.memory_space<hbm>>) dst(%arg6 : memref<8000xi32, #tpu.memory_space<vmem>>)
      tpu.yield
    }) : () -> ()
    %scan3A_79 = arith.constant 0 : i32
    %scan3A_80 = arith.constant 0 : i32
    %scan3A_81 = arith.constant 500 : i32
    %scan3A_82 = arith.addi %scan3A_80, %scan3A_81 : i32
    %scan3A_83 = arith.constant 1 : i32
    scf.for %scan3A_865 = %scan3A_80 to %scan3A_82 step %scan3A_83  : i32 {
      %mul3A_866 = arith.constant 16 : i32
      %mul3A_867 = arith.muli %scan3A_865, %mul3A_866 : i32
      %get3A = arith.index_cast %mul3A_867 : i32 to index
      %get3A_868 = tpu.vector_load %arg5[%get3A] {strides = array<i32>} : memref<8000xi32, #tpu.memory_space<vmem>>, vector<16xi32>,
      %mul3A_869 = arith.constant 16 : i32
      %mul3A_870 = arith.muli %scan3A_865, %mul3A_869 : i32
      %get3A_871 = arith.index_cast %mul3A_870 : i32 to index
      %get3A_872 = tpu.vector_load %arg6[%get3A_871] {strides = array<i32>} : memref<8000xi32, #tpu.memory_space<vmem>>, vector<16xi32>,
      %ge3A = vector.broadcast %mul3A_39 : i32 to vector<16xi32>
      %ge3A_873 = arith.cmpi sge, %get3A_872, %ge3A : vector<16xi32>
      %add3A_874 = arith.constant 40 : i32
      %add3A_875 = arith.addi %mul3A_39, %add3A_874 : i32
      %lt3A_876 = vector.broadcast %add3A_875 : i32 to vector<16xi32>
      %lt3A_877 = arith.cmpi slt, %get3A_872, %lt3A_876 : vector<16xi32>
      %and3A_878 = arith.andi %ge3A_873, %lt3A_877 : vector<16xi1>
      %sub3A_879 = vector.broadcast %mul3A_39 : i32 to vector<16xi32>
      %sub3A_880 = arith.subi %get3A_872, %sub3A_879 : vector<16xi32>
      %mul3A_881 = arith.constant 2560 : i32
      %mul3A_882 = vector.broadcast %mul3A_881 : i32 to vector<16xi32>
      %mul3A_883 = arith.muli %sub3A_880, %mul3A_882 : vector<16xi32>
      %add3A_884 = arith.addi %mul3A_883, %get3A_868 : vector<16xi32>
      %jit3A_885 = arith.constant 0 : i32
      %broadcast_in_dim3A_886 = vector.broadcast %jit3A_885 : i32 to vector<16xi32>
      %select_n3A_887 = arith.select %and3A_878, %add3A_884, %broadcast_in_dim3A_886 : vector<16xi1>, vector<16xi32>
      tpu.vector_store_idx %arg7[%select_n3A_887], %broadcast_in_dim3A_1 masked %and3A_878 {add = true} : memref<102400xf32, #tpu.memory_space<vmem>>[vector<16xi32>], vector<16xf32>, vector<16xi1>
    }
    %scan3A_84 = arith.constant 500 : i32
    %mul3A_85 = arith.constant 40000 : i32
    %mul3A_86 = arith.muli %select_n3A, %mul3A_85 : i32
    %add3A_87 = arith.constant 32000 : i32
    %add3A_88 = arith.addi %mul3A_86, %add3A_87 : i32
    "tpu.region"() ({
      %run_scoped3A = tpu.sem_alloc : memref<!tpu.dma_semaphore, #tpu.memory_space<semaphore_mem>>
      %dma_start3A = tpu.memref_slice %arg2[%add3A_88] : memref<160000xi32, #tpu.memory_space<hbm>> -> memref<8000xi32, #tpu.memory_space<hbm>>
      %dma_start3A_865 = tpu.memref_slice %arg2[%add3A_88] : memref<160000xi32, #tpu.memory_space<hbm>> -> memref<8000xi32, #tpu.memory_space<hbm>>
      tpu.enqueue_dma source(%dma_start3A_865 : memref<8000xi32, #tpu.memory_space<hbm>>) target(%arg5 : memref<8000xi32, #tpu.memory_space<vmem>>) target_semaphore(%run_scoped3A : memref<!tpu.dma_semaphore, #tpu.memory_space<semaphore_mem>>)
      %dma_wait3A = tpu.memref_slice %arg2[%add3A_88] : memref<160000xi32, #tpu.memory_space<hbm>> -> memref<8000xi32, #tpu.memory_space<hbm>>
      %dma_wait3A_866 = tpu.memref_slice %arg2[%add3A_88] : memref<160000xi32, #tpu.memory_space<hbm>> -> memref<8000xi32, #tpu.memory_space<hbm>>
      tpu.wait_dma2 semaphore(%run_scoped3A : memref<!tpu.dma_semaphore, #tpu.memory_space<semaphore_mem>>) src(%dma_wait3A_866 : memref<8000xi32, #tpu.memory_space<hbm>>) dst(%arg5 : memref<8000xi32, #tpu.memory_space<vmem>>)
      tpu.yield
    }) : () -> ()
    "tpu.region"() ({
      %run_scoped3A = tpu.sem_alloc : memref<!tpu.dma_semaphore, #tpu.memory_space<semaphore_mem>>
      %dma_start3A = tpu.memref_slice %arg3[%add3A_88] : memref<160000xi32, #tpu.memory_space<hbm>> -> memref<8000xi32, #tpu.memory_space<hbm>>
      %dma_start3A_865 = tpu.memref_slice %arg3[%add3A_88] : memref<160000xi32, #tpu.memory_space<hbm>> -> memref<8000xi32, #tpu.memory_space<hbm>>
      tpu.enqueue_dma source(%dma_start3A_865 : memref<8000xi32, #tpu.memory_space<hbm>>) target(%arg6 : memref<8000xi32, #tpu.memory_space<vmem>>) target_semaphore(%run_scoped3A : memref<!tpu.dma_semaphore, #tpu.memory_space<semaphore_mem>>)
      %dma_wait3A = tpu.memref_slice %arg3[%add3A_88] : memref<160000xi32, #tpu.memory_space<hbm>> -> memref<8000xi32, #tpu.memory_space<hbm>>
      %dma_wait3A_866 = tpu.memref_slice %arg3[%add3A_88] : memref<160000xi32, #tpu.memory_space<hbm>> -> memref<8000xi32, #tpu.memory_space<hbm>>
      tpu.wait_dma2 semaphore(%run_scoped3A : memref<!tpu.dma_semaphore, #tpu.memory_space<semaphore_mem>>) src(%dma_wait3A_866 : memref<8000xi32, #tpu.memory_space<hbm>>) dst(%arg6 : memref<8000xi32, #tpu.memory_space<vmem>>)
      tpu.yield
    }) : () -> ()
    %scan3A_89 = arith.constant 0 : i32
    %scan3A_90 = arith.constant 0 : i32
    %scan3A_91 = arith.constant 500 : i32
    %scan3A_92 = arith.addi %scan3A_90, %scan3A_91 : i32
    %scan3A_93 = arith.constant 1 : i32
    scf.for %scan3A_865 = %scan3A_90 to %scan3A_92 step %scan3A_93  : i32 {
      %mul3A_866 = arith.constant 16 : i32
      %mul3A_867 = arith.muli %scan3A_865, %mul3A_866 : i32
      %get3A = arith.index_cast %mul3A_867 : i32 to index
      %get3A_868 = tpu.vector_load %arg5[%get3A] {strides = array<i32>} : memref<8000xi32, #tpu.memory_space<vmem>>, vector<16xi32>,
      %mul3A_869 = arith.constant 16 : i32
      %mul3A_870 = arith.muli %scan3A_865, %mul3A_869 : i32
      %get3A_871 = arith.index_cast %mul3A_870 : i32 to index
      %get3A_872 = tpu.vector_load %arg6[%get3A_871] {strides = array<i32>} : memref<8000xi32, #tpu.memory_space<vmem>>, vector<16xi32>,
      %ge3A = vector.broadcast %mul3A_39 : i32 to vector<16xi32>
      %ge3A_873 = arith.cmpi sge, %get3A_872, %ge3A : vector<16xi32>
      %add3A_874 = arith.constant 40 : i32
      %add3A_875 = arith.addi %mul3A_39, %add3A_874 : i32
      %lt3A_876 = vector.broadcast %add3A_875 : i32 to vector<16xi32>
      %lt3A_877 = arith.cmpi slt, %get3A_872, %lt3A_876 : vector<16xi32>
      %and3A_878 = arith.andi %ge3A_873, %lt3A_877 : vector<16xi1>
      %sub3A_879 = vector.broadcast %mul3A_39 : i32 to vector<16xi32>
      %sub3A_880 = arith.subi %get3A_872, %sub3A_879 : vector<16xi32>
      %mul3A_881 = arith.constant 2560 : i32
      %mul3A_882 = vector.broadcast %mul3A_881 : i32 to vector<16xi32>
      %mul3A_883 = arith.muli %sub3A_880, %mul3A_882 : vector<16xi32>
      %add3A_884 = arith.addi %mul3A_883, %get3A_868 : vector<16xi32>
      %jit3A_885 = arith.constant 0 : i32
      %broadcast_in_dim3A_886 = vector.broadcast %jit3A_885 : i32 to vector<16xi32>
      %select_n3A_887 = arith.select %and3A_878, %add3A_884, %broadcast_in_dim3A_886 : vector<16xi1>, vector<16xi32>
      tpu.vector_store_idx %arg7[%select_n3A_887], %broadcast_in_dim3A_1 masked %and3A_878 {add = true} : memref<102400xf32, #tpu.memory_space<vmem>>[vector<16xi32>], vector<16xf32>, vector<16xi1>
    }
    %scan3A_94 = arith.constant 500 : i32
    %mul3A_95 = arith.constant 2560 : i32
    %mul3A_96 = arith.muli %select_n3A, %mul3A_95 : i32
    %mul3A_97 = arith.constant 2560 : i32
    %mul3A_98 = arith.muli %mul3A_96, %mul3A_97 : i32
    %mul3A_99 = arith.constant 2560 : i32
    %mul3A_100 = arith.muli %mul3A_39, %mul3A_99 : i32
    %add3A_101 = arith.addi %mul3A_98, %mul3A_100 : i32
    "tpu.region"() ({
      %run_scoped3A = tpu.sem_alloc : memref<!tpu.dma_semaphore, #tpu.memory_space<semaphore_mem>>
      %dma_start3A = tpu.memref_slice %arg4[%add3A_101] : memref<26214400xf32, #tpu.memory_space<hbm>> -> memref<102400xf32, #tpu.memory_space<hbm>>
      %dma_start3A_865 = tpu.memref_slice %arg4[%add3A_101] : memref<26214400xf32, #tpu.memory_space<hbm>> -> memref<102400xf32, #tpu.memory_space<hbm>>
      tpu.enqueue_dma source(%arg7 : memref<102400xf32, #tpu.memory_space<vmem>>) target(%dma_start3A_865 : memref<102400xf32, #tpu.memory_space<hbm>>) target_semaphore(%run_scoped3A : memref<!tpu.dma_semaphore, #tpu.memory_space<semaphore_mem>>)
      %dma_wait3A = tpu.memref_slice %arg4[%add3A_101] : memref<26214400xf32, #tpu.memory_space<hbm>> -> memref<102400xf32, #tpu.memory_space<hbm>>
      %dma_wait3A_866 = tpu.memref_slice %arg4[%add3A_101] : memref<26214400xf32, #tpu.memory_space<hbm>> -> memref<102400xf32, #tpu.memory_space<hbm>>
      tpu.wait_dma2 semaphore(%run_scoped3A : memref<!tpu.dma_semaphore, #tpu.memory_space<semaphore_mem>>) src(%arg7 : memref<102400xf32, #tpu.memory_space<vmem>>) dst(%dma_wait3A_866 : memref<102400xf32, #tpu.memory_space<hbm>>)
      tpu.yield
    }) : () -> ()
    %mul3A_102 = arith.constant 8 : i32
    %mul3A_103 = arith.muli %add3A, %mul3A_102 : i32
    %add3A_104 = arith.constant 1 : i32
    %add3A_105 = arith.addi %mul3A_103, %add3A_104 : i32
    %jit3A_106 = arith.constant 64 : i32
    %div3A_107 = arith.divsi %add3A_105, %jit3A_106 : i32
    %sign3A_108 = arith.constant 0 : i32
    %sign3A_109 = arith.cmpi sgt, %add3A_105, %sign3A_108 : i32
    %sign3A_110 = arith.extui %sign3A_109 : i1 to i32
    %sign3A_111 = arith.constant 0 : i32
    %sign3A_112 = arith.cmpi slt, %add3A_105, %sign3A_111 : i32
    %sign3A_113 = arith.extui %sign3A_112 : i1 to i32
    %sign3A_114 = arith.subi %sign3A_110, %sign3A_113 : i32
    %sign3A_115 = arith.constant 0 : i32
    %sign3A_116 = arith.cmpi sgt, %jit3A_106, %sign3A_115 : i32
    %sign3A_117 = arith.extui %sign3A_116 : i1 to i32
    %sign3A_118 = arith.constant 0 : i32
    %sign3A_119 = arith.cmpi slt, %jit3A_106, %sign3A_118 : i32
    %sign3A_120 = arith.extui %sign3A_119 : i1 to i32
    %sign3A_121 = arith.subi %sign3A_117, %sign3A_120 : i32
    %ne3A_122 = arith.cmpi ne, %sign3A_114, %sign3A_121 : i32
    %rem3A_123 = arith.remsi %add3A_105, %jit3A_106 : i32
    %ne3A_124 = arith.constant 0 : i32
    %ne3A_125 = arith.cmpi ne, %rem3A_123, %ne3A_124 : i32
    %and3A_126 = arith.andi %ne3A_122, %ne3A_125 : i1
    %sub3A_127 = arith.constant 1 : i32
    %sub3A_128 = arith.subi %div3A_107, %sub3A_127 : i32
    %select_n3A_129 = arith.select %and3A_126, %sub3A_128, %div3A_107 : i32
    %jit3A_130 = arith.constant 64 : i32
    %eq3A_131 = arith.constant 0 : i32
    %eq3A_132 = arith.cmpi eq, %jit3A_130, %eq3A_131 : i32
    %jit3A_133 = arith.constant 1 : i32
    %select_n3A_134 = arith.select %eq3A_132, %jit3A_133, %jit3A_130 : i32
    %rem3A_135 = arith.remsi %add3A_105, %select_n3A_134 : i32
    %ne3A_136 = arith.constant 0 : i32
    %ne3A_137 = arith.cmpi ne, %rem3A_135, %ne3A_136 : i32
    %lt3A_138 = arith.constant 0 : i32
    %lt3A_139 = arith.cmpi slt, %rem3A_135, %lt3A_138 : i32
    %lt3A_140 = arith.constant 0 : i32
    %lt3A_141 = arith.cmpi slt, %select_n3A_134, %lt3A_140 : i32
    %ne3A_142 = arith.xori %lt3A_139, %lt3A_141 : i1
    %and3A_143 = arith.andi %ne3A_142, %ne3A_137 : i1
    %add3A_144 = arith.addi %rem3A_135, %select_n3A_134 : i32
    %select_n3A_145 = arith.select %and3A_143, %add3A_144, %rem3A_135 : i32
    %mul3A_146 = arith.constant 40 : i32
    %mul3A_147 = arith.muli %select_n3A_145, %mul3A_146 : i32
    %scan3A_148 = arith.constant 0 : i32
    %scan3A_149 = arith.constant 0 : i32
    %scan3A_150 = arith.constant 6400 : i32
    %scan3A_151 = arith.addi %scan3A_149, %scan3A_150 : i32
    %scan3A_152 = arith.constant 1 : i32
    scf.for %scan3A_865 = %scan3A_149 to %scan3A_151 step %scan3A_152  : i32 {
      %mul3A_866 = arith.constant 16 : i32
      %mul3A_867 = arith.muli %scan3A_865, %mul3A_866 : i32
      %swap3A = arith.index_cast %mul3A_867 : i32 to index
      %swap3A_868 = tpu.vector_load %arg7[%swap3A] {strides = array<i32>} : memref<102400xf32, #tpu.memory_space<vmem>>, vector<16xf32>,
      tpu.vector_store %arg7[%swap3A], %broadcast_in_dim3A_3 {strides = array<i32>} : memref<102400xf32, #tpu.memory_space<vmem>>, vector<16xf32>,
    }
    %scan3A_153 = arith.constant 6400 : i32
    %mul3A_154 = arith.constant 40000 : i32
    %mul3A_155 = arith.muli %select_n3A_129, %mul3A_154 : i32
    %add3A_156 = arith.constant 0 : i32
    %add3A_157 = arith.addi %mul3A_155, %add3A_156 : i32
    "tpu.region"() ({
      %run_scoped3A = tpu.sem_alloc : memref<!tpu.dma_semaphore, #tpu.memory_space<semaphore_mem>>
      %dma_start3A = tpu.memref_slice %arg2[%add3A_157] : memref<160000xi32, #tpu.memory_space<hbm>> -> memref<8000xi32, #tpu.memory_space<hbm>>
      %dma_start3A_865 = tpu.memref_slice %arg2[%add3A_157] : memref<160000xi32, #tpu.memory_space<hbm>> -> memref<8000xi32, #tpu.memory_space<hbm>>
      tpu.enqueue_dma source(%dma_start3A_865 : memref<8000xi32, #tpu.memory_space<hbm>>) target(%arg5 : memref<8000xi32, #tpu.memory_space<vmem>>) target_semaphore(%run_scoped3A : memref<!tpu.dma_semaphore, #tpu.memory_space<semaphore_mem>>)
      %dma_wait3A = tpu.memref_slice %arg2[%add3A_157] : memref<160000xi32, #tpu.memory_space<hbm>> -> memref<8000xi32, #tpu.memory_space<hbm>>
      %dma_wait3A_866 = tpu.memref_slice %arg2[%add3A_157] : memref<160000xi32, #tpu.memory_space<hbm>> -> memref<8000xi32, #tpu.memory_space<hbm>>
      tpu.wait_dma2 semaphore(%run_scoped3A : memref<!tpu.dma_semaphore, #tpu.memory_space<semaphore_mem>>) src(%dma_wait3A_866 : memref<8000xi32, #tpu.memory_space<hbm>>) dst(%arg5 : memref<8000xi32, #tpu.memory_space<vmem>>)
      tpu.yield
    }) : () -> ()
    "tpu.region"() ({
      %run_scoped3A = tpu.sem_alloc : memref<!tpu.dma_semaphore, #tpu.memory_space<semaphore_mem>>
      %dma_start3A = tpu.memref_slice %arg3[%add3A_157] : memref<160000xi32, #tpu.memory_space<hbm>> -> memref<8000xi32, #tpu.memory_space<hbm>>
      %dma_start3A_865 = tpu.memref_slice %arg3[%add3A_157] : memref<160000xi32, #tpu.memory_space<hbm>> -> memref<8000xi32, #tpu.memory_space<hbm>>
      tpu.enqueue_dma source(%dma_start3A_865 : memref<8000xi32, #tpu.memory_space<hbm>>) target(%arg6 : memref<8000xi32, #tpu.memory_space<vmem>>) target_semaphore(%run_scoped3A : memref<!tpu.dma_semaphore, #tpu.memory_space<semaphore_mem>>)
      %dma_wait3A = tpu.memref_slice %arg3[%add3A_157] : memref<160000xi32, #tpu.memory_space<hbm>> -> memref<8000xi32, #tpu.memory_space<hbm>>
      %dma_wait3A_866 = tpu.memref_slice %arg3[%add3A_157] : memref<160000xi32, #tpu.memory_space<hbm>> -> memref<8000xi32, #tpu.memory_space<hbm>>
      tpu.wait_dma2 semaphore(%run_scoped3A : memref<!tpu.dma_semaphore, #tpu.memory_space<semaphore_mem>>) src(%dma_wait3A_866 : memref<8000xi32, #tpu.memory_space<hbm>>) dst(%arg6 : memref<8000xi32, #tpu.memory_space<vmem>>)
      tpu.yield
    }) : () -> ()
    %scan3A_158 = arith.constant 0 : i32
    %scan3A_159 = arith.constant 0 : i32
    %scan3A_160 = arith.constant 500 : i32
    %scan3A_161 = arith.addi %scan3A_159, %scan3A_160 : i32
    %scan3A_162 = arith.constant 1 : i32
    scf.for %scan3A_865 = %scan3A_159 to %scan3A_161 step %scan3A_162  : i32 {
      %mul3A_866 = arith.constant 16 : i32
      %mul3A_867 = arith.muli %scan3A_865, %mul3A_866 : i32
      %get3A = arith.index_cast %mul3A_867 : i32 to index
      %get3A_868 = tpu.vector_load %arg5[%get3A] {strides = array<i32>} : memref<8000xi32, #tpu.memory_space<vmem>>, vector<16xi32>,
      %mul3A_869 = arith.constant 16 : i32
      %mul3A_870 = arith.muli %scan3A_865, %mul3A_869 : i32
      %get3A_871 = arith.index_cast %mul3A_870 : i32 to index
      %get3A_872 = tpu.vector_load %arg6[%get3A_871] {strides = array<i32>} : memref<8000xi32, #tpu.memory_space<vmem>>, vector<16xi32>,
      %ge3A = vector.broadcast %mul3A_147 : i32 to vector<16xi32>
      %ge3A_873 = arith.cmpi sge, %get3A_872, %ge3A : vector<16xi32>
      %add3A_874 = arith.constant 40 : i32
      %add3A_875 = arith.addi %mul3A_147, %add3A_874 : i32
      %lt3A_876 = vector.broadcast %add3A_875 : i32 to vector<16xi32>
      %lt3A_877 = arith.cmpi slt, %get3A_872, %lt3A_876 : vector<16xi32>
      %and3A_878 = arith.andi %ge3A_873, %lt3A_877 : vector<16xi1>
      %sub3A_879 = vector.broadcast %mul3A_147 : i32 to vector<16xi32>
      %sub3A_880 = arith.subi %get3A_872, %sub3A_879 : vector<16xi32>
      %mul3A_881 = arith.constant 2560 : i32
      %mul3A_882 = vector.broadcast %mul3A_881 : i32 to vector<16xi32>
      %mul3A_883 = arith.muli %sub3A_880, %mul3A_882 : vector<16xi32>
      %add3A_884 = arith.addi %mul3A_883, %get3A_868 : vector<16xi32>
      %jit3A_885 = arith.constant 0 : i32
      %broadcast_in_dim3A_886 = vector.broadcast %jit3A_885 : i32 to vector<16xi32>
      %select_n3A_887 = arith.select %and3A_878, %add3A_884, %broadcast_in_dim3A_886 : vector<16xi1>, vector<16xi32>
      tpu.vector_store_idx %arg7[%select_n3A_887], %broadcast_in_dim3A_1 masked %and3A_878 {add = true} : memref<102400xf32, #tpu.memory_space<vmem>>[vector<16xi32>], vector<16xf32>, vector<16xi1>
    }
    %scan3A_163 = arith.constant 500 : i32
    %mul3A_164 = arith.constant 40000 : i32
    %mul3A_165 = arith.muli %select_n3A_129, %mul3A_164 : i32
    %add3A_166 = arith.constant 8000 : i32
    %add3A_167 = arith.addi %mul3A_165, %add3A_166 : i32
    "tpu.region"() ({
      %run_scoped3A = tpu.sem_alloc : memref<!tpu.dma_semaphore, #tpu.memory_space<semaphore_mem>>
      %dma_start3A = tpu.memref_slice %arg2[%add3A_167] : memref<160000xi32, #tpu.memory_space<hbm>> -> memref<8000xi32, #tpu.memory_space<hbm>>
      %dma_start3A_865 = tpu.memref_slice %arg2[%add3A_167] : memref<160000xi32, #tpu.memory_space<hbm>> -> memref<8000xi32, #tpu.memory_space<hbm>>
      tpu.enqueue_dma source(%dma_start3A_865 : memref<8000xi32, #tpu.memory_space<hbm>>) target(%arg5 : memref<8000xi32, #tpu.memory_space<vmem>>) target_semaphore(%run_scoped3A : memref<!tpu.dma_semaphore, #tpu.memory_space<semaphore_mem>>)
      %dma_wait3A = tpu.memref_slice %arg2[%add3A_167] : memref<160000xi32, #tpu.memory_space<hbm>> -> memref<8000xi32, #tpu.memory_space<hbm>>
      %dma_wait3A_866 = tpu.memref_slice %arg2[%add3A_167] : memref<160000xi32, #tpu.memory_space<hbm>> -> memref<8000xi32, #tpu.memory_space<hbm>>
      tpu.wait_dma2 semaphore(%run_scoped3A : memref<!tpu.dma_semaphore, #tpu.memory_space<semaphore_mem>>) src(%dma_wait3A_866 : memref<8000xi32, #tpu.memory_space<hbm>>) dst(%arg5 : memref<8000xi32, #tpu.memory_space<vmem>>)
      tpu.yield
    }) : () -> ()
    "tpu.region"() ({
      %run_scoped3A = tpu.sem_alloc : memref<!tpu.dma_semaphore, #tpu.memory_space<semaphore_mem>>
      %dma_start3A = tpu.memref_slice %arg3[%add3A_167] : memref<160000xi32, #tpu.memory_space<hbm>> -> memref<8000xi32, #tpu.memory_space<hbm>>
      %dma_start3A_865 = tpu.memref_slice %arg3[%add3A_167] : memref<160000xi32, #tpu.memory_space<hbm>> -> memref<8000xi32, #tpu.memory_space<hbm>>
      tpu.enqueue_dma source(%dma_start3A_865 : memref<8000xi32, #tpu.memory_space<hbm>>) target(%arg6 : memref<8000xi32, #tpu.memory_space<vmem>>) target_semaphore(%run_scoped3A : memref<!tpu.dma_semaphore, #tpu.memory_space<semaphore_mem>>)
      %dma_wait3A = tpu.memref_slice %arg3[%add3A_167] : memref<160000xi32, #tpu.memory_space<hbm>> -> memref<8000xi32, #tpu.memory_space<hbm>>
      %dma_wait3A_866 = tpu.memref_slice %arg3[%add3A_167] : memref<160000xi32, #tpu.memory_space<hbm>> -> memref<8000xi32, #tpu.memory_space<hbm>>
      tpu.wait_dma2 semaphore(%run_scoped3A : memref<!tpu.dma_semaphore, #tpu.memory_space<semaphore_mem>>) src(%dma_wait3A_866 : memref<8000xi32, #tpu.memory_space<hbm>>) dst(%arg6 : memref<8000xi32, #tpu.memory_space<vmem>>)
      tpu.yield
    }) : () -> ()
    %scan3A_168 = arith.constant 0 : i32
    %scan3A_169 = arith.constant 0 : i32
    %scan3A_170 = arith.constant 500 : i32
    %scan3A_171 = arith.addi %scan3A_169, %scan3A_170 : i32
    %scan3A_172 = arith.constant 1 : i32
    scf.for %scan3A_865 = %scan3A_169 to %scan3A_171 step %scan3A_172  : i32 {
      %mul3A_866 = arith.constant 16 : i32
      %mul3A_867 = arith.muli %scan3A_865, %mul3A_866 : i32
      %get3A = arith.index_cast %mul3A_867 : i32 to index
      %get3A_868 = tpu.vector_load %arg5[%get3A] {strides = array<i32>} : memref<8000xi32, #tpu.memory_space<vmem>>, vector<16xi32>,
      %mul3A_869 = arith.constant 16 : i32
      %mul3A_870 = arith.muli %scan3A_865, %mul3A_869 : i32
      %get3A_871 = arith.index_cast %mul3A_870 : i32 to index
      %get3A_872 = tpu.vector_load %arg6[%get3A_871] {strides = array<i32>} : memref<8000xi32, #tpu.memory_space<vmem>>, vector<16xi32>,
      %ge3A = vector.broadcast %mul3A_147 : i32 to vector<16xi32>
      %ge3A_873 = arith.cmpi sge, %get3A_872, %ge3A : vector<16xi32>
      %add3A_874 = arith.constant 40 : i32
      %add3A_875 = arith.addi %mul3A_147, %add3A_874 : i32
      %lt3A_876 = vector.broadcast %add3A_875 : i32 to vector<16xi32>
      %lt3A_877 = arith.cmpi slt, %get3A_872, %lt3A_876 : vector<16xi32>
      %and3A_878 = arith.andi %ge3A_873, %lt3A_877 : vector<16xi1>
      %sub3A_879 = vector.broadcast %mul3A_147 : i32 to vector<16xi32>
      %sub3A_880 = arith.subi %get3A_872, %sub3A_879 : vector<16xi32>
      %mul3A_881 = arith.constant 2560 : i32
      %mul3A_882 = vector.broadcast %mul3A_881 : i32 to vector<16xi32>
      %mul3A_883 = arith.muli %sub3A_880, %mul3A_882 : vector<16xi32>
      %add3A_884 = arith.addi %mul3A_883, %get3A_868 : vector<16xi32>
      %jit3A_885 = arith.constant 0 : i32
      %broadcast_in_dim3A_886 = vector.broadcast %jit3A_885 : i32 to vector<16xi32>
      %select_n3A_887 = arith.select %and3A_878, %add3A_884, %broadcast_in_dim3A_886 : vector<16xi1>, vector<16xi32>
      tpu.vector_store_idx %arg7[%select_n3A_887], %broadcast_in_dim3A_1 masked %and3A_878 {add = true} : memref<102400xf32, #tpu.memory_space<vmem>>[vector<16xi32>], vector<16xf32>, vector<16xi1>
    }
    %scan3A_173 = arith.constant 500 : i32
    %mul3A_174 = arith.constant 40000 : i32
    %mul3A_175 = arith.muli %select_n3A_129, %mul3A_174 : i32
    %add3A_176 = arith.constant 16000 : i32
    %add3A_177 = arith.addi %mul3A_175, %add3A_176 : i32
    "tpu.region"() ({
      %run_scoped3A = tpu.sem_alloc : memref<!tpu.dma_semaphore, #tpu.memory_space<semaphore_mem>>
      %dma_start3A = tpu.memref_slice %arg2[%add3A_177] : memref<160000xi32, #tpu.memory_space<hbm>> -> memref<8000xi32, #tpu.memory_space<hbm>>
      %dma_start3A_865 = tpu.memref_slice %arg2[%add3A_177] : memref<160000xi32, #tpu.memory_space<hbm>> -> memref<8000xi32, #tpu.memory_space<hbm>>
      tpu.enqueue_dma source(%dma_start3A_865 : memref<8000xi32, #tpu.memory_space<hbm>>) target(%arg5 : memref<8000xi32, #tpu.memory_space<vmem>>) target_semaphore(%run_scoped3A : memref<!tpu.dma_semaphore, #tpu.memory_space<semaphore_mem>>)
      %dma_wait3A = tpu.memref_slice %arg2[%add3A_177] : memref<160000xi32, #tpu.memory_space<hbm>> -> memref<8000xi32, #tpu.memory_space<hbm>>
      %dma_wait3A_866 = tpu.memref_slice %arg2[%add3A_177] : memref<160000xi32, #tpu.memory_space<hbm>> -> memref<8000xi32, #tpu.memory_space<hbm>>
      tpu.wait_dma2 semaphore(%run_scoped3A : memref<!tpu.dma_semaphore, #tpu.memory_space<semaphore_mem>>) src(%dma_wait3A_866 : memref<8000xi32, #tpu.memory_space<hbm>>) dst(%arg5 : memref<8000xi32, #tpu.memory_space<vmem>>)
      tpu.yield
    }) : () -> ()
    "tpu.region"() ({
      %run_scoped3A = tpu.sem_alloc : memref<!tpu.dma_semaphore, #tpu.memory_space<semaphore_mem>>
      %dma_start3A = tpu.memref_slice %arg3[%add3A_177] : memref<160000xi32, #tpu.memory_space<hbm>> -> memref<8000xi32, #tpu.memory_space<hbm>>
      %dma_start3A_865 = tpu.memref_slice %arg3[%add3A_177] : memref<160000xi32, #tpu.memory_space<hbm>> -> memref<8000xi32, #tpu.memory_space<hbm>>
      tpu.enqueue_dma source(%dma_start3A_865 : memref<8000xi32, #tpu.memory_space<hbm>>) target(%arg6 : memref<8000xi32, #tpu.memory_space<vmem>>) target_semaphore(%run_scoped3A : memref<!tpu.dma_semaphore, #tpu.memory_space<semaphore_mem>>)
      %dma_wait3A = tpu.memref_slice %arg3[%add3A_177] : memref<160000xi32, #tpu.memory_space<hbm>> -> memref<8000xi32, #tpu.memory_space<hbm>>
      %dma_wait3A_866 = tpu.memref_slice %arg3[%add3A_177] : memref<160000xi32, #tpu.memory_space<hbm>> -> memref<8000xi32, #tpu.memory_space<hbm>>
      tpu.wait_dma2 semaphore(%run_scoped3A : memref<!tpu.dma_semaphore, #tpu.memory_space<semaphore_mem>>) src(%dma_wait3A_866 : memref<8000xi32, #tpu.memory_space<hbm>>) dst(%arg6 : memref<8000xi32, #tpu.memory_space<vmem>>)
      tpu.yield
    }) : () -> ()
    %scan3A_178 = arith.constant 0 : i32
    %scan3A_179 = arith.constant 0 : i32
    %scan3A_180 = arith.constant 500 : i32
    %scan3A_181 = arith.addi %scan3A_179, %scan3A_180 : i32
    %scan3A_182 = arith.constant 1 : i32
    scf.for %scan3A_865 = %scan3A_179 to %scan3A_181 step %scan3A_182  : i32 {
      %mul3A_866 = arith.constant 16 : i32
      %mul3A_867 = arith.muli %scan3A_865, %mul3A_866 : i32
      %get3A = arith.index_cast %mul3A_867 : i32 to index
      %get3A_868 = tpu.vector_load %arg5[%get3A] {strides = array<i32>} : memref<8000xi32, #tpu.memory_space<vmem>>, vector<16xi32>,
      %mul3A_869 = arith.constant 16 : i32
      %mul3A_870 = arith.muli %scan3A_865, %mul3A_869 : i32
      %get3A_871 = arith.index_cast %mul3A_870 : i32 to index
      %get3A_872 = tpu.vector_load %arg6[%get3A_871] {strides = array<i32>} : memref<8000xi32, #tpu.memory_space<vmem>>, vector<16xi32>,
      %ge3A = vector.broadcast %mul3A_147 : i32 to vector<16xi32>
      %ge3A_873 = arith.cmpi sge, %get3A_872, %ge3A : vector<16xi32>
      %add3A_874 = arith.constant 40 : i32
      %add3A_875 = arith.addi %mul3A_147, %add3A_874 : i32
      %lt3A_876 = vector.broadcast %add3A_875 : i32 to vector<16xi32>
      %lt3A_877 = arith.cmpi slt, %get3A_872, %lt3A_876 : vector<16xi32>
      %and3A_878 = arith.andi %ge3A_873, %lt3A_877 : vector<16xi1>
      %sub3A_879 = vector.broadcast %mul3A_147 : i32 to vector<16xi32>
      %sub3A_880 = arith.subi %get3A_872, %sub3A_879 : vector<16xi32>
      %mul3A_881 = arith.constant 2560 : i32
      %mul3A_882 = vector.broadcast %mul3A_881 : i32 to vector<16xi32>
      %mul3A_883 = arith.muli %sub3A_880, %mul3A_882 : vector<16xi32>
      %add3A_884 = arith.addi %mul3A_883, %get3A_868 : vector<16xi32>
      %jit3A_885 = arith.constant 0 : i32
      %broadcast_in_dim3A_886 = vector.broadcast %jit3A_885 : i32 to vector<16xi32>
      %select_n3A_887 = arith.select %and3A_878, %add3A_884, %broadcast_in_dim3A_886 : vector<16xi1>, vector<16xi32>
      tpu.vector_store_idx %arg7[%select_n3A_887], %broadcast_in_dim3A_1 masked %and3A_878 {add = true} : memref<102400xf32, #tpu.memory_space<vmem>>[vector<16xi32>], vector<16xf32>, vector<16xi1>
    }
    %scan3A_183 = arith.constant 500 : i32
    %mul3A_184 = arith.constant 40000 : i32
    %mul3A_185 = arith.muli %select_n3A_129, %mul3A_184 : i32
    %add3A_186 = arith.constant 24000 : i32
    %add3A_187 = arith.addi %mul3A_185, %add3A_186 : i32
    "tpu.region"() ({
      %run_scoped3A = tpu.sem_alloc : memref<!tpu.dma_semaphore, #tpu.memory_space<semaphore_mem>>
      %dma_start3A = tpu.memref_slice %arg2[%add3A_187] : memref<160000xi32, #tpu.memory_space<hbm>> -> memref<8000xi32, #tpu.memory_space<hbm>>
      %dma_start3A_865 = tpu.memref_slice %arg2[%add3A_187] : memref<160000xi32, #tpu.memory_space<hbm>> -> memref<8000xi32, #tpu.memory_space<hbm>>
      tpu.enqueue_dma source(%dma_start3A_865 : memref<8000xi32, #tpu.memory_space<hbm>>) target(%arg5 : memref<8000xi32, #tpu.memory_space<vmem>>) target_semaphore(%run_scoped3A : memref<!tpu.dma_semaphore, #tpu.memory_space<semaphore_mem>>)
      %dma_wait3A = tpu.memref_slice %arg2[%add3A_187] : memref<160000xi32, #tpu.memory_space<hbm>> -> memref<8000xi32, #tpu.memory_space<hbm>>
      %dma_wait3A_866 = tpu.memref_slice %arg2[%add3A_187] : memref<160000xi32, #tpu.memory_space<hbm>> -> memref<8000xi32, #tpu.memory_space<hbm>>
      tpu.wait_dma2 semaphore(%run_scoped3A : memref<!tpu.dma_semaphore, #tpu.memory_space<semaphore_mem>>) src(%dma_wait3A_866 : memref<8000xi32, #tpu.memory_space<hbm>>) dst(%arg5 : memref<8000xi32, #tpu.memory_space<vmem>>)
      tpu.yield
    }) : () -> ()
    "tpu.region"() ({
      %run_scoped3A = tpu.sem_alloc : memref<!tpu.dma_semaphore, #tpu.memory_space<semaphore_mem>>
      %dma_start3A = tpu.memref_slice %arg3[%add3A_187] : memref<160000xi32, #tpu.memory_space<hbm>> -> memref<8000xi32, #tpu.memory_space<hbm>>
      %dma_start3A_865 = tpu.memref_slice %arg3[%add3A_187] : memref<160000xi32, #tpu.memory_space<hbm>> -> memref<8000xi32, #tpu.memory_space<hbm>>
      tpu.enqueue_dma source(%dma_start3A_865 : memref<8000xi32, #tpu.memory_space<hbm>>) target(%arg6 : memref<8000xi32, #tpu.memory_space<vmem>>) target_semaphore(%run_scoped3A : memref<!tpu.dma_semaphore, #tpu.memory_space<semaphore_mem>>)
      %dma_wait3A = tpu.memref_slice %arg3[%add3A_187] : memref<160000xi32, #tpu.memory_space<hbm>> -> memref<8000xi32, #tpu.memory_space<hbm>>
      %dma_wait3A_866 = tpu.memref_slice %arg3[%add3A_187] : memref<160000xi32, #tpu.memory_space<hbm>> -> memref<8000xi32, #tpu.memory_space<hbm>>
      tpu.wait_dma2 semaphore(%run_scoped3A : memref<!tpu.dma_semaphore, #tpu.memory_space<semaphore_mem>>) src(%dma_wait3A_866 : memref<8000xi32, #tpu.memory_space<hbm>>) dst(%arg6 : memref<8000xi32, #tpu.memory_space<vmem>>)
      tpu.yield
    }) : () -> ()
    %scan3A_188 = arith.constant 0 : i32
    %scan3A_189 = arith.constant 0 : i32
    %scan3A_190 = arith.constant 500 : i32
    %scan3A_191 = arith.addi %scan3A_189, %scan3A_190 : i32
    %scan3A_192 = arith.constant 1 : i32
    scf.for %scan3A_865 = %scan3A_189 to %scan3A_191 step %scan3A_192  : i32 {
      %mul3A_866 = arith.constant 16 : i32
      %mul3A_867 = arith.muli %scan3A_865, %mul3A_866 : i32
      %get3A = arith.index_cast %mul3A_867 : i32 to index
      %get3A_868 = tpu.vector_load %arg5[%get3A] {strides = array<i32>} : memref<8000xi32, #tpu.memory_space<vmem>>, vector<16xi32>,
      %mul3A_869 = arith.constant 16 : i32
      %mul3A_870 = arith.muli %scan3A_865, %mul3A_869 : i32
      %get3A_871 = arith.index_cast %mul3A_870 : i32 to index
      %get3A_872 = tpu.vector_load %arg6[%get3A_871] {strides = array<i32>} : memref<8000xi32, #tpu.memory_space<vmem>>, vector<16xi32>,
      %ge3A = vector.broadcast %mul3A_147 : i32 to vector<16xi32>
      %ge3A_873 = arith.cmpi sge, %get3A_872, %ge3A : vector<16xi32>
      %add3A_874 = arith.constant 40 : i32
      %add3A_875 = arith.addi %mul3A_147, %add3A_874 : i32
      %lt3A_876 = vector.broadcast %add3A_875 : i32 to vector<16xi32>
      %lt3A_877 = arith.cmpi slt, %get3A_872, %lt3A_876 : vector<16xi32>
      %and3A_878 = arith.andi %ge3A_873, %lt3A_877 : vector<16xi1>
      %sub3A_879 = vector.broadcast %mul3A_147 : i32 to vector<16xi32>
      %sub3A_880 = arith.subi %get3A_872, %sub3A_879 : vector<16xi32>
      %mul3A_881 = arith.constant 2560 : i32
      %mul3A_882 = vector.broadcast %mul3A_881 : i32 to vector<16xi32>
      %mul3A_883 = arith.muli %sub3A_880, %mul3A_882 : vector<16xi32>
      %add3A_884 = arith.addi %mul3A_883, %get3A_868 : vector<16xi32>
      %jit3A_885 = arith.constant 0 : i32
      %broadcast_in_dim3A_886 = vector.broadcast %jit3A_885 : i32 to vector<16xi32>
      %select_n3A_887 = arith.select %and3A_878, %add3A_884, %broadcast_in_dim3A_886 : vector<16xi1>, vector<16xi32>
      tpu.vector_store_idx %arg7[%select_n3A_887], %broadcast_in_dim3A_1 masked %and3A_878 {add = true} : memref<102400xf32, #tpu.memory_space<vmem>>[vector<16xi32>], vector<16xf32>, vector<16xi1>
    }
    %scan3A_193 = arith.constant 500 : i32
    %mul3A_194 = arith.constant 40000 : i32
    %mul3A_195 = arith.muli %select_n3A_129, %mul3A_194 : i32
    %add3A_196 = arith.constant 32000 : i32
    %add3A_197 = arith.addi %mul3A_195, %add3A_196 : i32
    "tpu.region"() ({
      %run_scoped3A = tpu.sem_alloc : memref<!tpu.dma_semaphore, #tpu.memory_space<semaphore_mem>>
      %dma_start3A = tpu.memref_slice %arg2[%add3A_197] : memref<160000xi32, #tpu.memory_space<hbm>> -> memref<8000xi32, #tpu.memory_space<hbm>>
      %dma_start3A_865 = tpu.memref_slice %arg2[%add3A_197] : memref<160000xi32, #tpu.memory_space<hbm>> -> memref<8000xi32, #tpu.memory_space<hbm>>
      tpu.enqueue_dma source(%dma_start3A_865 : memref<8000xi32, #tpu.memory_space<hbm>>) target(%arg5 : memref<8000xi32, #tpu.memory_space<vmem>>) target_semaphore(%run_scoped3A : memref<!tpu.dma_semaphore, #tpu.memory_space<semaphore_mem>>)
      %dma_wait3A = tpu.memref_slice %arg2[%add3A_197] : memref<160000xi32, #tpu.memory_space<hbm>> -> memref<8000xi32, #tpu.memory_space<hbm>>
      %dma_wait3A_866 = tpu.memref_slice %arg2[%add3A_197] : memref<160000xi32, #tpu.memory_space<hbm>> -> memref<8000xi32, #tpu.memory_space<hbm>>
      tpu.wait_dma2 semaphore(%run_scoped3A : memref<!tpu.dma_semaphore, #tpu.memory_space<semaphore_mem>>) src(%dma_wait3A_866 : memref<8000xi32, #tpu.memory_space<hbm>>) dst(%arg5 : memref<8000xi32, #tpu.memory_space<vmem>>)
      tpu.yield
    }) : () -> ()
    "tpu.region"() ({
      %run_scoped3A = tpu.sem_alloc : memref<!tpu.dma_semaphore, #tpu.memory_space<semaphore_mem>>
      %dma_start3A = tpu.memref_slice %arg3[%add3A_197] : memref<160000xi32, #tpu.memory_space<hbm>> -> memref<8000xi32, #tpu.memory_space<hbm>>
      %dma_start3A_865 = tpu.memref_slice %arg3[%add3A_197] : memref<160000xi32, #tpu.memory_space<hbm>> -> memref<8000xi32, #tpu.memory_space<hbm>>
      tpu.enqueue_dma source(%dma_start3A_865 : memref<8000xi32, #tpu.memory_space<hbm>>) target(%arg6 : memref<8000xi32, #tpu.memory_space<vmem>>) target_semaphore(%run_scoped3A : memref<!tpu.dma_semaphore, #tpu.memory_space<semaphore_mem>>)
      %dma_wait3A = tpu.memref_slice %arg3[%add3A_197] : memref<160000xi32, #tpu.memory_space<hbm>> -> memref<8000xi32, #tpu.memory_space<hbm>>
      %dma_wait3A_866 = tpu.memref_slice %arg3[%add3A_197] : memref<160000xi32, #tpu.memory_space<hbm>> -> memref<8000xi32, #tpu.memory_space<hbm>>
      tpu.wait_dma2 semaphore(%run_scoped3A : memref<!tpu.dma_semaphore, #tpu.memory_space<semaphore_mem>>) src(%dma_wait3A_866 : memref<8000xi32, #tpu.memory_space<hbm>>) dst(%arg6 : memref<8000xi32, #tpu.memory_space<vmem>>)
      tpu.yield
    }) : () -> ()
    %scan3A_198 = arith.constant 0 : i32
    %scan3A_199 = arith.constant 0 : i32
    %scan3A_200 = arith.constant 500 : i32
    %scan3A_201 = arith.addi %scan3A_199, %scan3A_200 : i32
    %scan3A_202 = arith.constant 1 : i32
    scf.for %scan3A_865 = %scan3A_199 to %scan3A_201 step %scan3A_202  : i32 {
      %mul3A_866 = arith.constant 16 : i32
      %mul3A_867 = arith.muli %scan3A_865, %mul3A_866 : i32
      %get3A = arith.index_cast %mul3A_867 : i32 to index
      %get3A_868 = tpu.vector_load %arg5[%get3A] {strides = array<i32>} : memref<8000xi32, #tpu.memory_space<vmem>>, vector<16xi32>,
      %mul3A_869 = arith.constant 16 : i32
      %mul3A_870 = arith.muli %scan3A_865, %mul3A_869 : i32
      %get3A_871 = arith.index_cast %mul3A_870 : i32 to index
      %get3A_872 = tpu.vector_load %arg6[%get3A_871] {strides = array<i32>} : memref<8000xi32, #tpu.memory_space<vmem>>, vector<16xi32>,
      %ge3A = vector.broadcast %mul3A_147 : i32 to vector<16xi32>
      %ge3A_873 = arith.cmpi sge, %get3A_872, %ge3A : vector<16xi32>
      %add3A_874 = arith.constant 40 : i32
      %add3A_875 = arith.addi %mul3A_147, %add3A_874 : i32
      %lt3A_876 = vector.broadcast %add3A_875 : i32 to vector<16xi32>
      %lt3A_877 = arith.cmpi slt, %get3A_872, %lt3A_876 : vector<16xi32>
      %and3A_878 = arith.andi %ge3A_873, %lt3A_877 : vector<16xi1>
      %sub3A_879 = vector.broadcast %mul3A_147 : i32 to vector<16xi32>
      %sub3A_880 = arith.subi %get3A_872, %sub3A_879 : vector<16xi32>
      %mul3A_881 = arith.constant 2560 : i32
      %mul3A_882 = vector.broadcast %mul3A_881 : i32 to vector<16xi32>
      %mul3A_883 = arith.muli %sub3A_880, %mul3A_882 : vector<16xi32>
      %add3A_884 = arith.addi %mul3A_883, %get3A_868 : vector<16xi32>
      %jit3A_885 = arith.constant 0 : i32
      %broadcast_in_dim3A_886 = vector.broadcast %jit3A_885 : i32 to vector<16xi32>
      %select_n3A_887 = arith.select %and3A_878, %add3A_884, %broadcast_in_dim3A_886 : vector<16xi1>, vector<16xi32>
      tpu.vector_store_idx %arg7[%select_n3A_887], %broadcast_in_dim3A_1 masked %and3A_878 {add = true} : memref<102400xf32, #tpu.memory_space<vmem>>[vector<16xi32>], vector<16xf32>, vector<16xi1>
    }
    %scan3A_203 = arith.constant 500 : i32
    %mul3A_204 = arith.constant 2560 : i32
    %mul3A_205 = arith.muli %select_n3A_129, %mul3A_204 : i32
    %mul3A_206 = arith.constant 2560 : i32
    %mul3A_207 = arith.muli %mul3A_205, %mul3A_206 : i32
    %mul3A_208 = arith.constant 2560 : i32
    %mul3A_209 = arith.muli %mul3A_147, %mul3A_208 : i32
    %add3A_210 = arith.addi %mul3A_207, %mul3A_209 : i32
    "tpu.region"() ({
      %run_scoped3A = tpu.sem_alloc : memref<!tpu.dma_semaphore, #tpu.memory_space<semaphore_mem>>
      %dma_start3A = tpu.memref_slice %arg4[%add3A_210] : memref<26214400xf32, #tpu.memory_space<hbm>> -> memref<102400xf32, #tpu.memory_space<hbm>>
      %dma_start3A_865 = tpu.memref_slice %arg4[%add3A_210] : memref<26214400xf32, #tpu.memory_space<hbm>> -> memref<102400xf32, #tpu.memory_space<hbm>>
      tpu.enqueue_dma source(%arg7 : memref<102400xf32, #tpu.memory_space<vmem>>) target(%dma_start3A_865 : memref<102400xf32, #tpu.memory_space<hbm>>) target_semaphore(%run_scoped3A : memref<!tpu.dma_semaphore, #tpu.memory_space<semaphore_mem>>)
      %dma_wait3A = tpu.memref_slice %arg4[%add3A_210] : memref<26214400xf32, #tpu.memory_space<hbm>> -> memref<102400xf32, #tpu.memory_space<hbm>>
      %dma_wait3A_866 = tpu.memref_slice %arg4[%add3A_210] : memref<26214400xf32, #tpu.memory_space<hbm>> -> memref<102400xf32, #tpu.memory_space<hbm>>
      tpu.wait_dma2 semaphore(%run_scoped3A : memref<!tpu.dma_semaphore, #tpu.memory_space<semaphore_mem>>) src(%arg7 : memref<102400xf32, #tpu.memory_space<vmem>>) dst(%dma_wait3A_866 : memref<102400xf32, #tpu.memory_space<hbm>>)
      tpu.yield
    }) : () -> ()
    %mul3A_211 = arith.constant 8 : i32
    %mul3A_212 = arith.muli %add3A, %mul3A_211 : i32
    %add3A_213 = arith.constant 2 : i32
    %add3A_214 = arith.addi %mul3A_212, %add3A_213 : i32
    %jit3A_215 = arith.constant 64 : i32
    %div3A_216 = arith.divsi %add3A_214, %jit3A_215 : i32
    %sign3A_217 = arith.constant 0 : i32
    %sign3A_218 = arith.cmpi sgt, %add3A_214, %sign3A_217 : i32
    %sign3A_219 = arith.extui %sign3A_218 : i1 to i32
    %sign3A_220 = arith.constant 0 : i32
    %sign3A_221 = arith.cmpi slt, %add3A_214, %sign3A_220 : i32
    %sign3A_222 = arith.extui %sign3A_221 : i1 to i32
    %sign3A_223 = arith.subi %sign3A_219, %sign3A_222 : i32
    %sign3A_224 = arith.constant 0 : i32
    %sign3A_225 = arith.cmpi sgt, %jit3A_215, %sign3A_224 : i32
    %sign3A_226 = arith.extui %sign3A_225 : i1 to i32
    %sign3A_227 = arith.constant 0 : i32
    %sign3A_228 = arith.cmpi slt, %jit3A_215, %sign3A_227 : i32
    %sign3A_229 = arith.extui %sign3A_228 : i1 to i32
    %sign3A_230 = arith.subi %sign3A_226, %sign3A_229 : i32
    %ne3A_231 = arith.cmpi ne, %sign3A_223, %sign3A_230 : i32
    %rem3A_232 = arith.remsi %add3A_214, %jit3A_215 : i32
    %ne3A_233 = arith.constant 0 : i32
    %ne3A_234 = arith.cmpi ne, %rem3A_232, %ne3A_233 : i32
    %and3A_235 = arith.andi %ne3A_231, %ne3A_234 : i1
    %sub3A_236 = arith.constant 1 : i32
    %sub3A_237 = arith.subi %div3A_216, %sub3A_236 : i32
    %select_n3A_238 = arith.select %and3A_235, %sub3A_237, %div3A_216 : i32
    %jit3A_239 = arith.constant 64 : i32
    %eq3A_240 = arith.constant 0 : i32
    %eq3A_241 = arith.cmpi eq, %jit3A_239, %eq3A_240 : i32
    %jit3A_242 = arith.constant 1 : i32
    %select_n3A_243 = arith.select %eq3A_241, %jit3A_242, %jit3A_239 : i32
    %rem3A_244 = arith.remsi %add3A_214, %select_n3A_243 : i32
    %ne3A_245 = arith.constant 0 : i32
    %ne3A_246 = arith.cmpi ne, %rem3A_244, %ne3A_245 : i32
    %lt3A_247 = arith.constant 0 : i32
    %lt3A_248 = arith.cmpi slt, %rem3A_244, %lt3A_247 : i32
    %lt3A_249 = arith.constant 0 : i32
    %lt3A_250 = arith.cmpi slt, %select_n3A_243, %lt3A_249 : i32
    %ne3A_251 = arith.xori %lt3A_248, %lt3A_250 : i1
    %and3A_252 = arith.andi %ne3A_251, %ne3A_246 : i1
    %add3A_253 = arith.addi %rem3A_244, %select_n3A_243 : i32
    %select_n3A_254 = arith.select %and3A_252, %add3A_253, %rem3A_244 : i32
    %mul3A_255 = arith.constant 40 : i32
    %mul3A_256 = arith.muli %select_n3A_254, %mul3A_255 : i32
    %scan3A_257 = arith.constant 0 : i32
    %scan3A_258 = arith.constant 0 : i32
    %scan3A_259 = arith.constant 6400 : i32
    %scan3A_260 = arith.addi %scan3A_258, %scan3A_259 : i32
    %scan3A_261 = arith.constant 1 : i32
    scf.for %scan3A_865 = %scan3A_258 to %scan3A_260 step %scan3A_261  : i32 {
      %mul3A_866 = arith.constant 16 : i32
      %mul3A_867 = arith.muli %scan3A_865, %mul3A_866 : i32
      %swap3A = arith.index_cast %mul3A_867 : i32 to index
      %swap3A_868 = tpu.vector_load %arg7[%swap3A] {strides = array<i32>} : memref<102400xf32, #tpu.memory_space<vmem>>, vector<16xf32>,
      tpu.vector_store %arg7[%swap3A], %broadcast_in_dim3A_3 {strides = array<i32>} : memref<102400xf32, #tpu.memory_space<vmem>>, vector<16xf32>,
    }
    %scan3A_262 = arith.constant 6400 : i32
    %mul3A_263 = arith.constant 40000 : i32
    %mul3A_264 = arith.muli %select_n3A_238, %mul3A_263 : i32
    %add3A_265 = arith.constant 0 : i32
    %add3A_266 = arith.addi %mul3A_264, %add3A_265 : i32
    "tpu.region"() ({
      %run_scoped3A = tpu.sem_alloc : memref<!tpu.dma_semaphore, #tpu.memory_space<semaphore_mem>>
      %dma_start3A = tpu.memref_slice %arg2[%add3A_266] : memref<160000xi32, #tpu.memory_space<hbm>> -> memref<8000xi32, #tpu.memory_space<hbm>>
      %dma_start3A_865 = tpu.memref_slice %arg2[%add3A_266] : memref<160000xi32, #tpu.memory_space<hbm>> -> memref<8000xi32, #tpu.memory_space<hbm>>
      tpu.enqueue_dma source(%dma_start3A_865 : memref<8000xi32, #tpu.memory_space<hbm>>) target(%arg5 : memref<8000xi32, #tpu.memory_space<vmem>>) target_semaphore(%run_scoped3A : memref<!tpu.dma_semaphore, #tpu.memory_space<semaphore_mem>>)
      %dma_wait3A = tpu.memref_slice %arg2[%add3A_266] : memref<160000xi32, #tpu.memory_space<hbm>> -> memref<8000xi32, #tpu.memory_space<hbm>>
      %dma_wait3A_866 = tpu.memref_slice %arg2[%add3A_266] : memref<160000xi32, #tpu.memory_space<hbm>> -> memref<8000xi32, #tpu.memory_space<hbm>>
      tpu.wait_dma2 semaphore(%run_scoped3A : memref<!tpu.dma_semaphore, #tpu.memory_space<semaphore_mem>>) src(%dma_wait3A_866 : memref<8000xi32, #tpu.memory_space<hbm>>) dst(%arg5 : memref<8000xi32, #tpu.memory_space<vmem>>)
      tpu.yield
    }) : () -> ()
    "tpu.region"() ({
      %run_scoped3A = tpu.sem_alloc : memref<!tpu.dma_semaphore, #tpu.memory_space<semaphore_mem>>
      %dma_start3A = tpu.memref_slice %arg3[%add3A_266] : memref<160000xi32, #tpu.memory_space<hbm>> -> memref<8000xi32, #tpu.memory_space<hbm>>
      %dma_start3A_865 = tpu.memref_slice %arg3[%add3A_266] : memref<160000xi32, #tpu.memory_space<hbm>> -> memref<8000xi32, #tpu.memory_space<hbm>>
      tpu.enqueue_dma source(%dma_start3A_865 : memref<8000xi32, #tpu.memory_space<hbm>>) target(%arg6 : memref<8000xi32, #tpu.memory_space<vmem>>) target_semaphore(%run_scoped3A : memref<!tpu.dma_semaphore, #tpu.memory_space<semaphore_mem>>)
      %dma_wait3A = tpu.memref_slice %arg3[%add3A_266] : memref<160000xi32, #tpu.memory_space<hbm>> -> memref<8000xi32, #tpu.memory_space<hbm>>
      %dma_wait3A_866 = tpu.memref_slice %arg3[%add3A_266] : memref<160000xi32, #tpu.memory_space<hbm>> -> memref<8000xi32, #tpu.memory_space<hbm>>
      tpu.wait_dma2 semaphore(%run_scoped3A : memref<!tpu.dma_semaphore, #tpu.memory_space<semaphore_mem>>) src(%dma_wait3A_866 : memref<8000xi32, #tpu.memory_space<hbm>>) dst(%arg6 : memref<8000xi32, #tpu.memory_space<vmem>>)
      tpu.yield
    }) : () -> ()
    %scan3A_267 = arith.constant 0 : i32
    %scan3A_268 = arith.constant 0 : i32
    %scan3A_269 = arith.constant 500 : i32
    %scan3A_270 = arith.addi %scan3A_268, %scan3A_269 : i32
    %scan3A_271 = arith.constant 1 : i32
    scf.for %scan3A_865 = %scan3A_268 to %scan3A_270 step %scan3A_271  : i32 {
      %mul3A_866 = arith.constant 16 : i32
      %mul3A_867 = arith.muli %scan3A_865, %mul3A_866 : i32
      %get3A = arith.index_cast %mul3A_867 : i32 to index
      %get3A_868 = tpu.vector_load %arg5[%get3A] {strides = array<i32>} : memref<8000xi32, #tpu.memory_space<vmem>>, vector<16xi32>,
      %mul3A_869 = arith.constant 16 : i32
      %mul3A_870 = arith.muli %scan3A_865, %mul3A_869 : i32
      %get3A_871 = arith.index_cast %mul3A_870 : i32 to index
      %get3A_872 = tpu.vector_load %arg6[%get3A_871] {strides = array<i32>} : memref<8000xi32, #tpu.memory_space<vmem>>, vector<16xi32>,
      %ge3A = vector.broadcast %mul3A_256 : i32 to vector<16xi32>
      %ge3A_873 = arith.cmpi sge, %get3A_872, %ge3A : vector<16xi32>
      %add3A_874 = arith.constant 40 : i32
      %add3A_875 = arith.addi %mul3A_256, %add3A_874 : i32
      %lt3A_876 = vector.broadcast %add3A_875 : i32 to vector<16xi32>
      %lt3A_877 = arith.cmpi slt, %get3A_872, %lt3A_876 : vector<16xi32>
      %and3A_878 = arith.andi %ge3A_873, %lt3A_877 : vector<16xi1>
      %sub3A_879 = vector.broadcast %mul3A_256 : i32 to vector<16xi32>
      %sub3A_880 = arith.subi %get3A_872, %sub3A_879 : vector<16xi32>
      %mul3A_881 = arith.constant 2560 : i32
      %mul3A_882 = vector.broadcast %mul3A_881 : i32 to vector<16xi32>
      %mul3A_883 = arith.muli %sub3A_880, %mul3A_882 : vector<16xi32>
      %add3A_884 = arith.addi %mul3A_883, %get3A_868 : vector<16xi32>
      %jit3A_885 = arith.constant 0 : i32
      %broadcast_in_dim3A_886 = vector.broadcast %jit3A_885 : i32 to vector<16xi32>
      %select_n3A_887 = arith.select %and3A_878, %add3A_884, %broadcast_in_dim3A_886 : vector<16xi1>, vector<16xi32>
      tpu.vector_store_idx %arg7[%select_n3A_887], %broadcast_in_dim3A_1 masked %and3A_878 {add = true} : memref<102400xf32, #tpu.memory_space<vmem>>[vector<16xi32>], vector<16xf32>, vector<16xi1>
    }
    %scan3A_272 = arith.constant 500 : i32
    %mul3A_273 = arith.constant 40000 : i32
    %mul3A_274 = arith.muli %select_n3A_238, %mul3A_273 : i32
    %add3A_275 = arith.constant 8000 : i32
    %add3A_276 = arith.addi %mul3A_274, %add3A_275 : i32
    "tpu.region"() ({
      %run_scoped3A = tpu.sem_alloc : memref<!tpu.dma_semaphore, #tpu.memory_space<semaphore_mem>>
      %dma_start3A = tpu.memref_slice %arg2[%add3A_276] : memref<160000xi32, #tpu.memory_space<hbm>> -> memref<8000xi32, #tpu.memory_space<hbm>>
      %dma_start3A_865 = tpu.memref_slice %arg2[%add3A_276] : memref<160000xi32, #tpu.memory_space<hbm>> -> memref<8000xi32, #tpu.memory_space<hbm>>
      tpu.enqueue_dma source(%dma_start3A_865 : memref<8000xi32, #tpu.memory_space<hbm>>) target(%arg5 : memref<8000xi32, #tpu.memory_space<vmem>>) target_semaphore(%run_scoped3A : memref<!tpu.dma_semaphore, #tpu.memory_space<semaphore_mem>>)
      %dma_wait3A = tpu.memref_slice %arg2[%add3A_276] : memref<160000xi32, #tpu.memory_space<hbm>> -> memref<8000xi32, #tpu.memory_space<hbm>>
      %dma_wait3A_866 = tpu.memref_slice %arg2[%add3A_276] : memref<160000xi32, #tpu.memory_space<hbm>> -> memref<8000xi32, #tpu.memory_space<hbm>>
      tpu.wait_dma2 semaphore(%run_scoped3A : memref<!tpu.dma_semaphore, #tpu.memory_space<semaphore_mem>>) src(%dma_wait3A_866 : memref<8000xi32, #tpu.memory_space<hbm>>) dst(%arg5 : memref<8000xi32, #tpu.memory_space<vmem>>)
      tpu.yield
    }) : () -> ()
    "tpu.region"() ({
      %run_scoped3A = tpu.sem_alloc : memref<!tpu.dma_semaphore, #tpu.memory_space<semaphore_mem>>
      %dma_start3A = tpu.memref_slice %arg3[%add3A_276] : memref<160000xi32, #tpu.memory_space<hbm>> -> memref<8000xi32, #tpu.memory_space<hbm>>
      %dma_start3A_865 = tpu.memref_slice %arg3[%add3A_276] : memref<160000xi32, #tpu.memory_space<hbm>> -> memref<8000xi32, #tpu.memory_space<hbm>>
      tpu.enqueue_dma source(%dma_start3A_865 : memref<8000xi32, #tpu.memory_space<hbm>>) target(%arg6 : memref<8000xi32, #tpu.memory_space<vmem>>) target_semaphore(%run_scoped3A : memref<!tpu.dma_semaphore, #tpu.memory_space<semaphore_mem>>)
      %dma_wait3A = tpu.memref_slice %arg3[%add3A_276] : memref<160000xi32, #tpu.memory_space<hbm>> -> memref<8000xi32, #tpu.memory_space<hbm>>
      %dma_wait3A_866 = tpu.memref_slice %arg3[%add3A_276] : memref<160000xi32, #tpu.memory_space<hbm>> -> memref<8000xi32, #tpu.memory_space<hbm>>
      tpu.wait_dma2 semaphore(%run_scoped3A : memref<!tpu.dma_semaphore, #tpu.memory_space<semaphore_mem>>) src(%dma_wait3A_866 : memref<8000xi32, #tpu.memory_space<hbm>>) dst(%arg6 : memref<8000xi32, #tpu.memory_space<vmem>>)
      tpu.yield
    }) : () -> ()
    %scan3A_277 = arith.constant 0 : i32
    %scan3A_278 = arith.constant 0 : i32
    %scan3A_279 = arith.constant 500 : i32
    %scan3A_280 = arith.addi %scan3A_278, %scan3A_279 : i32
    %scan3A_281 = arith.constant 1 : i32
    scf.for %scan3A_865 = %scan3A_278 to %scan3A_280 step %scan3A_281  : i32 {
      %mul3A_866 = arith.constant 16 : i32
      %mul3A_867 = arith.muli %scan3A_865, %mul3A_866 : i32
      %get3A = arith.index_cast %mul3A_867 : i32 to index
      %get3A_868 = tpu.vector_load %arg5[%get3A] {strides = array<i32>} : memref<8000xi32, #tpu.memory_space<vmem>>, vector<16xi32>,
      %mul3A_869 = arith.constant 16 : i32
      %mul3A_870 = arith.muli %scan3A_865, %mul3A_869 : i32
      %get3A_871 = arith.index_cast %mul3A_870 : i32 to index
      %get3A_872 = tpu.vector_load %arg6[%get3A_871] {strides = array<i32>} : memref<8000xi32, #tpu.memory_space<vmem>>, vector<16xi32>,
      %ge3A = vector.broadcast %mul3A_256 : i32 to vector<16xi32>
      %ge3A_873 = arith.cmpi sge, %get3A_872, %ge3A : vector<16xi32>
      %add3A_874 = arith.constant 40 : i32
      %add3A_875 = arith.addi %mul3A_256, %add3A_874 : i32
      %lt3A_876 = vector.broadcast %add3A_875 : i32 to vector<16xi32>
      %lt3A_877 = arith.cmpi slt, %get3A_872, %lt3A_876 : vector<16xi32>
      %and3A_878 = arith.andi %ge3A_873, %lt3A_877 : vector<16xi1>
      %sub3A_879 = vector.broadcast %mul3A_256 : i32 to vector<16xi32>
      %sub3A_880 = arith.subi %get3A_872, %sub3A_879 : vector<16xi32>
      %mul3A_881 = arith.constant 2560 : i32
      %mul3A_882 = vector.broadcast %mul3A_881 : i32 to vector<16xi32>
      %mul3A_883 = arith.muli %sub3A_880, %mul3A_882 : vector<16xi32>
      %add3A_884 = arith.addi %mul3A_883, %get3A_868 : vector<16xi32>
      %jit3A_885 = arith.constant 0 : i32
      %broadcast_in_dim3A_886 = vector.broadcast %jit3A_885 : i32 to vector<16xi32>
      %select_n3A_887 = arith.select %and3A_878, %add3A_884, %broadcast_in_dim3A_886 : vector<16xi1>, vector<16xi32>
      tpu.vector_store_idx %arg7[%select_n3A_887], %broadcast_in_dim3A_1 masked %and3A_878 {add = true} : memref<102400xf32, #tpu.memory_space<vmem>>[vector<16xi32>], vector<16xf32>, vector<16xi1>
    }
    %scan3A_282 = arith.constant 500 : i32
    %mul3A_283 = arith.constant 40000 : i32
    %mul3A_284 = arith.muli %select_n3A_238, %mul3A_283 : i32
    %add3A_285 = arith.constant 16000 : i32
    %add3A_286 = arith.addi %mul3A_284, %add3A_285 : i32
    "tpu.region"() ({
      %run_scoped3A = tpu.sem_alloc : memref<!tpu.dma_semaphore, #tpu.memory_space<semaphore_mem>>
      %dma_start3A = tpu.memref_slice %arg2[%add3A_286] : memref<160000xi32, #tpu.memory_space<hbm>> -> memref<8000xi32, #tpu.memory_space<hbm>>
      %dma_start3A_865 = tpu.memref_slice %arg2[%add3A_286] : memref<160000xi32, #tpu.memory_space<hbm>> -> memref<8000xi32, #tpu.memory_space<hbm>>
      tpu.enqueue_dma source(%dma_start3A_865 : memref<8000xi32, #tpu.memory_space<hbm>>) target(%arg5 : memref<8000xi32, #tpu.memory_space<vmem>>) target_semaphore(%run_scoped3A : memref<!tpu.dma_semaphore, #tpu.memory_space<semaphore_mem>>)
      %dma_wait3A = tpu.memref_slice %arg2[%add3A_286] : memref<160000xi32, #tpu.memory_space<hbm>> -> memref<8000xi32, #tpu.memory_space<hbm>>
      %dma_wait3A_866 = tpu.memref_slice %arg2[%add3A_286] : memref<160000xi32, #tpu.memory_space<hbm>> -> memref<8000xi32, #tpu.memory_space<hbm>>
      tpu.wait_dma2 semaphore(%run_scoped3A : memref<!tpu.dma_semaphore, #tpu.memory_space<semaphore_mem>>) src(%dma_wait3A_866 : memref<8000xi32, #tpu.memory_space<hbm>>) dst(%arg5 : memref<8000xi32, #tpu.memory_space<vmem>>)
      tpu.yield
    }) : () -> ()
    "tpu.region"() ({
      %run_scoped3A = tpu.sem_alloc : memref<!tpu.dma_semaphore, #tpu.memory_space<semaphore_mem>>
      %dma_start3A = tpu.memref_slice %arg3[%add3A_286] : memref<160000xi32, #tpu.memory_space<hbm>> -> memref<8000xi32, #tpu.memory_space<hbm>>
      %dma_start3A_865 = tpu.memref_slice %arg3[%add3A_286] : memref<160000xi32, #tpu.memory_space<hbm>> -> memref<8000xi32, #tpu.memory_space<hbm>>
      tpu.enqueue_dma source(%dma_start3A_865 : memref<8000xi32, #tpu.memory_space<hbm>>) target(%arg6 : memref<8000xi32, #tpu.memory_space<vmem>>) target_semaphore(%run_scoped3A : memref<!tpu.dma_semaphore, #tpu.memory_space<semaphore_mem>>)
      %dma_wait3A = tpu.memref_slice %arg3[%add3A_286] : memref<160000xi32, #tpu.memory_space<hbm>> -> memref<8000xi32, #tpu.memory_space<hbm>>
      %dma_wait3A_866 = tpu.memref_slice %arg3[%add3A_286] : memref<160000xi32, #tpu.memory_space<hbm>> -> memref<8000xi32, #tpu.memory_space<hbm>>
      tpu.wait_dma2 semaphore(%run_scoped3A : memref<!tpu.dma_semaphore, #tpu.memory_space<semaphore_mem>>) src(%dma_wait3A_866 : memref<8000xi32, #tpu.memory_space<hbm>>) dst(%arg6 : memref<8000xi32, #tpu.memory_space<vmem>>)
      tpu.yield
    }) : () -> ()
    %scan3A_287 = arith.constant 0 : i32
    %scan3A_288 = arith.constant 0 : i32
    %scan3A_289 = arith.constant 500 : i32
    %scan3A_290 = arith.addi %scan3A_288, %scan3A_289 : i32
    %scan3A_291 = arith.constant 1 : i32
    scf.for %scan3A_865 = %scan3A_288 to %scan3A_290 step %scan3A_291  : i32 {
      %mul3A_866 = arith.constant 16 : i32
      %mul3A_867 = arith.muli %scan3A_865, %mul3A_866 : i32
      %get3A = arith.index_cast %mul3A_867 : i32 to index
      %get3A_868 = tpu.vector_load %arg5[%get3A] {strides = array<i32>} : memref<8000xi32, #tpu.memory_space<vmem>>, vector<16xi32>,
      %mul3A_869 = arith.constant 16 : i32
      %mul3A_870 = arith.muli %scan3A_865, %mul3A_869 : i32
      %get3A_871 = arith.index_cast %mul3A_870 : i32 to index
      %get3A_872 = tpu.vector_load %arg6[%get3A_871] {strides = array<i32>} : memref<8000xi32, #tpu.memory_space<vmem>>, vector<16xi32>,
      %ge3A = vector.broadcast %mul3A_256 : i32 to vector<16xi32>
      %ge3A_873 = arith.cmpi sge, %get3A_872, %ge3A : vector<16xi32>
      %add3A_874 = arith.constant 40 : i32
      %add3A_875 = arith.addi %mul3A_256, %add3A_874 : i32
      %lt3A_876 = vector.broadcast %add3A_875 : i32 to vector<16xi32>
      %lt3A_877 = arith.cmpi slt, %get3A_872, %lt3A_876 : vector<16xi32>
      %and3A_878 = arith.andi %ge3A_873, %lt3A_877 : vector<16xi1>
      %sub3A_879 = vector.broadcast %mul3A_256 : i32 to vector<16xi32>
      %sub3A_880 = arith.subi %get3A_872, %sub3A_879 : vector<16xi32>
      %mul3A_881 = arith.constant 2560 : i32
      %mul3A_882 = vector.broadcast %mul3A_881 : i32 to vector<16xi32>
      %mul3A_883 = arith.muli %sub3A_880, %mul3A_882 : vector<16xi32>
      %add3A_884 = arith.addi %mul3A_883, %get3A_868 : vector<16xi32>
      %jit3A_885 = arith.constant 0 : i32
      %broadcast_in_dim3A_886 = vector.broadcast %jit3A_885 : i32 to vector<16xi32>
      %select_n3A_887 = arith.select %and3A_878, %add3A_884, %broadcast_in_dim3A_886 : vector<16xi1>, vector<16xi32>
      tpu.vector_store_idx %arg7[%select_n3A_887], %broadcast_in_dim3A_1 masked %and3A_878 {add = true} : memref<102400xf32, #tpu.memory_space<vmem>>[vector<16xi32>], vector<16xf32>, vector<16xi1>
    }
    %scan3A_292 = arith.constant 500 : i32
    %mul3A_293 = arith.constant 40000 : i32
    %mul3A_294 = arith.muli %select_n3A_238, %mul3A_293 : i32
    %add3A_295 = arith.constant 24000 : i32
    %add3A_296 = arith.addi %mul3A_294, %add3A_295 : i32
    "tpu.region"() ({
      %run_scoped3A = tpu.sem_alloc : memref<!tpu.dma_semaphore, #tpu.memory_space<semaphore_mem>>
      %dma_start3A = tpu.memref_slice %arg2[%add3A_296] : memref<160000xi32, #tpu.memory_space<hbm>> -> memref<8000xi32, #tpu.memory_space<hbm>>
      %dma_start3A_865 = tpu.memref_slice %arg2[%add3A_296] : memref<160000xi32, #tpu.memory_space<hbm>> -> memref<8000xi32, #tpu.memory_space<hbm>>
      tpu.enqueue_dma source(%dma_start3A_865 : memref<8000xi32, #tpu.memory_space<hbm>>) target(%arg5 : memref<8000xi32, #tpu.memory_space<vmem>>) target_semaphore(%run_scoped3A : memref<!tpu.dma_semaphore, #tpu.memory_space<semaphore_mem>>)
      %dma_wait3A = tpu.memref_slice %arg2[%add3A_296] : memref<160000xi32, #tpu.memory_space<hbm>> -> memref<8000xi32, #tpu.memory_space<hbm>>
      %dma_wait3A_866 = tpu.memref_slice %arg2[%add3A_296] : memref<160000xi32, #tpu.memory_space<hbm>> -> memref<8000xi32, #tpu.memory_space<hbm>>
      tpu.wait_dma2 semaphore(%run_scoped3A : memref<!tpu.dma_semaphore, #tpu.memory_space<semaphore_mem>>) src(%dma_wait3A_866 : memref<8000xi32, #tpu.memory_space<hbm>>) dst(%arg5 : memref<8000xi32, #tpu.memory_space<vmem>>)
      tpu.yield
    }) : () -> ()
    "tpu.region"() ({
      %run_scoped3A = tpu.sem_alloc : memref<!tpu.dma_semaphore, #tpu.memory_space<semaphore_mem>>
      %dma_start3A = tpu.memref_slice %arg3[%add3A_296] : memref<160000xi32, #tpu.memory_space<hbm>> -> memref<8000xi32, #tpu.memory_space<hbm>>
      %dma_start3A_865 = tpu.memref_slice %arg3[%add3A_296] : memref<160000xi32, #tpu.memory_space<hbm>> -> memref<8000xi32, #tpu.memory_space<hbm>>
      tpu.enqueue_dma source(%dma_start3A_865 : memref<8000xi32, #tpu.memory_space<hbm>>) target(%arg6 : memref<8000xi32, #tpu.memory_space<vmem>>) target_semaphore(%run_scoped3A : memref<!tpu.dma_semaphore, #tpu.memory_space<semaphore_mem>>)
      %dma_wait3A = tpu.memref_slice %arg3[%add3A_296] : memref<160000xi32, #tpu.memory_space<hbm>> -> memref<8000xi32, #tpu.memory_space<hbm>>
      %dma_wait3A_866 = tpu.memref_slice %arg3[%add3A_296] : memref<160000xi32, #tpu.memory_space<hbm>> -> memref<8000xi32, #tpu.memory_space<hbm>>
      tpu.wait_dma2 semaphore(%run_scoped3A : memref<!tpu.dma_semaphore, #tpu.memory_space<semaphore_mem>>) src(%dma_wait3A_866 : memref<8000xi32, #tpu.memory_space<hbm>>) dst(%arg6 : memref<8000xi32, #tpu.memory_space<vmem>>)
      tpu.yield
    }) : () -> ()
    %scan3A_297 = arith.constant 0 : i32
    %scan3A_298 = arith.constant 0 : i32
    %scan3A_299 = arith.constant 500 : i32
    %scan3A_300 = arith.addi %scan3A_298, %scan3A_299 : i32
    %scan3A_301 = arith.constant 1 : i32
    scf.for %scan3A_865 = %scan3A_298 to %scan3A_300 step %scan3A_301  : i32 {
      %mul3A_866 = arith.constant 16 : i32
      %mul3A_867 = arith.muli %scan3A_865, %mul3A_866 : i32
      %get3A = arith.index_cast %mul3A_867 : i32 to index
      %get3A_868 = tpu.vector_load %arg5[%get3A] {strides = array<i32>} : memref<8000xi32, #tpu.memory_space<vmem>>, vector<16xi32>,
      %mul3A_869 = arith.constant 16 : i32
      %mul3A_870 = arith.muli %scan3A_865, %mul3A_869 : i32
      %get3A_871 = arith.index_cast %mul3A_870 : i32 to index
      %get3A_872 = tpu.vector_load %arg6[%get3A_871] {strides = array<i32>} : memref<8000xi32, #tpu.memory_space<vmem>>, vector<16xi32>,
      %ge3A = vector.broadcast %mul3A_256 : i32 to vector<16xi32>
      %ge3A_873 = arith.cmpi sge, %get3A_872, %ge3A : vector<16xi32>
      %add3A_874 = arith.constant 40 : i32
      %add3A_875 = arith.addi %mul3A_256, %add3A_874 : i32
      %lt3A_876 = vector.broadcast %add3A_875 : i32 to vector<16xi32>
      %lt3A_877 = arith.cmpi slt, %get3A_872, %lt3A_876 : vector<16xi32>
      %and3A_878 = arith.andi %ge3A_873, %lt3A_877 : vector<16xi1>
      %sub3A_879 = vector.broadcast %mul3A_256 : i32 to vector<16xi32>
      %sub3A_880 = arith.subi %get3A_872, %sub3A_879 : vector<16xi32>
      %mul3A_881 = arith.constant 2560 : i32
      %mul3A_882 = vector.broadcast %mul3A_881 : i32 to vector<16xi32>
      %mul3A_883 = arith.muli %sub3A_880, %mul3A_882 : vector<16xi32>
      %add3A_884 = arith.addi %mul3A_883, %get3A_868 : vector<16xi32>
      %jit3A_885 = arith.constant 0 : i32
      %broadcast_in_dim3A_886 = vector.broadcast %jit3A_885 : i32 to vector<16xi32>
      %select_n3A_887 = arith.select %and3A_878, %add3A_884, %broadcast_in_dim3A_886 : vector<16xi1>, vector<16xi32>
      tpu.vector_store_idx %arg7[%select_n3A_887], %broadcast_in_dim3A_1 masked %and3A_878 {add = true} : memref<102400xf32, #tpu.memory_space<vmem>>[vector<16xi32>], vector<16xf32>, vector<16xi1>
    }
    %scan3A_302 = arith.constant 500 : i32
    %mul3A_303 = arith.constant 40000 : i32
    %mul3A_304 = arith.muli %select_n3A_238, %mul3A_303 : i32
    %add3A_305 = arith.constant 32000 : i32
    %add3A_306 = arith.addi %mul3A_304, %add3A_305 : i32
    "tpu.region"() ({
      %run_scoped3A = tpu.sem_alloc : memref<!tpu.dma_semaphore, #tpu.memory_space<semaphore_mem>>
      %dma_start3A = tpu.memref_slice %arg2[%add3A_306] : memref<160000xi32, #tpu.memory_space<hbm>> -> memref<8000xi32, #tpu.memory_space<hbm>>
      %dma_start3A_865 = tpu.memref_slice %arg2[%add3A_306] : memref<160000xi32, #tpu.memory_space<hbm>> -> memref<8000xi32, #tpu.memory_space<hbm>>
      tpu.enqueue_dma source(%dma_start3A_865 : memref<8000xi32, #tpu.memory_space<hbm>>) target(%arg5 : memref<8000xi32, #tpu.memory_space<vmem>>) target_semaphore(%run_scoped3A : memref<!tpu.dma_semaphore, #tpu.memory_space<semaphore_mem>>)
      %dma_wait3A = tpu.memref_slice %arg2[%add3A_306] : memref<160000xi32, #tpu.memory_space<hbm>> -> memref<8000xi32, #tpu.memory_space<hbm>>
      %dma_wait3A_866 = tpu.memref_slice %arg2[%add3A_306] : memref<160000xi32, #tpu.memory_space<hbm>> -> memref<8000xi32, #tpu.memory_space<hbm>>
      tpu.wait_dma2 semaphore(%run_scoped3A : memref<!tpu.dma_semaphore, #tpu.memory_space<semaphore_mem>>) src(%dma_wait3A_866 : memref<8000xi32, #tpu.memory_space<hbm>>) dst(%arg5 : memref<8000xi32, #tpu.memory_space<vmem>>)
      tpu.yield
    }) : () -> ()
    "tpu.region"() ({
      %run_scoped3A = tpu.sem_alloc : memref<!tpu.dma_semaphore, #tpu.memory_space<semaphore_mem>>
      %dma_start3A = tpu.memref_slice %arg3[%add3A_306] : memref<160000xi32, #tpu.memory_space<hbm>> -> memref<8000xi32, #tpu.memory_space<hbm>>
      %dma_start3A_865 = tpu.memref_slice %arg3[%add3A_306] : memref<160000xi32, #tpu.memory_space<hbm>> -> memref<8000xi32, #tpu.memory_space<hbm>>
      tpu.enqueue_dma source(%dma_start3A_865 : memref<8000xi32, #tpu.memory_space<hbm>>) target(%arg6 : memref<8000xi32, #tpu.memory_space<vmem>>) target_semaphore(%run_scoped3A : memref<!tpu.dma_semaphore, #tpu.memory_space<semaphore_mem>>)
      %dma_wait3A = tpu.memref_slice %arg3[%add3A_306] : memref<160000xi32, #tpu.memory_space<hbm>> -> memref<8000xi32, #tpu.memory_space<hbm>>
      %dma_wait3A_866 = tpu.memref_slice %arg3[%add3A_306] : memref<160000xi32, #tpu.memory_space<hbm>> -> memref<8000xi32, #tpu.memory_space<hbm>>
      tpu.wait_dma2 semaphore(%run_scoped3A : memref<!tpu.dma_semaphore, #tpu.memory_space<semaphore_mem>>) src(%dma_wait3A_866 : memref<8000xi32, #tpu.memory_space<hbm>>) dst(%arg6 : memref<8000xi32, #tpu.memory_space<vmem>>)
      tpu.yield
    }) : () -> ()
    %scan3A_307 = arith.constant 0 : i32
    %scan3A_308 = arith.constant 0 : i32
    %scan3A_309 = arith.constant 500 : i32
    %scan3A_310 = arith.addi %scan3A_308, %scan3A_309 : i32
    %scan3A_311 = arith.constant 1 : i32
    scf.for %scan3A_865 = %scan3A_308 to %scan3A_310 step %scan3A_311  : i32 {
      %mul3A_866 = arith.constant 16 : i32
      %mul3A_867 = arith.muli %scan3A_865, %mul3A_866 : i32
      %get3A = arith.index_cast %mul3A_867 : i32 to index
      %get3A_868 = tpu.vector_load %arg5[%get3A] {strides = array<i32>} : memref<8000xi32, #tpu.memory_space<vmem>>, vector<16xi32>,
      %mul3A_869 = arith.constant 16 : i32
      %mul3A_870 = arith.muli %scan3A_865, %mul3A_869 : i32
      %get3A_871 = arith.index_cast %mul3A_870 : i32 to index
      %get3A_872 = tpu.vector_load %arg6[%get3A_871] {strides = array<i32>} : memref<8000xi32, #tpu.memory_space<vmem>>, vector<16xi32>,
      %ge3A = vector.broadcast %mul3A_256 : i32 to vector<16xi32>
      %ge3A_873 = arith.cmpi sge, %get3A_872, %ge3A : vector<16xi32>
      %add3A_874 = arith.constant 40 : i32
      %add3A_875 = arith.addi %mul3A_256, %add3A_874 : i32
      %lt3A_876 = vector.broadcast %add3A_875 : i32 to vector<16xi32>
      %lt3A_877 = arith.cmpi slt, %get3A_872, %lt3A_876 : vector<16xi32>
      %and3A_878 = arith.andi %ge3A_873, %lt3A_877 : vector<16xi1>
      %sub3A_879 = vector.broadcast %mul3A_256 : i32 to vector<16xi32>
      %sub3A_880 = arith.subi %get3A_872, %sub3A_879 : vector<16xi32>
      %mul3A_881 = arith.constant 2560 : i32
      %mul3A_882 = vector.broadcast %mul3A_881 : i32 to vector<16xi32>
      %mul3A_883 = arith.muli %sub3A_880, %mul3A_882 : vector<16xi32>
      %add3A_884 = arith.addi %mul3A_883, %get3A_868 : vector<16xi32>
      %jit3A_885 = arith.constant 0 : i32
      %broadcast_in_dim3A_886 = vector.broadcast %jit3A_885 : i32 to vector<16xi32>
      %select_n3A_887 = arith.select %and3A_878, %add3A_884, %broadcast_in_dim3A_886 : vector<16xi1>, vector<16xi32>
      tpu.vector_store_idx %arg7[%select_n3A_887], %broadcast_in_dim3A_1 masked %and3A_878 {add = true} : memref<102400xf32, #tpu.memory_space<vmem>>[vector<16xi32>], vector<16xf32>, vector<16xi1>
    }
    %scan3A_312 = arith.constant 500 : i32
    %mul3A_313 = arith.constant 2560 : i32
    %mul3A_314 = arith.muli %select_n3A_238, %mul3A_313 : i32
    %mul3A_315 = arith.constant 2560 : i32
    %mul3A_316 = arith.muli %mul3A_314, %mul3A_315 : i32
    %mul3A_317 = arith.constant 2560 : i32
    %mul3A_318 = arith.muli %mul3A_256, %mul3A_317 : i32
    %add3A_319 = arith.addi %mul3A_316, %mul3A_318 : i32
    "tpu.region"() ({
      %run_scoped3A = tpu.sem_alloc : memref<!tpu.dma_semaphore, #tpu.memory_space<semaphore_mem>>
      %dma_start3A = tpu.memref_slice %arg4[%add3A_319] : memref<26214400xf32, #tpu.memory_space<hbm>> -> memref<102400xf32, #tpu.memory_space<hbm>>
      %dma_start3A_865 = tpu.memref_slice %arg4[%add3A_319] : memref<26214400xf32, #tpu.memory_space<hbm>> -> memref<102400xf32, #tpu.memory_space<hbm>>
      tpu.enqueue_dma source(%arg7 : memref<102400xf32, #tpu.memory_space<vmem>>) target(%dma_start3A_865 : memref<102400xf32, #tpu.memory_space<hbm>>) target_semaphore(%run_scoped3A : memref<!tpu.dma_semaphore, #tpu.memory_space<semaphore_mem>>)
      %dma_wait3A = tpu.memref_slice %arg4[%add3A_319] : memref<26214400xf32, #tpu.memory_space<hbm>> -> memref<102400xf32, #tpu.memory_space<hbm>>
      %dma_wait3A_866 = tpu.memref_slice %arg4[%add3A_319] : memref<26214400xf32, #tpu.memory_space<hbm>> -> memref<102400xf32, #tpu.memory_space<hbm>>
      tpu.wait_dma2 semaphore(%run_scoped3A : memref<!tpu.dma_semaphore, #tpu.memory_space<semaphore_mem>>) src(%arg7 : memref<102400xf32, #tpu.memory_space<vmem>>) dst(%dma_wait3A_866 : memref<102400xf32, #tpu.memory_space<hbm>>)
      tpu.yield
    }) : () -> ()
    %mul3A_320 = arith.constant 8 : i32
    %mul3A_321 = arith.muli %add3A, %mul3A_320 : i32
    %add3A_322 = arith.constant 3 : i32
    %add3A_323 = arith.addi %mul3A_321, %add3A_322 : i32
    %jit3A_324 = arith.constant 64 : i32
    %div3A_325 = arith.divsi %add3A_323, %jit3A_324 : i32
    %sign3A_326 = arith.constant 0 : i32
    %sign3A_327 = arith.cmpi sgt, %add3A_323, %sign3A_326 : i32
    %sign3A_328 = arith.extui %sign3A_327 : i1 to i32
    %sign3A_329 = arith.constant 0 : i32
    %sign3A_330 = arith.cmpi slt, %add3A_323, %sign3A_329 : i32
    %sign3A_331 = arith.extui %sign3A_330 : i1 to i32
    %sign3A_332 = arith.subi %sign3A_328, %sign3A_331 : i32
    %sign3A_333 = arith.constant 0 : i32
    %sign3A_334 = arith.cmpi sgt, %jit3A_324, %sign3A_333 : i32
    %sign3A_335 = arith.extui %sign3A_334 : i1 to i32
    %sign3A_336 = arith.constant 0 : i32
    %sign3A_337 = arith.cmpi slt, %jit3A_324, %sign3A_336 : i32
    %sign3A_338 = arith.extui %sign3A_337 : i1 to i32
    %sign3A_339 = arith.subi %sign3A_335, %sign3A_338 : i32
    %ne3A_340 = arith.cmpi ne, %sign3A_332, %sign3A_339 : i32
    %rem3A_341 = arith.remsi %add3A_323, %jit3A_324 : i32
    %ne3A_342 = arith.constant 0 : i32
    %ne3A_343 = arith.cmpi ne, %rem3A_341, %ne3A_342 : i32
    %and3A_344 = arith.andi %ne3A_340, %ne3A_343 : i1
    %sub3A_345 = arith.constant 1 : i32
    %sub3A_346 = arith.subi %div3A_325, %sub3A_345 : i32
    %select_n3A_347 = arith.select %and3A_344, %sub3A_346, %div3A_325 : i32
    %jit3A_348 = arith.constant 64 : i32
    %eq3A_349 = arith.constant 0 : i32
    %eq3A_350 = arith.cmpi eq, %jit3A_348, %eq3A_349 : i32
    %jit3A_351 = arith.constant 1 : i32
    %select_n3A_352 = arith.select %eq3A_350, %jit3A_351, %jit3A_348 : i32
    %rem3A_353 = arith.remsi %add3A_323, %select_n3A_352 : i32
    %ne3A_354 = arith.constant 0 : i32
    %ne3A_355 = arith.cmpi ne, %rem3A_353, %ne3A_354 : i32
    %lt3A_356 = arith.constant 0 : i32
    %lt3A_357 = arith.cmpi slt, %rem3A_353, %lt3A_356 : i32
    %lt3A_358 = arith.constant 0 : i32
    %lt3A_359 = arith.cmpi slt, %select_n3A_352, %lt3A_358 : i32
    %ne3A_360 = arith.xori %lt3A_357, %lt3A_359 : i1
    %and3A_361 = arith.andi %ne3A_360, %ne3A_355 : i1
    %add3A_362 = arith.addi %rem3A_353, %select_n3A_352 : i32
    %select_n3A_363 = arith.select %and3A_361, %add3A_362, %rem3A_353 : i32
    %mul3A_364 = arith.constant 40 : i32
    %mul3A_365 = arith.muli %select_n3A_363, %mul3A_364 : i32
    %scan3A_366 = arith.constant 0 : i32
    %scan3A_367 = arith.constant 0 : i32
    %scan3A_368 = arith.constant 6400 : i32
    %scan3A_369 = arith.addi %scan3A_367, %scan3A_368 : i32
    %scan3A_370 = arith.constant 1 : i32
    scf.for %scan3A_865 = %scan3A_367 to %scan3A_369 step %scan3A_370  : i32 {
      %mul3A_866 = arith.constant 16 : i32
      %mul3A_867 = arith.muli %scan3A_865, %mul3A_866 : i32
      %swap3A = arith.index_cast %mul3A_867 : i32 to index
      %swap3A_868 = tpu.vector_load %arg7[%swap3A] {strides = array<i32>} : memref<102400xf32, #tpu.memory_space<vmem>>, vector<16xf32>,
      tpu.vector_store %arg7[%swap3A], %broadcast_in_dim3A_3 {strides = array<i32>} : memref<102400xf32, #tpu.memory_space<vmem>>, vector<16xf32>,
    }
    %scan3A_371 = arith.constant 6400 : i32
    %mul3A_372 = arith.constant 40000 : i32
    %mul3A_373 = arith.muli %select_n3A_347, %mul3A_372 : i32
    %add3A_374 = arith.constant 0 : i32
    %add3A_375 = arith.addi %mul3A_373, %add3A_374 : i32
    "tpu.region"() ({
      %run_scoped3A = tpu.sem_alloc : memref<!tpu.dma_semaphore, #tpu.memory_space<semaphore_mem>>
      %dma_start3A = tpu.memref_slice %arg2[%add3A_375] : memref<160000xi32, #tpu.memory_space<hbm>> -> memref<8000xi32, #tpu.memory_space<hbm>>
      %dma_start3A_865 = tpu.memref_slice %arg2[%add3A_375] : memref<160000xi32, #tpu.memory_space<hbm>> -> memref<8000xi32, #tpu.memory_space<hbm>>
      tpu.enqueue_dma source(%dma_start3A_865 : memref<8000xi32, #tpu.memory_space<hbm>>) target(%arg5 : memref<8000xi32, #tpu.memory_space<vmem>>) target_semaphore(%run_scoped3A : memref<!tpu.dma_semaphore, #tpu.memory_space<semaphore_mem>>)
      %dma_wait3A = tpu.memref_slice %arg2[%add3A_375] : memref<160000xi32, #tpu.memory_space<hbm>> -> memref<8000xi32, #tpu.memory_space<hbm>>
      %dma_wait3A_866 = tpu.memref_slice %arg2[%add3A_375] : memref<160000xi32, #tpu.memory_space<hbm>> -> memref<8000xi32, #tpu.memory_space<hbm>>
      tpu.wait_dma2 semaphore(%run_scoped3A : memref<!tpu.dma_semaphore, #tpu.memory_space<semaphore_mem>>) src(%dma_wait3A_866 : memref<8000xi32, #tpu.memory_space<hbm>>) dst(%arg5 : memref<8000xi32, #tpu.memory_space<vmem>>)
      tpu.yield
    }) : () -> ()
    "tpu.region"() ({
      %run_scoped3A = tpu.sem_alloc : memref<!tpu.dma_semaphore, #tpu.memory_space<semaphore_mem>>
      %dma_start3A = tpu.memref_slice %arg3[%add3A_375] : memref<160000xi32, #tpu.memory_space<hbm>> -> memref<8000xi32, #tpu.memory_space<hbm>>
      %dma_start3A_865 = tpu.memref_slice %arg3[%add3A_375] : memref<160000xi32, #tpu.memory_space<hbm>> -> memref<8000xi32, #tpu.memory_space<hbm>>
      tpu.enqueue_dma source(%dma_start3A_865 : memref<8000xi32, #tpu.memory_space<hbm>>) target(%arg6 : memref<8000xi32, #tpu.memory_space<vmem>>) target_semaphore(%run_scoped3A : memref<!tpu.dma_semaphore, #tpu.memory_space<semaphore_mem>>)
      %dma_wait3A = tpu.memref_slice %arg3[%add3A_375] : memref<160000xi32, #tpu.memory_space<hbm>> -> memref<8000xi32, #tpu.memory_space<hbm>>
      %dma_wait3A_866 = tpu.memref_slice %arg3[%add3A_375] : memref<160000xi32, #tpu.memory_space<hbm>> -> memref<8000xi32, #tpu.memory_space<hbm>>
      tpu.wait_dma2 semaphore(%run_scoped3A : memref<!tpu.dma_semaphore, #tpu.memory_space<semaphore_mem>>) src(%dma_wait3A_866 : memref<8000xi32, #tpu.memory_space<hbm>>) dst(%arg6 : memref<8000xi32, #tpu.memory_space<vmem>>)
      tpu.yield
    }) : () -> ()
    %scan3A_376 = arith.constant 0 : i32
    %scan3A_377 = arith.constant 0 : i32
    %scan3A_378 = arith.constant 500 : i32
    %scan3A_379 = arith.addi %scan3A_377, %scan3A_378 : i32
    %scan3A_380 = arith.constant 1 : i32
    scf.for %scan3A_865 = %scan3A_377 to %scan3A_379 step %scan3A_380  : i32 {
      %mul3A_866 = arith.constant 16 : i32
      %mul3A_867 = arith.muli %scan3A_865, %mul3A_866 : i32
      %get3A = arith.index_cast %mul3A_867 : i32 to index
      %get3A_868 = tpu.vector_load %arg5[%get3A] {strides = array<i32>} : memref<8000xi32, #tpu.memory_space<vmem>>, vector<16xi32>,
      %mul3A_869 = arith.constant 16 : i32
      %mul3A_870 = arith.muli %scan3A_865, %mul3A_869 : i32
      %get3A_871 = arith.index_cast %mul3A_870 : i32 to index
      %get3A_872 = tpu.vector_load %arg6[%get3A_871] {strides = array<i32>} : memref<8000xi32, #tpu.memory_space<vmem>>, vector<16xi32>,
      %ge3A = vector.broadcast %mul3A_365 : i32 to vector<16xi32>
      %ge3A_873 = arith.cmpi sge, %get3A_872, %ge3A : vector<16xi32>
      %add3A_874 = arith.constant 40 : i32
      %add3A_875 = arith.addi %mul3A_365, %add3A_874 : i32
      %lt3A_876 = vector.broadcast %add3A_875 : i32 to vector<16xi32>
      %lt3A_877 = arith.cmpi slt, %get3A_872, %lt3A_876 : vector<16xi32>
      %and3A_878 = arith.andi %ge3A_873, %lt3A_877 : vector<16xi1>
      %sub3A_879 = vector.broadcast %mul3A_365 : i32 to vector<16xi32>
      %sub3A_880 = arith.subi %get3A_872, %sub3A_879 : vector<16xi32>
      %mul3A_881 = arith.constant 2560 : i32
      %mul3A_882 = vector.broadcast %mul3A_881 : i32 to vector<16xi32>
      %mul3A_883 = arith.muli %sub3A_880, %mul3A_882 : vector<16xi32>
      %add3A_884 = arith.addi %mul3A_883, %get3A_868 : vector<16xi32>
      %jit3A_885 = arith.constant 0 : i32
      %broadcast_in_dim3A_886 = vector.broadcast %jit3A_885 : i32 to vector<16xi32>
      %select_n3A_887 = arith.select %and3A_878, %add3A_884, %broadcast_in_dim3A_886 : vector<16xi1>, vector<16xi32>
      tpu.vector_store_idx %arg7[%select_n3A_887], %broadcast_in_dim3A_1 masked %and3A_878 {add = true} : memref<102400xf32, #tpu.memory_space<vmem>>[vector<16xi32>], vector<16xf32>, vector<16xi1>
    }
    %scan3A_381 = arith.constant 500 : i32
    %mul3A_382 = arith.constant 40000 : i32
    %mul3A_383 = arith.muli %select_n3A_347, %mul3A_382 : i32
    %add3A_384 = arith.constant 8000 : i32
    %add3A_385 = arith.addi %mul3A_383, %add3A_384 : i32
    "tpu.region"() ({
      %run_scoped3A = tpu.sem_alloc : memref<!tpu.dma_semaphore, #tpu.memory_space<semaphore_mem>>
      %dma_start3A = tpu.memref_slice %arg2[%add3A_385] : memref<160000xi32, #tpu.memory_space<hbm>> -> memref<8000xi32, #tpu.memory_space<hbm>>
      %dma_start3A_865 = tpu.memref_slice %arg2[%add3A_385] : memref<160000xi32, #tpu.memory_space<hbm>> -> memref<8000xi32, #tpu.memory_space<hbm>>
      tpu.enqueue_dma source(%dma_start3A_865 : memref<8000xi32, #tpu.memory_space<hbm>>) target(%arg5 : memref<8000xi32, #tpu.memory_space<vmem>>) target_semaphore(%run_scoped3A : memref<!tpu.dma_semaphore, #tpu.memory_space<semaphore_mem>>)
      %dma_wait3A = tpu.memref_slice %arg2[%add3A_385] : memref<160000xi32, #tpu.memory_space<hbm>> -> memref<8000xi32, #tpu.memory_space<hbm>>
      %dma_wait3A_866 = tpu.memref_slice %arg2[%add3A_385] : memref<160000xi32, #tpu.memory_space<hbm>> -> memref<8000xi32, #tpu.memory_space<hbm>>
      tpu.wait_dma2 semaphore(%run_scoped3A : memref<!tpu.dma_semaphore, #tpu.memory_space<semaphore_mem>>) src(%dma_wait3A_866 : memref<8000xi32, #tpu.memory_space<hbm>>) dst(%arg5 : memref<8000xi32, #tpu.memory_space<vmem>>)
      tpu.yield
    }) : () -> ()
    "tpu.region"() ({
      %run_scoped3A = tpu.sem_alloc : memref<!tpu.dma_semaphore, #tpu.memory_space<semaphore_mem>>
      %dma_start3A = tpu.memref_slice %arg3[%add3A_385] : memref<160000xi32, #tpu.memory_space<hbm>> -> memref<8000xi32, #tpu.memory_space<hbm>>
      %dma_start3A_865 = tpu.memref_slice %arg3[%add3A_385] : memref<160000xi32, #tpu.memory_space<hbm>> -> memref<8000xi32, #tpu.memory_space<hbm>>
      tpu.enqueue_dma source(%dma_start3A_865 : memref<8000xi32, #tpu.memory_space<hbm>>) target(%arg6 : memref<8000xi32, #tpu.memory_space<vmem>>) target_semaphore(%run_scoped3A : memref<!tpu.dma_semaphore, #tpu.memory_space<semaphore_mem>>)
      %dma_wait3A = tpu.memref_slice %arg3[%add3A_385] : memref<160000xi32, #tpu.memory_space<hbm>> -> memref<8000xi32, #tpu.memory_space<hbm>>
      %dma_wait3A_866 = tpu.memref_slice %arg3[%add3A_385] : memref<160000xi32, #tpu.memory_space<hbm>> -> memref<8000xi32, #tpu.memory_space<hbm>>
      tpu.wait_dma2 semaphore(%run_scoped3A : memref<!tpu.dma_semaphore, #tpu.memory_space<semaphore_mem>>) src(%dma_wait3A_866 : memref<8000xi32, #tpu.memory_space<hbm>>) dst(%arg6 : memref<8000xi32, #tpu.memory_space<vmem>>)
      tpu.yield
    }) : () -> ()
    %scan3A_386 = arith.constant 0 : i32
    %scan3A_387 = arith.constant 0 : i32
    %scan3A_388 = arith.constant 500 : i32
    %scan3A_389 = arith.addi %scan3A_387, %scan3A_388 : i32
    %scan3A_390 = arith.constant 1 : i32
    scf.for %scan3A_865 = %scan3A_387 to %scan3A_389 step %scan3A_390  : i32 {
      %mul3A_866 = arith.constant 16 : i32
      %mul3A_867 = arith.muli %scan3A_865, %mul3A_866 : i32
      %get3A = arith.index_cast %mul3A_867 : i32 to index
      %get3A_868 = tpu.vector_load %arg5[%get3A] {strides = array<i32>} : memref<8000xi32, #tpu.memory_space<vmem>>, vector<16xi32>,
      %mul3A_869 = arith.constant 16 : i32
      %mul3A_870 = arith.muli %scan3A_865, %mul3A_869 : i32
      %get3A_871 = arith.index_cast %mul3A_870 : i32 to index
      %get3A_872 = tpu.vector_load %arg6[%get3A_871] {strides = array<i32>} : memref<8000xi32, #tpu.memory_space<vmem>>, vector<16xi32>,
      %ge3A = vector.broadcast %mul3A_365 : i32 to vector<16xi32>
      %ge3A_873 = arith.cmpi sge, %get3A_872, %ge3A : vector<16xi32>
      %add3A_874 = arith.constant 40 : i32
      %add3A_875 = arith.addi %mul3A_365, %add3A_874 : i32
      %lt3A_876 = vector.broadcast %add3A_875 : i32 to vector<16xi32>
      %lt3A_877 = arith.cmpi slt, %get3A_872, %lt3A_876 : vector<16xi32>
      %and3A_878 = arith.andi %ge3A_873, %lt3A_877 : vector<16xi1>
      %sub3A_879 = vector.broadcast %mul3A_365 : i32 to vector<16xi32>
      %sub3A_880 = arith.subi %get3A_872, %sub3A_879 : vector<16xi32>
      %mul3A_881 = arith.constant 2560 : i32
      %mul3A_882 = vector.broadcast %mul3A_881 : i32 to vector<16xi32>
      %mul3A_883 = arith.muli %sub3A_880, %mul3A_882 : vector<16xi32>
      %add3A_884 = arith.addi %mul3A_883, %get3A_868 : vector<16xi32>
      %jit3A_885 = arith.constant 0 : i32
      %broadcast_in_dim3A_886 = vector.broadcast %jit3A_885 : i32 to vector<16xi32>
      %select_n3A_887 = arith.select %and3A_878, %add3A_884, %broadcast_in_dim3A_886 : vector<16xi1>, vector<16xi32>
      tpu.vector_store_idx %arg7[%select_n3A_887], %broadcast_in_dim3A_1 masked %and3A_878 {add = true} : memref<102400xf32, #tpu.memory_space<vmem>>[vector<16xi32>], vector<16xf32>, vector<16xi1>
    }
    %scan3A_391 = arith.constant 500 : i32
    %mul3A_392 = arith.constant 40000 : i32
    %mul3A_393 = arith.muli %select_n3A_347, %mul3A_392 : i32
    %add3A_394 = arith.constant 16000 : i32
    %add3A_395 = arith.addi %mul3A_393, %add3A_394 : i32
    "tpu.region"() ({
      %run_scoped3A = tpu.sem_alloc : memref<!tpu.dma_semaphore, #tpu.memory_space<semaphore_mem>>
      %dma_start3A = tpu.memref_slice %arg2[%add3A_395] : memref<160000xi32, #tpu.memory_space<hbm>> -> memref<8000xi32, #tpu.memory_space<hbm>>
      %dma_start3A_865 = tpu.memref_slice %arg2[%add3A_395] : memref<160000xi32, #tpu.memory_space<hbm>> -> memref<8000xi32, #tpu.memory_space<hbm>>
      tpu.enqueue_dma source(%dma_start3A_865 : memref<8000xi32, #tpu.memory_space<hbm>>) target(%arg5 : memref<8000xi32, #tpu.memory_space<vmem>>) target_semaphore(%run_scoped3A : memref<!tpu.dma_semaphore, #tpu.memory_space<semaphore_mem>>)
      %dma_wait3A = tpu.memref_slice %arg2[%add3A_395] : memref<160000xi32, #tpu.memory_space<hbm>> -> memref<8000xi32, #tpu.memory_space<hbm>>
      %dma_wait3A_866 = tpu.memref_slice %arg2[%add3A_395] : memref<160000xi32, #tpu.memory_space<hbm>> -> memref<8000xi32, #tpu.memory_space<hbm>>
      tpu.wait_dma2 semaphore(%run_scoped3A : memref<!tpu.dma_semaphore, #tpu.memory_space<semaphore_mem>>) src(%dma_wait3A_866 : memref<8000xi32, #tpu.memory_space<hbm>>) dst(%arg5 : memref<8000xi32, #tpu.memory_space<vmem>>)
      tpu.yield
    }) : () -> ()
    "tpu.region"() ({
      %run_scoped3A = tpu.sem_alloc : memref<!tpu.dma_semaphore, #tpu.memory_space<semaphore_mem>>
      %dma_start3A = tpu.memref_slice %arg3[%add3A_395] : memref<160000xi32, #tpu.memory_space<hbm>> -> memref<8000xi32, #tpu.memory_space<hbm>>
      %dma_start3A_865 = tpu.memref_slice %arg3[%add3A_395] : memref<160000xi32, #tpu.memory_space<hbm>> -> memref<8000xi32, #tpu.memory_space<hbm>>
      tpu.enqueue_dma source(%dma_start3A_865 : memref<8000xi32, #tpu.memory_space<hbm>>) target(%arg6 : memref<8000xi32, #tpu.memory_space<vmem>>) target_semaphore(%run_scoped3A : memref<!tpu.dma_semaphore, #tpu.memory_space<semaphore_mem>>)
      %dma_wait3A = tpu.memref_slice %arg3[%add3A_395] : memref<160000xi32, #tpu.memory_space<hbm>> -> memref<8000xi32, #tpu.memory_space<hbm>>
      %dma_wait3A_866 = tpu.memref_slice %arg3[%add3A_395] : memref<160000xi32, #tpu.memory_space<hbm>> -> memref<8000xi32, #tpu.memory_space<hbm>>
      tpu.wait_dma2 semaphore(%run_scoped3A : memref<!tpu.dma_semaphore, #tpu.memory_space<semaphore_mem>>) src(%dma_wait3A_866 : memref<8000xi32, #tpu.memory_space<hbm>>) dst(%arg6 : memref<8000xi32, #tpu.memory_space<vmem>>)
      tpu.yield
    }) : () -> ()
    %scan3A_396 = arith.constant 0 : i32
    %scan3A_397 = arith.constant 0 : i32
    %scan3A_398 = arith.constant 500 : i32
    %scan3A_399 = arith.addi %scan3A_397, %scan3A_398 : i32
    %scan3A_400 = arith.constant 1 : i32
    scf.for %scan3A_865 = %scan3A_397 to %scan3A_399 step %scan3A_400  : i32 {
      %mul3A_866 = arith.constant 16 : i32
      %mul3A_867 = arith.muli %scan3A_865, %mul3A_866 : i32
      %get3A = arith.index_cast %mul3A_867 : i32 to index
      %get3A_868 = tpu.vector_load %arg5[%get3A] {strides = array<i32>} : memref<8000xi32, #tpu.memory_space<vmem>>, vector<16xi32>,
      %mul3A_869 = arith.constant 16 : i32
      %mul3A_870 = arith.muli %scan3A_865, %mul3A_869 : i32
      %get3A_871 = arith.index_cast %mul3A_870 : i32 to index
      %get3A_872 = tpu.vector_load %arg6[%get3A_871] {strides = array<i32>} : memref<8000xi32, #tpu.memory_space<vmem>>, vector<16xi32>,
      %ge3A = vector.broadcast %mul3A_365 : i32 to vector<16xi32>
      %ge3A_873 = arith.cmpi sge, %get3A_872, %ge3A : vector<16xi32>
      %add3A_874 = arith.constant 40 : i32
      %add3A_875 = arith.addi %mul3A_365, %add3A_874 : i32
      %lt3A_876 = vector.broadcast %add3A_875 : i32 to vector<16xi32>
      %lt3A_877 = arith.cmpi slt, %get3A_872, %lt3A_876 : vector<16xi32>
      %and3A_878 = arith.andi %ge3A_873, %lt3A_877 : vector<16xi1>
      %sub3A_879 = vector.broadcast %mul3A_365 : i32 to vector<16xi32>
      %sub3A_880 = arith.subi %get3A_872, %sub3A_879 : vector<16xi32>
      %mul3A_881 = arith.constant 2560 : i32
      %mul3A_882 = vector.broadcast %mul3A_881 : i32 to vector<16xi32>
      %mul3A_883 = arith.muli %sub3A_880, %mul3A_882 : vector<16xi32>
      %add3A_884 = arith.addi %mul3A_883, %get3A_868 : vector<16xi32>
      %jit3A_885 = arith.constant 0 : i32
      %broadcast_in_dim3A_886 = vector.broadcast %jit3A_885 : i32 to vector<16xi32>
      %select_n3A_887 = arith.select %and3A_878, %add3A_884, %broadcast_in_dim3A_886 : vector<16xi1>, vector<16xi32>
      tpu.vector_store_idx %arg7[%select_n3A_887], %broadcast_in_dim3A_1 masked %and3A_878 {add = true} : memref<102400xf32, #tpu.memory_space<vmem>>[vector<16xi32>], vector<16xf32>, vector<16xi1>
    }
    %scan3A_401 = arith.constant 500 : i32
    %mul3A_402 = arith.constant 40000 : i32
    %mul3A_403 = arith.muli %select_n3A_347, %mul3A_402 : i32
    %add3A_404 = arith.constant 24000 : i32
    %add3A_405 = arith.addi %mul3A_403, %add3A_404 : i32
    "tpu.region"() ({
      %run_scoped3A = tpu.sem_alloc : memref<!tpu.dma_semaphore, #tpu.memory_space<semaphore_mem>>
      %dma_start3A = tpu.memref_slice %arg2[%add3A_405] : memref<160000xi32, #tpu.memory_space<hbm>> -> memref<8000xi32, #tpu.memory_space<hbm>>
      %dma_start3A_865 = tpu.memref_slice %arg2[%add3A_405] : memref<160000xi32, #tpu.memory_space<hbm>> -> memref<8000xi32, #tpu.memory_space<hbm>>
      tpu.enqueue_dma source(%dma_start3A_865 : memref<8000xi32, #tpu.memory_space<hbm>>) target(%arg5 : memref<8000xi32, #tpu.memory_space<vmem>>) target_semaphore(%run_scoped3A : memref<!tpu.dma_semaphore, #tpu.memory_space<semaphore_mem>>)
      %dma_wait3A = tpu.memref_slice %arg2[%add3A_405] : memref<160000xi32, #tpu.memory_space<hbm>> -> memref<8000xi32, #tpu.memory_space<hbm>>
      %dma_wait3A_866 = tpu.memref_slice %arg2[%add3A_405] : memref<160000xi32, #tpu.memory_space<hbm>> -> memref<8000xi32, #tpu.memory_space<hbm>>
      tpu.wait_dma2 semaphore(%run_scoped3A : memref<!tpu.dma_semaphore, #tpu.memory_space<semaphore_mem>>) src(%dma_wait3A_866 : memref<8000xi32, #tpu.memory_space<hbm>>) dst(%arg5 : memref<8000xi32, #tpu.memory_space<vmem>>)
      tpu.yield
    }) : () -> ()
    "tpu.region"() ({
      %run_scoped3A = tpu.sem_alloc : memref<!tpu.dma_semaphore, #tpu.memory_space<semaphore_mem>>
      %dma_start3A = tpu.memref_slice %arg3[%add3A_405] : memref<160000xi32, #tpu.memory_space<hbm>> -> memref<8000xi32, #tpu.memory_space<hbm>>
      %dma_start3A_865 = tpu.memref_slice %arg3[%add3A_405] : memref<160000xi32, #tpu.memory_space<hbm>> -> memref<8000xi32, #tpu.memory_space<hbm>>
      tpu.enqueue_dma source(%dma_start3A_865 : memref<8000xi32, #tpu.memory_space<hbm>>) target(%arg6 : memref<8000xi32, #tpu.memory_space<vmem>>) target_semaphore(%run_scoped3A : memref<!tpu.dma_semaphore, #tpu.memory_space<semaphore_mem>>)
      %dma_wait3A = tpu.memref_slice %arg3[%add3A_405] : memref<160000xi32, #tpu.memory_space<hbm>> -> memref<8000xi32, #tpu.memory_space<hbm>>
      %dma_wait3A_866 = tpu.memref_slice %arg3[%add3A_405] : memref<160000xi32, #tpu.memory_space<hbm>> -> memref<8000xi32, #tpu.memory_space<hbm>>
      tpu.wait_dma2 semaphore(%run_scoped3A : memref<!tpu.dma_semaphore, #tpu.memory_space<semaphore_mem>>) src(%dma_wait3A_866 : memref<8000xi32, #tpu.memory_space<hbm>>) dst(%arg6 : memref<8000xi32, #tpu.memory_space<vmem>>)
      tpu.yield
    }) : () -> ()
    %scan3A_406 = arith.constant 0 : i32
    %scan3A_407 = arith.constant 0 : i32
    %scan3A_408 = arith.constant 500 : i32
    %scan3A_409 = arith.addi %scan3A_407, %scan3A_408 : i32
    %scan3A_410 = arith.constant 1 : i32
    scf.for %scan3A_865 = %scan3A_407 to %scan3A_409 step %scan3A_410  : i32 {
      %mul3A_866 = arith.constant 16 : i32
      %mul3A_867 = arith.muli %scan3A_865, %mul3A_866 : i32
      %get3A = arith.index_cast %mul3A_867 : i32 to index
      %get3A_868 = tpu.vector_load %arg5[%get3A] {strides = array<i32>} : memref<8000xi32, #tpu.memory_space<vmem>>, vector<16xi32>,
      %mul3A_869 = arith.constant 16 : i32
      %mul3A_870 = arith.muli %scan3A_865, %mul3A_869 : i32
      %get3A_871 = arith.index_cast %mul3A_870 : i32 to index
      %get3A_872 = tpu.vector_load %arg6[%get3A_871] {strides = array<i32>} : memref<8000xi32, #tpu.memory_space<vmem>>, vector<16xi32>,
      %ge3A = vector.broadcast %mul3A_365 : i32 to vector<16xi32>
      %ge3A_873 = arith.cmpi sge, %get3A_872, %ge3A : vector<16xi32>
      %add3A_874 = arith.constant 40 : i32
      %add3A_875 = arith.addi %mul3A_365, %add3A_874 : i32
      %lt3A_876 = vector.broadcast %add3A_875 : i32 to vector<16xi32>
      %lt3A_877 = arith.cmpi slt, %get3A_872, %lt3A_876 : vector<16xi32>
      %and3A_878 = arith.andi %ge3A_873, %lt3A_877 : vector<16xi1>
      %sub3A_879 = vector.broadcast %mul3A_365 : i32 to vector<16xi32>
      %sub3A_880 = arith.subi %get3A_872, %sub3A_879 : vector<16xi32>
      %mul3A_881 = arith.constant 2560 : i32
      %mul3A_882 = vector.broadcast %mul3A_881 : i32 to vector<16xi32>
      %mul3A_883 = arith.muli %sub3A_880, %mul3A_882 : vector<16xi32>
      %add3A_884 = arith.addi %mul3A_883, %get3A_868 : vector<16xi32>
      %jit3A_885 = arith.constant 0 : i32
      %broadcast_in_dim3A_886 = vector.broadcast %jit3A_885 : i32 to vector<16xi32>
      %select_n3A_887 = arith.select %and3A_878, %add3A_884, %broadcast_in_dim3A_886 : vector<16xi1>, vector<16xi32>
      tpu.vector_store_idx %arg7[%select_n3A_887], %broadcast_in_dim3A_1 masked %and3A_878 {add = true} : memref<102400xf32, #tpu.memory_space<vmem>>[vector<16xi32>], vector<16xf32>, vector<16xi1>
    }
    %scan3A_411 = arith.constant 500 : i32
    %mul3A_412 = arith.constant 40000 : i32
    %mul3A_413 = arith.muli %select_n3A_347, %mul3A_412 : i32
    %add3A_414 = arith.constant 32000 : i32
    %add3A_415 = arith.addi %mul3A_413, %add3A_414 : i32
    "tpu.region"() ({
      %run_scoped3A = tpu.sem_alloc : memref<!tpu.dma_semaphore, #tpu.memory_space<semaphore_mem>>
      %dma_start3A = tpu.memref_slice %arg2[%add3A_415] : memref<160000xi32, #tpu.memory_space<hbm>> -> memref<8000xi32, #tpu.memory_space<hbm>>
      %dma_start3A_865 = tpu.memref_slice %arg2[%add3A_415] : memref<160000xi32, #tpu.memory_space<hbm>> -> memref<8000xi32, #tpu.memory_space<hbm>>
      tpu.enqueue_dma source(%dma_start3A_865 : memref<8000xi32, #tpu.memory_space<hbm>>) target(%arg5 : memref<8000xi32, #tpu.memory_space<vmem>>) target_semaphore(%run_scoped3A : memref<!tpu.dma_semaphore, #tpu.memory_space<semaphore_mem>>)
      %dma_wait3A = tpu.memref_slice %arg2[%add3A_415] : memref<160000xi32, #tpu.memory_space<hbm>> -> memref<8000xi32, #tpu.memory_space<hbm>>
      %dma_wait3A_866 = tpu.memref_slice %arg2[%add3A_415] : memref<160000xi32, #tpu.memory_space<hbm>> -> memref<8000xi32, #tpu.memory_space<hbm>>
      tpu.wait_dma2 semaphore(%run_scoped3A : memref<!tpu.dma_semaphore, #tpu.memory_space<semaphore_mem>>) src(%dma_wait3A_866 : memref<8000xi32, #tpu.memory_space<hbm>>) dst(%arg5 : memref<8000xi32, #tpu.memory_space<vmem>>)
      tpu.yield
    }) : () -> ()
    "tpu.region"() ({
      %run_scoped3A = tpu.sem_alloc : memref<!tpu.dma_semaphore, #tpu.memory_space<semaphore_mem>>
      %dma_start3A = tpu.memref_slice %arg3[%add3A_415] : memref<160000xi32, #tpu.memory_space<hbm>> -> memref<8000xi32, #tpu.memory_space<hbm>>
      %dma_start3A_865 = tpu.memref_slice %arg3[%add3A_415] : memref<160000xi32, #tpu.memory_space<hbm>> -> memref<8000xi32, #tpu.memory_space<hbm>>
      tpu.enqueue_dma source(%dma_start3A_865 : memref<8000xi32, #tpu.memory_space<hbm>>) target(%arg6 : memref<8000xi32, #tpu.memory_space<vmem>>) target_semaphore(%run_scoped3A : memref<!tpu.dma_semaphore, #tpu.memory_space<semaphore_mem>>)
      %dma_wait3A = tpu.memref_slice %arg3[%add3A_415] : memref<160000xi32, #tpu.memory_space<hbm>> -> memref<8000xi32, #tpu.memory_space<hbm>>
      %dma_wait3A_866 = tpu.memref_slice %arg3[%add3A_415] : memref<160000xi32, #tpu.memory_space<hbm>> -> memref<8000xi32, #tpu.memory_space<hbm>>
      tpu.wait_dma2 semaphore(%run_scoped3A : memref<!tpu.dma_semaphore, #tpu.memory_space<semaphore_mem>>) src(%dma_wait3A_866 : memref<8000xi32, #tpu.memory_space<hbm>>) dst(%arg6 : memref<8000xi32, #tpu.memory_space<vmem>>)
      tpu.yield
    }) : () -> ()
    %scan3A_416 = arith.constant 0 : i32
    %scan3A_417 = arith.constant 0 : i32
    %scan3A_418 = arith.constant 500 : i32
    %scan3A_419 = arith.addi %scan3A_417, %scan3A_418 : i32
    %scan3A_420 = arith.constant 1 : i32
    scf.for %scan3A_865 = %scan3A_417 to %scan3A_419 step %scan3A_420  : i32 {
      %mul3A_866 = arith.constant 16 : i32
      %mul3A_867 = arith.muli %scan3A_865, %mul3A_866 : i32
      %get3A = arith.index_cast %mul3A_867 : i32 to index
      %get3A_868 = tpu.vector_load %arg5[%get3A] {strides = array<i32>} : memref<8000xi32, #tpu.memory_space<vmem>>, vector<16xi32>,
      %mul3A_869 = arith.constant 16 : i32
      %mul3A_870 = arith.muli %scan3A_865, %mul3A_869 : i32
      %get3A_871 = arith.index_cast %mul3A_870 : i32 to index
      %get3A_872 = tpu.vector_load %arg6[%get3A_871] {strides = array<i32>} : memref<8000xi32, #tpu.memory_space<vmem>>, vector<16xi32>,
      %ge3A = vector.broadcast %mul3A_365 : i32 to vector<16xi32>
      %ge3A_873 = arith.cmpi sge, %get3A_872, %ge3A : vector<16xi32>
      %add3A_874 = arith.constant 40 : i32
      %add3A_875 = arith.addi %mul3A_365, %add3A_874 : i32
      %lt3A_876 = vector.broadcast %add3A_875 : i32 to vector<16xi32>
      %lt3A_877 = arith.cmpi slt, %get3A_872, %lt3A_876 : vector<16xi32>
      %and3A_878 = arith.andi %ge3A_873, %lt3A_877 : vector<16xi1>
      %sub3A_879 = vector.broadcast %mul3A_365 : i32 to vector<16xi32>
      %sub3A_880 = arith.subi %get3A_872, %sub3A_879 : vector<16xi32>
      %mul3A_881 = arith.constant 2560 : i32
      %mul3A_882 = vector.broadcast %mul3A_881 : i32 to vector<16xi32>
      %mul3A_883 = arith.muli %sub3A_880, %mul3A_882 : vector<16xi32>
      %add3A_884 = arith.addi %mul3A_883, %get3A_868 : vector<16xi32>
      %jit3A_885 = arith.constant 0 : i32
      %broadcast_in_dim3A_886 = vector.broadcast %jit3A_885 : i32 to vector<16xi32>
      %select_n3A_887 = arith.select %and3A_878, %add3A_884, %broadcast_in_dim3A_886 : vector<16xi1>, vector<16xi32>
      tpu.vector_store_idx %arg7[%select_n3A_887], %broadcast_in_dim3A_1 masked %and3A_878 {add = true} : memref<102400xf32, #tpu.memory_space<vmem>>[vector<16xi32>], vector<16xf32>, vector<16xi1>
    }
    %scan3A_421 = arith.constant 500 : i32
    %mul3A_422 = arith.constant 2560 : i32
    %mul3A_423 = arith.muli %select_n3A_347, %mul3A_422 : i32
    %mul3A_424 = arith.constant 2560 : i32
    %mul3A_425 = arith.muli %mul3A_423, %mul3A_424 : i32
    %mul3A_426 = arith.constant 2560 : i32
    %mul3A_427 = arith.muli %mul3A_365, %mul3A_426 : i32
    %add3A_428 = arith.addi %mul3A_425, %mul3A_427 : i32
    "tpu.region"() ({
      %run_scoped3A = tpu.sem_alloc : memref<!tpu.dma_semaphore, #tpu.memory_space<semaphore_mem>>
      %dma_start3A = tpu.memref_slice %arg4[%add3A_428] : memref<26214400xf32, #tpu.memory_space<hbm>> -> memref<102400xf32, #tpu.memory_space<hbm>>
      %dma_start3A_865 = tpu.memref_slice %arg4[%add3A_428] : memref<26214400xf32, #tpu.memory_space<hbm>> -> memref<102400xf32, #tpu.memory_space<hbm>>
      tpu.enqueue_dma source(%arg7 : memref<102400xf32, #tpu.memory_space<vmem>>) target(%dma_start3A_865 : memref<102400xf32, #tpu.memory_space<hbm>>) target_semaphore(%run_scoped3A : memref<!tpu.dma_semaphore, #tpu.memory_space<semaphore_mem>>)
      %dma_wait3A = tpu.memref_slice %arg4[%add3A_428] : memref<26214400xf32, #tpu.memory_space<hbm>> -> memref<102400xf32, #tpu.memory_space<hbm>>
      %dma_wait3A_866 = tpu.memref_slice %arg4[%add3A_428] : memref<26214400xf32, #tpu.memory_space<hbm>> -> memref<102400xf32, #tpu.memory_space<hbm>>
      tpu.wait_dma2 semaphore(%run_scoped3A : memref<!tpu.dma_semaphore, #tpu.memory_space<semaphore_mem>>) src(%arg7 : memref<102400xf32, #tpu.memory_space<vmem>>) dst(%dma_wait3A_866 : memref<102400xf32, #tpu.memory_space<hbm>>)
      tpu.yield
    }) : () -> ()
    %mul3A_429 = arith.constant 8 : i32
    %mul3A_430 = arith.muli %add3A, %mul3A_429 : i32
    %add3A_431 = arith.constant 4 : i32
    %add3A_432 = arith.addi %mul3A_430, %add3A_431 : i32
    %jit3A_433 = arith.constant 64 : i32
    %div3A_434 = arith.divsi %add3A_432, %jit3A_433 : i32
    %sign3A_435 = arith.constant 0 : i32
    %sign3A_436 = arith.cmpi sgt, %add3A_432, %sign3A_435 : i32
    %sign3A_437 = arith.extui %sign3A_436 : i1 to i32
    %sign3A_438 = arith.constant 0 : i32
    %sign3A_439 = arith.cmpi slt, %add3A_432, %sign3A_438 : i32
    %sign3A_440 = arith.extui %sign3A_439 : i1 to i32
    %sign3A_441 = arith.subi %sign3A_437, %sign3A_440 : i32
    %sign3A_442 = arith.constant 0 : i32
    %sign3A_443 = arith.cmpi sgt, %jit3A_433, %sign3A_442 : i32
    %sign3A_444 = arith.extui %sign3A_443 : i1 to i32
    %sign3A_445 = arith.constant 0 : i32
    %sign3A_446 = arith.cmpi slt, %jit3A_433, %sign3A_445 : i32
    %sign3A_447 = arith.extui %sign3A_446 : i1 to i32
    %sign3A_448 = arith.subi %sign3A_444, %sign3A_447 : i32
    %ne3A_449 = arith.cmpi ne, %sign3A_441, %sign3A_448 : i32
    %rem3A_450 = arith.remsi %add3A_432, %jit3A_433 : i32
    %ne3A_451 = arith.constant 0 : i32
    %ne3A_452 = arith.cmpi ne, %rem3A_450, %ne3A_451 : i32
    %and3A_453 = arith.andi %ne3A_449, %ne3A_452 : i1
    %sub3A_454 = arith.constant 1 : i32
    %sub3A_455 = arith.subi %div3A_434, %sub3A_454 : i32
    %select_n3A_456 = arith.select %and3A_453, %sub3A_455, %div3A_434 : i32
    %jit3A_457 = arith.constant 64 : i32
    %eq3A_458 = arith.constant 0 : i32
    %eq3A_459 = arith.cmpi eq, %jit3A_457, %eq3A_458 : i32
    %jit3A_460 = arith.constant 1 : i32
    %select_n3A_461 = arith.select %eq3A_459, %jit3A_460, %jit3A_457 : i32
    %rem3A_462 = arith.remsi %add3A_432, %select_n3A_461 : i32
    %ne3A_463 = arith.constant 0 : i32
    %ne3A_464 = arith.cmpi ne, %rem3A_462, %ne3A_463 : i32
    %lt3A_465 = arith.constant 0 : i32
    %lt3A_466 = arith.cmpi slt, %rem3A_462, %lt3A_465 : i32
    %lt3A_467 = arith.constant 0 : i32
    %lt3A_468 = arith.cmpi slt, %select_n3A_461, %lt3A_467 : i32
    %ne3A_469 = arith.xori %lt3A_466, %lt3A_468 : i1
    %and3A_470 = arith.andi %ne3A_469, %ne3A_464 : i1
    %add3A_471 = arith.addi %rem3A_462, %select_n3A_461 : i32
    %select_n3A_472 = arith.select %and3A_470, %add3A_471, %rem3A_462 : i32
    %mul3A_473 = arith.constant 40 : i32
    %mul3A_474 = arith.muli %select_n3A_472, %mul3A_473 : i32
    %scan3A_475 = arith.constant 0 : i32
    %scan3A_476 = arith.constant 0 : i32
    %scan3A_477 = arith.constant 6400 : i32
    %scan3A_478 = arith.addi %scan3A_476, %scan3A_477 : i32
    %scan3A_479 = arith.constant 1 : i32
    scf.for %scan3A_865 = %scan3A_476 to %scan3A_478 step %scan3A_479  : i32 {
      %mul3A_866 = arith.constant 16 : i32
      %mul3A_867 = arith.muli %scan3A_865, %mul3A_866 : i32
      %swap3A = arith.index_cast %mul3A_867 : i32 to index
      %swap3A_868 = tpu.vector_load %arg7[%swap3A] {strides = array<i32>} : memref<102400xf32, #tpu.memory_space<vmem>>, vector<16xf32>,
      tpu.vector_store %arg7[%swap3A], %broadcast_in_dim3A_3 {strides = array<i32>} : memref<102400xf32, #tpu.memory_space<vmem>>, vector<16xf32>,
    }
    %scan3A_480 = arith.constant 6400 : i32
    %mul3A_481 = arith.constant 40000 : i32
    %mul3A_482 = arith.muli %select_n3A_456, %mul3A_481 : i32
    %add3A_483 = arith.constant 0 : i32
    %add3A_484 = arith.addi %mul3A_482, %add3A_483 : i32
    "tpu.region"() ({
      %run_scoped3A = tpu.sem_alloc : memref<!tpu.dma_semaphore, #tpu.memory_space<semaphore_mem>>
      %dma_start3A = tpu.memref_slice %arg2[%add3A_484] : memref<160000xi32, #tpu.memory_space<hbm>> -> memref<8000xi32, #tpu.memory_space<hbm>>
      %dma_start3A_865 = tpu.memref_slice %arg2[%add3A_484] : memref<160000xi32, #tpu.memory_space<hbm>> -> memref<8000xi32, #tpu.memory_space<hbm>>
      tpu.enqueue_dma source(%dma_start3A_865 : memref<8000xi32, #tpu.memory_space<hbm>>) target(%arg5 : memref<8000xi32, #tpu.memory_space<vmem>>) target_semaphore(%run_scoped3A : memref<!tpu.dma_semaphore, #tpu.memory_space<semaphore_mem>>)
      %dma_wait3A = tpu.memref_slice %arg2[%add3A_484] : memref<160000xi32, #tpu.memory_space<hbm>> -> memref<8000xi32, #tpu.memory_space<hbm>>
      %dma_wait3A_866 = tpu.memref_slice %arg2[%add3A_484] : memref<160000xi32, #tpu.memory_space<hbm>> -> memref<8000xi32, #tpu.memory_space<hbm>>
      tpu.wait_dma2 semaphore(%run_scoped3A : memref<!tpu.dma_semaphore, #tpu.memory_space<semaphore_mem>>) src(%dma_wait3A_866 : memref<8000xi32, #tpu.memory_space<hbm>>) dst(%arg5 : memref<8000xi32, #tpu.memory_space<vmem>>)
      tpu.yield
    }) : () -> ()
    "tpu.region"() ({
      %run_scoped3A = tpu.sem_alloc : memref<!tpu.dma_semaphore, #tpu.memory_space<semaphore_mem>>
      %dma_start3A = tpu.memref_slice %arg3[%add3A_484] : memref<160000xi32, #tpu.memory_space<hbm>> -> memref<8000xi32, #tpu.memory_space<hbm>>
      %dma_start3A_865 = tpu.memref_slice %arg3[%add3A_484] : memref<160000xi32, #tpu.memory_space<hbm>> -> memref<8000xi32, #tpu.memory_space<hbm>>
      tpu.enqueue_dma source(%dma_start3A_865 : memref<8000xi32, #tpu.memory_space<hbm>>) target(%arg6 : memref<8000xi32, #tpu.memory_space<vmem>>) target_semaphore(%run_scoped3A : memref<!tpu.dma_semaphore, #tpu.memory_space<semaphore_mem>>)
      %dma_wait3A = tpu.memref_slice %arg3[%add3A_484] : memref<160000xi32, #tpu.memory_space<hbm>> -> memref<8000xi32, #tpu.memory_space<hbm>>
      %dma_wait3A_866 = tpu.memref_slice %arg3[%add3A_484] : memref<160000xi32, #tpu.memory_space<hbm>> -> memref<8000xi32, #tpu.memory_space<hbm>>
      tpu.wait_dma2 semaphore(%run_scoped3A : memref<!tpu.dma_semaphore, #tpu.memory_space<semaphore_mem>>) src(%dma_wait3A_866 : memref<8000xi32, #tpu.memory_space<hbm>>) dst(%arg6 : memref<8000xi32, #tpu.memory_space<vmem>>)
      tpu.yield
    }) : () -> ()
    %scan3A_485 = arith.constant 0 : i32
    %scan3A_486 = arith.constant 0 : i32
    %scan3A_487 = arith.constant 500 : i32
    %scan3A_488 = arith.addi %scan3A_486, %scan3A_487 : i32
    %scan3A_489 = arith.constant 1 : i32
    scf.for %scan3A_865 = %scan3A_486 to %scan3A_488 step %scan3A_489  : i32 {
      %mul3A_866 = arith.constant 16 : i32
      %mul3A_867 = arith.muli %scan3A_865, %mul3A_866 : i32
      %get3A = arith.index_cast %mul3A_867 : i32 to index
      %get3A_868 = tpu.vector_load %arg5[%get3A] {strides = array<i32>} : memref<8000xi32, #tpu.memory_space<vmem>>, vector<16xi32>,
      %mul3A_869 = arith.constant 16 : i32
      %mul3A_870 = arith.muli %scan3A_865, %mul3A_869 : i32
      %get3A_871 = arith.index_cast %mul3A_870 : i32 to index
      %get3A_872 = tpu.vector_load %arg6[%get3A_871] {strides = array<i32>} : memref<8000xi32, #tpu.memory_space<vmem>>, vector<16xi32>,
      %ge3A = vector.broadcast %mul3A_474 : i32 to vector<16xi32>
      %ge3A_873 = arith.cmpi sge, %get3A_872, %ge3A : vector<16xi32>
      %add3A_874 = arith.constant 40 : i32
      %add3A_875 = arith.addi %mul3A_474, %add3A_874 : i32
      %lt3A_876 = vector.broadcast %add3A_875 : i32 to vector<16xi32>
      %lt3A_877 = arith.cmpi slt, %get3A_872, %lt3A_876 : vector<16xi32>
      %and3A_878 = arith.andi %ge3A_873, %lt3A_877 : vector<16xi1>
      %sub3A_879 = vector.broadcast %mul3A_474 : i32 to vector<16xi32>
      %sub3A_880 = arith.subi %get3A_872, %sub3A_879 : vector<16xi32>
      %mul3A_881 = arith.constant 2560 : i32
      %mul3A_882 = vector.broadcast %mul3A_881 : i32 to vector<16xi32>
      %mul3A_883 = arith.muli %sub3A_880, %mul3A_882 : vector<16xi32>
      %add3A_884 = arith.addi %mul3A_883, %get3A_868 : vector<16xi32>
      %jit3A_885 = arith.constant 0 : i32
      %broadcast_in_dim3A_886 = vector.broadcast %jit3A_885 : i32 to vector<16xi32>
      %select_n3A_887 = arith.select %and3A_878, %add3A_884, %broadcast_in_dim3A_886 : vector<16xi1>, vector<16xi32>
      tpu.vector_store_idx %arg7[%select_n3A_887], %broadcast_in_dim3A_1 masked %and3A_878 {add = true} : memref<102400xf32, #tpu.memory_space<vmem>>[vector<16xi32>], vector<16xf32>, vector<16xi1>
    }
    %scan3A_490 = arith.constant 500 : i32
    %mul3A_491 = arith.constant 40000 : i32
    %mul3A_492 = arith.muli %select_n3A_456, %mul3A_491 : i32
    %add3A_493 = arith.constant 8000 : i32
    %add3A_494 = arith.addi %mul3A_492, %add3A_493 : i32
    "tpu.region"() ({
      %run_scoped3A = tpu.sem_alloc : memref<!tpu.dma_semaphore, #tpu.memory_space<semaphore_mem>>
      %dma_start3A = tpu.memref_slice %arg2[%add3A_494] : memref<160000xi32, #tpu.memory_space<hbm>> -> memref<8000xi32, #tpu.memory_space<hbm>>
      %dma_start3A_865 = tpu.memref_slice %arg2[%add3A_494] : memref<160000xi32, #tpu.memory_space<hbm>> -> memref<8000xi32, #tpu.memory_space<hbm>>
      tpu.enqueue_dma source(%dma_start3A_865 : memref<8000xi32, #tpu.memory_space<hbm>>) target(%arg5 : memref<8000xi32, #tpu.memory_space<vmem>>) target_semaphore(%run_scoped3A : memref<!tpu.dma_semaphore, #tpu.memory_space<semaphore_mem>>)
      %dma_wait3A = tpu.memref_slice %arg2[%add3A_494] : memref<160000xi32, #tpu.memory_space<hbm>> -> memref<8000xi32, #tpu.memory_space<hbm>>
      %dma_wait3A_866 = tpu.memref_slice %arg2[%add3A_494] : memref<160000xi32, #tpu.memory_space<hbm>> -> memref<8000xi32, #tpu.memory_space<hbm>>
      tpu.wait_dma2 semaphore(%run_scoped3A : memref<!tpu.dma_semaphore, #tpu.memory_space<semaphore_mem>>) src(%dma_wait3A_866 : memref<8000xi32, #tpu.memory_space<hbm>>) dst(%arg5 : memref<8000xi32, #tpu.memory_space<vmem>>)
      tpu.yield
    }) : () -> ()
    "tpu.region"() ({
      %run_scoped3A = tpu.sem_alloc : memref<!tpu.dma_semaphore, #tpu.memory_space<semaphore_mem>>
      %dma_start3A = tpu.memref_slice %arg3[%add3A_494] : memref<160000xi32, #tpu.memory_space<hbm>> -> memref<8000xi32, #tpu.memory_space<hbm>>
      %dma_start3A_865 = tpu.memref_slice %arg3[%add3A_494] : memref<160000xi32, #tpu.memory_space<hbm>> -> memref<8000xi32, #tpu.memory_space<hbm>>
      tpu.enqueue_dma source(%dma_start3A_865 : memref<8000xi32, #tpu.memory_space<hbm>>) target(%arg6 : memref<8000xi32, #tpu.memory_space<vmem>>) target_semaphore(%run_scoped3A : memref<!tpu.dma_semaphore, #tpu.memory_space<semaphore_mem>>)
      %dma_wait3A = tpu.memref_slice %arg3[%add3A_494] : memref<160000xi32, #tpu.memory_space<hbm>> -> memref<8000xi32, #tpu.memory_space<hbm>>
      %dma_wait3A_866 = tpu.memref_slice %arg3[%add3A_494] : memref<160000xi32, #tpu.memory_space<hbm>> -> memref<8000xi32, #tpu.memory_space<hbm>>
      tpu.wait_dma2 semaphore(%run_scoped3A : memref<!tpu.dma_semaphore, #tpu.memory_space<semaphore_mem>>) src(%dma_wait3A_866 : memref<8000xi32, #tpu.memory_space<hbm>>) dst(%arg6 : memref<8000xi32, #tpu.memory_space<vmem>>)
      tpu.yield
    }) : () -> ()
    %scan3A_495 = arith.constant 0 : i32
    %scan3A_496 = arith.constant 0 : i32
    %scan3A_497 = arith.constant 500 : i32
    %scan3A_498 = arith.addi %scan3A_496, %scan3A_497 : i32
    %scan3A_499 = arith.constant 1 : i32
    scf.for %scan3A_865 = %scan3A_496 to %scan3A_498 step %scan3A_499  : i32 {
      %mul3A_866 = arith.constant 16 : i32
      %mul3A_867 = arith.muli %scan3A_865, %mul3A_866 : i32
      %get3A = arith.index_cast %mul3A_867 : i32 to index
      %get3A_868 = tpu.vector_load %arg5[%get3A] {strides = array<i32>} : memref<8000xi32, #tpu.memory_space<vmem>>, vector<16xi32>,
      %mul3A_869 = arith.constant 16 : i32
      %mul3A_870 = arith.muli %scan3A_865, %mul3A_869 : i32
      %get3A_871 = arith.index_cast %mul3A_870 : i32 to index
      %get3A_872 = tpu.vector_load %arg6[%get3A_871] {strides = array<i32>} : memref<8000xi32, #tpu.memory_space<vmem>>, vector<16xi32>,
      %ge3A = vector.broadcast %mul3A_474 : i32 to vector<16xi32>
      %ge3A_873 = arith.cmpi sge, %get3A_872, %ge3A : vector<16xi32>
      %add3A_874 = arith.constant 40 : i32
      %add3A_875 = arith.addi %mul3A_474, %add3A_874 : i32
      %lt3A_876 = vector.broadcast %add3A_875 : i32 to vector<16xi32>
      %lt3A_877 = arith.cmpi slt, %get3A_872, %lt3A_876 : vector<16xi32>
      %and3A_878 = arith.andi %ge3A_873, %lt3A_877 : vector<16xi1>
      %sub3A_879 = vector.broadcast %mul3A_474 : i32 to vector<16xi32>
      %sub3A_880 = arith.subi %get3A_872, %sub3A_879 : vector<16xi32>
      %mul3A_881 = arith.constant 2560 : i32
      %mul3A_882 = vector.broadcast %mul3A_881 : i32 to vector<16xi32>
      %mul3A_883 = arith.muli %sub3A_880, %mul3A_882 : vector<16xi32>
      %add3A_884 = arith.addi %mul3A_883, %get3A_868 : vector<16xi32>
      %jit3A_885 = arith.constant 0 : i32
      %broadcast_in_dim3A_886 = vector.broadcast %jit3A_885 : i32 to vector<16xi32>
      %select_n3A_887 = arith.select %and3A_878, %add3A_884, %broadcast_in_dim3A_886 : vector<16xi1>, vector<16xi32>
      tpu.vector_store_idx %arg7[%select_n3A_887], %broadcast_in_dim3A_1 masked %and3A_878 {add = true} : memref<102400xf32, #tpu.memory_space<vmem>>[vector<16xi32>], vector<16xf32>, vector<16xi1>
    }
    %scan3A_500 = arith.constant 500 : i32
    %mul3A_501 = arith.constant 40000 : i32
    %mul3A_502 = arith.muli %select_n3A_456, %mul3A_501 : i32
    %add3A_503 = arith.constant 16000 : i32
    %add3A_504 = arith.addi %mul3A_502, %add3A_503 : i32
    "tpu.region"() ({
      %run_scoped3A = tpu.sem_alloc : memref<!tpu.dma_semaphore, #tpu.memory_space<semaphore_mem>>
      %dma_start3A = tpu.memref_slice %arg2[%add3A_504] : memref<160000xi32, #tpu.memory_space<hbm>> -> memref<8000xi32, #tpu.memory_space<hbm>>
      %dma_start3A_865 = tpu.memref_slice %arg2[%add3A_504] : memref<160000xi32, #tpu.memory_space<hbm>> -> memref<8000xi32, #tpu.memory_space<hbm>>
      tpu.enqueue_dma source(%dma_start3A_865 : memref<8000xi32, #tpu.memory_space<hbm>>) target(%arg5 : memref<8000xi32, #tpu.memory_space<vmem>>) target_semaphore(%run_scoped3A : memref<!tpu.dma_semaphore, #tpu.memory_space<semaphore_mem>>)
      %dma_wait3A = tpu.memref_slice %arg2[%add3A_504] : memref<160000xi32, #tpu.memory_space<hbm>> -> memref<8000xi32, #tpu.memory_space<hbm>>
      %dma_wait3A_866 = tpu.memref_slice %arg2[%add3A_504] : memref<160000xi32, #tpu.memory_space<hbm>> -> memref<8000xi32, #tpu.memory_space<hbm>>
      tpu.wait_dma2 semaphore(%run_scoped3A : memref<!tpu.dma_semaphore, #tpu.memory_space<semaphore_mem>>) src(%dma_wait3A_866 : memref<8000xi32, #tpu.memory_space<hbm>>) dst(%arg5 : memref<8000xi32, #tpu.memory_space<vmem>>)
      tpu.yield
    }) : () -> ()
    "tpu.region"() ({
      %run_scoped3A = tpu.sem_alloc : memref<!tpu.dma_semaphore, #tpu.memory_space<semaphore_mem>>
      %dma_start3A = tpu.memref_slice %arg3[%add3A_504] : memref<160000xi32, #tpu.memory_space<hbm>> -> memref<8000xi32, #tpu.memory_space<hbm>>
      %dma_start3A_865 = tpu.memref_slice %arg3[%add3A_504] : memref<160000xi32, #tpu.memory_space<hbm>> -> memref<8000xi32, #tpu.memory_space<hbm>>
      tpu.enqueue_dma source(%dma_start3A_865 : memref<8000xi32, #tpu.memory_space<hbm>>) target(%arg6 : memref<8000xi32, #tpu.memory_space<vmem>>) target_semaphore(%run_scoped3A : memref<!tpu.dma_semaphore, #tpu.memory_space<semaphore_mem>>)
      %dma_wait3A = tpu.memref_slice %arg3[%add3A_504] : memref<160000xi32, #tpu.memory_space<hbm>> -> memref<8000xi32, #tpu.memory_space<hbm>>
      %dma_wait3A_866 = tpu.memref_slice %arg3[%add3A_504] : memref<160000xi32, #tpu.memory_space<hbm>> -> memref<8000xi32, #tpu.memory_space<hbm>>
      tpu.wait_dma2 semaphore(%run_scoped3A : memref<!tpu.dma_semaphore, #tpu.memory_space<semaphore_mem>>) src(%dma_wait3A_866 : memref<8000xi32, #tpu.memory_space<hbm>>) dst(%arg6 : memref<8000xi32, #tpu.memory_space<vmem>>)
      tpu.yield
    }) : () -> ()
    %scan3A_505 = arith.constant 0 : i32
    %scan3A_506 = arith.constant 0 : i32
    %scan3A_507 = arith.constant 500 : i32
    %scan3A_508 = arith.addi %scan3A_506, %scan3A_507 : i32
    %scan3A_509 = arith.constant 1 : i32
    scf.for %scan3A_865 = %scan3A_506 to %scan3A_508 step %scan3A_509  : i32 {
      %mul3A_866 = arith.constant 16 : i32
      %mul3A_867 = arith.muli %scan3A_865, %mul3A_866 : i32
      %get3A = arith.index_cast %mul3A_867 : i32 to index
      %get3A_868 = tpu.vector_load %arg5[%get3A] {strides = array<i32>} : memref<8000xi32, #tpu.memory_space<vmem>>, vector<16xi32>,
      %mul3A_869 = arith.constant 16 : i32
      %mul3A_870 = arith.muli %scan3A_865, %mul3A_869 : i32
      %get3A_871 = arith.index_cast %mul3A_870 : i32 to index
      %get3A_872 = tpu.vector_load %arg6[%get3A_871] {strides = array<i32>} : memref<8000xi32, #tpu.memory_space<vmem>>, vector<16xi32>,
      %ge3A = vector.broadcast %mul3A_474 : i32 to vector<16xi32>
      %ge3A_873 = arith.cmpi sge, %get3A_872, %ge3A : vector<16xi32>
      %add3A_874 = arith.constant 40 : i32
      %add3A_875 = arith.addi %mul3A_474, %add3A_874 : i32
      %lt3A_876 = vector.broadcast %add3A_875 : i32 to vector<16xi32>
      %lt3A_877 = arith.cmpi slt, %get3A_872, %lt3A_876 : vector<16xi32>
      %and3A_878 = arith.andi %ge3A_873, %lt3A_877 : vector<16xi1>
      %sub3A_879 = vector.broadcast %mul3A_474 : i32 to vector<16xi32>
      %sub3A_880 = arith.subi %get3A_872, %sub3A_879 : vector<16xi32>
      %mul3A_881 = arith.constant 2560 : i32
      %mul3A_882 = vector.broadcast %mul3A_881 : i32 to vector<16xi32>
      %mul3A_883 = arith.muli %sub3A_880, %mul3A_882 : vector<16xi32>
      %add3A_884 = arith.addi %mul3A_883, %get3A_868 : vector<16xi32>
      %jit3A_885 = arith.constant 0 : i32
      %broadcast_in_dim3A_886 = vector.broadcast %jit3A_885 : i32 to vector<16xi32>
      %select_n3A_887 = arith.select %and3A_878, %add3A_884, %broadcast_in_dim3A_886 : vector<16xi1>, vector<16xi32>
      tpu.vector_store_idx %arg7[%select_n3A_887], %broadcast_in_dim3A_1 masked %and3A_878 {add = true} : memref<102400xf32, #tpu.memory_space<vmem>>[vector<16xi32>], vector<16xf32>, vector<16xi1>
    }
    %scan3A_510 = arith.constant 500 : i32
    %mul3A_511 = arith.constant 40000 : i32
    %mul3A_512 = arith.muli %select_n3A_456, %mul3A_511 : i32
    %add3A_513 = arith.constant 24000 : i32
    %add3A_514 = arith.addi %mul3A_512, %add3A_513 : i32
    "tpu.region"() ({
      %run_scoped3A = tpu.sem_alloc : memref<!tpu.dma_semaphore, #tpu.memory_space<semaphore_mem>>
      %dma_start3A = tpu.memref_slice %arg2[%add3A_514] : memref<160000xi32, #tpu.memory_space<hbm>> -> memref<8000xi32, #tpu.memory_space<hbm>>
      %dma_start3A_865 = tpu.memref_slice %arg2[%add3A_514] : memref<160000xi32, #tpu.memory_space<hbm>> -> memref<8000xi32, #tpu.memory_space<hbm>>
      tpu.enqueue_dma source(%dma_start3A_865 : memref<8000xi32, #tpu.memory_space<hbm>>) target(%arg5 : memref<8000xi32, #tpu.memory_space<vmem>>) target_semaphore(%run_scoped3A : memref<!tpu.dma_semaphore, #tpu.memory_space<semaphore_mem>>)
      %dma_wait3A = tpu.memref_slice %arg2[%add3A_514] : memref<160000xi32, #tpu.memory_space<hbm>> -> memref<8000xi32, #tpu.memory_space<hbm>>
      %dma_wait3A_866 = tpu.memref_slice %arg2[%add3A_514] : memref<160000xi32, #tpu.memory_space<hbm>> -> memref<8000xi32, #tpu.memory_space<hbm>>
      tpu.wait_dma2 semaphore(%run_scoped3A : memref<!tpu.dma_semaphore, #tpu.memory_space<semaphore_mem>>) src(%dma_wait3A_866 : memref<8000xi32, #tpu.memory_space<hbm>>) dst(%arg5 : memref<8000xi32, #tpu.memory_space<vmem>>)
      tpu.yield
    }) : () -> ()
    "tpu.region"() ({
      %run_scoped3A = tpu.sem_alloc : memref<!tpu.dma_semaphore, #tpu.memory_space<semaphore_mem>>
      %dma_start3A = tpu.memref_slice %arg3[%add3A_514] : memref<160000xi32, #tpu.memory_space<hbm>> -> memref<8000xi32, #tpu.memory_space<hbm>>
      %dma_start3A_865 = tpu.memref_slice %arg3[%add3A_514] : memref<160000xi32, #tpu.memory_space<hbm>> -> memref<8000xi32, #tpu.memory_space<hbm>>
      tpu.enqueue_dma source(%dma_start3A_865 : memref<8000xi32, #tpu.memory_space<hbm>>) target(%arg6 : memref<8000xi32, #tpu.memory_space<vmem>>) target_semaphore(%run_scoped3A : memref<!tpu.dma_semaphore, #tpu.memory_space<semaphore_mem>>)
      %dma_wait3A = tpu.memref_slice %arg3[%add3A_514] : memref<160000xi32, #tpu.memory_space<hbm>> -> memref<8000xi32, #tpu.memory_space<hbm>>
      %dma_wait3A_866 = tpu.memref_slice %arg3[%add3A_514] : memref<160000xi32, #tpu.memory_space<hbm>> -> memref<8000xi32, #tpu.memory_space<hbm>>
      tpu.wait_dma2 semaphore(%run_scoped3A : memref<!tpu.dma_semaphore, #tpu.memory_space<semaphore_mem>>) src(%dma_wait3A_866 : memref<8000xi32, #tpu.memory_space<hbm>>) dst(%arg6 : memref<8000xi32, #tpu.memory_space<vmem>>)
      tpu.yield
    }) : () -> ()
    %scan3A_515 = arith.constant 0 : i32
    %scan3A_516 = arith.constant 0 : i32
    %scan3A_517 = arith.constant 500 : i32
    %scan3A_518 = arith.addi %scan3A_516, %scan3A_517 : i32
    %scan3A_519 = arith.constant 1 : i32
    scf.for %scan3A_865 = %scan3A_516 to %scan3A_518 step %scan3A_519  : i32 {
      %mul3A_866 = arith.constant 16 : i32
      %mul3A_867 = arith.muli %scan3A_865, %mul3A_866 : i32
      %get3A = arith.index_cast %mul3A_867 : i32 to index
      %get3A_868 = tpu.vector_load %arg5[%get3A] {strides = array<i32>} : memref<8000xi32, #tpu.memory_space<vmem>>, vector<16xi32>,
      %mul3A_869 = arith.constant 16 : i32
      %mul3A_870 = arith.muli %scan3A_865, %mul3A_869 : i32
      %get3A_871 = arith.index_cast %mul3A_870 : i32 to index
      %get3A_872 = tpu.vector_load %arg6[%get3A_871] {strides = array<i32>} : memref<8000xi32, #tpu.memory_space<vmem>>, vector<16xi32>,
      %ge3A = vector.broadcast %mul3A_474 : i32 to vector<16xi32>
      %ge3A_873 = arith.cmpi sge, %get3A_872, %ge3A : vector<16xi32>
      %add3A_874 = arith.constant 40 : i32
      %add3A_875 = arith.addi %mul3A_474, %add3A_874 : i32
      %lt3A_876 = vector.broadcast %add3A_875 : i32 to vector<16xi32>
      %lt3A_877 = arith.cmpi slt, %get3A_872, %lt3A_876 : vector<16xi32>
      %and3A_878 = arith.andi %ge3A_873, %lt3A_877 : vector<16xi1>
      %sub3A_879 = vector.broadcast %mul3A_474 : i32 to vector<16xi32>
      %sub3A_880 = arith.subi %get3A_872, %sub3A_879 : vector<16xi32>
      %mul3A_881 = arith.constant 2560 : i32
      %mul3A_882 = vector.broadcast %mul3A_881 : i32 to vector<16xi32>
      %mul3A_883 = arith.muli %sub3A_880, %mul3A_882 : vector<16xi32>
      %add3A_884 = arith.addi %mul3A_883, %get3A_868 : vector<16xi32>
      %jit3A_885 = arith.constant 0 : i32
      %broadcast_in_dim3A_886 = vector.broadcast %jit3A_885 : i32 to vector<16xi32>
      %select_n3A_887 = arith.select %and3A_878, %add3A_884, %broadcast_in_dim3A_886 : vector<16xi1>, vector<16xi32>
      tpu.vector_store_idx %arg7[%select_n3A_887], %broadcast_in_dim3A_1 masked %and3A_878 {add = true} : memref<102400xf32, #tpu.memory_space<vmem>>[vector<16xi32>], vector<16xf32>, vector<16xi1>
    }
    %scan3A_520 = arith.constant 500 : i32
    %mul3A_521 = arith.constant 40000 : i32
    %mul3A_522 = arith.muli %select_n3A_456, %mul3A_521 : i32
    %add3A_523 = arith.constant 32000 : i32
    %add3A_524 = arith.addi %mul3A_522, %add3A_523 : i32
    "tpu.region"() ({
      %run_scoped3A = tpu.sem_alloc : memref<!tpu.dma_semaphore, #tpu.memory_space<semaphore_mem>>
      %dma_start3A = tpu.memref_slice %arg2[%add3A_524] : memref<160000xi32, #tpu.memory_space<hbm>> -> memref<8000xi32, #tpu.memory_space<hbm>>
      %dma_start3A_865 = tpu.memref_slice %arg2[%add3A_524] : memref<160000xi32, #tpu.memory_space<hbm>> -> memref<8000xi32, #tpu.memory_space<hbm>>
      tpu.enqueue_dma source(%dma_start3A_865 : memref<8000xi32, #tpu.memory_space<hbm>>) target(%arg5 : memref<8000xi32, #tpu.memory_space<vmem>>) target_semaphore(%run_scoped3A : memref<!tpu.dma_semaphore, #tpu.memory_space<semaphore_mem>>)
      %dma_wait3A = tpu.memref_slice %arg2[%add3A_524] : memref<160000xi32, #tpu.memory_space<hbm>> -> memref<8000xi32, #tpu.memory_space<hbm>>
      %dma_wait3A_866 = tpu.memref_slice %arg2[%add3A_524] : memref<160000xi32, #tpu.memory_space<hbm>> -> memref<8000xi32, #tpu.memory_space<hbm>>
      tpu.wait_dma2 semaphore(%run_scoped3A : memref<!tpu.dma_semaphore, #tpu.memory_space<semaphore_mem>>) src(%dma_wait3A_866 : memref<8000xi32, #tpu.memory_space<hbm>>) dst(%arg5 : memref<8000xi32, #tpu.memory_space<vmem>>)
      tpu.yield
    }) : () -> ()
    "tpu.region"() ({
      %run_scoped3A = tpu.sem_alloc : memref<!tpu.dma_semaphore, #tpu.memory_space<semaphore_mem>>
      %dma_start3A = tpu.memref_slice %arg3[%add3A_524] : memref<160000xi32, #tpu.memory_space<hbm>> -> memref<8000xi32, #tpu.memory_space<hbm>>
      %dma_start3A_865 = tpu.memref_slice %arg3[%add3A_524] : memref<160000xi32, #tpu.memory_space<hbm>> -> memref<8000xi32, #tpu.memory_space<hbm>>
      tpu.enqueue_dma source(%dma_start3A_865 : memref<8000xi32, #tpu.memory_space<hbm>>) target(%arg6 : memref<8000xi32, #tpu.memory_space<vmem>>) target_semaphore(%run_scoped3A : memref<!tpu.dma_semaphore, #tpu.memory_space<semaphore_mem>>)
      %dma_wait3A = tpu.memref_slice %arg3[%add3A_524] : memref<160000xi32, #tpu.memory_space<hbm>> -> memref<8000xi32, #tpu.memory_space<hbm>>
      %dma_wait3A_866 = tpu.memref_slice %arg3[%add3A_524] : memref<160000xi32, #tpu.memory_space<hbm>> -> memref<8000xi32, #tpu.memory_space<hbm>>
      tpu.wait_dma2 semaphore(%run_scoped3A : memref<!tpu.dma_semaphore, #tpu.memory_space<semaphore_mem>>) src(%dma_wait3A_866 : memref<8000xi32, #tpu.memory_space<hbm>>) dst(%arg6 : memref<8000xi32, #tpu.memory_space<vmem>>)
      tpu.yield
    }) : () -> ()
    %scan3A_525 = arith.constant 0 : i32
    %scan3A_526 = arith.constant 0 : i32
    %scan3A_527 = arith.constant 500 : i32
    %scan3A_528 = arith.addi %scan3A_526, %scan3A_527 : i32
    %scan3A_529 = arith.constant 1 : i32
    scf.for %scan3A_865 = %scan3A_526 to %scan3A_528 step %scan3A_529  : i32 {
      %mul3A_866 = arith.constant 16 : i32
      %mul3A_867 = arith.muli %scan3A_865, %mul3A_866 : i32
      %get3A = arith.index_cast %mul3A_867 : i32 to index
      %get3A_868 = tpu.vector_load %arg5[%get3A] {strides = array<i32>} : memref<8000xi32, #tpu.memory_space<vmem>>, vector<16xi32>,
      %mul3A_869 = arith.constant 16 : i32
      %mul3A_870 = arith.muli %scan3A_865, %mul3A_869 : i32
      %get3A_871 = arith.index_cast %mul3A_870 : i32 to index
      %get3A_872 = tpu.vector_load %arg6[%get3A_871] {strides = array<i32>} : memref<8000xi32, #tpu.memory_space<vmem>>, vector<16xi32>,
      %ge3A = vector.broadcast %mul3A_474 : i32 to vector<16xi32>
      %ge3A_873 = arith.cmpi sge, %get3A_872, %ge3A : vector<16xi32>
      %add3A_874 = arith.constant 40 : i32
      %add3A_875 = arith.addi %mul3A_474, %add3A_874 : i32
      %lt3A_876 = vector.broadcast %add3A_875 : i32 to vector<16xi32>
      %lt3A_877 = arith.cmpi slt, %get3A_872, %lt3A_876 : vector<16xi32>
      %and3A_878 = arith.andi %ge3A_873, %lt3A_877 : vector<16xi1>
      %sub3A_879 = vector.broadcast %mul3A_474 : i32 to vector<16xi32>
      %sub3A_880 = arith.subi %get3A_872, %sub3A_879 : vector<16xi32>
      %mul3A_881 = arith.constant 2560 : i32
      %mul3A_882 = vector.broadcast %mul3A_881 : i32 to vector<16xi32>
      %mul3A_883 = arith.muli %sub3A_880, %mul3A_882 : vector<16xi32>
      %add3A_884 = arith.addi %mul3A_883, %get3A_868 : vector<16xi32>
      %jit3A_885 = arith.constant 0 : i32
      %broadcast_in_dim3A_886 = vector.broadcast %jit3A_885 : i32 to vector<16xi32>
      %select_n3A_887 = arith.select %and3A_878, %add3A_884, %broadcast_in_dim3A_886 : vector<16xi1>, vector<16xi32>
      tpu.vector_store_idx %arg7[%select_n3A_887], %broadcast_in_dim3A_1 masked %and3A_878 {add = true} : memref<102400xf32, #tpu.memory_space<vmem>>[vector<16xi32>], vector<16xf32>, vector<16xi1>
    }
    %scan3A_530 = arith.constant 500 : i32
    %mul3A_531 = arith.constant 2560 : i32
    %mul3A_532 = arith.muli %select_n3A_456, %mul3A_531 : i32
    %mul3A_533 = arith.constant 2560 : i32
    %mul3A_534 = arith.muli %mul3A_532, %mul3A_533 : i32
    %mul3A_535 = arith.constant 2560 : i32
    %mul3A_536 = arith.muli %mul3A_474, %mul3A_535 : i32
    %add3A_537 = arith.addi %mul3A_534, %mul3A_536 : i32
    "tpu.region"() ({
      %run_scoped3A = tpu.sem_alloc : memref<!tpu.dma_semaphore, #tpu.memory_space<semaphore_mem>>
      %dma_start3A = tpu.memref_slice %arg4[%add3A_537] : memref<26214400xf32, #tpu.memory_space<hbm>> -> memref<102400xf32, #tpu.memory_space<hbm>>
      %dma_start3A_865 = tpu.memref_slice %arg4[%add3A_537] : memref<26214400xf32, #tpu.memory_space<hbm>> -> memref<102400xf32, #tpu.memory_space<hbm>>
      tpu.enqueue_dma source(%arg7 : memref<102400xf32, #tpu.memory_space<vmem>>) target(%dma_start3A_865 : memref<102400xf32, #tpu.memory_space<hbm>>) target_semaphore(%run_scoped3A : memref<!tpu.dma_semaphore, #tpu.memory_space<semaphore_mem>>)
      %dma_wait3A = tpu.memref_slice %arg4[%add3A_537] : memref<26214400xf32, #tpu.memory_space<hbm>> -> memref<102400xf32, #tpu.memory_space<hbm>>
      %dma_wait3A_866 = tpu.memref_slice %arg4[%add3A_537] : memref<26214400xf32, #tpu.memory_space<hbm>> -> memref<102400xf32, #tpu.memory_space<hbm>>
      tpu.wait_dma2 semaphore(%run_scoped3A : memref<!tpu.dma_semaphore, #tpu.memory_space<semaphore_mem>>) src(%arg7 : memref<102400xf32, #tpu.memory_space<vmem>>) dst(%dma_wait3A_866 : memref<102400xf32, #tpu.memory_space<hbm>>)
      tpu.yield
    }) : () -> ()
    %mul3A_538 = arith.constant 8 : i32
    %mul3A_539 = arith.muli %add3A, %mul3A_538 : i32
    %add3A_540 = arith.constant 5 : i32
    %add3A_541 = arith.addi %mul3A_539, %add3A_540 : i32
    %jit3A_542 = arith.constant 64 : i32
    %div3A_543 = arith.divsi %add3A_541, %jit3A_542 : i32
    %sign3A_544 = arith.constant 0 : i32
    %sign3A_545 = arith.cmpi sgt, %add3A_541, %sign3A_544 : i32
    %sign3A_546 = arith.extui %sign3A_545 : i1 to i32
    %sign3A_547 = arith.constant 0 : i32
    %sign3A_548 = arith.cmpi slt, %add3A_541, %sign3A_547 : i32
    %sign3A_549 = arith.extui %sign3A_548 : i1 to i32
    %sign3A_550 = arith.subi %sign3A_546, %sign3A_549 : i32
    %sign3A_551 = arith.constant 0 : i32
    %sign3A_552 = arith.cmpi sgt, %jit3A_542, %sign3A_551 : i32
    %sign3A_553 = arith.extui %sign3A_552 : i1 to i32
    %sign3A_554 = arith.constant 0 : i32
    %sign3A_555 = arith.cmpi slt, %jit3A_542, %sign3A_554 : i32
    %sign3A_556 = arith.extui %sign3A_555 : i1 to i32
    %sign3A_557 = arith.subi %sign3A_553, %sign3A_556 : i32
    %ne3A_558 = arith.cmpi ne, %sign3A_550, %sign3A_557 : i32
    %rem3A_559 = arith.remsi %add3A_541, %jit3A_542 : i32
    %ne3A_560 = arith.constant 0 : i32
    %ne3A_561 = arith.cmpi ne, %rem3A_559, %ne3A_560 : i32
    %and3A_562 = arith.andi %ne3A_558, %ne3A_561 : i1
    %sub3A_563 = arith.constant 1 : i32
    %sub3A_564 = arith.subi %div3A_543, %sub3A_563 : i32
    %select_n3A_565 = arith.select %and3A_562, %sub3A_564, %div3A_543 : i32
    %jit3A_566 = arith.constant 64 : i32
    %eq3A_567 = arith.constant 0 : i32
    %eq3A_568 = arith.cmpi eq, %jit3A_566, %eq3A_567 : i32
    %jit3A_569 = arith.constant 1 : i32
    %select_n3A_570 = arith.select %eq3A_568, %jit3A_569, %jit3A_566 : i32
    %rem3A_571 = arith.remsi %add3A_541, %select_n3A_570 : i32
    %ne3A_572 = arith.constant 0 : i32
    %ne3A_573 = arith.cmpi ne, %rem3A_571, %ne3A_572 : i32
    %lt3A_574 = arith.constant 0 : i32
    %lt3A_575 = arith.cmpi slt, %rem3A_571, %lt3A_574 : i32
    %lt3A_576 = arith.constant 0 : i32
    %lt3A_577 = arith.cmpi slt, %select_n3A_570, %lt3A_576 : i32
    %ne3A_578 = arith.xori %lt3A_575, %lt3A_577 : i1
    %and3A_579 = arith.andi %ne3A_578, %ne3A_573 : i1
    %add3A_580 = arith.addi %rem3A_571, %select_n3A_570 : i32
    %select_n3A_581 = arith.select %and3A_579, %add3A_580, %rem3A_571 : i32
    %mul3A_582 = arith.constant 40 : i32
    %mul3A_583 = arith.muli %select_n3A_581, %mul3A_582 : i32
    %scan3A_584 = arith.constant 0 : i32
    %scan3A_585 = arith.constant 0 : i32
    %scan3A_586 = arith.constant 6400 : i32
    %scan3A_587 = arith.addi %scan3A_585, %scan3A_586 : i32
    %scan3A_588 = arith.constant 1 : i32
    scf.for %scan3A_865 = %scan3A_585 to %scan3A_587 step %scan3A_588  : i32 {
      %mul3A_866 = arith.constant 16 : i32
      %mul3A_867 = arith.muli %scan3A_865, %mul3A_866 : i32
      %swap3A = arith.index_cast %mul3A_867 : i32 to index
      %swap3A_868 = tpu.vector_load %arg7[%swap3A] {strides = array<i32>} : memref<102400xf32, #tpu.memory_space<vmem>>, vector<16xf32>,
      tpu.vector_store %arg7[%swap3A], %broadcast_in_dim3A_3 {strides = array<i32>} : memref<102400xf32, #tpu.memory_space<vmem>>, vector<16xf32>,
    }
    %scan3A_589 = arith.constant 6400 : i32
    %mul3A_590 = arith.constant 40000 : i32
    %mul3A_591 = arith.muli %select_n3A_565, %mul3A_590 : i32
    %add3A_592 = arith.constant 0 : i32
    %add3A_593 = arith.addi %mul3A_591, %add3A_592 : i32
    "tpu.region"() ({
      %run_scoped3A = tpu.sem_alloc : memref<!tpu.dma_semaphore, #tpu.memory_space<semaphore_mem>>
      %dma_start3A = tpu.memref_slice %arg2[%add3A_593] : memref<160000xi32, #tpu.memory_space<hbm>> -> memref<8000xi32, #tpu.memory_space<hbm>>
      %dma_start3A_865 = tpu.memref_slice %arg2[%add3A_593] : memref<160000xi32, #tpu.memory_space<hbm>> -> memref<8000xi32, #tpu.memory_space<hbm>>
      tpu.enqueue_dma source(%dma_start3A_865 : memref<8000xi32, #tpu.memory_space<hbm>>) target(%arg5 : memref<8000xi32, #tpu.memory_space<vmem>>) target_semaphore(%run_scoped3A : memref<!tpu.dma_semaphore, #tpu.memory_space<semaphore_mem>>)
      %dma_wait3A = tpu.memref_slice %arg2[%add3A_593] : memref<160000xi32, #tpu.memory_space<hbm>> -> memref<8000xi32, #tpu.memory_space<hbm>>
      %dma_wait3A_866 = tpu.memref_slice %arg2[%add3A_593] : memref<160000xi32, #tpu.memory_space<hbm>> -> memref<8000xi32, #tpu.memory_space<hbm>>
      tpu.wait_dma2 semaphore(%run_scoped3A : memref<!tpu.dma_semaphore, #tpu.memory_space<semaphore_mem>>) src(%dma_wait3A_866 : memref<8000xi32, #tpu.memory_space<hbm>>) dst(%arg5 : memref<8000xi32, #tpu.memory_space<vmem>>)
      tpu.yield
    }) : () -> ()
    "tpu.region"() ({
      %run_scoped3A = tpu.sem_alloc : memref<!tpu.dma_semaphore, #tpu.memory_space<semaphore_mem>>
      %dma_start3A = tpu.memref_slice %arg3[%add3A_593] : memref<160000xi32, #tpu.memory_space<hbm>> -> memref<8000xi32, #tpu.memory_space<hbm>>
      %dma_start3A_865 = tpu.memref_slice %arg3[%add3A_593] : memref<160000xi32, #tpu.memory_space<hbm>> -> memref<8000xi32, #tpu.memory_space<hbm>>
      tpu.enqueue_dma source(%dma_start3A_865 : memref<8000xi32, #tpu.memory_space<hbm>>) target(%arg6 : memref<8000xi32, #tpu.memory_space<vmem>>) target_semaphore(%run_scoped3A : memref<!tpu.dma_semaphore, #tpu.memory_space<semaphore_mem>>)
      %dma_wait3A = tpu.memref_slice %arg3[%add3A_593] : memref<160000xi32, #tpu.memory_space<hbm>> -> memref<8000xi32, #tpu.memory_space<hbm>>
      %dma_wait3A_866 = tpu.memref_slice %arg3[%add3A_593] : memref<160000xi32, #tpu.memory_space<hbm>> -> memref<8000xi32, #tpu.memory_space<hbm>>
      tpu.wait_dma2 semaphore(%run_scoped3A : memref<!tpu.dma_semaphore, #tpu.memory_space<semaphore_mem>>) src(%dma_wait3A_866 : memref<8000xi32, #tpu.memory_space<hbm>>) dst(%arg6 : memref<8000xi32, #tpu.memory_space<vmem>>)
      tpu.yield
    }) : () -> ()
    %scan3A_594 = arith.constant 0 : i32
    %scan3A_595 = arith.constant 0 : i32
    %scan3A_596 = arith.constant 500 : i32
    %scan3A_597 = arith.addi %scan3A_595, %scan3A_596 : i32
    %scan3A_598 = arith.constant 1 : i32
    scf.for %scan3A_865 = %scan3A_595 to %scan3A_597 step %scan3A_598  : i32 {
      %mul3A_866 = arith.constant 16 : i32
      %mul3A_867 = arith.muli %scan3A_865, %mul3A_866 : i32
      %get3A = arith.index_cast %mul3A_867 : i32 to index
      %get3A_868 = tpu.vector_load %arg5[%get3A] {strides = array<i32>} : memref<8000xi32, #tpu.memory_space<vmem>>, vector<16xi32>,
      %mul3A_869 = arith.constant 16 : i32
      %mul3A_870 = arith.muli %scan3A_865, %mul3A_869 : i32
      %get3A_871 = arith.index_cast %mul3A_870 : i32 to index
      %get3A_872 = tpu.vector_load %arg6[%get3A_871] {strides = array<i32>} : memref<8000xi32, #tpu.memory_space<vmem>>, vector<16xi32>,
      %ge3A = vector.broadcast %mul3A_583 : i32 to vector<16xi32>
      %ge3A_873 = arith.cmpi sge, %get3A_872, %ge3A : vector<16xi32>
      %add3A_874 = arith.constant 40 : i32
      %add3A_875 = arith.addi %mul3A_583, %add3A_874 : i32
      %lt3A_876 = vector.broadcast %add3A_875 : i32 to vector<16xi32>
      %lt3A_877 = arith.cmpi slt, %get3A_872, %lt3A_876 : vector<16xi32>
      %and3A_878 = arith.andi %ge3A_873, %lt3A_877 : vector<16xi1>
      %sub3A_879 = vector.broadcast %mul3A_583 : i32 to vector<16xi32>
      %sub3A_880 = arith.subi %get3A_872, %sub3A_879 : vector<16xi32>
      %mul3A_881 = arith.constant 2560 : i32
      %mul3A_882 = vector.broadcast %mul3A_881 : i32 to vector<16xi32>
      %mul3A_883 = arith.muli %sub3A_880, %mul3A_882 : vector<16xi32>
      %add3A_884 = arith.addi %mul3A_883, %get3A_868 : vector<16xi32>
      %jit3A_885 = arith.constant 0 : i32
      %broadcast_in_dim3A_886 = vector.broadcast %jit3A_885 : i32 to vector<16xi32>
      %select_n3A_887 = arith.select %and3A_878, %add3A_884, %broadcast_in_dim3A_886 : vector<16xi1>, vector<16xi32>
      tpu.vector_store_idx %arg7[%select_n3A_887], %broadcast_in_dim3A_1 masked %and3A_878 {add = true} : memref<102400xf32, #tpu.memory_space<vmem>>[vector<16xi32>], vector<16xf32>, vector<16xi1>
    }
    %scan3A_599 = arith.constant 500 : i32
    %mul3A_600 = arith.constant 40000 : i32
    %mul3A_601 = arith.muli %select_n3A_565, %mul3A_600 : i32
    %add3A_602 = arith.constant 8000 : i32
    %add3A_603 = arith.addi %mul3A_601, %add3A_602 : i32
    "tpu.region"() ({
      %run_scoped3A = tpu.sem_alloc : memref<!tpu.dma_semaphore, #tpu.memory_space<semaphore_mem>>
      %dma_start3A = tpu.memref_slice %arg2[%add3A_603] : memref<160000xi32, #tpu.memory_space<hbm>> -> memref<8000xi32, #tpu.memory_space<hbm>>
      %dma_start3A_865 = tpu.memref_slice %arg2[%add3A_603] : memref<160000xi32, #tpu.memory_space<hbm>> -> memref<8000xi32, #tpu.memory_space<hbm>>
      tpu.enqueue_dma source(%dma_start3A_865 : memref<8000xi32, #tpu.memory_space<hbm>>) target(%arg5 : memref<8000xi32, #tpu.memory_space<vmem>>) target_semaphore(%run_scoped3A : memref<!tpu.dma_semaphore, #tpu.memory_space<semaphore_mem>>)
      %dma_wait3A = tpu.memref_slice %arg2[%add3A_603] : memref<160000xi32, #tpu.memory_space<hbm>> -> memref<8000xi32, #tpu.memory_space<hbm>>
      %dma_wait3A_866 = tpu.memref_slice %arg2[%add3A_603] : memref<160000xi32, #tpu.memory_space<hbm>> -> memref<8000xi32, #tpu.memory_space<hbm>>
      tpu.wait_dma2 semaphore(%run_scoped3A : memref<!tpu.dma_semaphore, #tpu.memory_space<semaphore_mem>>) src(%dma_wait3A_866 : memref<8000xi32, #tpu.memory_space<hbm>>) dst(%arg5 : memref<8000xi32, #tpu.memory_space<vmem>>)
      tpu.yield
    }) : () -> ()
    "tpu.region"() ({
      %run_scoped3A = tpu.sem_alloc : memref<!tpu.dma_semaphore, #tpu.memory_space<semaphore_mem>>
      %dma_start3A = tpu.memref_slice %arg3[%add3A_603] : memref<160000xi32, #tpu.memory_space<hbm>> -> memref<8000xi32, #tpu.memory_space<hbm>>
      %dma_start3A_865 = tpu.memref_slice %arg3[%add3A_603] : memref<160000xi32, #tpu.memory_space<hbm>> -> memref<8000xi32, #tpu.memory_space<hbm>>
      tpu.enqueue_dma source(%dma_start3A_865 : memref<8000xi32, #tpu.memory_space<hbm>>) target(%arg6 : memref<8000xi32, #tpu.memory_space<vmem>>) target_semaphore(%run_scoped3A : memref<!tpu.dma_semaphore, #tpu.memory_space<semaphore_mem>>)
      %dma_wait3A = tpu.memref_slice %arg3[%add3A_603] : memref<160000xi32, #tpu.memory_space<hbm>> -> memref<8000xi32, #tpu.memory_space<hbm>>
      %dma_wait3A_866 = tpu.memref_slice %arg3[%add3A_603] : memref<160000xi32, #tpu.memory_space<hbm>> -> memref<8000xi32, #tpu.memory_space<hbm>>
      tpu.wait_dma2 semaphore(%run_scoped3A : memref<!tpu.dma_semaphore, #tpu.memory_space<semaphore_mem>>) src(%dma_wait3A_866 : memref<8000xi32, #tpu.memory_space<hbm>>) dst(%arg6 : memref<8000xi32, #tpu.memory_space<vmem>>)
      tpu.yield
    }) : () -> ()
    %scan3A_604 = arith.constant 0 : i32
    %scan3A_605 = arith.constant 0 : i32
    %scan3A_606 = arith.constant 500 : i32
    %scan3A_607 = arith.addi %scan3A_605, %scan3A_606 : i32
    %scan3A_608 = arith.constant 1 : i32
    scf.for %scan3A_865 = %scan3A_605 to %scan3A_607 step %scan3A_608  : i32 {
      %mul3A_866 = arith.constant 16 : i32
      %mul3A_867 = arith.muli %scan3A_865, %mul3A_866 : i32
      %get3A = arith.index_cast %mul3A_867 : i32 to index
      %get3A_868 = tpu.vector_load %arg5[%get3A] {strides = array<i32>} : memref<8000xi32, #tpu.memory_space<vmem>>, vector<16xi32>,
      %mul3A_869 = arith.constant 16 : i32
      %mul3A_870 = arith.muli %scan3A_865, %mul3A_869 : i32
      %get3A_871 = arith.index_cast %mul3A_870 : i32 to index
      %get3A_872 = tpu.vector_load %arg6[%get3A_871] {strides = array<i32>} : memref<8000xi32, #tpu.memory_space<vmem>>, vector<16xi32>,
      %ge3A = vector.broadcast %mul3A_583 : i32 to vector<16xi32>
      %ge3A_873 = arith.cmpi sge, %get3A_872, %ge3A : vector<16xi32>
      %add3A_874 = arith.constant 40 : i32
      %add3A_875 = arith.addi %mul3A_583, %add3A_874 : i32
      %lt3A_876 = vector.broadcast %add3A_875 : i32 to vector<16xi32>
      %lt3A_877 = arith.cmpi slt, %get3A_872, %lt3A_876 : vector<16xi32>
      %and3A_878 = arith.andi %ge3A_873, %lt3A_877 : vector<16xi1>
      %sub3A_879 = vector.broadcast %mul3A_583 : i32 to vector<16xi32>
      %sub3A_880 = arith.subi %get3A_872, %sub3A_879 : vector<16xi32>
      %mul3A_881 = arith.constant 2560 : i32
      %mul3A_882 = vector.broadcast %mul3A_881 : i32 to vector<16xi32>
      %mul3A_883 = arith.muli %sub3A_880, %mul3A_882 : vector<16xi32>
      %add3A_884 = arith.addi %mul3A_883, %get3A_868 : vector<16xi32>
      %jit3A_885 = arith.constant 0 : i32
      %broadcast_in_dim3A_886 = vector.broadcast %jit3A_885 : i32 to vector<16xi32>
      %select_n3A_887 = arith.select %and3A_878, %add3A_884, %broadcast_in_dim3A_886 : vector<16xi1>, vector<16xi32>
      tpu.vector_store_idx %arg7[%select_n3A_887], %broadcast_in_dim3A_1 masked %and3A_878 {add = true} : memref<102400xf32, #tpu.memory_space<vmem>>[vector<16xi32>], vector<16xf32>, vector<16xi1>
    }
    %scan3A_609 = arith.constant 500 : i32
    %mul3A_610 = arith.constant 40000 : i32
    %mul3A_611 = arith.muli %select_n3A_565, %mul3A_610 : i32
    %add3A_612 = arith.constant 16000 : i32
    %add3A_613 = arith.addi %mul3A_611, %add3A_612 : i32
    "tpu.region"() ({
      %run_scoped3A = tpu.sem_alloc : memref<!tpu.dma_semaphore, #tpu.memory_space<semaphore_mem>>
      %dma_start3A = tpu.memref_slice %arg2[%add3A_613] : memref<160000xi32, #tpu.memory_space<hbm>> -> memref<8000xi32, #tpu.memory_space<hbm>>
      %dma_start3A_865 = tpu.memref_slice %arg2[%add3A_613] : memref<160000xi32, #tpu.memory_space<hbm>> -> memref<8000xi32, #tpu.memory_space<hbm>>
      tpu.enqueue_dma source(%dma_start3A_865 : memref<8000xi32, #tpu.memory_space<hbm>>) target(%arg5 : memref<8000xi32, #tpu.memory_space<vmem>>) target_semaphore(%run_scoped3A : memref<!tpu.dma_semaphore, #tpu.memory_space<semaphore_mem>>)
      %dma_wait3A = tpu.memref_slice %arg2[%add3A_613] : memref<160000xi32, #tpu.memory_space<hbm>> -> memref<8000xi32, #tpu.memory_space<hbm>>
      %dma_wait3A_866 = tpu.memref_slice %arg2[%add3A_613] : memref<160000xi32, #tpu.memory_space<hbm>> -> memref<8000xi32, #tpu.memory_space<hbm>>
      tpu.wait_dma2 semaphore(%run_scoped3A : memref<!tpu.dma_semaphore, #tpu.memory_space<semaphore_mem>>) src(%dma_wait3A_866 : memref<8000xi32, #tpu.memory_space<hbm>>) dst(%arg5 : memref<8000xi32, #tpu.memory_space<vmem>>)
      tpu.yield
    }) : () -> ()
    "tpu.region"() ({
      %run_scoped3A = tpu.sem_alloc : memref<!tpu.dma_semaphore, #tpu.memory_space<semaphore_mem>>
      %dma_start3A = tpu.memref_slice %arg3[%add3A_613] : memref<160000xi32, #tpu.memory_space<hbm>> -> memref<8000xi32, #tpu.memory_space<hbm>>
      %dma_start3A_865 = tpu.memref_slice %arg3[%add3A_613] : memref<160000xi32, #tpu.memory_space<hbm>> -> memref<8000xi32, #tpu.memory_space<hbm>>
      tpu.enqueue_dma source(%dma_start3A_865 : memref<8000xi32, #tpu.memory_space<hbm>>) target(%arg6 : memref<8000xi32, #tpu.memory_space<vmem>>) target_semaphore(%run_scoped3A : memref<!tpu.dma_semaphore, #tpu.memory_space<semaphore_mem>>)
      %dma_wait3A = tpu.memref_slice %arg3[%add3A_613] : memref<160000xi32, #tpu.memory_space<hbm>> -> memref<8000xi32, #tpu.memory_space<hbm>>
      %dma_wait3A_866 = tpu.memref_slice %arg3[%add3A_613] : memref<160000xi32, #tpu.memory_space<hbm>> -> memref<8000xi32, #tpu.memory_space<hbm>>
      tpu.wait_dma2 semaphore(%run_scoped3A : memref<!tpu.dma_semaphore, #tpu.memory_space<semaphore_mem>>) src(%dma_wait3A_866 : memref<8000xi32, #tpu.memory_space<hbm>>) dst(%arg6 : memref<8000xi32, #tpu.memory_space<vmem>>)
      tpu.yield
    }) : () -> ()
    %scan3A_614 = arith.constant 0 : i32
    %scan3A_615 = arith.constant 0 : i32
    %scan3A_616 = arith.constant 500 : i32
    %scan3A_617 = arith.addi %scan3A_615, %scan3A_616 : i32
    %scan3A_618 = arith.constant 1 : i32
    scf.for %scan3A_865 = %scan3A_615 to %scan3A_617 step %scan3A_618  : i32 {
      %mul3A_866 = arith.constant 16 : i32
      %mul3A_867 = arith.muli %scan3A_865, %mul3A_866 : i32
      %get3A = arith.index_cast %mul3A_867 : i32 to index
      %get3A_868 = tpu.vector_load %arg5[%get3A] {strides = array<i32>} : memref<8000xi32, #tpu.memory_space<vmem>>, vector<16xi32>,
      %mul3A_869 = arith.constant 16 : i32
      %mul3A_870 = arith.muli %scan3A_865, %mul3A_869 : i32
      %get3A_871 = arith.index_cast %mul3A_870 : i32 to index
      %get3A_872 = tpu.vector_load %arg6[%get3A_871] {strides = array<i32>} : memref<8000xi32, #tpu.memory_space<vmem>>, vector<16xi32>,
      %ge3A = vector.broadcast %mul3A_583 : i32 to vector<16xi32>
      %ge3A_873 = arith.cmpi sge, %get3A_872, %ge3A : vector<16xi32>
      %add3A_874 = arith.constant 40 : i32
      %add3A_875 = arith.addi %mul3A_583, %add3A_874 : i32
      %lt3A_876 = vector.broadcast %add3A_875 : i32 to vector<16xi32>
      %lt3A_877 = arith.cmpi slt, %get3A_872, %lt3A_876 : vector<16xi32>
      %and3A_878 = arith.andi %ge3A_873, %lt3A_877 : vector<16xi1>
      %sub3A_879 = vector.broadcast %mul3A_583 : i32 to vector<16xi32>
      %sub3A_880 = arith.subi %get3A_872, %sub3A_879 : vector<16xi32>
      %mul3A_881 = arith.constant 2560 : i32
      %mul3A_882 = vector.broadcast %mul3A_881 : i32 to vector<16xi32>
      %mul3A_883 = arith.muli %sub3A_880, %mul3A_882 : vector<16xi32>
      %add3A_884 = arith.addi %mul3A_883, %get3A_868 : vector<16xi32>
      %jit3A_885 = arith.constant 0 : i32
      %broadcast_in_dim3A_886 = vector.broadcast %jit3A_885 : i32 to vector<16xi32>
      %select_n3A_887 = arith.select %and3A_878, %add3A_884, %broadcast_in_dim3A_886 : vector<16xi1>, vector<16xi32>
      tpu.vector_store_idx %arg7[%select_n3A_887], %broadcast_in_dim3A_1 masked %and3A_878 {add = true} : memref<102400xf32, #tpu.memory_space<vmem>>[vector<16xi32>], vector<16xf32>, vector<16xi1>
    }
    %scan3A_619 = arith.constant 500 : i32
    %mul3A_620 = arith.constant 40000 : i32
    %mul3A_621 = arith.muli %select_n3A_565, %mul3A_620 : i32
    %add3A_622 = arith.constant 24000 : i32
    %add3A_623 = arith.addi %mul3A_621, %add3A_622 : i32
    "tpu.region"() ({
      %run_scoped3A = tpu.sem_alloc : memref<!tpu.dma_semaphore, #tpu.memory_space<semaphore_mem>>
      %dma_start3A = tpu.memref_slice %arg2[%add3A_623] : memref<160000xi32, #tpu.memory_space<hbm>> -> memref<8000xi32, #tpu.memory_space<hbm>>
      %dma_start3A_865 = tpu.memref_slice %arg2[%add3A_623] : memref<160000xi32, #tpu.memory_space<hbm>> -> memref<8000xi32, #tpu.memory_space<hbm>>
      tpu.enqueue_dma source(%dma_start3A_865 : memref<8000xi32, #tpu.memory_space<hbm>>) target(%arg5 : memref<8000xi32, #tpu.memory_space<vmem>>) target_semaphore(%run_scoped3A : memref<!tpu.dma_semaphore, #tpu.memory_space<semaphore_mem>>)
      %dma_wait3A = tpu.memref_slice %arg2[%add3A_623] : memref<160000xi32, #tpu.memory_space<hbm>> -> memref<8000xi32, #tpu.memory_space<hbm>>
      %dma_wait3A_866 = tpu.memref_slice %arg2[%add3A_623] : memref<160000xi32, #tpu.memory_space<hbm>> -> memref<8000xi32, #tpu.memory_space<hbm>>
      tpu.wait_dma2 semaphore(%run_scoped3A : memref<!tpu.dma_semaphore, #tpu.memory_space<semaphore_mem>>) src(%dma_wait3A_866 : memref<8000xi32, #tpu.memory_space<hbm>>) dst(%arg5 : memref<8000xi32, #tpu.memory_space<vmem>>)
      tpu.yield
    }) : () -> ()
    "tpu.region"() ({
      %run_scoped3A = tpu.sem_alloc : memref<!tpu.dma_semaphore, #tpu.memory_space<semaphore_mem>>
      %dma_start3A = tpu.memref_slice %arg3[%add3A_623] : memref<160000xi32, #tpu.memory_space<hbm>> -> memref<8000xi32, #tpu.memory_space<hbm>>
      %dma_start3A_865 = tpu.memref_slice %arg3[%add3A_623] : memref<160000xi32, #tpu.memory_space<hbm>> -> memref<8000xi32, #tpu.memory_space<hbm>>
      tpu.enqueue_dma source(%dma_start3A_865 : memref<8000xi32, #tpu.memory_space<hbm>>) target(%arg6 : memref<8000xi32, #tpu.memory_space<vmem>>) target_semaphore(%run_scoped3A : memref<!tpu.dma_semaphore, #tpu.memory_space<semaphore_mem>>)
      %dma_wait3A = tpu.memref_slice %arg3[%add3A_623] : memref<160000xi32, #tpu.memory_space<hbm>> -> memref<8000xi32, #tpu.memory_space<hbm>>
      %dma_wait3A_866 = tpu.memref_slice %arg3[%add3A_623] : memref<160000xi32, #tpu.memory_space<hbm>> -> memref<8000xi32, #tpu.memory_space<hbm>>
      tpu.wait_dma2 semaphore(%run_scoped3A : memref<!tpu.dma_semaphore, #tpu.memory_space<semaphore_mem>>) src(%dma_wait3A_866 : memref<8000xi32, #tpu.memory_space<hbm>>) dst(%arg6 : memref<8000xi32, #tpu.memory_space<vmem>>)
      tpu.yield
    }) : () -> ()
    %scan3A_624 = arith.constant 0 : i32
    %scan3A_625 = arith.constant 0 : i32
    %scan3A_626 = arith.constant 500 : i32
    %scan3A_627 = arith.addi %scan3A_625, %scan3A_626 : i32
    %scan3A_628 = arith.constant 1 : i32
    scf.for %scan3A_865 = %scan3A_625 to %scan3A_627 step %scan3A_628  : i32 {
      %mul3A_866 = arith.constant 16 : i32
      %mul3A_867 = arith.muli %scan3A_865, %mul3A_866 : i32
      %get3A = arith.index_cast %mul3A_867 : i32 to index
      %get3A_868 = tpu.vector_load %arg5[%get3A] {strides = array<i32>} : memref<8000xi32, #tpu.memory_space<vmem>>, vector<16xi32>,
      %mul3A_869 = arith.constant 16 : i32
      %mul3A_870 = arith.muli %scan3A_865, %mul3A_869 : i32
      %get3A_871 = arith.index_cast %mul3A_870 : i32 to index
      %get3A_872 = tpu.vector_load %arg6[%get3A_871] {strides = array<i32>} : memref<8000xi32, #tpu.memory_space<vmem>>, vector<16xi32>,
      %ge3A = vector.broadcast %mul3A_583 : i32 to vector<16xi32>
      %ge3A_873 = arith.cmpi sge, %get3A_872, %ge3A : vector<16xi32>
      %add3A_874 = arith.constant 40 : i32
      %add3A_875 = arith.addi %mul3A_583, %add3A_874 : i32
      %lt3A_876 = vector.broadcast %add3A_875 : i32 to vector<16xi32>
      %lt3A_877 = arith.cmpi slt, %get3A_872, %lt3A_876 : vector<16xi32>
      %and3A_878 = arith.andi %ge3A_873, %lt3A_877 : vector<16xi1>
      %sub3A_879 = vector.broadcast %mul3A_583 : i32 to vector<16xi32>
      %sub3A_880 = arith.subi %get3A_872, %sub3A_879 : vector<16xi32>
      %mul3A_881 = arith.constant 2560 : i32
      %mul3A_882 = vector.broadcast %mul3A_881 : i32 to vector<16xi32>
      %mul3A_883 = arith.muli %sub3A_880, %mul3A_882 : vector<16xi32>
      %add3A_884 = arith.addi %mul3A_883, %get3A_868 : vector<16xi32>
      %jit3A_885 = arith.constant 0 : i32
      %broadcast_in_dim3A_886 = vector.broadcast %jit3A_885 : i32 to vector<16xi32>
      %select_n3A_887 = arith.select %and3A_878, %add3A_884, %broadcast_in_dim3A_886 : vector<16xi1>, vector<16xi32>
      tpu.vector_store_idx %arg7[%select_n3A_887], %broadcast_in_dim3A_1 masked %and3A_878 {add = true} : memref<102400xf32, #tpu.memory_space<vmem>>[vector<16xi32>], vector<16xf32>, vector<16xi1>
    }
    %scan3A_629 = arith.constant 500 : i32
    %mul3A_630 = arith.constant 40000 : i32
    %mul3A_631 = arith.muli %select_n3A_565, %mul3A_630 : i32
    %add3A_632 = arith.constant 32000 : i32
    %add3A_633 = arith.addi %mul3A_631, %add3A_632 : i32
    "tpu.region"() ({
      %run_scoped3A = tpu.sem_alloc : memref<!tpu.dma_semaphore, #tpu.memory_space<semaphore_mem>>
      %dma_start3A = tpu.memref_slice %arg2[%add3A_633] : memref<160000xi32, #tpu.memory_space<hbm>> -> memref<8000xi32, #tpu.memory_space<hbm>>
      %dma_start3A_865 = tpu.memref_slice %arg2[%add3A_633] : memref<160000xi32, #tpu.memory_space<hbm>> -> memref<8000xi32, #tpu.memory_space<hbm>>
      tpu.enqueue_dma source(%dma_start3A_865 : memref<8000xi32, #tpu.memory_space<hbm>>) target(%arg5 : memref<8000xi32, #tpu.memory_space<vmem>>) target_semaphore(%run_scoped3A : memref<!tpu.dma_semaphore, #tpu.memory_space<semaphore_mem>>)
      %dma_wait3A = tpu.memref_slice %arg2[%add3A_633] : memref<160000xi32, #tpu.memory_space<hbm>> -> memref<8000xi32, #tpu.memory_space<hbm>>
      %dma_wait3A_866 = tpu.memref_slice %arg2[%add3A_633] : memref<160000xi32, #tpu.memory_space<hbm>> -> memref<8000xi32, #tpu.memory_space<hbm>>
      tpu.wait_dma2 semaphore(%run_scoped3A : memref<!tpu.dma_semaphore, #tpu.memory_space<semaphore_mem>>) src(%dma_wait3A_866 : memref<8000xi32, #tpu.memory_space<hbm>>) dst(%arg5 : memref<8000xi32, #tpu.memory_space<vmem>>)
      tpu.yield
    }) : () -> ()
    "tpu.region"() ({
      %run_scoped3A = tpu.sem_alloc : memref<!tpu.dma_semaphore, #tpu.memory_space<semaphore_mem>>
      %dma_start3A = tpu.memref_slice %arg3[%add3A_633] : memref<160000xi32, #tpu.memory_space<hbm>> -> memref<8000xi32, #tpu.memory_space<hbm>>
      %dma_start3A_865 = tpu.memref_slice %arg3[%add3A_633] : memref<160000xi32, #tpu.memory_space<hbm>> -> memref<8000xi32, #tpu.memory_space<hbm>>
      tpu.enqueue_dma source(%dma_start3A_865 : memref<8000xi32, #tpu.memory_space<hbm>>) target(%arg6 : memref<8000xi32, #tpu.memory_space<vmem>>) target_semaphore(%run_scoped3A : memref<!tpu.dma_semaphore, #tpu.memory_space<semaphore_mem>>)
      %dma_wait3A = tpu.memref_slice %arg3[%add3A_633] : memref<160000xi32, #tpu.memory_space<hbm>> -> memref<8000xi32, #tpu.memory_space<hbm>>
      %dma_wait3A_866 = tpu.memref_slice %arg3[%add3A_633] : memref<160000xi32, #tpu.memory_space<hbm>> -> memref<8000xi32, #tpu.memory_space<hbm>>
      tpu.wait_dma2 semaphore(%run_scoped3A : memref<!tpu.dma_semaphore, #tpu.memory_space<semaphore_mem>>) src(%dma_wait3A_866 : memref<8000xi32, #tpu.memory_space<hbm>>) dst(%arg6 : memref<8000xi32, #tpu.memory_space<vmem>>)
      tpu.yield
    }) : () -> ()
    %scan3A_634 = arith.constant 0 : i32
    %scan3A_635 = arith.constant 0 : i32
    %scan3A_636 = arith.constant 500 : i32
    %scan3A_637 = arith.addi %scan3A_635, %scan3A_636 : i32
    %scan3A_638 = arith.constant 1 : i32
    scf.for %scan3A_865 = %scan3A_635 to %scan3A_637 step %scan3A_638  : i32 {
      %mul3A_866 = arith.constant 16 : i32
      %mul3A_867 = arith.muli %scan3A_865, %mul3A_866 : i32
      %get3A = arith.index_cast %mul3A_867 : i32 to index
      %get3A_868 = tpu.vector_load %arg5[%get3A] {strides = array<i32>} : memref<8000xi32, #tpu.memory_space<vmem>>, vector<16xi32>,
      %mul3A_869 = arith.constant 16 : i32
      %mul3A_870 = arith.muli %scan3A_865, %mul3A_869 : i32
      %get3A_871 = arith.index_cast %mul3A_870 : i32 to index
      %get3A_872 = tpu.vector_load %arg6[%get3A_871] {strides = array<i32>} : memref<8000xi32, #tpu.memory_space<vmem>>, vector<16xi32>,
      %ge3A = vector.broadcast %mul3A_583 : i32 to vector<16xi32>
      %ge3A_873 = arith.cmpi sge, %get3A_872, %ge3A : vector<16xi32>
      %add3A_874 = arith.constant 40 : i32
      %add3A_875 = arith.addi %mul3A_583, %add3A_874 : i32
      %lt3A_876 = vector.broadcast %add3A_875 : i32 to vector<16xi32>
      %lt3A_877 = arith.cmpi slt, %get3A_872, %lt3A_876 : vector<16xi32>
      %and3A_878 = arith.andi %ge3A_873, %lt3A_877 : vector<16xi1>
      %sub3A_879 = vector.broadcast %mul3A_583 : i32 to vector<16xi32>
      %sub3A_880 = arith.subi %get3A_872, %sub3A_879 : vector<16xi32>
      %mul3A_881 = arith.constant 2560 : i32
      %mul3A_882 = vector.broadcast %mul3A_881 : i32 to vector<16xi32>
      %mul3A_883 = arith.muli %sub3A_880, %mul3A_882 : vector<16xi32>
      %add3A_884 = arith.addi %mul3A_883, %get3A_868 : vector<16xi32>
      %jit3A_885 = arith.constant 0 : i32
      %broadcast_in_dim3A_886 = vector.broadcast %jit3A_885 : i32 to vector<16xi32>
      %select_n3A_887 = arith.select %and3A_878, %add3A_884, %broadcast_in_dim3A_886 : vector<16xi1>, vector<16xi32>
      tpu.vector_store_idx %arg7[%select_n3A_887], %broadcast_in_dim3A_1 masked %and3A_878 {add = true} : memref<102400xf32, #tpu.memory_space<vmem>>[vector<16xi32>], vector<16xf32>, vector<16xi1>
    }
    %scan3A_639 = arith.constant 500 : i32
    %mul3A_640 = arith.constant 2560 : i32
    %mul3A_641 = arith.muli %select_n3A_565, %mul3A_640 : i32
    %mul3A_642 = arith.constant 2560 : i32
    %mul3A_643 = arith.muli %mul3A_641, %mul3A_642 : i32
    %mul3A_644 = arith.constant 2560 : i32
    %mul3A_645 = arith.muli %mul3A_583, %mul3A_644 : i32
    %add3A_646 = arith.addi %mul3A_643, %mul3A_645 : i32
    "tpu.region"() ({
      %run_scoped3A = tpu.sem_alloc : memref<!tpu.dma_semaphore, #tpu.memory_space<semaphore_mem>>
      %dma_start3A = tpu.memref_slice %arg4[%add3A_646] : memref<26214400xf32, #tpu.memory_space<hbm>> -> memref<102400xf32, #tpu.memory_space<hbm>>
      %dma_start3A_865 = tpu.memref_slice %arg4[%add3A_646] : memref<26214400xf32, #tpu.memory_space<hbm>> -> memref<102400xf32, #tpu.memory_space<hbm>>
      tpu.enqueue_dma source(%arg7 : memref<102400xf32, #tpu.memory_space<vmem>>) target(%dma_start3A_865 : memref<102400xf32, #tpu.memory_space<hbm>>) target_semaphore(%run_scoped3A : memref<!tpu.dma_semaphore, #tpu.memory_space<semaphore_mem>>)
      %dma_wait3A = tpu.memref_slice %arg4[%add3A_646] : memref<26214400xf32, #tpu.memory_space<hbm>> -> memref<102400xf32, #tpu.memory_space<hbm>>
      %dma_wait3A_866 = tpu.memref_slice %arg4[%add3A_646] : memref<26214400xf32, #tpu.memory_space<hbm>> -> memref<102400xf32, #tpu.memory_space<hbm>>
      tpu.wait_dma2 semaphore(%run_scoped3A : memref<!tpu.dma_semaphore, #tpu.memory_space<semaphore_mem>>) src(%arg7 : memref<102400xf32, #tpu.memory_space<vmem>>) dst(%dma_wait3A_866 : memref<102400xf32, #tpu.memory_space<hbm>>)
      tpu.yield
    }) : () -> ()
    %mul3A_647 = arith.constant 8 : i32
    %mul3A_648 = arith.muli %add3A, %mul3A_647 : i32
    %add3A_649 = arith.constant 6 : i32
    %add3A_650 = arith.addi %mul3A_648, %add3A_649 : i32
    %jit3A_651 = arith.constant 64 : i32
    %div3A_652 = arith.divsi %add3A_650, %jit3A_651 : i32
    %sign3A_653 = arith.constant 0 : i32
    %sign3A_654 = arith.cmpi sgt, %add3A_650, %sign3A_653 : i32
    %sign3A_655 = arith.extui %sign3A_654 : i1 to i32
    %sign3A_656 = arith.constant 0 : i32
    %sign3A_657 = arith.cmpi slt, %add3A_650, %sign3A_656 : i32
    %sign3A_658 = arith.extui %sign3A_657 : i1 to i32
    %sign3A_659 = arith.subi %sign3A_655, %sign3A_658 : i32
    %sign3A_660 = arith.constant 0 : i32
    %sign3A_661 = arith.cmpi sgt, %jit3A_651, %sign3A_660 : i32
    %sign3A_662 = arith.extui %sign3A_661 : i1 to i32
    %sign3A_663 = arith.constant 0 : i32
    %sign3A_664 = arith.cmpi slt, %jit3A_651, %sign3A_663 : i32
    %sign3A_665 = arith.extui %sign3A_664 : i1 to i32
    %sign3A_666 = arith.subi %sign3A_662, %sign3A_665 : i32
    %ne3A_667 = arith.cmpi ne, %sign3A_659, %sign3A_666 : i32
    %rem3A_668 = arith.remsi %add3A_650, %jit3A_651 : i32
    %ne3A_669 = arith.constant 0 : i32
    %ne3A_670 = arith.cmpi ne, %rem3A_668, %ne3A_669 : i32
    %and3A_671 = arith.andi %ne3A_667, %ne3A_670 : i1
    %sub3A_672 = arith.constant 1 : i32
    %sub3A_673 = arith.subi %div3A_652, %sub3A_672 : i32
    %select_n3A_674 = arith.select %and3A_671, %sub3A_673, %div3A_652 : i32
    %jit3A_675 = arith.constant 64 : i32
    %eq3A_676 = arith.constant 0 : i32
    %eq3A_677 = arith.cmpi eq, %jit3A_675, %eq3A_676 : i32
    %jit3A_678 = arith.constant 1 : i32
    %select_n3A_679 = arith.select %eq3A_677, %jit3A_678, %jit3A_675 : i32
    %rem3A_680 = arith.remsi %add3A_650, %select_n3A_679 : i32
    %ne3A_681 = arith.constant 0 : i32
    %ne3A_682 = arith.cmpi ne, %rem3A_680, %ne3A_681 : i32
    %lt3A_683 = arith.constant 0 : i32
    %lt3A_684 = arith.cmpi slt, %rem3A_680, %lt3A_683 : i32
    %lt3A_685 = arith.constant 0 : i32
    %lt3A_686 = arith.cmpi slt, %select_n3A_679, %lt3A_685 : i32
    %ne3A_687 = arith.xori %lt3A_684, %lt3A_686 : i1
    %and3A_688 = arith.andi %ne3A_687, %ne3A_682 : i1
    %add3A_689 = arith.addi %rem3A_680, %select_n3A_679 : i32
    %select_n3A_690 = arith.select %and3A_688, %add3A_689, %rem3A_680 : i32
    %mul3A_691 = arith.constant 40 : i32
    %mul3A_692 = arith.muli %select_n3A_690, %mul3A_691 : i32
    %scan3A_693 = arith.constant 0 : i32
    %scan3A_694 = arith.constant 0 : i32
    %scan3A_695 = arith.constant 6400 : i32
    %scan3A_696 = arith.addi %scan3A_694, %scan3A_695 : i32
    %scan3A_697 = arith.constant 1 : i32
    scf.for %scan3A_865 = %scan3A_694 to %scan3A_696 step %scan3A_697  : i32 {
      %mul3A_866 = arith.constant 16 : i32
      %mul3A_867 = arith.muli %scan3A_865, %mul3A_866 : i32
      %swap3A = arith.index_cast %mul3A_867 : i32 to index
      %swap3A_868 = tpu.vector_load %arg7[%swap3A] {strides = array<i32>} : memref<102400xf32, #tpu.memory_space<vmem>>, vector<16xf32>,
      tpu.vector_store %arg7[%swap3A], %broadcast_in_dim3A_3 {strides = array<i32>} : memref<102400xf32, #tpu.memory_space<vmem>>, vector<16xf32>,
    }
    %scan3A_698 = arith.constant 6400 : i32
    %mul3A_699 = arith.constant 40000 : i32
    %mul3A_700 = arith.muli %select_n3A_674, %mul3A_699 : i32
    %add3A_701 = arith.constant 0 : i32
    %add3A_702 = arith.addi %mul3A_700, %add3A_701 : i32
    "tpu.region"() ({
      %run_scoped3A = tpu.sem_alloc : memref<!tpu.dma_semaphore, #tpu.memory_space<semaphore_mem>>
      %dma_start3A = tpu.memref_slice %arg2[%add3A_702] : memref<160000xi32, #tpu.memory_space<hbm>> -> memref<8000xi32, #tpu.memory_space<hbm>>
      %dma_start3A_865 = tpu.memref_slice %arg2[%add3A_702] : memref<160000xi32, #tpu.memory_space<hbm>> -> memref<8000xi32, #tpu.memory_space<hbm>>
      tpu.enqueue_dma source(%dma_start3A_865 : memref<8000xi32, #tpu.memory_space<hbm>>) target(%arg5 : memref<8000xi32, #tpu.memory_space<vmem>>) target_semaphore(%run_scoped3A : memref<!tpu.dma_semaphore, #tpu.memory_space<semaphore_mem>>)
      %dma_wait3A = tpu.memref_slice %arg2[%add3A_702] : memref<160000xi32, #tpu.memory_space<hbm>> -> memref<8000xi32, #tpu.memory_space<hbm>>
      %dma_wait3A_866 = tpu.memref_slice %arg2[%add3A_702] : memref<160000xi32, #tpu.memory_space<hbm>> -> memref<8000xi32, #tpu.memory_space<hbm>>
      tpu.wait_dma2 semaphore(%run_scoped3A : memref<!tpu.dma_semaphore, #tpu.memory_space<semaphore_mem>>) src(%dma_wait3A_866 : memref<8000xi32, #tpu.memory_space<hbm>>) dst(%arg5 : memref<8000xi32, #tpu.memory_space<vmem>>)
      tpu.yield
    }) : () -> ()
    "tpu.region"() ({
      %run_scoped3A = tpu.sem_alloc : memref<!tpu.dma_semaphore, #tpu.memory_space<semaphore_mem>>
      %dma_start3A = tpu.memref_slice %arg3[%add3A_702] : memref<160000xi32, #tpu.memory_space<hbm>> -> memref<8000xi32, #tpu.memory_space<hbm>>
      %dma_start3A_865 = tpu.memref_slice %arg3[%add3A_702] : memref<160000xi32, #tpu.memory_space<hbm>> -> memref<8000xi32, #tpu.memory_space<hbm>>
      tpu.enqueue_dma source(%dma_start3A_865 : memref<8000xi32, #tpu.memory_space<hbm>>) target(%arg6 : memref<8000xi32, #tpu.memory_space<vmem>>) target_semaphore(%run_scoped3A : memref<!tpu.dma_semaphore, #tpu.memory_space<semaphore_mem>>)
      %dma_wait3A = tpu.memref_slice %arg3[%add3A_702] : memref<160000xi32, #tpu.memory_space<hbm>> -> memref<8000xi32, #tpu.memory_space<hbm>>
      %dma_wait3A_866 = tpu.memref_slice %arg3[%add3A_702] : memref<160000xi32, #tpu.memory_space<hbm>> -> memref<8000xi32, #tpu.memory_space<hbm>>
      tpu.wait_dma2 semaphore(%run_scoped3A : memref<!tpu.dma_semaphore, #tpu.memory_space<semaphore_mem>>) src(%dma_wait3A_866 : memref<8000xi32, #tpu.memory_space<hbm>>) dst(%arg6 : memref<8000xi32, #tpu.memory_space<vmem>>)
      tpu.yield
    }) : () -> ()
    %scan3A_703 = arith.constant 0 : i32
    %scan3A_704 = arith.constant 0 : i32
    %scan3A_705 = arith.constant 500 : i32
    %scan3A_706 = arith.addi %scan3A_704, %scan3A_705 : i32
    %scan3A_707 = arith.constant 1 : i32
    scf.for %scan3A_865 = %scan3A_704 to %scan3A_706 step %scan3A_707  : i32 {
      %mul3A_866 = arith.constant 16 : i32
      %mul3A_867 = arith.muli %scan3A_865, %mul3A_866 : i32
      %get3A = arith.index_cast %mul3A_867 : i32 to index
      %get3A_868 = tpu.vector_load %arg5[%get3A] {strides = array<i32>} : memref<8000xi32, #tpu.memory_space<vmem>>, vector<16xi32>,
      %mul3A_869 = arith.constant 16 : i32
      %mul3A_870 = arith.muli %scan3A_865, %mul3A_869 : i32
      %get3A_871 = arith.index_cast %mul3A_870 : i32 to index
      %get3A_872 = tpu.vector_load %arg6[%get3A_871] {strides = array<i32>} : memref<8000xi32, #tpu.memory_space<vmem>>, vector<16xi32>,
      %ge3A = vector.broadcast %mul3A_692 : i32 to vector<16xi32>
      %ge3A_873 = arith.cmpi sge, %get3A_872, %ge3A : vector<16xi32>
      %add3A_874 = arith.constant 40 : i32
      %add3A_875 = arith.addi %mul3A_692, %add3A_874 : i32
      %lt3A_876 = vector.broadcast %add3A_875 : i32 to vector<16xi32>
      %lt3A_877 = arith.cmpi slt, %get3A_872, %lt3A_876 : vector<16xi32>
      %and3A_878 = arith.andi %ge3A_873, %lt3A_877 : vector<16xi1>
      %sub3A_879 = vector.broadcast %mul3A_692 : i32 to vector<16xi32>
      %sub3A_880 = arith.subi %get3A_872, %sub3A_879 : vector<16xi32>
      %mul3A_881 = arith.constant 2560 : i32
      %mul3A_882 = vector.broadcast %mul3A_881 : i32 to vector<16xi32>
      %mul3A_883 = arith.muli %sub3A_880, %mul3A_882 : vector<16xi32>
      %add3A_884 = arith.addi %mul3A_883, %get3A_868 : vector<16xi32>
      %jit3A_885 = arith.constant 0 : i32
      %broadcast_in_dim3A_886 = vector.broadcast %jit3A_885 : i32 to vector<16xi32>
      %select_n3A_887 = arith.select %and3A_878, %add3A_884, %broadcast_in_dim3A_886 : vector<16xi1>, vector<16xi32>
      tpu.vector_store_idx %arg7[%select_n3A_887], %broadcast_in_dim3A_1 masked %and3A_878 {add = true} : memref<102400xf32, #tpu.memory_space<vmem>>[vector<16xi32>], vector<16xf32>, vector<16xi1>
    }
    %scan3A_708 = arith.constant 500 : i32
    %mul3A_709 = arith.constant 40000 : i32
    %mul3A_710 = arith.muli %select_n3A_674, %mul3A_709 : i32
    %add3A_711 = arith.constant 8000 : i32
    %add3A_712 = arith.addi %mul3A_710, %add3A_711 : i32
    "tpu.region"() ({
      %run_scoped3A = tpu.sem_alloc : memref<!tpu.dma_semaphore, #tpu.memory_space<semaphore_mem>>
      %dma_start3A = tpu.memref_slice %arg2[%add3A_712] : memref<160000xi32, #tpu.memory_space<hbm>> -> memref<8000xi32, #tpu.memory_space<hbm>>
      %dma_start3A_865 = tpu.memref_slice %arg2[%add3A_712] : memref<160000xi32, #tpu.memory_space<hbm>> -> memref<8000xi32, #tpu.memory_space<hbm>>
      tpu.enqueue_dma source(%dma_start3A_865 : memref<8000xi32, #tpu.memory_space<hbm>>) target(%arg5 : memref<8000xi32, #tpu.memory_space<vmem>>) target_semaphore(%run_scoped3A : memref<!tpu.dma_semaphore, #tpu.memory_space<semaphore_mem>>)
      %dma_wait3A = tpu.memref_slice %arg2[%add3A_712] : memref<160000xi32, #tpu.memory_space<hbm>> -> memref<8000xi32, #tpu.memory_space<hbm>>
      %dma_wait3A_866 = tpu.memref_slice %arg2[%add3A_712] : memref<160000xi32, #tpu.memory_space<hbm>> -> memref<8000xi32, #tpu.memory_space<hbm>>
      tpu.wait_dma2 semaphore(%run_scoped3A : memref<!tpu.dma_semaphore, #tpu.memory_space<semaphore_mem>>) src(%dma_wait3A_866 : memref<8000xi32, #tpu.memory_space<hbm>>) dst(%arg5 : memref<8000xi32, #tpu.memory_space<vmem>>)
      tpu.yield
    }) : () -> ()
    "tpu.region"() ({
      %run_scoped3A = tpu.sem_alloc : memref<!tpu.dma_semaphore, #tpu.memory_space<semaphore_mem>>
      %dma_start3A = tpu.memref_slice %arg3[%add3A_712] : memref<160000xi32, #tpu.memory_space<hbm>> -> memref<8000xi32, #tpu.memory_space<hbm>>
      %dma_start3A_865 = tpu.memref_slice %arg3[%add3A_712] : memref<160000xi32, #tpu.memory_space<hbm>> -> memref<8000xi32, #tpu.memory_space<hbm>>
      tpu.enqueue_dma source(%dma_start3A_865 : memref<8000xi32, #tpu.memory_space<hbm>>) target(%arg6 : memref<8000xi32, #tpu.memory_space<vmem>>) target_semaphore(%run_scoped3A : memref<!tpu.dma_semaphore, #tpu.memory_space<semaphore_mem>>)
      %dma_wait3A = tpu.memref_slice %arg3[%add3A_712] : memref<160000xi32, #tpu.memory_space<hbm>> -> memref<8000xi32, #tpu.memory_space<hbm>>
      %dma_wait3A_866 = tpu.memref_slice %arg3[%add3A_712] : memref<160000xi32, #tpu.memory_space<hbm>> -> memref<8000xi32, #tpu.memory_space<hbm>>
      tpu.wait_dma2 semaphore(%run_scoped3A : memref<!tpu.dma_semaphore, #tpu.memory_space<semaphore_mem>>) src(%dma_wait3A_866 : memref<8000xi32, #tpu.memory_space<hbm>>) dst(%arg6 : memref<8000xi32, #tpu.memory_space<vmem>>)
      tpu.yield
    }) : () -> ()
    %scan3A_713 = arith.constant 0 : i32
    %scan3A_714 = arith.constant 0 : i32
    %scan3A_715 = arith.constant 500 : i32
    %scan3A_716 = arith.addi %scan3A_714, %scan3A_715 : i32
    %scan3A_717 = arith.constant 1 : i32
    scf.for %scan3A_865 = %scan3A_714 to %scan3A_716 step %scan3A_717  : i32 {
      %mul3A_866 = arith.constant 16 : i32
      %mul3A_867 = arith.muli %scan3A_865, %mul3A_866 : i32
      %get3A = arith.index_cast %mul3A_867 : i32 to index
      %get3A_868 = tpu.vector_load %arg5[%get3A] {strides = array<i32>} : memref<8000xi32, #tpu.memory_space<vmem>>, vector<16xi32>,
      %mul3A_869 = arith.constant 16 : i32
      %mul3A_870 = arith.muli %scan3A_865, %mul3A_869 : i32
      %get3A_871 = arith.index_cast %mul3A_870 : i32 to index
      %get3A_872 = tpu.vector_load %arg6[%get3A_871] {strides = array<i32>} : memref<8000xi32, #tpu.memory_space<vmem>>, vector<16xi32>,
      %ge3A = vector.broadcast %mul3A_692 : i32 to vector<16xi32>
      %ge3A_873 = arith.cmpi sge, %get3A_872, %ge3A : vector<16xi32>
      %add3A_874 = arith.constant 40 : i32
      %add3A_875 = arith.addi %mul3A_692, %add3A_874 : i32
      %lt3A_876 = vector.broadcast %add3A_875 : i32 to vector<16xi32>
      %lt3A_877 = arith.cmpi slt, %get3A_872, %lt3A_876 : vector<16xi32>
      %and3A_878 = arith.andi %ge3A_873, %lt3A_877 : vector<16xi1>
      %sub3A_879 = vector.broadcast %mul3A_692 : i32 to vector<16xi32>
      %sub3A_880 = arith.subi %get3A_872, %sub3A_879 : vector<16xi32>
      %mul3A_881 = arith.constant 2560 : i32
      %mul3A_882 = vector.broadcast %mul3A_881 : i32 to vector<16xi32>
      %mul3A_883 = arith.muli %sub3A_880, %mul3A_882 : vector<16xi32>
      %add3A_884 = arith.addi %mul3A_883, %get3A_868 : vector<16xi32>
      %jit3A_885 = arith.constant 0 : i32
      %broadcast_in_dim3A_886 = vector.broadcast %jit3A_885 : i32 to vector<16xi32>
      %select_n3A_887 = arith.select %and3A_878, %add3A_884, %broadcast_in_dim3A_886 : vector<16xi1>, vector<16xi32>
      tpu.vector_store_idx %arg7[%select_n3A_887], %broadcast_in_dim3A_1 masked %and3A_878 {add = true} : memref<102400xf32, #tpu.memory_space<vmem>>[vector<16xi32>], vector<16xf32>, vector<16xi1>
    }
    %scan3A_718 = arith.constant 500 : i32
    %mul3A_719 = arith.constant 40000 : i32
    %mul3A_720 = arith.muli %select_n3A_674, %mul3A_719 : i32
    %add3A_721 = arith.constant 16000 : i32
    %add3A_722 = arith.addi %mul3A_720, %add3A_721 : i32
    "tpu.region"() ({
      %run_scoped3A = tpu.sem_alloc : memref<!tpu.dma_semaphore, #tpu.memory_space<semaphore_mem>>
      %dma_start3A = tpu.memref_slice %arg2[%add3A_722] : memref<160000xi32, #tpu.memory_space<hbm>> -> memref<8000xi32, #tpu.memory_space<hbm>>
      %dma_start3A_865 = tpu.memref_slice %arg2[%add3A_722] : memref<160000xi32, #tpu.memory_space<hbm>> -> memref<8000xi32, #tpu.memory_space<hbm>>
      tpu.enqueue_dma source(%dma_start3A_865 : memref<8000xi32, #tpu.memory_space<hbm>>) target(%arg5 : memref<8000xi32, #tpu.memory_space<vmem>>) target_semaphore(%run_scoped3A : memref<!tpu.dma_semaphore, #tpu.memory_space<semaphore_mem>>)
      %dma_wait3A = tpu.memref_slice %arg2[%add3A_722] : memref<160000xi32, #tpu.memory_space<hbm>> -> memref<8000xi32, #tpu.memory_space<hbm>>
      %dma_wait3A_866 = tpu.memref_slice %arg2[%add3A_722] : memref<160000xi32, #tpu.memory_space<hbm>> -> memref<8000xi32, #tpu.memory_space<hbm>>
      tpu.wait_dma2 semaphore(%run_scoped3A : memref<!tpu.dma_semaphore, #tpu.memory_space<semaphore_mem>>) src(%dma_wait3A_866 : memref<8000xi32, #tpu.memory_space<hbm>>) dst(%arg5 : memref<8000xi32, #tpu.memory_space<vmem>>)
      tpu.yield
    }) : () -> ()
    "tpu.region"() ({
      %run_scoped3A = tpu.sem_alloc : memref<!tpu.dma_semaphore, #tpu.memory_space<semaphore_mem>>
      %dma_start3A = tpu.memref_slice %arg3[%add3A_722] : memref<160000xi32, #tpu.memory_space<hbm>> -> memref<8000xi32, #tpu.memory_space<hbm>>
      %dma_start3A_865 = tpu.memref_slice %arg3[%add3A_722] : memref<160000xi32, #tpu.memory_space<hbm>> -> memref<8000xi32, #tpu.memory_space<hbm>>
      tpu.enqueue_dma source(%dma_start3A_865 : memref<8000xi32, #tpu.memory_space<hbm>>) target(%arg6 : memref<8000xi32, #tpu.memory_space<vmem>>) target_semaphore(%run_scoped3A : memref<!tpu.dma_semaphore, #tpu.memory_space<semaphore_mem>>)
      %dma_wait3A = tpu.memref_slice %arg3[%add3A_722] : memref<160000xi32, #tpu.memory_space<hbm>> -> memref<8000xi32, #tpu.memory_space<hbm>>
      %dma_wait3A_866 = tpu.memref_slice %arg3[%add3A_722] : memref<160000xi32, #tpu.memory_space<hbm>> -> memref<8000xi32, #tpu.memory_space<hbm>>
      tpu.wait_dma2 semaphore(%run_scoped3A : memref<!tpu.dma_semaphore, #tpu.memory_space<semaphore_mem>>) src(%dma_wait3A_866 : memref<8000xi32, #tpu.memory_space<hbm>>) dst(%arg6 : memref<8000xi32, #tpu.memory_space<vmem>>)
      tpu.yield
    }) : () -> ()
    %scan3A_723 = arith.constant 0 : i32
    %scan3A_724 = arith.constant 0 : i32
    %scan3A_725 = arith.constant 500 : i32
    %scan3A_726 = arith.addi %scan3A_724, %scan3A_725 : i32
    %scan3A_727 = arith.constant 1 : i32
    scf.for %scan3A_865 = %scan3A_724 to %scan3A_726 step %scan3A_727  : i32 {
      %mul3A_866 = arith.constant 16 : i32
      %mul3A_867 = arith.muli %scan3A_865, %mul3A_866 : i32
      %get3A = arith.index_cast %mul3A_867 : i32 to index
      %get3A_868 = tpu.vector_load %arg5[%get3A] {strides = array<i32>} : memref<8000xi32, #tpu.memory_space<vmem>>, vector<16xi32>,
      %mul3A_869 = arith.constant 16 : i32
      %mul3A_870 = arith.muli %scan3A_865, %mul3A_869 : i32
      %get3A_871 = arith.index_cast %mul3A_870 : i32 to index
      %get3A_872 = tpu.vector_load %arg6[%get3A_871] {strides = array<i32>} : memref<8000xi32, #tpu.memory_space<vmem>>, vector<16xi32>,
      %ge3A = vector.broadcast %mul3A_692 : i32 to vector<16xi32>
      %ge3A_873 = arith.cmpi sge, %get3A_872, %ge3A : vector<16xi32>
      %add3A_874 = arith.constant 40 : i32
      %add3A_875 = arith.addi %mul3A_692, %add3A_874 : i32
      %lt3A_876 = vector.broadcast %add3A_875 : i32 to vector<16xi32>
      %lt3A_877 = arith.cmpi slt, %get3A_872, %lt3A_876 : vector<16xi32>
      %and3A_878 = arith.andi %ge3A_873, %lt3A_877 : vector<16xi1>
      %sub3A_879 = vector.broadcast %mul3A_692 : i32 to vector<16xi32>
      %sub3A_880 = arith.subi %get3A_872, %sub3A_879 : vector<16xi32>
      %mul3A_881 = arith.constant 2560 : i32
      %mul3A_882 = vector.broadcast %mul3A_881 : i32 to vector<16xi32>
      %mul3A_883 = arith.muli %sub3A_880, %mul3A_882 : vector<16xi32>
      %add3A_884 = arith.addi %mul3A_883, %get3A_868 : vector<16xi32>
      %jit3A_885 = arith.constant 0 : i32
      %broadcast_in_dim3A_886 = vector.broadcast %jit3A_885 : i32 to vector<16xi32>
      %select_n3A_887 = arith.select %and3A_878, %add3A_884, %broadcast_in_dim3A_886 : vector<16xi1>, vector<16xi32>
      tpu.vector_store_idx %arg7[%select_n3A_887], %broadcast_in_dim3A_1 masked %and3A_878 {add = true} : memref<102400xf32, #tpu.memory_space<vmem>>[vector<16xi32>], vector<16xf32>, vector<16xi1>
    }
    %scan3A_728 = arith.constant 500 : i32
    %mul3A_729 = arith.constant 40000 : i32
    %mul3A_730 = arith.muli %select_n3A_674, %mul3A_729 : i32
    %add3A_731 = arith.constant 24000 : i32
    %add3A_732 = arith.addi %mul3A_730, %add3A_731 : i32
    "tpu.region"() ({
      %run_scoped3A = tpu.sem_alloc : memref<!tpu.dma_semaphore, #tpu.memory_space<semaphore_mem>>
      %dma_start3A = tpu.memref_slice %arg2[%add3A_732] : memref<160000xi32, #tpu.memory_space<hbm>> -> memref<8000xi32, #tpu.memory_space<hbm>>
      %dma_start3A_865 = tpu.memref_slice %arg2[%add3A_732] : memref<160000xi32, #tpu.memory_space<hbm>> -> memref<8000xi32, #tpu.memory_space<hbm>>
      tpu.enqueue_dma source(%dma_start3A_865 : memref<8000xi32, #tpu.memory_space<hbm>>) target(%arg5 : memref<8000xi32, #tpu.memory_space<vmem>>) target_semaphore(%run_scoped3A : memref<!tpu.dma_semaphore, #tpu.memory_space<semaphore_mem>>)
      %dma_wait3A = tpu.memref_slice %arg2[%add3A_732] : memref<160000xi32, #tpu.memory_space<hbm>> -> memref<8000xi32, #tpu.memory_space<hbm>>
      %dma_wait3A_866 = tpu.memref_slice %arg2[%add3A_732] : memref<160000xi32, #tpu.memory_space<hbm>> -> memref<8000xi32, #tpu.memory_space<hbm>>
      tpu.wait_dma2 semaphore(%run_scoped3A : memref<!tpu.dma_semaphore, #tpu.memory_space<semaphore_mem>>) src(%dma_wait3A_866 : memref<8000xi32, #tpu.memory_space<hbm>>) dst(%arg5 : memref<8000xi32, #tpu.memory_space<vmem>>)
      tpu.yield
    }) : () -> ()
    "tpu.region"() ({
      %run_scoped3A = tpu.sem_alloc : memref<!tpu.dma_semaphore, #tpu.memory_space<semaphore_mem>>
      %dma_start3A = tpu.memref_slice %arg3[%add3A_732] : memref<160000xi32, #tpu.memory_space<hbm>> -> memref<8000xi32, #tpu.memory_space<hbm>>
      %dma_start3A_865 = tpu.memref_slice %arg3[%add3A_732] : memref<160000xi32, #tpu.memory_space<hbm>> -> memref<8000xi32, #tpu.memory_space<hbm>>
      tpu.enqueue_dma source(%dma_start3A_865 : memref<8000xi32, #tpu.memory_space<hbm>>) target(%arg6 : memref<8000xi32, #tpu.memory_space<vmem>>) target_semaphore(%run_scoped3A : memref<!tpu.dma_semaphore, #tpu.memory_space<semaphore_mem>>)
      %dma_wait3A = tpu.memref_slice %arg3[%add3A_732] : memref<160000xi32, #tpu.memory_space<hbm>> -> memref<8000xi32, #tpu.memory_space<hbm>>
      %dma_wait3A_866 = tpu.memref_slice %arg3[%add3A_732] : memref<160000xi32, #tpu.memory_space<hbm>> -> memref<8000xi32, #tpu.memory_space<hbm>>
      tpu.wait_dma2 semaphore(%run_scoped3A : memref<!tpu.dma_semaphore, #tpu.memory_space<semaphore_mem>>) src(%dma_wait3A_866 : memref<8000xi32, #tpu.memory_space<hbm>>) dst(%arg6 : memref<8000xi32, #tpu.memory_space<vmem>>)
      tpu.yield
    }) : () -> ()
    %scan3A_733 = arith.constant 0 : i32
    %scan3A_734 = arith.constant 0 : i32
    %scan3A_735 = arith.constant 500 : i32
    %scan3A_736 = arith.addi %scan3A_734, %scan3A_735 : i32
    %scan3A_737 = arith.constant 1 : i32
    scf.for %scan3A_865 = %scan3A_734 to %scan3A_736 step %scan3A_737  : i32 {
      %mul3A_866 = arith.constant 16 : i32
      %mul3A_867 = arith.muli %scan3A_865, %mul3A_866 : i32
      %get3A = arith.index_cast %mul3A_867 : i32 to index
      %get3A_868 = tpu.vector_load %arg5[%get3A] {strides = array<i32>} : memref<8000xi32, #tpu.memory_space<vmem>>, vector<16xi32>,
      %mul3A_869 = arith.constant 16 : i32
      %mul3A_870 = arith.muli %scan3A_865, %mul3A_869 : i32
      %get3A_871 = arith.index_cast %mul3A_870 : i32 to index
      %get3A_872 = tpu.vector_load %arg6[%get3A_871] {strides = array<i32>} : memref<8000xi32, #tpu.memory_space<vmem>>, vector<16xi32>,
      %ge3A = vector.broadcast %mul3A_692 : i32 to vector<16xi32>
      %ge3A_873 = arith.cmpi sge, %get3A_872, %ge3A : vector<16xi32>
      %add3A_874 = arith.constant 40 : i32
      %add3A_875 = arith.addi %mul3A_692, %add3A_874 : i32
      %lt3A_876 = vector.broadcast %add3A_875 : i32 to vector<16xi32>
      %lt3A_877 = arith.cmpi slt, %get3A_872, %lt3A_876 : vector<16xi32>
      %and3A_878 = arith.andi %ge3A_873, %lt3A_877 : vector<16xi1>
      %sub3A_879 = vector.broadcast %mul3A_692 : i32 to vector<16xi32>
      %sub3A_880 = arith.subi %get3A_872, %sub3A_879 : vector<16xi32>
      %mul3A_881 = arith.constant 2560 : i32
      %mul3A_882 = vector.broadcast %mul3A_881 : i32 to vector<16xi32>
      %mul3A_883 = arith.muli %sub3A_880, %mul3A_882 : vector<16xi32>
      %add3A_884 = arith.addi %mul3A_883, %get3A_868 : vector<16xi32>
      %jit3A_885 = arith.constant 0 : i32
      %broadcast_in_dim3A_886 = vector.broadcast %jit3A_885 : i32 to vector<16xi32>
      %select_n3A_887 = arith.select %and3A_878, %add3A_884, %broadcast_in_dim3A_886 : vector<16xi1>, vector<16xi32>
      tpu.vector_store_idx %arg7[%select_n3A_887], %broadcast_in_dim3A_1 masked %and3A_878 {add = true} : memref<102400xf32, #tpu.memory_space<vmem>>[vector<16xi32>], vector<16xf32>, vector<16xi1>
    }
    %scan3A_738 = arith.constant 500 : i32
    %mul3A_739 = arith.constant 40000 : i32
    %mul3A_740 = arith.muli %select_n3A_674, %mul3A_739 : i32
    %add3A_741 = arith.constant 32000 : i32
    %add3A_742 = arith.addi %mul3A_740, %add3A_741 : i32
    "tpu.region"() ({
      %run_scoped3A = tpu.sem_alloc : memref<!tpu.dma_semaphore, #tpu.memory_space<semaphore_mem>>
      %dma_start3A = tpu.memref_slice %arg2[%add3A_742] : memref<160000xi32, #tpu.memory_space<hbm>> -> memref<8000xi32, #tpu.memory_space<hbm>>
      %dma_start3A_865 = tpu.memref_slice %arg2[%add3A_742] : memref<160000xi32, #tpu.memory_space<hbm>> -> memref<8000xi32, #tpu.memory_space<hbm>>
      tpu.enqueue_dma source(%dma_start3A_865 : memref<8000xi32, #tpu.memory_space<hbm>>) target(%arg5 : memref<8000xi32, #tpu.memory_space<vmem>>) target_semaphore(%run_scoped3A : memref<!tpu.dma_semaphore, #tpu.memory_space<semaphore_mem>>)
      %dma_wait3A = tpu.memref_slice %arg2[%add3A_742] : memref<160000xi32, #tpu.memory_space<hbm>> -> memref<8000xi32, #tpu.memory_space<hbm>>
      %dma_wait3A_866 = tpu.memref_slice %arg2[%add3A_742] : memref<160000xi32, #tpu.memory_space<hbm>> -> memref<8000xi32, #tpu.memory_space<hbm>>
      tpu.wait_dma2 semaphore(%run_scoped3A : memref<!tpu.dma_semaphore, #tpu.memory_space<semaphore_mem>>) src(%dma_wait3A_866 : memref<8000xi32, #tpu.memory_space<hbm>>) dst(%arg5 : memref<8000xi32, #tpu.memory_space<vmem>>)
      tpu.yield
    }) : () -> ()
    "tpu.region"() ({
      %run_scoped3A = tpu.sem_alloc : memref<!tpu.dma_semaphore, #tpu.memory_space<semaphore_mem>>
      %dma_start3A = tpu.memref_slice %arg3[%add3A_742] : memref<160000xi32, #tpu.memory_space<hbm>> -> memref<8000xi32, #tpu.memory_space<hbm>>
      %dma_start3A_865 = tpu.memref_slice %arg3[%add3A_742] : memref<160000xi32, #tpu.memory_space<hbm>> -> memref<8000xi32, #tpu.memory_space<hbm>>
      tpu.enqueue_dma source(%dma_start3A_865 : memref<8000xi32, #tpu.memory_space<hbm>>) target(%arg6 : memref<8000xi32, #tpu.memory_space<vmem>>) target_semaphore(%run_scoped3A : memref<!tpu.dma_semaphore, #tpu.memory_space<semaphore_mem>>)
      %dma_wait3A = tpu.memref_slice %arg3[%add3A_742] : memref<160000xi32, #tpu.memory_space<hbm>> -> memref<8000xi32, #tpu.memory_space<hbm>>
      %dma_wait3A_866 = tpu.memref_slice %arg3[%add3A_742] : memref<160000xi32, #tpu.memory_space<hbm>> -> memref<8000xi32, #tpu.memory_space<hbm>>
      tpu.wait_dma2 semaphore(%run_scoped3A : memref<!tpu.dma_semaphore, #tpu.memory_space<semaphore_mem>>) src(%dma_wait3A_866 : memref<8000xi32, #tpu.memory_space<hbm>>) dst(%arg6 : memref<8000xi32, #tpu.memory_space<vmem>>)
      tpu.yield
    }) : () -> ()
    %scan3A_743 = arith.constant 0 : i32
    %scan3A_744 = arith.constant 0 : i32
    %scan3A_745 = arith.constant 500 : i32
    %scan3A_746 = arith.addi %scan3A_744, %scan3A_745 : i32
    %scan3A_747 = arith.constant 1 : i32
    scf.for %scan3A_865 = %scan3A_744 to %scan3A_746 step %scan3A_747  : i32 {
      %mul3A_866 = arith.constant 16 : i32
      %mul3A_867 = arith.muli %scan3A_865, %mul3A_866 : i32
      %get3A = arith.index_cast %mul3A_867 : i32 to index
      %get3A_868 = tpu.vector_load %arg5[%get3A] {strides = array<i32>} : memref<8000xi32, #tpu.memory_space<vmem>>, vector<16xi32>,
      %mul3A_869 = arith.constant 16 : i32
      %mul3A_870 = arith.muli %scan3A_865, %mul3A_869 : i32
      %get3A_871 = arith.index_cast %mul3A_870 : i32 to index
      %get3A_872 = tpu.vector_load %arg6[%get3A_871] {strides = array<i32>} : memref<8000xi32, #tpu.memory_space<vmem>>, vector<16xi32>,
      %ge3A = vector.broadcast %mul3A_692 : i32 to vector<16xi32>
      %ge3A_873 = arith.cmpi sge, %get3A_872, %ge3A : vector<16xi32>
      %add3A_874 = arith.constant 40 : i32
      %add3A_875 = arith.addi %mul3A_692, %add3A_874 : i32
      %lt3A_876 = vector.broadcast %add3A_875 : i32 to vector<16xi32>
      %lt3A_877 = arith.cmpi slt, %get3A_872, %lt3A_876 : vector<16xi32>
      %and3A_878 = arith.andi %ge3A_873, %lt3A_877 : vector<16xi1>
      %sub3A_879 = vector.broadcast %mul3A_692 : i32 to vector<16xi32>
      %sub3A_880 = arith.subi %get3A_872, %sub3A_879 : vector<16xi32>
      %mul3A_881 = arith.constant 2560 : i32
      %mul3A_882 = vector.broadcast %mul3A_881 : i32 to vector<16xi32>
      %mul3A_883 = arith.muli %sub3A_880, %mul3A_882 : vector<16xi32>
      %add3A_884 = arith.addi %mul3A_883, %get3A_868 : vector<16xi32>
      %jit3A_885 = arith.constant 0 : i32
      %broadcast_in_dim3A_886 = vector.broadcast %jit3A_885 : i32 to vector<16xi32>
      %select_n3A_887 = arith.select %and3A_878, %add3A_884, %broadcast_in_dim3A_886 : vector<16xi1>, vector<16xi32>
      tpu.vector_store_idx %arg7[%select_n3A_887], %broadcast_in_dim3A_1 masked %and3A_878 {add = true} : memref<102400xf32, #tpu.memory_space<vmem>>[vector<16xi32>], vector<16xf32>, vector<16xi1>
    }
    %scan3A_748 = arith.constant 500 : i32
    %mul3A_749 = arith.constant 2560 : i32
    %mul3A_750 = arith.muli %select_n3A_674, %mul3A_749 : i32
    %mul3A_751 = arith.constant 2560 : i32
    %mul3A_752 = arith.muli %mul3A_750, %mul3A_751 : i32
    %mul3A_753 = arith.constant 2560 : i32
    %mul3A_754 = arith.muli %mul3A_692, %mul3A_753 : i32
    %add3A_755 = arith.addi %mul3A_752, %mul3A_754 : i32
    "tpu.region"() ({
      %run_scoped3A = tpu.sem_alloc : memref<!tpu.dma_semaphore, #tpu.memory_space<semaphore_mem>>
      %dma_start3A = tpu.memref_slice %arg4[%add3A_755] : memref<26214400xf32, #tpu.memory_space<hbm>> -> memref<102400xf32, #tpu.memory_space<hbm>>
      %dma_start3A_865 = tpu.memref_slice %arg4[%add3A_755] : memref<26214400xf32, #tpu.memory_space<hbm>> -> memref<102400xf32, #tpu.memory_space<hbm>>
      tpu.enqueue_dma source(%arg7 : memref<102400xf32, #tpu.memory_space<vmem>>) target(%dma_start3A_865 : memref<102400xf32, #tpu.memory_space<hbm>>) target_semaphore(%run_scoped3A : memref<!tpu.dma_semaphore, #tpu.memory_space<semaphore_mem>>)
      %dma_wait3A = tpu.memref_slice %arg4[%add3A_755] : memref<26214400xf32, #tpu.memory_space<hbm>> -> memref<102400xf32, #tpu.memory_space<hbm>>
      %dma_wait3A_866 = tpu.memref_slice %arg4[%add3A_755] : memref<26214400xf32, #tpu.memory_space<hbm>> -> memref<102400xf32, #tpu.memory_space<hbm>>
      tpu.wait_dma2 semaphore(%run_scoped3A : memref<!tpu.dma_semaphore, #tpu.memory_space<semaphore_mem>>) src(%arg7 : memref<102400xf32, #tpu.memory_space<vmem>>) dst(%dma_wait3A_866 : memref<102400xf32, #tpu.memory_space<hbm>>)
      tpu.yield
    }) : () -> ()
    %mul3A_756 = arith.constant 8 : i32
    %mul3A_757 = arith.muli %add3A, %mul3A_756 : i32
    %add3A_758 = arith.constant 7 : i32
    %add3A_759 = arith.addi %mul3A_757, %add3A_758 : i32
    %jit3A_760 = arith.constant 64 : i32
    %div3A_761 = arith.divsi %add3A_759, %jit3A_760 : i32
    %sign3A_762 = arith.constant 0 : i32
    %sign3A_763 = arith.cmpi sgt, %add3A_759, %sign3A_762 : i32
    %sign3A_764 = arith.extui %sign3A_763 : i1 to i32
    %sign3A_765 = arith.constant 0 : i32
    %sign3A_766 = arith.cmpi slt, %add3A_759, %sign3A_765 : i32
    %sign3A_767 = arith.extui %sign3A_766 : i1 to i32
    %sign3A_768 = arith.subi %sign3A_764, %sign3A_767 : i32
    %sign3A_769 = arith.constant 0 : i32
    %sign3A_770 = arith.cmpi sgt, %jit3A_760, %sign3A_769 : i32
    %sign3A_771 = arith.extui %sign3A_770 : i1 to i32
    %sign3A_772 = arith.constant 0 : i32
    %sign3A_773 = arith.cmpi slt, %jit3A_760, %sign3A_772 : i32
    %sign3A_774 = arith.extui %sign3A_773 : i1 to i32
    %sign3A_775 = arith.subi %sign3A_771, %sign3A_774 : i32
    %ne3A_776 = arith.cmpi ne, %sign3A_768, %sign3A_775 : i32
    %rem3A_777 = arith.remsi %add3A_759, %jit3A_760 : i32
    %ne3A_778 = arith.constant 0 : i32
    %ne3A_779 = arith.cmpi ne, %rem3A_777, %ne3A_778 : i32
    %and3A_780 = arith.andi %ne3A_776, %ne3A_779 : i1
    %sub3A_781 = arith.constant 1 : i32
    %sub3A_782 = arith.subi %div3A_761, %sub3A_781 : i32
    %select_n3A_783 = arith.select %and3A_780, %sub3A_782, %div3A_761 : i32
    %jit3A_784 = arith.constant 64 : i32
    %eq3A_785 = arith.constant 0 : i32
    %eq3A_786 = arith.cmpi eq, %jit3A_784, %eq3A_785 : i32
    %jit3A_787 = arith.constant 1 : i32
    %select_n3A_788 = arith.select %eq3A_786, %jit3A_787, %jit3A_784 : i32
    %rem3A_789 = arith.remsi %add3A_759, %select_n3A_788 : i32
    %ne3A_790 = arith.constant 0 : i32
    %ne3A_791 = arith.cmpi ne, %rem3A_789, %ne3A_790 : i32
    %lt3A_792 = arith.constant 0 : i32
    %lt3A_793 = arith.cmpi slt, %rem3A_789, %lt3A_792 : i32
    %lt3A_794 = arith.constant 0 : i32
    %lt3A_795 = arith.cmpi slt, %select_n3A_788, %lt3A_794 : i32
    %ne3A_796 = arith.xori %lt3A_793, %lt3A_795 : i1
    %and3A_797 = arith.andi %ne3A_796, %ne3A_791 : i1
    %add3A_798 = arith.addi %rem3A_789, %select_n3A_788 : i32
    %select_n3A_799 = arith.select %and3A_797, %add3A_798, %rem3A_789 : i32
    %mul3A_800 = arith.constant 40 : i32
    %mul3A_801 = arith.muli %select_n3A_799, %mul3A_800 : i32
    %scan3A_802 = arith.constant 0 : i32
    %scan3A_803 = arith.constant 0 : i32
    %scan3A_804 = arith.constant 6400 : i32
    %scan3A_805 = arith.addi %scan3A_803, %scan3A_804 : i32
    %scan3A_806 = arith.constant 1 : i32
    scf.for %scan3A_865 = %scan3A_803 to %scan3A_805 step %scan3A_806  : i32 {
      %mul3A_866 = arith.constant 16 : i32
      %mul3A_867 = arith.muli %scan3A_865, %mul3A_866 : i32
      %swap3A = arith.index_cast %mul3A_867 : i32 to index
      %swap3A_868 = tpu.vector_load %arg7[%swap3A] {strides = array<i32>} : memref<102400xf32, #tpu.memory_space<vmem>>, vector<16xf32>,
      tpu.vector_store %arg7[%swap3A], %broadcast_in_dim3A_3 {strides = array<i32>} : memref<102400xf32, #tpu.memory_space<vmem>>, vector<16xf32>,
    }
    %scan3A_807 = arith.constant 6400 : i32
    %mul3A_808 = arith.constant 40000 : i32
    %mul3A_809 = arith.muli %select_n3A_783, %mul3A_808 : i32
    %add3A_810 = arith.constant 0 : i32
    %add3A_811 = arith.addi %mul3A_809, %add3A_810 : i32
    "tpu.region"() ({
      %run_scoped3A = tpu.sem_alloc : memref<!tpu.dma_semaphore, #tpu.memory_space<semaphore_mem>>
      %dma_start3A = tpu.memref_slice %arg2[%add3A_811] : memref<160000xi32, #tpu.memory_space<hbm>> -> memref<8000xi32, #tpu.memory_space<hbm>>
      %dma_start3A_865 = tpu.memref_slice %arg2[%add3A_811] : memref<160000xi32, #tpu.memory_space<hbm>> -> memref<8000xi32, #tpu.memory_space<hbm>>
      tpu.enqueue_dma source(%dma_start3A_865 : memref<8000xi32, #tpu.memory_space<hbm>>) target(%arg5 : memref<8000xi32, #tpu.memory_space<vmem>>) target_semaphore(%run_scoped3A : memref<!tpu.dma_semaphore, #tpu.memory_space<semaphore_mem>>)
      %dma_wait3A = tpu.memref_slice %arg2[%add3A_811] : memref<160000xi32, #tpu.memory_space<hbm>> -> memref<8000xi32, #tpu.memory_space<hbm>>
      %dma_wait3A_866 = tpu.memref_slice %arg2[%add3A_811] : memref<160000xi32, #tpu.memory_space<hbm>> -> memref<8000xi32, #tpu.memory_space<hbm>>
      tpu.wait_dma2 semaphore(%run_scoped3A : memref<!tpu.dma_semaphore, #tpu.memory_space<semaphore_mem>>) src(%dma_wait3A_866 : memref<8000xi32, #tpu.memory_space<hbm>>) dst(%arg5 : memref<8000xi32, #tpu.memory_space<vmem>>)
      tpu.yield
    }) : () -> ()
    "tpu.region"() ({
      %run_scoped3A = tpu.sem_alloc : memref<!tpu.dma_semaphore, #tpu.memory_space<semaphore_mem>>
      %dma_start3A = tpu.memref_slice %arg3[%add3A_811] : memref<160000xi32, #tpu.memory_space<hbm>> -> memref<8000xi32, #tpu.memory_space<hbm>>
      %dma_start3A_865 = tpu.memref_slice %arg3[%add3A_811] : memref<160000xi32, #tpu.memory_space<hbm>> -> memref<8000xi32, #tpu.memory_space<hbm>>
      tpu.enqueue_dma source(%dma_start3A_865 : memref<8000xi32, #tpu.memory_space<hbm>>) target(%arg6 : memref<8000xi32, #tpu.memory_space<vmem>>) target_semaphore(%run_scoped3A : memref<!tpu.dma_semaphore, #tpu.memory_space<semaphore_mem>>)
      %dma_wait3A = tpu.memref_slice %arg3[%add3A_811] : memref<160000xi32, #tpu.memory_space<hbm>> -> memref<8000xi32, #tpu.memory_space<hbm>>
      %dma_wait3A_866 = tpu.memref_slice %arg3[%add3A_811] : memref<160000xi32, #tpu.memory_space<hbm>> -> memref<8000xi32, #tpu.memory_space<hbm>>
      tpu.wait_dma2 semaphore(%run_scoped3A : memref<!tpu.dma_semaphore, #tpu.memory_space<semaphore_mem>>) src(%dma_wait3A_866 : memref<8000xi32, #tpu.memory_space<hbm>>) dst(%arg6 : memref<8000xi32, #tpu.memory_space<vmem>>)
      tpu.yield
    }) : () -> ()
    %scan3A_812 = arith.constant 0 : i32
    %scan3A_813 = arith.constant 0 : i32
    %scan3A_814 = arith.constant 500 : i32
    %scan3A_815 = arith.addi %scan3A_813, %scan3A_814 : i32
    %scan3A_816 = arith.constant 1 : i32
    scf.for %scan3A_865 = %scan3A_813 to %scan3A_815 step %scan3A_816  : i32 {
      %mul3A_866 = arith.constant 16 : i32
      %mul3A_867 = arith.muli %scan3A_865, %mul3A_866 : i32
      %get3A = arith.index_cast %mul3A_867 : i32 to index
      %get3A_868 = tpu.vector_load %arg5[%get3A] {strides = array<i32>} : memref<8000xi32, #tpu.memory_space<vmem>>, vector<16xi32>,
      %mul3A_869 = arith.constant 16 : i32
      %mul3A_870 = arith.muli %scan3A_865, %mul3A_869 : i32
      %get3A_871 = arith.index_cast %mul3A_870 : i32 to index
      %get3A_872 = tpu.vector_load %arg6[%get3A_871] {strides = array<i32>} : memref<8000xi32, #tpu.memory_space<vmem>>, vector<16xi32>,
      %ge3A = vector.broadcast %mul3A_801 : i32 to vector<16xi32>
      %ge3A_873 = arith.cmpi sge, %get3A_872, %ge3A : vector<16xi32>
      %add3A_874 = arith.constant 40 : i32
      %add3A_875 = arith.addi %mul3A_801, %add3A_874 : i32
      %lt3A_876 = vector.broadcast %add3A_875 : i32 to vector<16xi32>
      %lt3A_877 = arith.cmpi slt, %get3A_872, %lt3A_876 : vector<16xi32>
      %and3A_878 = arith.andi %ge3A_873, %lt3A_877 : vector<16xi1>
      %sub3A_879 = vector.broadcast %mul3A_801 : i32 to vector<16xi32>
      %sub3A_880 = arith.subi %get3A_872, %sub3A_879 : vector<16xi32>
      %mul3A_881 = arith.constant 2560 : i32
      %mul3A_882 = vector.broadcast %mul3A_881 : i32 to vector<16xi32>
      %mul3A_883 = arith.muli %sub3A_880, %mul3A_882 : vector<16xi32>
      %add3A_884 = arith.addi %mul3A_883, %get3A_868 : vector<16xi32>
      %jit3A_885 = arith.constant 0 : i32
      %broadcast_in_dim3A_886 = vector.broadcast %jit3A_885 : i32 to vector<16xi32>
      %select_n3A_887 = arith.select %and3A_878, %add3A_884, %broadcast_in_dim3A_886 : vector<16xi1>, vector<16xi32>
      tpu.vector_store_idx %arg7[%select_n3A_887], %broadcast_in_dim3A_1 masked %and3A_878 {add = true} : memref<102400xf32, #tpu.memory_space<vmem>>[vector<16xi32>], vector<16xf32>, vector<16xi1>
    }
    %scan3A_817 = arith.constant 500 : i32
    %mul3A_818 = arith.constant 40000 : i32
    %mul3A_819 = arith.muli %select_n3A_783, %mul3A_818 : i32
    %add3A_820 = arith.constant 8000 : i32
    %add3A_821 = arith.addi %mul3A_819, %add3A_820 : i32
    "tpu.region"() ({
      %run_scoped3A = tpu.sem_alloc : memref<!tpu.dma_semaphore, #tpu.memory_space<semaphore_mem>>
      %dma_start3A = tpu.memref_slice %arg2[%add3A_821] : memref<160000xi32, #tpu.memory_space<hbm>> -> memref<8000xi32, #tpu.memory_space<hbm>>
      %dma_start3A_865 = tpu.memref_slice %arg2[%add3A_821] : memref<160000xi32, #tpu.memory_space<hbm>> -> memref<8000xi32, #tpu.memory_space<hbm>>
      tpu.enqueue_dma source(%dma_start3A_865 : memref<8000xi32, #tpu.memory_space<hbm>>) target(%arg5 : memref<8000xi32, #tpu.memory_space<vmem>>) target_semaphore(%run_scoped3A : memref<!tpu.dma_semaphore, #tpu.memory_space<semaphore_mem>>)
      %dma_wait3A = tpu.memref_slice %arg2[%add3A_821] : memref<160000xi32, #tpu.memory_space<hbm>> -> memref<8000xi32, #tpu.memory_space<hbm>>
      %dma_wait3A_866 = tpu.memref_slice %arg2[%add3A_821] : memref<160000xi32, #tpu.memory_space<hbm>> -> memref<8000xi32, #tpu.memory_space<hbm>>
      tpu.wait_dma2 semaphore(%run_scoped3A : memref<!tpu.dma_semaphore, #tpu.memory_space<semaphore_mem>>) src(%dma_wait3A_866 : memref<8000xi32, #tpu.memory_space<hbm>>) dst(%arg5 : memref<8000xi32, #tpu.memory_space<vmem>>)
      tpu.yield
    }) : () -> ()
    "tpu.region"() ({
      %run_scoped3A = tpu.sem_alloc : memref<!tpu.dma_semaphore, #tpu.memory_space<semaphore_mem>>
      %dma_start3A = tpu.memref_slice %arg3[%add3A_821] : memref<160000xi32, #tpu.memory_space<hbm>> -> memref<8000xi32, #tpu.memory_space<hbm>>
      %dma_start3A_865 = tpu.memref_slice %arg3[%add3A_821] : memref<160000xi32, #tpu.memory_space<hbm>> -> memref<8000xi32, #tpu.memory_space<hbm>>
      tpu.enqueue_dma source(%dma_start3A_865 : memref<8000xi32, #tpu.memory_space<hbm>>) target(%arg6 : memref<8000xi32, #tpu.memory_space<vmem>>) target_semaphore(%run_scoped3A : memref<!tpu.dma_semaphore, #tpu.memory_space<semaphore_mem>>)
      %dma_wait3A = tpu.memref_slice %arg3[%add3A_821] : memref<160000xi32, #tpu.memory_space<hbm>> -> memref<8000xi32, #tpu.memory_space<hbm>>
      %dma_wait3A_866 = tpu.memref_slice %arg3[%add3A_821] : memref<160000xi32, #tpu.memory_space<hbm>> -> memref<8000xi32, #tpu.memory_space<hbm>>
      tpu.wait_dma2 semaphore(%run_scoped3A : memref<!tpu.dma_semaphore, #tpu.memory_space<semaphore_mem>>) src(%dma_wait3A_866 : memref<8000xi32, #tpu.memory_space<hbm>>) dst(%arg6 : memref<8000xi32, #tpu.memory_space<vmem>>)
      tpu.yield
    }) : () -> ()
    %scan3A_822 = arith.constant 0 : i32
    %scan3A_823 = arith.constant 0 : i32
    %scan3A_824 = arith.constant 500 : i32
    %scan3A_825 = arith.addi %scan3A_823, %scan3A_824 : i32
    %scan3A_826 = arith.constant 1 : i32
    scf.for %scan3A_865 = %scan3A_823 to %scan3A_825 step %scan3A_826  : i32 {
      %mul3A_866 = arith.constant 16 : i32
      %mul3A_867 = arith.muli %scan3A_865, %mul3A_866 : i32
      %get3A = arith.index_cast %mul3A_867 : i32 to index
      %get3A_868 = tpu.vector_load %arg5[%get3A] {strides = array<i32>} : memref<8000xi32, #tpu.memory_space<vmem>>, vector<16xi32>,
      %mul3A_869 = arith.constant 16 : i32
      %mul3A_870 = arith.muli %scan3A_865, %mul3A_869 : i32
      %get3A_871 = arith.index_cast %mul3A_870 : i32 to index
      %get3A_872 = tpu.vector_load %arg6[%get3A_871] {strides = array<i32>} : memref<8000xi32, #tpu.memory_space<vmem>>, vector<16xi32>,
      %ge3A = vector.broadcast %mul3A_801 : i32 to vector<16xi32>
      %ge3A_873 = arith.cmpi sge, %get3A_872, %ge3A : vector<16xi32>
      %add3A_874 = arith.constant 40 : i32
      %add3A_875 = arith.addi %mul3A_801, %add3A_874 : i32
      %lt3A_876 = vector.broadcast %add3A_875 : i32 to vector<16xi32>
      %lt3A_877 = arith.cmpi slt, %get3A_872, %lt3A_876 : vector<16xi32>
      %and3A_878 = arith.andi %ge3A_873, %lt3A_877 : vector<16xi1>
      %sub3A_879 = vector.broadcast %mul3A_801 : i32 to vector<16xi32>
      %sub3A_880 = arith.subi %get3A_872, %sub3A_879 : vector<16xi32>
      %mul3A_881 = arith.constant 2560 : i32
      %mul3A_882 = vector.broadcast %mul3A_881 : i32 to vector<16xi32>
      %mul3A_883 = arith.muli %sub3A_880, %mul3A_882 : vector<16xi32>
      %add3A_884 = arith.addi %mul3A_883, %get3A_868 : vector<16xi32>
      %jit3A_885 = arith.constant 0 : i32
      %broadcast_in_dim3A_886 = vector.broadcast %jit3A_885 : i32 to vector<16xi32>
      %select_n3A_887 = arith.select %and3A_878, %add3A_884, %broadcast_in_dim3A_886 : vector<16xi1>, vector<16xi32>
      tpu.vector_store_idx %arg7[%select_n3A_887], %broadcast_in_dim3A_1 masked %and3A_878 {add = true} : memref<102400xf32, #tpu.memory_space<vmem>>[vector<16xi32>], vector<16xf32>, vector<16xi1>
    }
    %scan3A_827 = arith.constant 500 : i32
    %mul3A_828 = arith.constant 40000 : i32
    %mul3A_829 = arith.muli %select_n3A_783, %mul3A_828 : i32
    %add3A_830 = arith.constant 16000 : i32
    %add3A_831 = arith.addi %mul3A_829, %add3A_830 : i32
    "tpu.region"() ({
      %run_scoped3A = tpu.sem_alloc : memref<!tpu.dma_semaphore, #tpu.memory_space<semaphore_mem>>
      %dma_start3A = tpu.memref_slice %arg2[%add3A_831] : memref<160000xi32, #tpu.memory_space<hbm>> -> memref<8000xi32, #tpu.memory_space<hbm>>
      %dma_start3A_865 = tpu.memref_slice %arg2[%add3A_831] : memref<160000xi32, #tpu.memory_space<hbm>> -> memref<8000xi32, #tpu.memory_space<hbm>>
      tpu.enqueue_dma source(%dma_start3A_865 : memref<8000xi32, #tpu.memory_space<hbm>>) target(%arg5 : memref<8000xi32, #tpu.memory_space<vmem>>) target_semaphore(%run_scoped3A : memref<!tpu.dma_semaphore, #tpu.memory_space<semaphore_mem>>)
      %dma_wait3A = tpu.memref_slice %arg2[%add3A_831] : memref<160000xi32, #tpu.memory_space<hbm>> -> memref<8000xi32, #tpu.memory_space<hbm>>
      %dma_wait3A_866 = tpu.memref_slice %arg2[%add3A_831] : memref<160000xi32, #tpu.memory_space<hbm>> -> memref<8000xi32, #tpu.memory_space<hbm>>
      tpu.wait_dma2 semaphore(%run_scoped3A : memref<!tpu.dma_semaphore, #tpu.memory_space<semaphore_mem>>) src(%dma_wait3A_866 : memref<8000xi32, #tpu.memory_space<hbm>>) dst(%arg5 : memref<8000xi32, #tpu.memory_space<vmem>>)
      tpu.yield
    }) : () -> ()
    "tpu.region"() ({
      %run_scoped3A = tpu.sem_alloc : memref<!tpu.dma_semaphore, #tpu.memory_space<semaphore_mem>>
      %dma_start3A = tpu.memref_slice %arg3[%add3A_831] : memref<160000xi32, #tpu.memory_space<hbm>> -> memref<8000xi32, #tpu.memory_space<hbm>>
      %dma_start3A_865 = tpu.memref_slice %arg3[%add3A_831] : memref<160000xi32, #tpu.memory_space<hbm>> -> memref<8000xi32, #tpu.memory_space<hbm>>
      tpu.enqueue_dma source(%dma_start3A_865 : memref<8000xi32, #tpu.memory_space<hbm>>) target(%arg6 : memref<8000xi32, #tpu.memory_space<vmem>>) target_semaphore(%run_scoped3A : memref<!tpu.dma_semaphore, #tpu.memory_space<semaphore_mem>>)
      %dma_wait3A = tpu.memref_slice %arg3[%add3A_831] : memref<160000xi32, #tpu.memory_space<hbm>> -> memref<8000xi32, #tpu.memory_space<hbm>>
      %dma_wait3A_866 = tpu.memref_slice %arg3[%add3A_831] : memref<160000xi32, #tpu.memory_space<hbm>> -> memref<8000xi32, #tpu.memory_space<hbm>>
      tpu.wait_dma2 semaphore(%run_scoped3A : memref<!tpu.dma_semaphore, #tpu.memory_space<semaphore_mem>>) src(%dma_wait3A_866 : memref<8000xi32, #tpu.memory_space<hbm>>) dst(%arg6 : memref<8000xi32, #tpu.memory_space<vmem>>)
      tpu.yield
    }) : () -> ()
    %scan3A_832 = arith.constant 0 : i32
    %scan3A_833 = arith.constant 0 : i32
    %scan3A_834 = arith.constant 500 : i32
    %scan3A_835 = arith.addi %scan3A_833, %scan3A_834 : i32
    %scan3A_836 = arith.constant 1 : i32
    scf.for %scan3A_865 = %scan3A_833 to %scan3A_835 step %scan3A_836  : i32 {
      %mul3A_866 = arith.constant 16 : i32
      %mul3A_867 = arith.muli %scan3A_865, %mul3A_866 : i32
      %get3A = arith.index_cast %mul3A_867 : i32 to index
      %get3A_868 = tpu.vector_load %arg5[%get3A] {strides = array<i32>} : memref<8000xi32, #tpu.memory_space<vmem>>, vector<16xi32>,
      %mul3A_869 = arith.constant 16 : i32
      %mul3A_870 = arith.muli %scan3A_865, %mul3A_869 : i32
      %get3A_871 = arith.index_cast %mul3A_870 : i32 to index
      %get3A_872 = tpu.vector_load %arg6[%get3A_871] {strides = array<i32>} : memref<8000xi32, #tpu.memory_space<vmem>>, vector<16xi32>,
      %ge3A = vector.broadcast %mul3A_801 : i32 to vector<16xi32>
      %ge3A_873 = arith.cmpi sge, %get3A_872, %ge3A : vector<16xi32>
      %add3A_874 = arith.constant 40 : i32
      %add3A_875 = arith.addi %mul3A_801, %add3A_874 : i32
      %lt3A_876 = vector.broadcast %add3A_875 : i32 to vector<16xi32>
      %lt3A_877 = arith.cmpi slt, %get3A_872, %lt3A_876 : vector<16xi32>
      %and3A_878 = arith.andi %ge3A_873, %lt3A_877 : vector<16xi1>
      %sub3A_879 = vector.broadcast %mul3A_801 : i32 to vector<16xi32>
      %sub3A_880 = arith.subi %get3A_872, %sub3A_879 : vector<16xi32>
      %mul3A_881 = arith.constant 2560 : i32
      %mul3A_882 = vector.broadcast %mul3A_881 : i32 to vector<16xi32>
      %mul3A_883 = arith.muli %sub3A_880, %mul3A_882 : vector<16xi32>
      %add3A_884 = arith.addi %mul3A_883, %get3A_868 : vector<16xi32>
      %jit3A_885 = arith.constant 0 : i32
      %broadcast_in_dim3A_886 = vector.broadcast %jit3A_885 : i32 to vector<16xi32>
      %select_n3A_887 = arith.select %and3A_878, %add3A_884, %broadcast_in_dim3A_886 : vector<16xi1>, vector<16xi32>
      tpu.vector_store_idx %arg7[%select_n3A_887], %broadcast_in_dim3A_1 masked %and3A_878 {add = true} : memref<102400xf32, #tpu.memory_space<vmem>>[vector<16xi32>], vector<16xf32>, vector<16xi1>
    }
    %scan3A_837 = arith.constant 500 : i32
    %mul3A_838 = arith.constant 40000 : i32
    %mul3A_839 = arith.muli %select_n3A_783, %mul3A_838 : i32
    %add3A_840 = arith.constant 24000 : i32
    %add3A_841 = arith.addi %mul3A_839, %add3A_840 : i32
    "tpu.region"() ({
      %run_scoped3A = tpu.sem_alloc : memref<!tpu.dma_semaphore, #tpu.memory_space<semaphore_mem>>
      %dma_start3A = tpu.memref_slice %arg2[%add3A_841] : memref<160000xi32, #tpu.memory_space<hbm>> -> memref<8000xi32, #tpu.memory_space<hbm>>
      %dma_start3A_865 = tpu.memref_slice %arg2[%add3A_841] : memref<160000xi32, #tpu.memory_space<hbm>> -> memref<8000xi32, #tpu.memory_space<hbm>>
      tpu.enqueue_dma source(%dma_start3A_865 : memref<8000xi32, #tpu.memory_space<hbm>>) target(%arg5 : memref<8000xi32, #tpu.memory_space<vmem>>) target_semaphore(%run_scoped3A : memref<!tpu.dma_semaphore, #tpu.memory_space<semaphore_mem>>)
      %dma_wait3A = tpu.memref_slice %arg2[%add3A_841] : memref<160000xi32, #tpu.memory_space<hbm>> -> memref<8000xi32, #tpu.memory_space<hbm>>
      %dma_wait3A_866 = tpu.memref_slice %arg2[%add3A_841] : memref<160000xi32, #tpu.memory_space<hbm>> -> memref<8000xi32, #tpu.memory_space<hbm>>
      tpu.wait_dma2 semaphore(%run_scoped3A : memref<!tpu.dma_semaphore, #tpu.memory_space<semaphore_mem>>) src(%dma_wait3A_866 : memref<8000xi32, #tpu.memory_space<hbm>>) dst(%arg5 : memref<8000xi32, #tpu.memory_space<vmem>>)
      tpu.yield
    }) : () -> ()
    "tpu.region"() ({
      %run_scoped3A = tpu.sem_alloc : memref<!tpu.dma_semaphore, #tpu.memory_space<semaphore_mem>>
      %dma_start3A = tpu.memref_slice %arg3[%add3A_841] : memref<160000xi32, #tpu.memory_space<hbm>> -> memref<8000xi32, #tpu.memory_space<hbm>>
      %dma_start3A_865 = tpu.memref_slice %arg3[%add3A_841] : memref<160000xi32, #tpu.memory_space<hbm>> -> memref<8000xi32, #tpu.memory_space<hbm>>
      tpu.enqueue_dma source(%dma_start3A_865 : memref<8000xi32, #tpu.memory_space<hbm>>) target(%arg6 : memref<8000xi32, #tpu.memory_space<vmem>>) target_semaphore(%run_scoped3A : memref<!tpu.dma_semaphore, #tpu.memory_space<semaphore_mem>>)
      %dma_wait3A = tpu.memref_slice %arg3[%add3A_841] : memref<160000xi32, #tpu.memory_space<hbm>> -> memref<8000xi32, #tpu.memory_space<hbm>>
      %dma_wait3A_866 = tpu.memref_slice %arg3[%add3A_841] : memref<160000xi32, #tpu.memory_space<hbm>> -> memref<8000xi32, #tpu.memory_space<hbm>>
      tpu.wait_dma2 semaphore(%run_scoped3A : memref<!tpu.dma_semaphore, #tpu.memory_space<semaphore_mem>>) src(%dma_wait3A_866 : memref<8000xi32, #tpu.memory_space<hbm>>) dst(%arg6 : memref<8000xi32, #tpu.memory_space<vmem>>)
      tpu.yield
    }) : () -> ()
    %scan3A_842 = arith.constant 0 : i32
    %scan3A_843 = arith.constant 0 : i32
    %scan3A_844 = arith.constant 500 : i32
    %scan3A_845 = arith.addi %scan3A_843, %scan3A_844 : i32
    %scan3A_846 = arith.constant 1 : i32
    scf.for %scan3A_865 = %scan3A_843 to %scan3A_845 step %scan3A_846  : i32 {
      %mul3A_866 = arith.constant 16 : i32
      %mul3A_867 = arith.muli %scan3A_865, %mul3A_866 : i32
      %get3A = arith.index_cast %mul3A_867 : i32 to index
      %get3A_868 = tpu.vector_load %arg5[%get3A] {strides = array<i32>} : memref<8000xi32, #tpu.memory_space<vmem>>, vector<16xi32>,
      %mul3A_869 = arith.constant 16 : i32
      %mul3A_870 = arith.muli %scan3A_865, %mul3A_869 : i32
      %get3A_871 = arith.index_cast %mul3A_870 : i32 to index
      %get3A_872 = tpu.vector_load %arg6[%get3A_871] {strides = array<i32>} : memref<8000xi32, #tpu.memory_space<vmem>>, vector<16xi32>,
      %ge3A = vector.broadcast %mul3A_801 : i32 to vector<16xi32>
      %ge3A_873 = arith.cmpi sge, %get3A_872, %ge3A : vector<16xi32>
      %add3A_874 = arith.constant 40 : i32
      %add3A_875 = arith.addi %mul3A_801, %add3A_874 : i32
      %lt3A_876 = vector.broadcast %add3A_875 : i32 to vector<16xi32>
      %lt3A_877 = arith.cmpi slt, %get3A_872, %lt3A_876 : vector<16xi32>
      %and3A_878 = arith.andi %ge3A_873, %lt3A_877 : vector<16xi1>
      %sub3A_879 = vector.broadcast %mul3A_801 : i32 to vector<16xi32>
      %sub3A_880 = arith.subi %get3A_872, %sub3A_879 : vector<16xi32>
      %mul3A_881 = arith.constant 2560 : i32
      %mul3A_882 = vector.broadcast %mul3A_881 : i32 to vector<16xi32>
      %mul3A_883 = arith.muli %sub3A_880, %mul3A_882 : vector<16xi32>
      %add3A_884 = arith.addi %mul3A_883, %get3A_868 : vector<16xi32>
      %jit3A_885 = arith.constant 0 : i32
      %broadcast_in_dim3A_886 = vector.broadcast %jit3A_885 : i32 to vector<16xi32>
      %select_n3A_887 = arith.select %and3A_878, %add3A_884, %broadcast_in_dim3A_886 : vector<16xi1>, vector<16xi32>
      tpu.vector_store_idx %arg7[%select_n3A_887], %broadcast_in_dim3A_1 masked %and3A_878 {add = true} : memref<102400xf32, #tpu.memory_space<vmem>>[vector<16xi32>], vector<16xf32>, vector<16xi1>
    }
    %scan3A_847 = arith.constant 500 : i32
    %mul3A_848 = arith.constant 40000 : i32
    %mul3A_849 = arith.muli %select_n3A_783, %mul3A_848 : i32
    %add3A_850 = arith.constant 32000 : i32
    %add3A_851 = arith.addi %mul3A_849, %add3A_850 : i32
    "tpu.region"() ({
      %run_scoped3A = tpu.sem_alloc : memref<!tpu.dma_semaphore, #tpu.memory_space<semaphore_mem>>
      %dma_start3A = tpu.memref_slice %arg2[%add3A_851] : memref<160000xi32, #tpu.memory_space<hbm>> -> memref<8000xi32, #tpu.memory_space<hbm>>
      %dma_start3A_865 = tpu.memref_slice %arg2[%add3A_851] : memref<160000xi32, #tpu.memory_space<hbm>> -> memref<8000xi32, #tpu.memory_space<hbm>>
      tpu.enqueue_dma source(%dma_start3A_865 : memref<8000xi32, #tpu.memory_space<hbm>>) target(%arg5 : memref<8000xi32, #tpu.memory_space<vmem>>) target_semaphore(%run_scoped3A : memref<!tpu.dma_semaphore, #tpu.memory_space<semaphore_mem>>)
      %dma_wait3A = tpu.memref_slice %arg2[%add3A_851] : memref<160000xi32, #tpu.memory_space<hbm>> -> memref<8000xi32, #tpu.memory_space<hbm>>
      %dma_wait3A_866 = tpu.memref_slice %arg2[%add3A_851] : memref<160000xi32, #tpu.memory_space<hbm>> -> memref<8000xi32, #tpu.memory_space<hbm>>
      tpu.wait_dma2 semaphore(%run_scoped3A : memref<!tpu.dma_semaphore, #tpu.memory_space<semaphore_mem>>) src(%dma_wait3A_866 : memref<8000xi32, #tpu.memory_space<hbm>>) dst(%arg5 : memref<8000xi32, #tpu.memory_space<vmem>>)
      tpu.yield
    }) : () -> ()
    "tpu.region"() ({
      %run_scoped3A = tpu.sem_alloc : memref<!tpu.dma_semaphore, #tpu.memory_space<semaphore_mem>>
      %dma_start3A = tpu.memref_slice %arg3[%add3A_851] : memref<160000xi32, #tpu.memory_space<hbm>> -> memref<8000xi32, #tpu.memory_space<hbm>>
      %dma_start3A_865 = tpu.memref_slice %arg3[%add3A_851] : memref<160000xi32, #tpu.memory_space<hbm>> -> memref<8000xi32, #tpu.memory_space<hbm>>
      tpu.enqueue_dma source(%dma_start3A_865 : memref<8000xi32, #tpu.memory_space<hbm>>) target(%arg6 : memref<8000xi32, #tpu.memory_space<vmem>>) target_semaphore(%run_scoped3A : memref<!tpu.dma_semaphore, #tpu.memory_space<semaphore_mem>>)
      %dma_wait3A = tpu.memref_slice %arg3[%add3A_851] : memref<160000xi32, #tpu.memory_space<hbm>> -> memref<8000xi32, #tpu.memory_space<hbm>>
      %dma_wait3A_866 = tpu.memref_slice %arg3[%add3A_851] : memref<160000xi32, #tpu.memory_space<hbm>> -> memref<8000xi32, #tpu.memory_space<hbm>>
      tpu.wait_dma2 semaphore(%run_scoped3A : memref<!tpu.dma_semaphore, #tpu.memory_space<semaphore_mem>>) src(%dma_wait3A_866 : memref<8000xi32, #tpu.memory_space<hbm>>) dst(%arg6 : memref<8000xi32, #tpu.memory_space<vmem>>)
      tpu.yield
    }) : () -> ()
    %scan3A_852 = arith.constant 0 : i32
    %scan3A_853 = arith.constant 0 : i32
    %scan3A_854 = arith.constant 500 : i32
    %scan3A_855 = arith.addi %scan3A_853, %scan3A_854 : i32
    %scan3A_856 = arith.constant 1 : i32
    scf.for %scan3A_865 = %scan3A_853 to %scan3A_855 step %scan3A_856  : i32 {
      %mul3A_866 = arith.constant 16 : i32
      %mul3A_867 = arith.muli %scan3A_865, %mul3A_866 : i32
      %get3A = arith.index_cast %mul3A_867 : i32 to index
      %get3A_868 = tpu.vector_load %arg5[%get3A] {strides = array<i32>} : memref<8000xi32, #tpu.memory_space<vmem>>, vector<16xi32>,
      %mul3A_869 = arith.constant 16 : i32
      %mul3A_870 = arith.muli %scan3A_865, %mul3A_869 : i32
      %get3A_871 = arith.index_cast %mul3A_870 : i32 to index
      %get3A_872 = tpu.vector_load %arg6[%get3A_871] {strides = array<i32>} : memref<8000xi32, #tpu.memory_space<vmem>>, vector<16xi32>,
      %ge3A = vector.broadcast %mul3A_801 : i32 to vector<16xi32>
      %ge3A_873 = arith.cmpi sge, %get3A_872, %ge3A : vector<16xi32>
      %add3A_874 = arith.constant 40 : i32
      %add3A_875 = arith.addi %mul3A_801, %add3A_874 : i32
      %lt3A_876 = vector.broadcast %add3A_875 : i32 to vector<16xi32>
      %lt3A_877 = arith.cmpi slt, %get3A_872, %lt3A_876 : vector<16xi32>
      %and3A_878 = arith.andi %ge3A_873, %lt3A_877 : vector<16xi1>
      %sub3A_879 = vector.broadcast %mul3A_801 : i32 to vector<16xi32>
      %sub3A_880 = arith.subi %get3A_872, %sub3A_879 : vector<16xi32>
      %mul3A_881 = arith.constant 2560 : i32
      %mul3A_882 = vector.broadcast %mul3A_881 : i32 to vector<16xi32>
      %mul3A_883 = arith.muli %sub3A_880, %mul3A_882 : vector<16xi32>
      %add3A_884 = arith.addi %mul3A_883, %get3A_868 : vector<16xi32>
      %jit3A_885 = arith.constant 0 : i32
      %broadcast_in_dim3A_886 = vector.broadcast %jit3A_885 : i32 to vector<16xi32>
      %select_n3A_887 = arith.select %and3A_878, %add3A_884, %broadcast_in_dim3A_886 : vector<16xi1>, vector<16xi32>
      tpu.vector_store_idx %arg7[%select_n3A_887], %broadcast_in_dim3A_1 masked %and3A_878 {add = true} : memref<102400xf32, #tpu.memory_space<vmem>>[vector<16xi32>], vector<16xf32>, vector<16xi1>
    }
    %scan3A_857 = arith.constant 500 : i32
    %mul3A_858 = arith.constant 2560 : i32
    %mul3A_859 = arith.muli %select_n3A_783, %mul3A_858 : i32
    %mul3A_860 = arith.constant 2560 : i32
    %mul3A_861 = arith.muli %mul3A_859, %mul3A_860 : i32
    %mul3A_862 = arith.constant 2560 : i32
    %mul3A_863 = arith.muli %mul3A_801, %mul3A_862 : i32
    %add3A_864 = arith.addi %mul3A_861, %mul3A_863 : i32
    "tpu.region"() ({
      %run_scoped3A = tpu.sem_alloc : memref<!tpu.dma_semaphore, #tpu.memory_space<semaphore_mem>>
      %dma_start3A = tpu.memref_slice %arg4[%add3A_864] : memref<26214400xf32, #tpu.memory_space<hbm>> -> memref<102400xf32, #tpu.memory_space<hbm>>
      %dma_start3A_865 = tpu.memref_slice %arg4[%add3A_864] : memref<26214400xf32, #tpu.memory_space<hbm>> -> memref<102400xf32, #tpu.memory_space<hbm>>
      tpu.enqueue_dma source(%arg7 : memref<102400xf32, #tpu.memory_space<vmem>>) target(%dma_start3A_865 : memref<102400xf32, #tpu.memory_space<hbm>>) target_semaphore(%run_scoped3A : memref<!tpu.dma_semaphore, #tpu.memory_space<semaphore_mem>>)
      %dma_wait3A = tpu.memref_slice %arg4[%add3A_864] : memref<26214400xf32, #tpu.memory_space<hbm>> -> memref<102400xf32, #tpu.memory_space<hbm>>
      %dma_wait3A_866 = tpu.memref_slice %arg4[%add3A_864] : memref<26214400xf32, #tpu.memory_space<hbm>> -> memref<102400xf32, #tpu.memory_space<hbm>>
      tpu.wait_dma2 semaphore(%run_scoped3A : memref<!tpu.dma_semaphore, #tpu.memory_space<semaphore_mem>>) src(%arg7 : memref<102400xf32, #tpu.memory_space<vmem>>) dst(%dma_wait3A_866 : memref<102400xf32, #tpu.memory_space<hbm>>)
      tpu.yield
    }) : () -> ()
    return
  }
}

module attributes {stable_mosaic.version = 14 : i64} {
  func.func @body(%arg0: i32, %arg1: memref<1x2560x256xf32, #tpu.memory_space<vmem>>, %arg2: memref<256x128xf32, #tpu.memory_space<vmem>>, %arg3: memref<1x128xf32, #tpu.memory_space<vmem>>, %arg4: memref<2560x1xf32, #tpu.memory_space<vmem>>, %arg5: memref<2560x1xf32, #tpu.memory_space<vmem>>, %arg6: memref<1x2560x128xf32, #tpu.memory_space<vmem>>) attributes {dimension_semantics = [#tpu.dimension_semantics<arbitrary>], iteration_bounds = array<i64: 4>, scalar_prefetch = 0 : i64, scratch_operands = 0 : i64, tpu.core_type = #tpu.core_type<tc>, window_params = [{transform_indices = @transform_0, window_bounds = array<i64: 1, 2560, 256>}, {pipeline_mode = #tpu.pipeline_mode<synchronous>, transform_indices = @transform_1, window_bounds = array<i64: 256, 128>}, {pipeline_mode = #tpu.pipeline_mode<synchronous>, transform_indices = @transform_2, window_bounds = array<i64: 1, 128>}, {pipeline_mode = #tpu.pipeline_mode<synchronous>, transform_indices = @transform_3, window_bounds = array<i64: 2560, 1>}, {pipeline_mode = #tpu.pipeline_mode<synchronous>, transform_indices = @transform_4, window_bounds = array<i64: 2560, 1>}, {transform_indices = @transform_5, window_bounds = array<i64: 1, 2560, 128>}]} {
    %get3A = arith.constant 0 : index
    %get3A_0 = arith.constant 0 : index
    %get3A_1 = arith.constant 0 : index
    %get3A_2 = vector.load %arg1[%get3A, %get3A_0, %get3A_1] : memref<1x2560x256xf32, #tpu.memory_space<vmem>>, vector<1x2560x256xf32>
    %get3A_3 = vector.shape_cast %get3A_2 : vector<1x2560x256xf32> to vector<2560x256xf32>
    %abs3A = math.absf %get3A_3 : vector<2560x256xf32>
    %reduce_sum3A = arith.constant dense<0.000000e+00> : vector<2560xf32>
    %reduce_sum3A_4 = vector.multi_reduction <add>, %abs3A, %reduce_sum3A [1] : vector<2560x256xf32> to vector<2560xf32>
    %broadcast_in_dim3A = vector.shape_cast %reduce_sum3A_4 : vector<2560xf32> to vector<2560x1xf32>
    %max3A = arith.constant 9.99999996E-13 : f32
    %max3A_5 = vector.broadcast %max3A : f32 to vector<2560x1xf32>
    %max3A_6 = arith.maximumf %broadcast_in_dim3A, %max3A_5 : vector<2560x1xf32>
    %div3A = vector.broadcast %max3A_6 : vector<2560x1xf32> to vector<2560x256xf32>
    %div3A_7 = arith.divf %get3A_3, %div3A : vector<2560x256xf32>
    %get3A_8 = arith.constant 0 : index
    %get3A_9 = arith.constant 0 : index
    %get3A_10 = vector.load %arg2[%get3A_8, %get3A_9] : memref<256x128xf32, #tpu.memory_space<vmem>>, vector<256x128xf32>
    %dot_general3A = arith.constant dense<0.000000e+00> : vector<2560x128xf32>
    %dot_general3A_11 = tpu.matmul %div3A_7, %get3A_10, %dot_general3A {dimension_numbers = #tpu.dot_dimension_numbers<[1], [0], [0], [1], [0, 0, 1, 1], [], []>, transpose_lhs_hint = false} : vector<2560x256xf32>, vector<256x128xf32>, vector<2560x128xf32> -> vector<2560x128xf32>
    %get3A_12 = arith.constant 0 : index
    %get3A_13 = arith.constant 0 : index
    %get3A_14 = vector.load %arg3[%get3A_12, %get3A_13] : memref<1x128xf32, #tpu.memory_space<vmem>>, vector<1x128xf32>
    %add3A = vector.broadcast %get3A_14 : vector<1x128xf32> to vector<2560x128xf32>
    %add3A_15 = arith.addf %dot_general3A_11, %add3A : vector<2560x128xf32>
    %get3A_16 = arith.constant 0 : index
    %get3A_17 = arith.constant 0 : index
    %get3A_18 = vector.load %arg4[%get3A_16, %get3A_17] : memref<2560x1xf32, #tpu.memory_space<vmem>>, vector<2560x1xf32>
    %mul3A = vector.broadcast %get3A_18 : vector<2560x1xf32> to vector<2560x128xf32>
    %mul3A_19 = arith.mulf %add3A_15, %mul3A : vector<2560x128xf32>
    %get3A_20 = arith.constant 0 : index
    %get3A_21 = arith.constant 0 : index
    %get3A_22 = vector.load %arg5[%get3A_20, %get3A_21] : memref<2560x1xf32, #tpu.memory_space<vmem>>, vector<2560x1xf32>
    %add3A_23 = vector.broadcast %get3A_22 : vector<2560x1xf32> to vector<2560x128xf32>
    %add3A_24 = arith.addf %mul3A_19, %add3A_23 : vector<2560x128xf32>
    %swap3A = arith.constant 0 : index
    %swap3A_25 = arith.constant 0 : index
    %swap3A_26 = arith.constant 0 : index
    %swap3A_27 = vector.load %arg6[%swap3A, %swap3A_25, %swap3A_26] : memref<1x2560x128xf32, #tpu.memory_space<vmem>>, vector<1x2560x128xf32>
    %swap3A_28 = vector.shape_cast %swap3A_27 : vector<1x2560x128xf32> to vector<2560x128xf32>
    %swap3A_29 = vector.shape_cast %add3A_24 : vector<2560x128xf32> to vector<1x2560x128xf32>
    tpu.vector_store %arg6[%swap3A, %swap3A_25, %swap3A_26], %swap3A_29 {strides = array<i32>} : memref<1x2560x128xf32, #tpu.memory_space<vmem>>, vector<1x2560x128xf32>,
    return
  }
  func.func @transform_0(%arg0: i32) -> (i32, i32, i32) {
    %c0_i32 = arith.constant 0 : i32
    %c0_i32_0 = arith.constant 0 : i32
    %c0_i32_1 = arith.constant 0 : i32
    return %arg0, %c0_i32, %c0_i32_0 : i32, i32, i32
  }
  func.func @transform_1(%arg0: i32) -> (i32, i32) {
    %c0_i32 = arith.constant 0 : i32
    %c0_i32_0 = arith.constant 0 : i32
    %c0_i32_1 = arith.constant 0 : i32
    return %c0_i32, %c0_i32_0 : i32, i32
  }
  func.func @transform_2(%arg0: i32) -> (i32, i32) {
    %c0_i32 = arith.constant 0 : i32
    %c0_i32_0 = arith.constant 0 : i32
    %c0_i32_1 = arith.constant 0 : i32
    return %c0_i32, %c0_i32_0 : i32, i32
  }
  func.func @transform_3(%arg0: i32) -> (i32, i32) {
    %c0_i32 = arith.constant 0 : i32
    %c0_i32_0 = arith.constant 0 : i32
    %c0_i32_1 = arith.constant 0 : i32
    return %c0_i32, %c0_i32_0 : i32, i32
  }
  func.func @transform_4(%arg0: i32) -> (i32, i32) {
    %c0_i32 = arith.constant 0 : i32
    %c0_i32_0 = arith.constant 0 : i32
    %c0_i32_1 = arith.constant 0 : i32
    return %c0_i32, %c0_i32_0 : i32, i32
  }
  func.func @transform_5(%arg0: i32) -> (i32, i32, i32) {
    %c0_i32 = arith.constant 0 : i32
    %c0_i32_0 = arith.constant 0 : i32
    %c0_i32_1 = arith.constant 0 : i32
    return %arg0, %c0_i32, %c0_i32_0 : i32, i32, i32
  }
}

module attributes {stable_mosaic.version = 14 : i64} {
  func.func @body(%arg0: i32, %arg1: i32, %arg2: memref<1x2560x128xf32, #tpu.memory_space<vmem>>, %arg3: memref<1x1280x128xf32, #tpu.memory_space<vmem>>, %arg4: memref<1x1280x2560xf32, #tpu.memory_space<vmem>>, %arg5: memref<2560x1xf32, #tpu.memory_space<vmem>>, %arg6: memref<2560x1xf32, #tpu.memory_space<vmem>>, %arg7: memref<1280x1xf32, #tpu.memory_space<vmem>>, %arg8: memref<1280x1xf32, #tpu.memory_space<vmem>>, %arg9: memref<128x128xf32, #tpu.memory_space<vmem>>, %arg10: memref<1x128xf32, #tpu.memory_space<vmem>>, %arg11: memref<128x384xf32, #tpu.memory_space<vmem>>, %arg12: memref<128x384xf32, #tpu.memory_space<vmem>>, %arg13: memref<1x384xf32, #tpu.memory_space<vmem>>, %arg14: memref<1x384xf32, #tpu.memory_space<vmem>>, %arg15: memref<1x1280x128xf32, #tpu.memory_space<vmem>>) attributes {dimension_semantics = [#tpu.dimension_semantics<arbitrary>, #tpu.dimension_semantics<arbitrary>], iteration_bounds = array<i64: 4, 2>, scalar_prefetch = 0 : i64, scratch_operands = 0 : i64, tpu.core_type = #tpu.core_type<tc>, window_params = [{transform_indices = @transform_0, window_bounds = array<i64: 1, 2560, 128>}, {transform_indices = @transform_1, window_bounds = array<i64: 1, 1280, 128>}, {transform_indices = @transform_2, window_bounds = array<i64: 1, 1280, 2560>}, {pipeline_mode = #tpu.pipeline_mode<synchronous>, transform_indices = @transform_3, window_bounds = array<i64: 2560, 1>}, {pipeline_mode = #tpu.pipeline_mode<synchronous>, transform_indices = @transform_4, window_bounds = array<i64: 2560, 1>}, {transform_indices = @transform_5, window_bounds = array<i64: 1280, 1>}, {transform_indices = @transform_6, window_bounds = array<i64: 1280, 1>}, {pipeline_mode = #tpu.pipeline_mode<synchronous>, transform_indices = @transform_7, window_bounds = array<i64: 128, 128>}, {pipeline_mode = #tpu.pipeline_mode<synchronous>, transform_indices = @transform_8, window_bounds = array<i64: 1, 128>}, {pipeline_mode = #tpu.pipeline_mode<synchronous>, transform_indices = @transform_9, window_bounds = array<i64: 128, 384>}, {pipeline_mode = #tpu.pipeline_mode<synchronous>, transform_indices = @transform_10, window_bounds = array<i64: 128, 384>}, {pipeline_mode = #tpu.pipeline_mode<synchronous>, transform_indices = @transform_11, window_bounds = array<i64: 1, 384>}, {pipeline_mode = #tpu.pipeline_mode<synchronous>, transform_indices = @transform_12, window_bounds = array<i64: 1, 384>}, {transform_indices = @transform_13, window_bounds = array<i64: 1, 1280, 128>}]} {
    %get3A = arith.constant 0 : index
    %get3A_0 = arith.constant 0 : index
    %get3A_1 = arith.constant 0 : index
    %get3A_2 = vector.load %arg2[%get3A, %get3A_0, %get3A_1] : memref<1x2560x128xf32, #tpu.memory_space<vmem>>, vector<1x2560x128xf32>
    %get3A_3 = vector.shape_cast %get3A_2 : vector<1x2560x128xf32> to vector<2560x128xf32>
    %get3A_4 = arith.constant 0 : index
    %get3A_5 = arith.constant 0 : index
    %get3A_6 = vector.load %arg5[%get3A_4, %get3A_5] : memref<2560x1xf32, #tpu.memory_space<vmem>>, vector<2560x1xf32>
    %mul3A = vector.broadcast %get3A_6 : vector<2560x1xf32> to vector<2560x128xf32>
    %mul3A_7 = arith.mulf %get3A_3, %mul3A : vector<2560x128xf32>
    %get3A_8 = arith.constant 0 : index
    %get3A_9 = arith.constant 0 : index
    %get3A_10 = vector.load %arg6[%get3A_8, %get3A_9] : memref<2560x1xf32, #tpu.memory_space<vmem>>, vector<2560x1xf32>
    %add3A = vector.broadcast %get3A_10 : vector<2560x1xf32> to vector<2560x128xf32>
    %add3A_11 = arith.addf %mul3A_7, %add3A : vector<2560x128xf32>
    %get3A_12 = arith.constant 0 : index
    %get3A_13 = arith.constant 0 : index
    %get3A_14 = vector.load %arg9[%get3A_12, %get3A_13] : memref<128x128xf32, #tpu.memory_space<vmem>>, vector<128x128xf32>
    %dot_general3A = arith.constant dense<0.000000e+00> : vector<2560x128xf32>
    %dot_general3A_15 = tpu.matmul %add3A_11, %get3A_14, %dot_general3A {dimension_numbers = #tpu.dot_dimension_numbers<[1], [0], [0], [1], [0, 0, 1, 1], [], []>, transpose_lhs_hint = false} : vector<2560x128xf32>, vector<128x128xf32>, vector<2560x128xf32> -> vector<2560x128xf32>
    %get3A_16 = arith.constant 0 : index
    %get3A_17 = arith.constant 0 : index
    %get3A_18 = arith.constant 0 : index
    %get3A_19 = vector.load %arg4[%get3A_16, %get3A_17, %get3A_18] : memref<1x1280x2560xf32, #tpu.memory_space<vmem>>, vector<1x1280x2560xf32>
    %get3A_20 = vector.shape_cast %get3A_19 : vector<1x1280x2560xf32> to vector<1280x2560xf32>
    %reduce_sum3A = arith.constant dense<0.000000e+00> : vector<1280xf32>
    %reduce_sum3A_21 = vector.multi_reduction <add>, %get3A_20, %reduce_sum3A [1] : vector<1280x2560xf32> to vector<1280xf32>
    %broadcast_in_dim3A = vector.shape_cast %reduce_sum3A_21 : vector<1280xf32> to vector<1280x1xf32>
    %dot_general3A_22 = arith.constant dense<0.000000e+00> : vector<1280x128xf32>
    %dot_general3A_23 = tpu.matmul %get3A_20, %dot_general3A_15, %dot_general3A_22 {dimension_numbers = #tpu.dot_dimension_numbers<[1], [0], [0], [1], [0, 0, 1, 1], [], []>, transpose_lhs_hint = false} : vector<1280x2560xf32>, vector<2560x128xf32>, vector<1280x128xf32> -> vector<1280x128xf32>
    %get3A_24 = arith.constant 0 : index
    %get3A_25 = arith.constant 0 : index
    %get3A_26 = vector.load %arg10[%get3A_24, %get3A_25] : memref<1x128xf32, #tpu.memory_space<vmem>>, vector<1x128xf32>
    %mul3A_27 = vector.broadcast %broadcast_in_dim3A : vector<1280x1xf32> to vector<1280x128xf32>
    %mul3A_28 = vector.broadcast %get3A_26 : vector<1x128xf32> to vector<1280x128xf32>
    %mul3A_29 = arith.mulf %mul3A_27, %mul3A_28 : vector<1280x128xf32>
    %add3A_30 = arith.addf %dot_general3A_23, %mul3A_29 : vector<1280x128xf32>
    %get3A_31 = arith.constant 0 : index
    %get3A_32 = arith.constant 0 : index
    %get3A_33 = arith.constant 0 : index
    %get3A_34 = vector.load %arg3[%get3A_31, %get3A_32, %get3A_33] : memref<1x1280x128xf32, #tpu.memory_space<vmem>>, vector<1x1280x128xf32>
    %get3A_35 = vector.shape_cast %get3A_34 : vector<1x1280x128xf32> to vector<1280x128xf32>
    %get3A_36 = arith.constant 0 : index
    %get3A_37 = arith.constant 0 : index
    %get3A_38 = vector.load %arg7[%get3A_36, %get3A_37] : memref<1280x1xf32, #tpu.memory_space<vmem>>, vector<1280x1xf32>
    %mul3A_39 = vector.broadcast %get3A_38 : vector<1280x1xf32> to vector<1280x128xf32>
    %mul3A_40 = arith.mulf %get3A_35, %mul3A_39 : vector<1280x128xf32>
    %get3A_41 = arith.constant 0 : index
    %get3A_42 = arith.constant 0 : index
    %get3A_43 = vector.load %arg8[%get3A_41, %get3A_42] : memref<1280x1xf32, #tpu.memory_space<vmem>>, vector<1280x1xf32>
    %add3A_44 = vector.broadcast %get3A_43 : vector<1280x1xf32> to vector<1280x128xf32>
    %add3A_45 = arith.addf %mul3A_40, %add3A_44 : vector<1280x128xf32>
    %get3A_46 = arith.constant 0 : index
    %get3A_47 = arith.constant 0 : index
    %get3A_48 = vector.load %arg11[%get3A_46, %get3A_47] : memref<128x384xf32, #tpu.memory_space<vmem>>, vector<128x384xf32>
    %dot_general3A_49 = arith.constant dense<0.000000e+00> : vector<1280x384xf32>
    %dot_general3A_50 = tpu.matmul %add3A_30, %get3A_48, %dot_general3A_49 {dimension_numbers = #tpu.dot_dimension_numbers<[1], [0], [0], [1], [0, 0, 1, 1], [], []>, transpose_lhs_hint = false} : vector<1280x128xf32>, vector<128x384xf32>, vector<1280x384xf32> -> vector<1280x384xf32>
    %get3A_51 = arith.constant 0 : index
    %get3A_52 = arith.constant 0 : index
    %get3A_53 = vector.load %arg13[%get3A_51, %get3A_52] : memref<1x384xf32, #tpu.memory_space<vmem>>, vector<1x384xf32>
    %add3A_54 = vector.broadcast %get3A_53 : vector<1x384xf32> to vector<1280x384xf32>
    %add3A_55 = arith.addf %dot_general3A_50, %add3A_54 : vector<1280x384xf32>
    %get3A_56 = arith.constant 0 : index
    %get3A_57 = arith.constant 0 : index
    %get3A_58 = vector.load %arg12[%get3A_56, %get3A_57] : memref<128x384xf32, #tpu.memory_space<vmem>>, vector<128x384xf32>
    %dot_general3A_59 = arith.constant dense<0.000000e+00> : vector<1280x384xf32>
    %dot_general3A_60 = tpu.matmul %add3A_45, %get3A_58, %dot_general3A_59 {dimension_numbers = #tpu.dot_dimension_numbers<[1], [0], [0], [1], [0, 0, 1, 1], [], []>, transpose_lhs_hint = false} : vector<1280x128xf32>, vector<128x384xf32>, vector<1280x384xf32> -> vector<1280x384xf32>
    %get3A_61 = arith.constant 0 : index
    %get3A_62 = arith.constant 0 : index
    %get3A_63 = vector.load %arg14[%get3A_61, %get3A_62] : memref<1x384xf32, #tpu.memory_space<vmem>>, vector<1x384xf32>
    %add3A_64 = vector.broadcast %get3A_63 : vector<1x384xf32> to vector<1280x384xf32>
    %add3A_65 = arith.addf %dot_general3A_60, %add3A_64 : vector<1280x384xf32>
    %slice3A = vector.extract_strided_slice %add3A_55 {offsets = [0, 0], sizes = [1280, 128], strides = [1, 1]} : vector<1280x384xf32> to vector<1280x128xf32>
    %slice3A_66 = vector.extract_strided_slice %add3A_65 {offsets = [0, 0], sizes = [1280, 128], strides = [1, 1]} : vector<1280x384xf32> to vector<1280x128xf32>
    %add3A_67 = arith.addf %slice3A, %slice3A_66 : vector<1280x128xf32>
    %logistic3A = arith.negf %add3A_67 : vector<1280x128xf32>
    %logistic3A_68 = math.exp %logistic3A : vector<1280x128xf32>
    %logistic3A_69 = arith.constant 1.000000e+00 : f32
    %logistic3A_70 = vector.broadcast %logistic3A_69 : f32 to vector<1280x128xf32>
    %logistic3A_71 = arith.addf %logistic3A_70, %logistic3A_68 : vector<1280x128xf32>
    %logistic3A_72 = arith.divf %logistic3A_70, %logistic3A_71 : vector<1280x128xf32>
    %slice3A_73 = vector.extract_strided_slice %add3A_55 {offsets = [0, 128], sizes = [1280, 128], strides = [1, 1]} : vector<1280x384xf32> to vector<1280x128xf32>
    %slice3A_74 = vector.extract_strided_slice %add3A_65 {offsets = [0, 128], sizes = [1280, 128], strides = [1, 1]} : vector<1280x384xf32> to vector<1280x128xf32>
    %add3A_75 = arith.addf %slice3A_73, %slice3A_74 : vector<1280x128xf32>
    %logistic3A_76 = arith.negf %add3A_75 : vector<1280x128xf32>
    %logistic3A_77 = math.exp %logistic3A_76 : vector<1280x128xf32>
    %logistic3A_78 = arith.constant 1.000000e+00 : f32
    %logistic3A_79 = vector.broadcast %logistic3A_78 : f32 to vector<1280x128xf32>
    %logistic3A_80 = arith.addf %logistic3A_79, %logistic3A_77 : vector<1280x128xf32>
    %logistic3A_81 = arith.divf %logistic3A_79, %logistic3A_80 : vector<1280x128xf32>
    %slice3A_82 = vector.extract_strided_slice %add3A_55 {offsets = [0, 256], sizes = [1280, 128], strides = [1, 1]} : vector<1280x384xf32> to vector<1280x128xf32>
    %slice3A_83 = vector.extract_strided_slice %add3A_65 {offsets = [0, 256], sizes = [1280, 128], strides = [1, 1]} : vector<1280x384xf32> to vector<1280x128xf32>
    %mul3A_84 = arith.mulf %logistic3A_72, %slice3A_83 : vector<1280x128xf32>
    %add3A_85 = arith.addf %slice3A_82, %mul3A_84 : vector<1280x128xf32>
    %tanh3A = math.tanh %add3A_85 : vector<1280x128xf32>
    %sub3A = arith.constant 1.000000e+00 : f32
    %sub3A_86 = vector.broadcast %sub3A : f32 to vector<1280x128xf32>
    %sub3A_87 = arith.subf %sub3A_86, %logistic3A_81 : vector<1280x128xf32>
    %mul3A_88 = arith.mulf %sub3A_87, %tanh3A : vector<1280x128xf32>
    %mul3A_89 = arith.mulf %logistic3A_81, %add3A_45 : vector<1280x128xf32>
    %add3A_90 = arith.addf %mul3A_88, %mul3A_89 : vector<1280x128xf32>
    %swap3A = arith.constant 0 : index
    %swap3A_91 = arith.constant 0 : index
    %swap3A_92 = arith.constant 0 : index
    %swap3A_93 = vector.load %arg15[%swap3A, %swap3A_91, %swap3A_92] : memref<1x1280x128xf32, #tpu.memory_space<vmem>>, vector<1x1280x128xf32>
    %swap3A_94 = vector.shape_cast %swap3A_93 : vector<1x1280x128xf32> to vector<1280x128xf32>
    %swap3A_95 = vector.shape_cast %add3A_90 : vector<1280x128xf32> to vector<1x1280x128xf32>
    tpu.vector_store %arg15[%swap3A, %swap3A_91, %swap3A_92], %swap3A_95 {strides = array<i32>} : memref<1x1280x128xf32, #tpu.memory_space<vmem>>, vector<1x1280x128xf32>,
    return
  }
  func.func @transform_0(%arg0: i32, %arg1: i32) -> (i32, i32, i32) {
    %c0_i32 = arith.constant 0 : i32
    %c0_i32_0 = arith.constant 0 : i32
    %c0_i32_1 = arith.constant 0 : i32
    return %arg0, %c0_i32, %c0_i32_0 : i32, i32, i32
  }
  func.func @transform_1(%arg0: i32, %arg1: i32) -> (i32, i32, i32) {
    %c0_i32 = arith.constant 0 : i32
    %c0_i32_0 = arith.constant 0 : i32
    return %arg0, %arg1, %c0_i32 : i32, i32, i32
  }
  func.func @transform_2(%arg0: i32, %arg1: i32) -> (i32, i32, i32) {
    %c0_i32 = arith.constant 0 : i32
    %c0_i32_0 = arith.constant 0 : i32
    return %arg0, %arg1, %c0_i32 : i32, i32, i32
  }
  func.func @transform_3(%arg0: i32, %arg1: i32) -> (i32, i32) {
    %c0_i32 = arith.constant 0 : i32
    %c0_i32_0 = arith.constant 0 : i32
    %c0_i32_1 = arith.constant 0 : i32
    return %c0_i32, %c0_i32_0 : i32, i32
  }
  func.func @transform_4(%arg0: i32, %arg1: i32) -> (i32, i32) {
    %c0_i32 = arith.constant 0 : i32
    %c0_i32_0 = arith.constant 0 : i32
    %c0_i32_1 = arith.constant 0 : i32
    return %c0_i32, %c0_i32_0 : i32, i32
  }
  func.func @transform_5(%arg0: i32, %arg1: i32) -> (i32, i32) {
    %c0_i32 = arith.constant 0 : i32
    %c0_i32_0 = arith.constant 0 : i32
    return %arg1, %c0_i32 : i32, i32
  }
  func.func @transform_6(%arg0: i32, %arg1: i32) -> (i32, i32) {
    %c0_i32 = arith.constant 0 : i32
    %c0_i32_0 = arith.constant 0 : i32
    return %arg1, %c0_i32 : i32, i32
  }
  func.func @transform_7(%arg0: i32, %arg1: i32) -> (i32, i32) {
    %c0_i32 = arith.constant 0 : i32
    %c0_i32_0 = arith.constant 0 : i32
    %c0_i32_1 = arith.constant 0 : i32
    return %c0_i32, %c0_i32_0 : i32, i32
  }
  func.func @transform_8(%arg0: i32, %arg1: i32) -> (i32, i32) {
    %c0_i32 = arith.constant 0 : i32
    %c0_i32_0 = arith.constant 0 : i32
    %c0_i32_1 = arith.constant 0 : i32
    return %c0_i32, %c0_i32_0 : i32, i32
  }
  func.func @transform_9(%arg0: i32, %arg1: i32) -> (i32, i32) {
    %c0_i32 = arith.constant 0 : i32
    %c0_i32_0 = arith.constant 0 : i32
    %c0_i32_1 = arith.constant 0 : i32
    return %c0_i32, %c0_i32_0 : i32, i32
  }
  func.func @transform_10(%arg0: i32, %arg1: i32) -> (i32, i32) {
    %c0_i32 = arith.constant 0 : i32
    %c0_i32_0 = arith.constant 0 : i32
    %c0_i32_1 = arith.constant 0 : i32
    return %c0_i32, %c0_i32_0 : i32, i32
  }
  func.func @transform_11(%arg0: i32, %arg1: i32) -> (i32, i32) {
    %c0_i32 = arith.constant 0 : i32
    %c0_i32_0 = arith.constant 0 : i32
    %c0_i32_1 = arith.constant 0 : i32
    return %c0_i32, %c0_i32_0 : i32, i32
  }
  func.func @transform_12(%arg0: i32, %arg1: i32) -> (i32, i32) {
    %c0_i32 = arith.constant 0 : i32
    %c0_i32_0 = arith.constant 0 : i32
    %c0_i32_1 = arith.constant 0 : i32
    return %c0_i32, %c0_i32_0 : i32, i32
  }
  func.func @transform_13(%arg0: i32, %arg1: i32) -> (i32, i32, i32) {
    %c0_i32 = arith.constant 0 : i32
    %c0_i32_0 = arith.constant 0 : i32
    return %arg0, %arg1, %c0_i32 : i32, i32, i32
  }
}

</mosaic_0001>

<sc_bundles>
// kernel: kernel.8.cloned.1.call-start
scs
__scs_entry_jumppad:
0x0: {  	(pc) =	sbr.rel $0x88, $3  }
0x1: {  	(tag) =	ssettag $0x0;
	lr =	simm.s32 $0x1  }
0x2: {  	[smem:$0x3F92] =	sst lr;
	_ =	strace $0xD0000000  }
0x3: {  	_ = 	snop  }
0x4: {  	_ = 	snop  }
0x5: {  	_ = 	snop  }
0x6: {  	_ = 	snop  }
0x7: {  	_ = 	snop  }
__scs_overlays_trampoline_lowered:
0x8: {  	[smem:$0x3FA1] =	sst s0  }
0x9: {  	[smem:$0x3FA2] =	sst s1  }
0xa: {  	[smem:$0x3FA3] =	sst s2  }
0xb: {  	[smem:$0x3FA4] =	sst s3  }
0xc: {  	[smem:$0x3FA5] =	sst s4  }
0xd: {  	[smem:$0x3FA6] =	sst s5  }
0xe: {  	[smem:$0x3FA7] =	sst s6  }
0xf: {  	[smem:$0x3FA8] =	sst s7  }
0x10: {  	[smem:$0x3FA9] =	sst s8  }
0x11: {  	[smem:$0x3FAA] =	sst s9;
	s0 =	simm.s32 @!p0 $0x0  }
0x12: {  	s1 =	sld [smem:$0x3F90];
	s0 =	simm.s32 @p0 $0x1  }
0x13: {  	[smem:$0x3FAB] =	sst s0;
	s0 =	simm.s32 @!p1 $0x0  }
0x14: {  	s2 =	sld [smem:$0x3F8F];
	s0 =	simm.s32 @p1 $0x1  }
0x15: {  	[smem:$0x3FAC] =	sst s0;
	s0 =	simm.s32 @!p2 $0x0  }
0x16: {  	s3 =	sld [smem:$0x3FDB];
	s0 =	simm.s32 @p2 $0x1  }
0x17: {  	s4 =	simm.s32 $0x1BF5;
	[smem:$0x3FAE] =	sst s0  }
0x18: {  	s0 =	sld [smem:$0x3F91];
	_ =	swait.ge [sflag:s4], $0x0  }
0x19: {  	s7 =	sld [smem:$0x3F92]  }
0x1a: {  	s8 =	sadd.s32 $0xFFFFE003, lr  }
0x1b: {  	s9 =	sadd.s32 $0xFFFFFEF7, lr;
	s5 =	simm.s32 $0xFFFFFFFF;
	p2 =	slt.u32 s8, $0xFFFFF086  }
0x1c: {  	p1 =	slt.u32 s9, $0xF7A;
	s5 =	simm.s32 @!p2 $0x0  }
0x1d: {  	s5 =	simm.s32 @p1 $0x1;
	p0 =	seq.s32 s7, s2  }
0x1e: {  	s7 =	smul.u32 @!p0 $0xF7A, s2;
	p2 =	seq.s32 @!p0 s5, $0x0  }
0x1f: {  	s9 =	smul.u32 $0xF7A, s1;
	s8 =	simm.s32 @!p0 $0x1BF5;
	p2 =	por !p2, p0  }
0x20: {  	[sflag:s8] =	ssyncset.s32 @!p0 $0xFFFFF086;
	s6 =	sadd.s32 @!p0 s3, s7;
	s7 =	simm.s32 @!p0 $0x108  }
0x21: {  	s3 =	sadd.s32 s3, s9;
	s6 =	sadd.s32 @!p0 $0x88, s6;
	s7 =	simm.s32 @p2 $0x1082  }
0x22: {  	[simem:s7], [sflag:s8] =	dma.local @!p0 [hbm:s6], $0xF7A  }
0x23: {  	s9 =	sor.u32 $0xD0000000, s2;
	s6 =	simm.s32 $0x108;
	_ =	swait.ge @!p0 [sflag:s8], $0x0  }
0x24: {  	s3 =	sadd.s32 $0x88, s3;
	s6 =	simm.s32 @!p1 $0x1082;
	[sflag:s4] =	ssyncset.s32 $0xFFFFF086  }
0x25: {  	[simem:s6], [sflag:s4] =	dma.local [hbm:s3], $0xF7A  }
0x26: {  	[smem:$0x3F92] =	sst s1;
	(tag) =	ssettag s2;
	_ =	strace s9  }
0x27: {  	s1 =	sld [smem:$0x3FA2]  }
0x28: {  	s2 =	sld [smem:$0x3FA3]  }
0x29: {  	s4 =	sld [smem:$0x3FA5]  }
0x2a: {  	p0 =	seq.s32 s5, $0x0;
	s5 =	sld [smem:$0x3FA6]  }
0x2b: {  	s6 =	sld [smem:$0x3FA7]  }
0x2c: {  	s7 =	sld [smem:$0x3FA8]  }
0x2d: {  	s3 =	simm.s32 $0x108;
	s8 =	sld [smem:$0x3FA9]  }
0x2e: {  	s3 =	simm.s32 @!p0 $0x1082;
	s9 =	sld [smem:$0x3FAA]  }
0x2f: {  	lr =	sadd.s32 s0, s3;
	s0 =	sld [smem:$0x3FA1]  }
0x30: {  	s3 =	sld [smem:$0x3FA4]  }
0x31: {  	[smem:$0x3FAD] =	sst s10  }
0x32: {  	s10 =	sld [smem:$0x3FAB];
	_ =	sdelay $0x3  }
0x33: {  	p0 =	seq.s32 s10, $0x1;
	s10 =	sld [smem:$0x3FAD];
	_ =	sdelay $0x3  }
0x34: {  	[smem:$0x3FAD] =	sst s10  }
0x35: {  	s10 =	sld [smem:$0x3FAC];
	_ =	sdelay $0x3  }
0x36: {  	p1 =	seq.s32 s10, $0x1;
	s10 =	sld [smem:$0x3FAD];
	_ =	sdelay $0x3  }
0x37: {  	[smem:$0x3FAD] =	sst s10  }
0x38: {  	s10 =	sld [smem:$0x3FAE]  }
0x39: {  	_ = 	snop;
	(pc) =	sbr.ind lr, $3  }
0x3a: {  	_ = 	snop  }
0x3b: {  	_ = 	snop  }
0x3c: {  	p2 =	seq.s32 s10, $0x1;
	s10 =	sld [smem:$0x3FAD]  }
0x3d: {  	_ =	shalt  }
0x3e: {  	_ =	shalt  }
0x3f: {  	_ =	shalt  }
0x40: {  	_ =	shalt  }
0x41: {  	_ =	shalt  }
0x42: {  	_ =	shalt  }
0x43: {  	_ =	shalt  }
0x44: {  	_ =	shalt  }
0x45: {  	_ =	shalt  }
0x46: {  	_ =	shalt  }
0x47: {  	_ =	shalt  }
0x48: {  	_ =	shalt  }
0x49: {  	_ =	shalt  }
0x4a: {  	_ =	shalt  }
0x4b: {  	_ =	shalt  }
0x4c: {  	_ =	shalt  }
0x4d: {  	_ =	shalt  }
0x4e: {  	_ =	shalt  }
0x4f: {  	_ =	shalt  }
0x50: {  	_ =	shalt  }
0x51: {  	_ =	shalt  }
0x52: {  	_ =	shalt  }
0x53: {  	_ =	shalt  }
0x54: {  	_ =	shalt  }
0x55: {  	_ =	shalt  }
0x56: {  	_ =	shalt  }
0x57: {  	_ =	shalt  }
0x58: {  	_ =	shalt  }
0x59: {  	_ =	shalt  }
0x5a: {  	_ =	shalt  }
0x5b: {  	_ =	shalt  }
0x5c: {  	_ =	shalt  }
0x5d: {  	_ =	shalt  }
0x5e: {  	_ =	shalt  }
0x5f: {  	_ =	shalt  }
0x60: {  	_ =	shalt  }
0x61: {  	_ =	shalt  }
0x62: {  	_ =	shalt  }
0x63: {  	_ =	shalt  }
0x64: {  	_ =	shalt  }
0x65: {  	_ =	shalt  }
0x66: {  	_ =	shalt  }
0x67: {  	_ =	shalt  }
0x68: {  	_ =	shalt  }
0x69: {  	_ =	shalt  }
0x6a: {  	_ =	shalt  }
0x6b: {  	_ =	shalt  }
0x6c: {  	_ =	shalt  }
0x6d: {  	_ =	shalt  }
0x6e: {  	_ =	shalt  }
0x6f: {  	_ =	shalt  }
0x70: {  	_ =	shalt  }
0x71: {  	_ =	shalt  }
0x72: {  	_ =	shalt  }
0x73: {  	_ =	shalt  }
0x74: {  	_ =	shalt  }
0x75: {  	_ =	shalt  }
0x76: {  	_ =	shalt  }
0x77: {  	_ =	shalt  }
0x78: {  	_ =	shalt  }
0x79: {  	_ =	shalt  }
0x7a: {  	_ =	shalt  }
0x7b: {  	_ =	shalt  }
0x7c: {  	_ =	shalt  }
0x7d: {  	_ =	shalt  }
0x7e: {  	_ =	shalt  }
0x7f: {  	_ =	shalt  }
0x80: {  	_ =	shalt  }
0x81: {  	_ =	shalt  }
0x82: {  	_ =	shalt  }
0x83: {  	_ =	shalt  }
0x84: {  	_ =	shalt  }
0x85: {  	_ =	shalt  }
0x86: {  	_ =	shalt  }
0x87: {  	_ =	shalt  }
.Lfunc_end0:
.L_simem_size_0:
called_computation_lowered:
.L_overlay_start_0:
0x88: {  	s2 =	sld [smem:$0x3FD9]  }
0x89: {  	s3 =	sld [smem:$0x3FFE];
	_ =	sdelay $0x1  }
0x8a: {  	s1 =	srdreg.scid  }
0x8b: {  	s0 =	sand.u32 $0x1, s1  }
0x8c: {  	s17 =	sshll.u32 s0, $0xA;
	s2 =	sadd.s32 s3, s2  }
0x8d: {  	s2 =	sadd.s32 s2, s17  }
0x8e: {  	[smem:$0x3FB9] =	sst s2  }
0x8f: {  	_ = 	snop  }
0x90: {  	s2 =	sld [smem:$0x3FD0];
	(tm) =	ssettm $0x1  }
0x91: {  	s18 =	sld [smem:$0x3FFB];
	_ =	sdelay $0x3  }
0x92: {  	_ =	strace s18  }
0x93: {  	s3 =	sld [smem:$0x3FFC];
	_ =	sdelay $0x3  }
0x94: {  	_ =	strace s3  }
0x95: {  	s3 =	sld [smem:$0x3FFD];
	_ =	sdelay $0x3  }
0x96: {  	_ =	strace s3  }
0x97: {  	_ =	strace $0x8FFFFFFF  }
0x98: {  	s19 =	sld [smem:$0x3FDB];
	_ =	sdelay $0x1  }
0x99: {  	s4 =	simm.s32 $_scs_section_size  }
0x9a: {  	s5 =	simm.s32 $_size__tile_overlayer_lowered;
	s6 =	simm.s32 $_tile_overlayer_lowered  }
0x9b: {  	s22 =	simm.s32 $0x1BFF;
	s21 =	sshll.u32 s6, $0x1;
	s3 =	sadd.s32 s4, s19  }
0x9c: {  	s7 =	simm.s32 $0x0;
	s20 =	sshll.u32 s5, $0x1;
	s5 =	sadd.s32 s21, s3  }
0x9d: {  	[timem:s7], [sflag:s22] =	dma.local [hbm:s5], s20  }
0x9e: {  	_ =	swait.ge [sflag:s22], s20  }
0x9f: {  	s4 =	ssub.s32 $0x0, s20;
	[sflag:s22] =	ssyncset.done $0x0  }
0xa0: {  	[sflag:s22] =	ssyncadd.s32 s4;
	_ =	sdelay $0x1  }
0xa1: {  	s23 =	simm.s32 $0x1B8B  }
0xa2: {  	_ =	swait.ge [sflag:s23], $0x1  }
0xa3: {  	[sflag:s23] =	ssyncset.done $0x0  }
0xa4: {  	s25 =	simm.s32 $0x1B8E;
	s24 =	sld [smem:$0x3FFE];
	[sflag:s23] =	ssyncadd.s32 $0xFFFFFFFF  }
0xa5: {  	s26 =	simm.s32 $execute0_lowered;
	[smem:$0x3FD2] =	sst s25  }
0xa6: {  	s5 =	sshll.u32 s26, $0x1;
	_ =	strace $0x80000046;
	[dreg:$0x1] =	wrdreg $0xFFFFFFFF  }
0xa7: {  	s28 =	simm.s32 $_size_execute0_lowered;
	s3 =	sadd.s32 s3, s5;
	[dreg:$0x0] =	wrdreg $0x0  }
0xa8: {  	s5 =	sshll.u32 s28, $0x1;
	[dreg:$0x2] =	wrdreg s3  }
0xa9: {  	[dreg:$0x3] =	wrdreg s5  }
0xaa: {  	[dreg:$0x4] =	wrdreg $0xC0  }
0xab: {  	_ =	task [dreg:s7], $0x5FFFF  }
0xac: {  	[dreg:$0x1] =	wrdreg $0xFFFFFFFF  }
0xad: {  	[dreg:$0x0] =	wrdreg $0x60  }
0xae: {  	[dreg:$0x2] =	wrdreg s2  }
0xaf: {  	[dreg:$0x3] =	wrdreg s24  }
0xb0: {  	[dreg:$0x4] =	wrdreg $0x9  }
0xb1: {  	_ =	task.clear_ibuf [dreg:s7], $0x5FFFF;
	_ =	strace $0x90000046  }
0xb2: {  	s29 =	simm.s32 $0x9;
	_ =	strace $0x80000048  }
0xb3: {  	_ =	swait.ge [sflag:s29], $0x1  }
0xb4: {  	[sflag:s29] =	ssyncadd.s32 $0xFFFFFFFF  }
0xb5: {  	_ =	strace $0x90000048  }
0xb6: {  	_ =	sfence  }
0xb7: {  	s30 =	sld [smem:$0x0];
	_ =	sdelay $0x2  }
0xb8: {  	s31 =	sshll.u32 s1, $0xD;
	s1 =	sshrl.u32 s1, $0x2  }
0xb9: {  	s3 =	sand.u32 $0x4000, s31;
	s1 =	sadd.s32 s1, s30  }
0xba: {  	s0 =	sor.u32 s3, s0;
	s1 =	sshll.u32 s1, $0x11  }
0xbb: {  	s0 =	sor.u32 s1, s0  }
0xbc: {  	s0 =	sadd.s32 $0x8F2B, s0  }
0xbd: {  	[sflag:s0] =	ssyncadd.remote.s32 $0x1  }
0xbe: {  	_ =	sfence.sel $0xFFFF  }
0xbf: {  	[dreg:$0x0] =	wrdreg $0xFFFFFFFF;
	(pc) =	sbr.abs _section_cstart, $3  }
0xc0: {  	[dreg:$0x1] =	wrdreg $0xFFFFFFFF  }
0xc1: {  	_ =	task.clear_ibuf [dreg:s7], $0x2FFFF;
	_ =	strace $0x9FFFFFFF  }
0xc2: {  	(tm) =	ssettm $0x7FFFFFFF  }
0xc3: {  	_ =	shalt  }
tec
execute0_lowered:
.L_overlay_start_1:
0x0: {  	(tag) =	ssettag $0x1  }
0x1: {  	s1 =	srdreg.scid  }
0x2: {  	s0 =	stileid.u32;
	s9 =	rddreg [dreg:$0x0]  }
0x3: {  	s11 =	rddreg [dreg:$0x1];
	s1 =	sand.u32 $0x1, s1;
	s8 =	sshrl.u32 s0, $0x2  }
0x4: {  	s10 =	sadd.s32 $0x2E00, s11;
	s30 =	sshll.u32 s0, $0x4;
	s2 =	ssub.s32 $0x2, s1  }
0x5: {  	s11 =	sadd.s32 $0x7E00, s11;
	s4 =	smul.u32 $0x9C40, s8;
	s3 =	sshrl.u32 s2, $0x1  }
0x6: {  	s1 =	sshll.u32 s1, $0x3;
	s15 =	smul.u32 $0x640000, s8;
	s2 =	ssub.s32 s2, s3  }
0x7: {  	s12 =	sshrl.u32 s4, $0x3;
	[dreg:$0x3] =	wrdreg s2;
	s2 =	sand.u32 $0x30, s30  }
0x8: {  	s4 =	sadd.s32 $0x3E8, s12;
	s6 =	sadd.s32 $0x7D0, s12;
	s14 =	sadd.s32 $0xBB8, s12  }
0x9: {  	s13 =	sor.u32 s1, s2;
	s1 =	sadd.s32 s9, s12;
	s2 =	sadd.s32 s10, s12  }
0xa: {  	s3 =	sadd.s32 s9, s4;
	s4 =	sadd.s32 s10, s4;
	s5 =	sadd.s32 s9, s6  }
0xb: {  	s6 =	sadd.s32 s10, s6;
	s31 =	smul.u32 $0x19000, s13;
	s16 =	sor.u32 $0x1, s13  }
0xc: {  	s7 =	sadd.s32 s9, s14;
	s18 =	sor.u32 $0x2, s13;
	s17 =	smul.u32 $0x19000, s16  }
0xd: {  	s8 =	sadd.s32 s10, s14;
	s20 =	sor.u32 $0x3, s13;
	s19 =	smul.u32 $0x19000, s18  }
0xe: {  	s12 =	sadd.s32 $0xFA0, s12;
	s22 =	sor.u32 $0x4, s13;
	s0 =	smul.u32 $0x19000, s20  }
0xf: {  	s9 =	sadd.s32 s9, s12;
	s24 =	sor.u32 $0x5, s13;
	s23 =	smul.u32 $0x19000, s22  }
0x10: {  	s10 =	sadd.s32 s10, s12;
	s26 =	sor.u32 $0x6, s13;
	s25 =	smul.u32 $0x19000, s24  }
0x11: {  	s29 =	sor.u32 $0x7, s13;
	s12 =	simm.s32 $0x0;
	s28 =	smul.u32 $0x19000, s26  }
0x12: {  	[smem:$0x7FF] =	sst s12;
	s12 =	smul.u32 $0x28, s16;
	s14 =	sadd.s32 s15, s31  }
0x13: {  	s31 =	smul.u32 $0x19000, s29;
	_ =	strace $0x80000047;
	s17 =	sadd.s32 s15, s17  }
0x14: {  	s19 =	sadd.s32 s15, s19;
	s30 =	sadd.s32 s15, s0;
	s23 =	sadd.s32 s15, s23  }
0x15: {  	s25 =	sadd.s32 s15, s25;
	s28 =	sadd.s32 s15, s28;
	s0 =	smul.u32 $0x28, s13  }
0x16: {  	s13 =	smul.u32 $0x28, s18;
	s31 =	sadd.s32 s15, s31;
	s15 =	sshrl.u32 s14, $0x3  }
0x17: {  	s16 =	sshrl.u32 s17, $0x3;
	s17 =	sshrl.u32 s19, $0x3;
	s19 =	smul.u32 $0x28, s20  }
0x18: {  	s18 =	sshrl.u32 s30, $0x3;
	s20 =	smul.u32 $0x28, s22;
	s23 =	sshrl.u32 s23, $0x3  }
0x19: {  	s22 =	smul.u32 $0x28, s24;
	s30 =	sshrl.u32 s25, $0x3;
	s25 =	sadd.s32 $0x28, s12  }
0x1a: {  	v2 =	vmov s12;
	s12 =	smul.u32 $0x28, s29;
	s21 =	sadd.s32 s11, s15;
	s14 =	sadd.s32 s11, s16  }
0x1b: {  	s15 =	sadd.s32 s11, s17;
	s16 =	sadd.s32 s11, s18;
	s17 =	sadd.s32 s11, s23  }
0x1c: {  	s24 =	sor.u32 $0x28, s0;
	v0 =	vmov s0;
	s18 =	sadd.s32 s11, s30;
	s0 =	smul.u32 $0x28, s26  }
0x1d: {  	s30 =	sor.u32 $0x28, s13;
	v3 =	vmov s25;
	s25 =	sshrl.u32 s28, $0x3;
	s29 =	sshrl.u32 s31, $0x3  }
0x1e: {  	v16 =	vimm.f32 $0.0e+00;
	v17 =	vimm.f32 $1.000000000e+00;
	s31 =	rddreg [dreg:$0x3];
	v1 =	vmov s24;
	s23 =	sadd.s32 $0x28, s19;
	s24 =	sadd.s32 $0x28, s20  }
0x1f: {  	v4 =	vmov s13;
	v5 =	vmov s30;
	v6 =	vmov s19;
	s26 =	sadd.s32 $0x28, s22;
	s19 =	sadd.s32 s11, s25;
	s30 =	sadd.s32 $0x28, s12  }
0x20: {  	v8 =	vmov s20;
	v10 =	vmov s22;
	v14 =	vmov s12;
	s12 =	smov.u32 s21;
	s20 =	sadd.s32 s11, s29;
	s11 =	simm.s32 $0x0  }
0x21: {  	s21 =	smax.u32 s31, $0x1;
	s22 =	simm.s32 $0x1;
	v7 =	vmov s23;
	s28 =	sadd.s32 $0x28, s0;
	v9 =	vmov s24;
	v11 =	vmov s26  }
0x22: {  	s25 =	simm.s32 $0x0;
	v12 =	vmov s0;
	v15 =	vmov s30;
	s23 =	simm.s32 $0x1F80;
	s24 =	simm.s32 $0x3F00;
	v13 =	vmov s28  }
.LBB2_1:
0x23: {  	s26 =	simm.s32 $0x40;
	s28 =	simm.s32 $0x0  }
.LBB2_2:
0x24: {  	p0 =	sne.s32 s26, $0x63FC0;
	[tilespmem:s28+$0x3F00] =	vst v16;
	s0 =	smov.u32 s26;
	s26 =	sadd.s32 $0x40, s26  }
.Ltmp0:
0x25: {  	(pc) =	sbr.rel @p0 .LBB2_2-.Ltmp0, $2  }
0x26: {  	_ =	sdelay $0x2  }
0x27: {  	s28 =	sshra.s32 s0, $0x2  }
0x28: {  	[tilespmem:s28+$0x3F00] =	vst v16;
	s0 =	simm.s32 $0x0  }
0x29: {  	[tilespmem:s0], [sflag:$0x1] =	stream.linear.gather [hbm4b:s1+s0], $0x1F40, $0x38;
	[tilespmem:$0x1CF00] =	vst v63  }
0x2a: {  	_ =	swait.ge [sflag:s22], $0x1F40  }
0x2b: {  	[sflag:s22] =	ssyncset.done $0x0  }
0x2c: {  	[sflag:s22] =	ssyncadd.s32 $0xFFFFE0C0  }
0x2d: {  	[tilespmem:s23], [sflag:$0x1] =	stream.linear.gather [hbm4b:s2+s0], $0x1F40, $0x38;
	[tilespmem:$0x1CF00] =	vst v63  }
0x2e: {  	_ =	swait.ge [sflag:s22], $0x1F40  }
0x2f: {  	[sflag:s22] =	ssyncset.done $0x0  }
0x30: {  	s28 =	simm.s32 $0x0;
	s26 =	simm.s32 $0x40;
	[sflag:s22] =	ssyncadd.s32 $0xFFFFE0C0  }
.LBB2_4:
0x31: {  	p0 =	sne.s32 s26, $0x7CC0;
	v18 =	vld [tilespmem:s28+$0x1F80];
	_ =	sdelay $0x2  }
0x32: {  	v19 =	vld [tilespmem:s28+$0x0];
	_ =	sdelay $0x1  }
0x33: {  	v20 =	vsub.s32 v18, v0  }
0x34: {  	v20 =	vmul.u32 $0xA00, v20  }
0x35: {  	vm0 =	vge.s32 v18, v0;
	vm1 =	vlt.s32 v18, v1  }
0x36: {  	vm0 =	vmand vm0, vm1;
	v18 =	vadd.s32 v19, v20  }
0x37: {  	v18 =	vnsel vm0, $0x0, v18  }
.Ltmp1:
0x38: {  	(pc) =	sbr.rel @p0 .LBB2_4-.Ltmp1, $2  }
0x39: {  	_ =	sdelay $0x2  }
0x3a: {  	s28 =	sshra.s32 s26, $0x2;
	s26 =	sadd.s32 $0x40, s26;
	[tilespmem:v18+s24+$0x0] =	vst.idx.add.f32.msk vm0, v17  }
0x3b: {  	v18 =	vld [tilespmem:s28+$0x1F80];
	_ =	sdelay $0x2  }
0x3c: {  	v19 =	vld [tilespmem:s28+$0x0];
	_ =	sdelay $0x1  }
0x3d: {  	v20 =	vsub.s32 v18, v0  }
0x3e: {  	v20 =	vmul.u32 $0xA00, v20  }
0x3f: {  	vm0 =	vge.s32 v18, v0;
	vm1 =	vlt.s32 v18, v1  }
0x40: {  	vm0 =	vmand vm0, vm1;
	v18 =	vadd.s32 v19, v20  }
0x41: {  	v18 =	vnsel vm0, $0x0, v18;
	_ =	sdelay $0x4  }
0x42: {  	s0 =	simm.s32 $0x0;
	[tilespmem:v18+s24+$0x0] =	vst.idx.add.f32.msk vm0, v17  }
0x43: {  	[tilespmem:s0], [sflag:$0x1] =	stream.linear.gather [hbm4b:s3+s0], $0x1F40, $0x38;
	[tilespmem:$0x1CF00] =	vst v63  }
0x44: {  	_ =	swait.ge [sflag:s22], $0x1F40  }
0x45: {  	[sflag:s22] =	ssyncset.done $0x0  }
0x46: {  	[sflag:s22] =	ssyncadd.s32 $0xFFFFE0C0  }
0x47: {  	[tilespmem:s23], [sflag:$0x1] =	stream.linear.gather [hbm4b:s4+s0], $0x1F40, $0x38;
	[tilespmem:$0x1CF00] =	vst v63  }
0x48: {  	_ =	swait.ge [sflag:s22], $0x1F40  }
0x49: {  	[sflag:s22] =	ssyncset.done $0x0  }
0x4a: {  	s28 =	simm.s32 $0x0;
	s26 =	simm.s32 $0x40;
	[sflag:s22] =	ssyncadd.s32 $0xFFFFE0C0  }
.LBB2_6:
0x4b: {  	p0 =	sne.s32 s26, $0x7CC0;
	v18 =	vld [tilespmem:s28+$0x1F80];
	_ =	sdelay $0x2  }
0x4c: {  	v19 =	vld [tilespmem:s28+$0x0];
	_ =	sdelay $0x1  }
0x4d: {  	v20 =	vsub.s32 v18, v0  }
0x4e: {  	v20 =	vmul.u32 $0xA00, v20  }
0x4f: {  	vm0 =	vge.s32 v18, v0;
	vm1 =	vlt.s32 v18, v1  }
0x50: {  	vm0 =	vmand vm0, vm1;
	v18 =	vadd.s32 v19, v20  }
0x51: {  	v18 =	vnsel vm0, $0x0, v18  }
.Ltmp2:
0x52: {  	(pc) =	sbr.rel @p0 .LBB2_6-.Ltmp2, $2  }
0x53: {  	_ =	sdelay $0x2  }
0x54: {  	s28 =	sshra.s32 s26, $0x2;
	s26 =	sadd.s32 $0x40, s26;
	[tilespmem:v18+s24+$0x0] =	vst.idx.add.f32.msk vm0, v17  }
0x55: {  	v18 =	vld [tilespmem:s28+$0x1F80];
	_ =	sdelay $0x2  }
0x56: {  	v19 =	vld [tilespmem:s28+$0x0];
	_ =	sdelay $0x1  }
0x57: {  	v20 =	vsub.s32 v18, v0  }
0x58: {  	v20 =	vmul.u32 $0xA00, v20  }
0x59: {  	vm0 =	vge.s32 v18, v0;
	vm1 =	vlt.s32 v18, v1  }
0x5a: {  	vm0 =	vmand vm0, vm1;
	v18 =	vadd.s32 v19, v20  }
0x5b: {  	v18 =	vnsel vm0, $0x0, v18;
	_ =	sdelay $0x4  }
0x5c: {  	s0 =	simm.s32 $0x0;
	[tilespmem:v18+s24+$0x0] =	vst.idx.add.f32.msk vm0, v17  }
0x5d: {  	[tilespmem:s0], [sflag:$0x1] =	stream.linear.gather [hbm4b:s5+s0], $0x1F40, $0x38;
	[tilespmem:$0x1CF00] =	vst v63  }
0x5e: {  	_ =	swait.ge [sflag:s22], $0x1F40  }
0x5f: {  	[sflag:s22] =	ssyncset.done $0x0  }
0x60: {  	[sflag:s22] =	ssyncadd.s32 $0xFFFFE0C0  }
0x61: {  	[tilespmem:s23], [sflag:$0x1] =	stream.linear.gather [hbm4b:s6+s0], $0x1F40, $0x38;
	[tilespmem:$0x1CF00] =	vst v63  }
0x62: {  	_ =	swait.ge [sflag:s22], $0x1F40  }
0x63: {  	[sflag:s22] =	ssyncset.done $0x0  }
0x64: {  	s28 =	simm.s32 $0x0;
	s26 =	simm.s32 $0x40;
	[sflag:s22] =	ssyncadd.s32 $0xFFFFE0C0  }
.LBB2_8:
0x65: {  	p0 =	sne.s32 s26, $0x7CC0;
	v18 =	vld [tilespmem:s28+$0x1F80];
	_ =	sdelay $0x2  }
0x66: {  	v19 =	vld [tilespmem:s28+$0x0];
	_ =	sdelay $0x1  }
0x67: {  	v20 =	vsub.s32 v18, v0  }
0x68: {  	v20 =	vmul.u32 $0xA00, v20  }
0x69: {  	vm0 =	vge.s32 v18, v0;
	vm1 =	vlt.s32 v18, v1  }
0x6a: {  	vm0 =	vmand vm0, vm1;
	v18 =	vadd.s32 v19, v20  }
0x6b: {  	v18 =	vnsel vm0, $0x0, v18  }
.Ltmp3:
0x6c: {  	(pc) =	sbr.rel @p0 .LBB2_8-.Ltmp3, $2  }
0x6d: {  	_ =	sdelay $0x2  }
0x6e: {  	s28 =	sshra.s32 s26, $0x2;
	s26 =	sadd.s32 $0x40, s26;
	[tilespmem:v18+s24+$0x0] =	vst.idx.add.f32.msk vm0, v17  }
0x6f: {  	v18 =	vld [tilespmem:s28+$0x1F80];
	_ =	sdelay $0x2  }
0x70: {  	v19 =	vld [tilespmem:s28+$0x0];
	_ =	sdelay $0x1  }
0x71: {  	v20 =	vsub.s32 v18, v0  }
0x72: {  	v20 =	vmul.u32 $0xA00, v20  }
0x73: {  	vm0 =	vge.s32 v18, v0;
	vm1 =	vlt.s32 v18, v1  }
0x74: {  	vm0 =	vmand vm0, vm1;
	v18 =	vadd.s32 v19, v20  }
0x75: {  	v18 =	vnsel vm0, $0x0, v18;
	_ =	sdelay $0x4  }
0x76: {  	s0 =	simm.s32 $0x0;
	[tilespmem:v18+s24+$0x0] =	vst.idx.add.f32.msk vm0, v17  }
0x77: {  	[tilespmem:s0], [sflag:$0x1] =	stream.linear.gather [hbm4b:s7+s0], $0x1F40, $0x38;
	[tilespmem:$0x1CF00] =	vst v63  }
0x78: {  	_ =	swait.ge [sflag:s22], $0x1F40  }
0x79: {  	[sflag:s22] =	ssyncset.done $0x0  }
0x7a: {  	[sflag:s22] =	ssyncadd.s32 $0xFFFFE0C0  }
0x7b: {  	[tilespmem:s23], [sflag:$0x1] =	stream.linear.gather [hbm4b:s8+s0], $0x1F40, $0x38;
	[tilespmem:$0x1CF00] =	vst v63  }
0x7c: {  	_ =	swait.ge [sflag:s22], $0x1F40  }
0x7d: {  	[sflag:s22] =	ssyncset.done $0x0  }
0x7e: {  	s28 =	simm.s32 $0x0;
	s26 =	simm.s32 $0x40;
	[sflag:s22] =	ssyncadd.s32 $0xFFFFE0C0  }
.LBB2_10:
0x7f: {  	p0 =	sne.s32 s26, $0x7CC0;
	v18 =	vld [tilespmem:s28+$0x1F80];
	_ =	sdelay $0x2  }
0x80: {  	v19 =	vld [tilespmem:s28+$0x0];
	_ =	sdelay $0x1  }
0x81: {  	v20 =	vsub.s32 v18, v0  }
0x82: {  	v20 =	vmul.u32 $0xA00, v20  }
0x83: {  	vm0 =	vge.s32 v18, v0;
	vm1 =	vlt.s32 v18, v1  }
0x84: {  	vm0 =	vmand vm0, vm1;
	v18 =	vadd.s32 v19, v20  }
0x85: {  	v18 =	vnsel vm0, $0x0, v18  }
.Ltmp4:
0x86: {  	(pc) =	sbr.rel @p0 .LBB2_10-.Ltmp4, $2  }
0x87: {  	_ =	sdelay $0x2  }
0x88: {  	s28 =	sshra.s32 s26, $0x2;
	s26 =	sadd.s32 $0x40, s26;
	[tilespmem:v18+s24+$0x0] =	vst.idx.add.f32.msk vm0, v17  }
0x89: {  	v18 =	vld [tilespmem:s28+$0x1F80];
	_ =	sdelay $0x2  }
0x8a: {  	v19 =	vld [tilespmem:s28+$0x0];
	_ =	sdelay $0x1  }
0x8b: {  	v20 =	vsub.s32 v18, v0  }
0x8c: {  	v20 =	vmul.u32 $0xA00, v20  }
0x8d: {  	vm0 =	vge.s32 v18, v0;
	vm1 =	vlt.s32 v18, v1  }
0x8e: {  	vm0 =	vmand vm0, vm1;
	v18 =	vadd.s32 v19, v20  }
0x8f: {  	v18 =	vnsel vm0, $0x0, v18;
	_ =	sdelay $0x4  }
0x90: {  	s0 =	simm.s32 $0x0;
	[tilespmem:v18+s24+$0x0] =	vst.idx.add.f32.msk vm0, v17  }
0x91: {  	[tilespmem:s0], [sflag:$0x1] =	stream.linear.gather [hbm4b:s9+s0], $0x1F40, $0x38;
	[tilespmem:$0x1CF00] =	vst v63  }
0x92: {  	_ =	swait.ge [sflag:s22], $0x1F40  }
0x93: {  	[sflag:s22] =	ssyncset.done $0x0  }
0x94: {  	[sflag:s22] =	ssyncadd.s32 $0xFFFFE0C0  }
0x95: {  	[tilespmem:s23], [sflag:$0x1] =	stream.linear.gather [hbm4b:s10+s0], $0x1F40, $0x38;
	[tilespmem:$0x1CF00] =	vst v63  }
0x96: {  	_ =	swait.ge [sflag:s22], $0x1F40  }
0x97: {  	[sflag:s22] =	ssyncset.done $0x0  }
0x98: {  	s28 =	simm.s32 $0x0;
	s26 =	simm.s32 $0x40;
	[sflag:s22] =	ssyncadd.s32 $0xFFFFE0C0  }
.LBB2_12:
0x99: {  	p0 =	sne.s32 s26, $0x7CC0;
	v18 =	vld [tilespmem:s28+$0x1F80];
	_ =	sdelay $0x2  }
0x9a: {  	v19 =	vld [tilespmem:s28+$0x0];
	_ =	sdelay $0x1  }
0x9b: {  	v20 =	vsub.s32 v18, v0  }
0x9c: {  	v20 =	vmul.u32 $0xA00, v20  }
0x9d: {  	vm0 =	vge.s32 v18, v0;
	vm1 =	vlt.s32 v18, v1  }
0x9e: {  	vm0 =	vmand vm0, vm1;
	v18 =	vadd.s32 v19, v20  }
0x9f: {  	v18 =	vnsel vm0, $0x0, v18  }
.Ltmp5:
0xa0: {  	(pc) =	sbr.rel @p0 .LBB2_12-.Ltmp5, $2  }
0xa1: {  	_ =	sdelay $0x2  }
0xa2: {  	s28 =	sshra.s32 s26, $0x2;
	s26 =	sadd.s32 $0x40, s26;
	[tilespmem:v18+s24+$0x0] =	vst.idx.add.f32.msk vm0, v17  }
0xa3: {  	v18 =	vld [tilespmem:s28+$0x1F80];
	_ =	sdelay $0x2  }
0xa4: {  	v19 =	vld [tilespmem:s28+$0x0];
	_ =	sdelay $0x1  }
0xa5: {  	v20 =	vsub.s32 v18, v0  }
0xa6: {  	v20 =	vmul.u32 $0xA00, v20  }
0xa7: {  	vm0 =	vge.s32 v18, v0;
	vm1 =	vlt.s32 v18, v1  }
0xa8: {  	vm0 =	vmand vm0, vm1;
	v18 =	vadd.s32 v19, v20  }
0xa9: {  	v18 =	vnsel vm0, $0x0, v18;
	_ =	sdelay $0x4  }
0xaa: {  	s0 =	simm.s32 $0x0;
	[tilespmem:v18+s24+$0x0] =	vst.idx.add.f32.msk vm0, v17  }
0xab: {  	[hbm4b:s12+s0] =	stream.linear.scatter [tilespmem:s24], [sflag:$0x1], $0x19000, $0x38;
	[tilespmem:$0x1CF00] =	vst v63  }
0xac: {  	_ =	swait.ge [sflag:s22], $0x19000  }
0xad: {  	[sflag:s22] =	ssyncset.done $0x0  }
0xae: {  	s26 =	simm.s32 $0x40;
	s28 =	simm.s32 $0x0;
	[sflag:s22] =	ssyncadd.s32 $0xFFFE7000  }
.LBB2_14:
0xaf: {  	p0 =	sne.s32 s26, $0x63FC0;
	[tilespmem:s28+$0x3F00] =	vst v16;
	s0 =	smov.u32 s26;
	s26 =	sadd.s32 $0x40, s26  }
.Ltmp6:
0xb0: {  	(pc) =	sbr.rel @p0 .LBB2_14-.Ltmp6, $2  }
0xb1: {  	_ =	sdelay $0x2  }
0xb2: {  	s28 =	sshra.s32 s0, $0x2  }
0xb3: {  	[tilespmem:s28+$0x3F00] =	vst v16;
	s0 =	simm.s32 $0x0  }
0xb4: {  	[tilespmem:s0], [sflag:$0x1] =	stream.linear.gather [hbm4b:s1+s0], $0x1F40, $0x38;
	[tilespmem:$0x1CF00] =	vst v63  }
0xb5: {  	_ =	swait.ge [sflag:s22], $0x1F40  }
0xb6: {  	[sflag:s22] =	ssyncset.done $0x0  }
0xb7: {  	[sflag:s22] =	ssyncadd.s32 $0xFFFFE0C0  }
0xb8: {  	[tilespmem:s23], [sflag:$0x1] =	stream.linear.gather [hbm4b:s2+s0], $0x1F40, $0x38;
	[tilespmem:$0x1CF00] =	vst v63  }
0xb9: {  	_ =	swait.ge [sflag:s22], $0x1F40  }
0xba: {  	[sflag:s22] =	ssyncset.done $0x0  }
0xbb: {  	s28 =	simm.s32 $0x0;
	s26 =	simm.s32 $0x40;
	[sflag:s22] =	ssyncadd.s32 $0xFFFFE0C0  }
.LBB2_16:
0xbc: {  	p0 =	sne.s32 s26, $0x7CC0;
	v18 =	vld [tilespmem:s28+$0x1F80];
	_ =	sdelay $0x2  }
0xbd: {  	v19 =	vld [tilespmem:s28+$0x0];
	_ =	sdelay $0x1  }
0xbe: {  	v20 =	vsub.s32 v18, v2  }
0xbf: {  	v20 =	vmul.u32 $0xA00, v20  }
0xc0: {  	vm0 =	vge.s32 v18, v2;
	vm1 =	vlt.s32 v18, v3  }
0xc1: {  	vm0 =	vmand vm0, vm1;
	v18 =	vadd.s32 v19, v20  }
0xc2: {  	v18 =	vnsel vm0, $0x0, v18  }
.Ltmp7:
0xc3: {  	(pc) =	sbr.rel @p0 .LBB2_16-.Ltmp7, $2  }
0xc4: {  	_ =	sdelay $0x2  }
0xc5: {  	s28 =	sshra.s32 s26, $0x2;
	s26 =	sadd.s32 $0x40, s26;
	[tilespmem:v18+s24+$0x0] =	vst.idx.add.f32.msk vm0, v17  }
0xc6: {  	v18 =	vld [tilespmem:s28+$0x1F80];
	_ =	sdelay $0x2  }
0xc7: {  	v19 =	vld [tilespmem:s28+$0x0];
	_ =	sdelay $0x1  }
0xc8: {  	v20 =	vsub.s32 v18, v2  }
0xc9: {  	v20 =	vmul.u32 $0xA00, v20  }
0xca: {  	vm0 =	vge.s32 v18, v2;
	vm1 =	vlt.s32 v18, v3  }
0xcb: {  	vm0 =	vmand vm0, vm1;
	v18 =	vadd.s32 v19, v20  }
0xcc: {  	v18 =	vnsel vm0, $0x0, v18;
	_ =	sdelay $0x4  }
0xcd: {  	s0 =	simm.s32 $0x0;
	[tilespmem:v18+s24+$0x0] =	vst.idx.add.f32.msk vm0, v17  }
0xce: {  	[tilespmem:s0], [sflag:$0x1] =	stream.linear.gather [hbm4b:s3+s0], $0x1F40, $0x38;
	[tilespmem:$0x1CF00] =	vst v63  }
0xcf: {  	_ =	swait.ge [sflag:s22], $0x1F40  }
0xd0: {  	[sflag:s22] =	ssyncset.done $0x0  }
0xd1: {  	[sflag:s22] =	ssyncadd.s32 $0xFFFFE0C0  }
0xd2: {  	[tilespmem:s23], [sflag:$0x1] =	stream.linear.gather [hbm4b:s4+s0], $0x1F40, $0x38;
	[tilespmem:$0x1CF00] =	vst v63  }
0xd3: {  	_ =	swait.ge [sflag:s22], $0x1F40  }
0xd4: {  	[sflag:s22] =	ssyncset.done $0x0  }
0xd5: {  	s28 =	simm.s32 $0x0;
	s26 =	simm.s32 $0x40;
	[sflag:s22] =	ssyncadd.s32 $0xFFFFE0C0  }
.LBB2_18:
0xd6: {  	p0 =	sne.s32 s26, $0x7CC0;
	v18 =	vld [tilespmem:s28+$0x1F80];
	_ =	sdelay $0x2  }
0xd7: {  	v19 =	vld [tilespmem:s28+$0x0];
	_ =	sdelay $0x1  }
0xd8: {  	v20 =	vsub.s32 v18, v2  }
0xd9: {  	v20 =	vmul.u32 $0xA00, v20  }
0xda: {  	vm0 =	vge.s32 v18, v2;
	vm1 =	vlt.s32 v18, v3  }
0xdb: {  	vm0 =	vmand vm0, vm1;
	v18 =	vadd.s32 v19, v20  }
0xdc: {  	v18 =	vnsel vm0, $0x0, v18  }
.Ltmp8:
0xdd: {  	(pc) =	sbr.rel @p0 .LBB2_18-.Ltmp8, $2  }
0xde: {  	_ =	sdelay $0x2  }
0xdf: {  	s28 =	sshra.s32 s26, $0x2;
	s26 =	sadd.s32 $0x40, s26;
	[tilespmem:v18+s24+$0x0] =	vst.idx.add.f32.msk vm0, v17  }
0xe0: {  	v18 =	vld [tilespmem:s28+$0x1F80];
	_ =	sdelay $0x2  }
0xe1: {  	v19 =	vld [tilespmem:s28+$0x0];
	_ =	sdelay $0x1  }
0xe2: {  	v20 =	vsub.s32 v18, v2  }
0xe3: {  	v20 =	vmul.u32 $0xA00, v20  }
0xe4: {  	vm0 =	vge.s32 v18, v2;
	vm1 =	vlt.s32 v18, v3  }
0xe5: {  	vm0 =	vmand vm0, vm1;
	v18 =	vadd.s32 v19, v20  }
0xe6: {  	v18 =	vnsel vm0, $0x0, v18;
	_ =	sdelay $0x4  }
0xe7: {  	s0 =	simm.s32 $0x0;
	[tilespmem:v18+s24+$0x0] =	vst.idx.add.f32.msk vm0, v17  }
0xe8: {  	[tilespmem:s0], [sflag:$0x1] =	stream.linear.gather [hbm4b:s5+s0], $0x1F40, $0x38;
	[tilespmem:$0x1CF00] =	vst v63  }
0xe9: {  	_ =	swait.ge [sflag:s22], $0x1F40  }
0xea: {  	[sflag:s22] =	ssyncset.done $0x0  }
0xeb: {  	[sflag:s22] =	ssyncadd.s32 $0xFFFFE0C0  }
0xec: {  	[tilespmem:s23], [sflag:$0x1] =	stream.linear.gather [hbm4b:s6+s0], $0x1F40, $0x38;
	[tilespmem:$0x1CF00] =	vst v63  }
0xed: {  	_ =	swait.ge [sflag:s22], $0x1F40  }
0xee: {  	[sflag:s22] =	ssyncset.done $0x0  }
0xef: {  	s28 =	simm.s32 $0x0;
	s26 =	simm.s32 $0x40;
	[sflag:s22] =	ssyncadd.s32 $0xFFFFE0C0  }
.LBB2_20:
0xf0: {  	p0 =	sne.s32 s26, $0x7CC0;
	v18 =	vld [tilespmem:s28+$0x1F80];
	_ =	sdelay $0x2  }
0xf1: {  	v19 =	vld [tilespmem:s28+$0x0];
	_ =	sdelay $0x1  }
0xf2: {  	v20 =	vsub.s32 v18, v2  }
0xf3: {  	v20 =	vmul.u32 $0xA00, v20  }
0xf4: {  	vm0 =	vge.s32 v18, v2;
	vm1 =	vlt.s32 v18, v3  }
0xf5: {  	vm0 =	vmand vm0, vm1;
	v18 =	vadd.s32 v19, v20  }
0xf6: {  	v18 =	vnsel vm0, $0x0, v18  }
.Ltmp9:
0xf7: {  	(pc) =	sbr.rel @p0 .LBB2_20-.Ltmp9, $2  }
0xf8: {  	_ =	sdelay $0x2  }
0xf9: {  	s28 =	sshra.s32 s26, $0x2;
	s26 =	sadd.s32 $0x40, s26;
	[tilespmem:v18+s24+$0x0] =	vst.idx.add.f32.msk vm0, v17  }
0xfa: {  	v18 =	vld [tilespmem:s28+$0x1F80];
	_ =	sdelay $0x2  }
0xfb: {  	v19 =	vld [tilespmem:s28+$0x0];
	_ =	sdelay $0x1  }
0xfc: {  	v20 =	vsub.s32 v18, v2  }
0xfd: {  	v20 =	vmul.u32 $0xA00, v20  }
0xfe: {  	vm0 =	vge.s32 v18, v2;
	vm1 =	vlt.s32 v18, v3  }
0xff: {  	vm0 =	vmand vm0, vm1;
	v18 =	vadd.s32 v19, v20  }
0x100: {  	v18 =	vnsel vm0, $0x0, v18;
	_ =	sdelay $0x4  }
0x101: {  	s0 =	simm.s32 $0x0;
	[tilespmem:v18+s24+$0x0] =	vst.idx.add.f32.msk vm0, v17  }
0x102: {  	[tilespmem:s0], [sflag:$0x1] =	stream.linear.gather [hbm4b:s7+s0], $0x1F40, $0x38;
	[tilespmem:$0x1CF00] =	vst v63  }
0x103: {  	_ =	swait.ge [sflag:s22], $0x1F40  }
0x104: {  	[sflag:s22] =	ssyncset.done $0x0  }
0x105: {  	[sflag:s22] =	ssyncadd.s32 $0xFFFFE0C0  }
0x106: {  	[tilespmem:s23], [sflag:$0x1] =	stream.linear.gather [hbm4b:s8+s0], $0x1F40, $0x38;
	[tilespmem:$0x1CF00] =	vst v63  }
0x107: {  	_ =	swait.ge [sflag:s22], $0x1F40  }
0x108: {  	[sflag:s22] =	ssyncset.done $0x0  }
0x109: {  	s28 =	simm.s32 $0x0;
	s26 =	simm.s32 $0x40;
	[sflag:s22] =	ssyncadd.s32 $0xFFFFE0C0  }
.LBB2_22:
0x10a: {  	p0 =	sne.s32 s26, $0x7CC0;
	v18 =	vld [tilespmem:s28+$0x1F80];
	_ =	sdelay $0x2  }
0x10b: {  	v19 =	vld [tilespmem:s28+$0x0];
	_ =	sdelay $0x1  }
0x10c: {  	v20 =	vsub.s32 v18, v2  }
0x10d: {  	v20 =	vmul.u32 $0xA00, v20  }
0x10e: {  	vm0 =	vge.s32 v18, v2;
	vm1 =	vlt.s32 v18, v3  }
0x10f: {  	vm0 =	vmand vm0, vm1;
	v18 =	vadd.s32 v19, v20  }
0x110: {  	v18 =	vnsel vm0, $0x0, v18  }
.Ltmp10:
0x111: {  	(pc) =	sbr.rel @p0 .LBB2_22-.Ltmp10, $2  }
0x112: {  	_ =	sdelay $0x2  }
0x113: {  	s28 =	sshra.s32 s26, $0x2;
	s26 =	sadd.s32 $0x40, s26;
	[tilespmem:v18+s24+$0x0] =	vst.idx.add.f32.msk vm0, v17  }
0x114: {  	v18 =	vld [tilespmem:s28+$0x1F80];
	_ =	sdelay $0x2  }
0x115: {  	v19 =	vld [tilespmem:s28+$0x0];
	_ =	sdelay $0x1  }
0x116: {  	v20 =	vsub.s32 v18, v2  }
0x117: {  	v20 =	vmul.u32 $0xA00, v20  }
0x118: {  	vm0 =	vge.s32 v18, v2;
	vm1 =	vlt.s32 v18, v3  }
0x119: {  	vm0 =	vmand vm0, vm1;
	v18 =	vadd.s32 v19, v20  }
0x11a: {  	v18 =	vnsel vm0, $0x0, v18;
	_ =	sdelay $0x4  }
0x11b: {  	s0 =	simm.s32 $0x0;
	[tilespmem:v18+s24+$0x0] =	vst.idx.add.f32.msk vm0, v17  }
0x11c: {  	[tilespmem:s0], [sflag:$0x1] =	stream.linear.gather [hbm4b:s9+s0], $0x1F40, $0x38;
	[tilespmem:$0x1CF00] =	vst v63  }
0x11d: {  	_ =	swait.ge [sflag:s22], $0x1F40  }
0x11e: {  	[sflag:s22] =	ssyncset.done $0x0  }
0x11f: {  	[sflag:s22] =	ssyncadd.s32 $0xFFFFE0C0  }
0x120: {  	[tilespmem:s23], [sflag:$0x1] =	stream.linear.gather [hbm4b:s10+s0], $0x1F40, $0x38;
	[tilespmem:$0x1CF00] =	vst v63  }
0x121: {  	_ =	swait.ge [sflag:s22], $0x1F40  }
0x122: {  	[sflag:s22] =	ssyncset.done $0x0  }
0x123: {  	s28 =	simm.s32 $0x0;
	s26 =	simm.s32 $0x40;
	[sflag:s22] =	ssyncadd.s32 $0xFFFFE0C0  }
.LBB2_24:
0x124: {  	p0 =	sne.s32 s26, $0x7CC0;
	v18 =	vld [tilespmem:s28+$0x1F80];
	_ =	sdelay $0x2  }
0x125: {  	v19 =	vld [tilespmem:s28+$0x0];
	_ =	sdelay $0x1  }
0x126: {  	v20 =	vsub.s32 v18, v2  }
0x127: {  	v20 =	vmul.u32 $0xA00, v20  }
0x128: {  	vm0 =	vge.s32 v18, v2;
	vm1 =	vlt.s32 v18, v3  }
0x129: {  	vm0 =	vmand vm0, vm1;
	v18 =	vadd.s32 v19, v20  }
0x12a: {  	v18 =	vnsel vm0, $0x0, v18  }
.Ltmp11:
0x12b: {  	(pc) =	sbr.rel @p0 .LBB2_24-.Ltmp11, $2  }
0x12c: {  	_ =	sdelay $0x2  }
0x12d: {  	s28 =	sshra.s32 s26, $0x2;
	s26 =	sadd.s32 $0x40, s26;
	[tilespmem:v18+s24+$0x0] =	vst.idx.add.f32.msk vm0, v17  }
0x12e: {  	v18 =	vld [tilespmem:s28+$0x1F80];
	_ =	sdelay $0x2  }
0x12f: {  	v19 =	vld [tilespmem:s28+$0x0];
	_ =	sdelay $0x1  }
0x130: {  	v20 =	vsub.s32 v18, v2  }
0x131: {  	v20 =	vmul.u32 $0xA00, v20  }
0x132: {  	vm0 =	vge.s32 v18, v2;
	vm1 =	vlt.s32 v18, v3  }
0x133: {  	vm0 =	vmand vm0, vm1;
	v18 =	vadd.s32 v19, v20  }
0x134: {  	v18 =	vnsel vm0, $0x0, v18;
	_ =	sdelay $0x4  }
0x135: {  	s0 =	simm.s32 $0x0;
	[tilespmem:v18+s24+$0x0] =	vst.idx.add.f32.msk vm0, v17  }
0x136: {  	[hbm4b:s14+s0] =	stream.linear.scatter [tilespmem:s24], [sflag:$0x1], $0x19000, $0x38;
	[tilespmem:$0x1CF00] =	vst v63  }
0x137: {  	_ =	swait.ge [sflag:s22], $0x19000  }
0x138: {  	[sflag:s22] =	ssyncset.done $0x0  }
0x139: {  	s26 =	simm.s32 $0x40;
	s28 =	simm.s32 $0x0;
	[sflag:s22] =	ssyncadd.s32 $0xFFFE7000  }
.LBB2_26:
0x13a: {  	p0 =	sne.s32 s26, $0x63FC0;
	[tilespmem:s28+$0x3F00] =	vst v16;
	s0 =	smov.u32 s26;
	s26 =	sadd.s32 $0x40, s26  }
.Ltmp12:
0x13b: {  	(pc) =	sbr.rel @p0 .LBB2_26-.Ltmp12, $2  }
0x13c: {  	_ =	sdelay $0x2  }
0x13d: {  	s28 =	sshra.s32 s0, $0x2  }
0x13e: {  	[tilespmem:s28+$0x3F00] =	vst v16;
	s0 =	simm.s32 $0x0  }
0x13f: {  	[tilespmem:s0], [sflag:$0x1] =	stream.linear.gather [hbm4b:s1+s0], $0x1F40, $0x38;
	[tilespmem:$0x1CF00] =	vst v63  }
0x140: {  	_ =	swait.ge [sflag:s22], $0x1F40  }
0x141: {  	[sflag:s22] =	ssyncset.done $0x0  }
0x142: {  	[sflag:s22] =	ssyncadd.s32 $0xFFFFE0C0  }
0x143: {  	[tilespmem:s23], [sflag:$0x1] =	stream.linear.gather [hbm4b:s2+s0], $0x1F40, $0x38;
	[tilespmem:$0x1CF00] =	vst v63  }
0x144: {  	_ =	swait.ge [sflag:s22], $0x1F40  }
0x145: {  	[sflag:s22] =	ssyncset.done $0x0  }
0x146: {  	s28 =	simm.s32 $0x0;
	s26 =	simm.s32 $0x40;
	[sflag:s22] =	ssyncadd.s32 $0xFFFFE0C0  }
.LBB2_28:
0x147: {  	p0 =	sne.s32 s26, $0x7CC0;
	v18 =	vld [tilespmem:s28+$0x1F80];
	_ =	sdelay $0x2  }
0x148: {  	v19 =	vld [tilespmem:s28+$0x0];
	_ =	sdelay $0x1  }
0x149: {  	v20 =	vsub.s32 v18, v4  }
0x14a: {  	v20 =	vmul.u32 $0xA00, v20  }
0x14b: {  	vm0 =	vge.s32 v18, v4;
	vm1 =	vlt.s32 v18, v5  }
0x14c: {  	vm0 =	vmand vm0, vm1;
	v18 =	vadd.s32 v19, v20  }
0x14d: {  	v18 =	vnsel vm0, $0x0, v18  }
.Ltmp13:
0x14e: {  	(pc) =	sbr.rel @p0 .LBB2_28-.Ltmp13, $2  }
0x14f: {  	_ =	sdelay $0x2  }
0x150: {  	s28 =	sshra.s32 s26, $0x2;
	s26 =	sadd.s32 $0x40, s26;
	[tilespmem:v18+s24+$0x0] =	vst.idx.add.f32.msk vm0, v17  }
0x151: {  	v18 =	vld [tilespmem:s28+$0x1F80];
	_ =	sdelay $0x2  }
0x152: {  	v19 =	vld [tilespmem:s28+$0x0];
	_ =	sdelay $0x1  }
0x153: {  	v20 =	vsub.s32 v18, v4  }
0x154: {  	v20 =	vmul.u32 $0xA00, v20  }
0x155: {  	vm0 =	vge.s32 v18, v4;
	vm1 =	vlt.s32 v18, v5  }
0x156: {  	vm0 =	vmand vm0, vm1;
	v18 =	vadd.s32 v19, v20  }
0x157: {  	v18 =	vnsel vm0, $0x0, v18;
	_ =	sdelay $0x4  }
0x158: {  	s0 =	simm.s32 $0x0;
	[tilespmem:v18+s24+$0x0] =	vst.idx.add.f32.msk vm0, v17  }
0x159: {  	[tilespmem:s0], [sflag:$0x1] =	stream.linear.gather [hbm4b:s3+s0], $0x1F40, $0x38;
	[tilespmem:$0x1CF00] =	vst v63  }
0x15a: {  	_ =	swait.ge [sflag:s22], $0x1F40  }
0x15b: {  	[sflag:s22] =	ssyncset.done $0x0  }
0x15c: {  	[sflag:s22] =	ssyncadd.s32 $0xFFFFE0C0  }
0x15d: {  	[tilespmem:s23], [sflag:$0x1] =	stream.linear.gather [hbm4b:s4+s0], $0x1F40, $0x38;
	[tilespmem:$0x1CF00] =	vst v63  }
0x15e: {  	_ =	swait.ge [sflag:s22], $0x1F40  }
0x15f: {  	[sflag:s22] =	ssyncset.done $0x0  }
0x160: {  	s28 =	simm.s32 $0x0;
	s26 =	simm.s32 $0x40;
	[sflag:s22] =	ssyncadd.s32 $0xFFFFE0C0  }
.LBB2_30:
0x161: {  	p0 =	sne.s32 s26, $0x7CC0;
	v18 =	vld [tilespmem:s28+$0x1F80];
	_ =	sdelay $0x2  }
0x162: {  	v19 =	vld [tilespmem:s28+$0x0];
	_ =	sdelay $0x1  }
0x163: {  	v20 =	vsub.s32 v18, v4  }
0x164: {  	v20 =	vmul.u32 $0xA00, v20  }
0x165: {  	vm0 =	vge.s32 v18, v4;
	vm1 =	vlt.s32 v18, v5  }
0x166: {  	vm0 =	vmand vm0, vm1;
	v18 =	vadd.s32 v19, v20  }
0x167: {  	v18 =	vnsel vm0, $0x0, v18  }
.Ltmp14:
0x168: {  	(pc) =	sbr.rel @p0 .LBB2_30-.Ltmp14, $2  }
0x169: {  	_ =	sdelay $0x2  }
0x16a: {  	s28 =	sshra.s32 s26, $0x2;
	s26 =	sadd.s32 $0x40, s26;
	[tilespmem:v18+s24+$0x0] =	vst.idx.add.f32.msk vm0, v17  }
0x16b: {  	v18 =	vld [tilespmem:s28+$0x1F80];
	_ =	sdelay $0x2  }
0x16c: {  	v19 =	vld [tilespmem:s28+$0x0];
	_ =	sdelay $0x1  }
0x16d: {  	v20 =	vsub.s32 v18, v4  }
0x16e: {  	v20 =	vmul.u32 $0xA00, v20  }
0x16f: {  	vm0 =	vge.s32 v18, v4;
	vm1 =	vlt.s32 v18, v5  }
0x170: {  	vm0 =	vmand vm0, vm1;
	v18 =	vadd.s32 v19, v20  }
0x171: {  	v18 =	vnsel vm0, $0x0, v18;
	_ =	sdelay $0x4  }
0x172: {  	s0 =	simm.s32 $0x0;
	[tilespmem:v18+s24+$0x0] =	vst.idx.add.f32.msk vm0, v17  }
0x173: {  	[tilespmem:s0], [sflag:$0x1] =	stream.linear.gather [hbm4b:s5+s0], $0x1F40, $0x38;
	[tilespmem:$0x1CF00] =	vst v63  }
0x174: {  	_ =	swait.ge [sflag:s22], $0x1F40  }
0x175: {  	[sflag:s22] =	ssyncset.done $0x0  }
0x176: {  	[sflag:s22] =	ssyncadd.s32 $0xFFFFE0C0  }
0x177: {  	[tilespmem:s23], [sflag:$0x1] =	stream.linear.gather [hbm4b:s6+s0], $0x1F40, $0x38;
	[tilespmem:$0x1CF00] =	vst v63  }
0x178: {  	_ =	swait.ge [sflag:s22], $0x1F40  }
0x179: {  	[sflag:s22] =	ssyncset.done $0x0  }
0x17a: {  	s28 =	simm.s32 $0x0;
	s26 =	simm.s32 $0x40;
	[sflag:s22] =	ssyncadd.s32 $0xFFFFE0C0  }
.LBB2_32:
0x17b: {  	p0 =	sne.s32 s26, $0x7CC0;
	v18 =	vld [tilespmem:s28+$0x1F80];
	_ =	sdelay $0x2  }
0x17c: {  	v19 =	vld [tilespmem:s28+$0x0];
	_ =	sdelay $0x1  }
0x17d: {  	v20 =	vsub.s32 v18, v4  }
0x17e: {  	v20 =	vmul.u32 $0xA00, v20  }
0x17f: {  	vm0 =	vge.s32 v18, v4;
	vm1 =	vlt.s32 v18, v5  }
0x180: {  	vm0 =	vmand vm0, vm1;
	v18 =	vadd.s32 v19, v20  }
0x181: {  	v18 =	vnsel vm0, $0x0, v18  }
.Ltmp15:
0x182: {  	(pc) =	sbr.rel @p0 .LBB2_32-.Ltmp15, $2  }
0x183: {  	_ =	sdelay $0x2  }
0x184: {  	s28 =	sshra.s32 s26, $0x2;
	s26 =	sadd.s32 $0x40, s26;
	[tilespmem:v18+s24+$0x0] =	vst.idx.add.f32.msk vm0, v17  }
0x185: {  	v18 =	vld [tilespmem:s28+$0x1F80];
	_ =	sdelay $0x2  }
0x186: {  	v19 =	vld [tilespmem:s28+$0x0];
	_ =	sdelay $0x1  }
0x187: {  	v20 =	vsub.s32 v18, v4  }
0x188: {  	v20 =	vmul.u32 $0xA00, v20  }
0x189: {  	vm0 =	vge.s32 v18, v4;
	vm1 =	vlt.s32 v18, v5  }
0x18a: {  	vm0 =	vmand vm0, vm1;
	v18 =	vadd.s32 v19, v20  }
0x18b: {  	v18 =	vnsel vm0, $0x0, v18;
	_ =	sdelay $0x4  }
0x18c: {  	s0 =	simm.s32 $0x0;
	[tilespmem:v18+s24+$0x0] =	vst.idx.add.f32.msk vm0, v17  }
0x18d: {  	[tilespmem:s0], [sflag:$0x1] =	stream.linear.gather [hbm4b:s7+s0], $0x1F40, $0x38;
	[tilespmem:$0x1CF00] =	vst v63  }
0x18e: {  	_ =	swait.ge [sflag:s22], $0x1F40  }
0x18f: {  	[sflag:s22] =	ssyncset.done $0x0  }
0x190: {  	[sflag:s22] =	ssyncadd.s32 $0xFFFFE0C0  }
0x191: {  	[tilespmem:s23], [sflag:$0x1] =	stream.linear.gather [hbm4b:s8+s0], $0x1F40, $0x38;
	[tilespmem:$0x1CF00] =	vst v63  }
0x192: {  	_ =	swait.ge [sflag:s22], $0x1F40  }
0x193: {  	[sflag:s22] =	ssyncset.done $0x0  }
0x194: {  	s28 =	simm.s32 $0x0;
	s26 =	simm.s32 $0x40;
	[sflag:s22] =	ssyncadd.s32 $0xFFFFE0C0  }
.LBB2_34:
0x195: {  	p0 =	sne.s32 s26, $0x7CC0;
	v18 =	vld [tilespmem:s28+$0x1F80];
	_ =	sdelay $0x2  }
0x196: {  	v19 =	vld [tilespmem:s28+$0x0];
	_ =	sdelay $0x1  }
0x197: {  	v20 =	vsub.s32 v18, v4  }
0x198: {  	v20 =	vmul.u32 $0xA00, v20  }
0x199: {  	vm0 =	vge.s32 v18, v4;
	vm1 =	vlt.s32 v18, v5  }
0x19a: {  	vm0 =	vmand vm0, vm1;
	v18 =	vadd.s32 v19, v20  }
0x19b: {  	v18 =	vnsel vm0, $0x0, v18  }
.Ltmp16:
0x19c: {  	(pc) =	sbr.rel @p0 .LBB2_34-.Ltmp16, $2  }
0x19d: {  	_ =	sdelay $0x2  }
0x19e: {  	s28 =	sshra.s32 s26, $0x2;
	s26 =	sadd.s32 $0x40, s26;
	[tilespmem:v18+s24+$0x0] =	vst.idx.add.f32.msk vm0, v17  }
0x19f: {  	v18 =	vld [tilespmem:s28+$0x1F80];
	_ =	sdelay $0x2  }
0x1a0: {  	v19 =	vld [tilespmem:s28+$0x0];
	_ =	sdelay $0x1  }
0x1a1: {  	v20 =	vsub.s32 v18, v4  }
0x1a2: {  	v20 =	vmul.u32 $0xA00, v20  }
0x1a3: {  	vm0 =	vge.s32 v18, v4;
	vm1 =	vlt.s32 v18, v5  }
0x1a4: {  	vm0 =	vmand vm0, vm1;
	v18 =	vadd.s32 v19, v20  }
0x1a5: {  	v18 =	vnsel vm0, $0x0, v18;
	_ =	sdelay $0x4  }
0x1a6: {  	s0 =	simm.s32 $0x0;
	[tilespmem:v18+s24+$0x0] =	vst.idx.add.f32.msk vm0, v17  }
0x1a7: {  	[tilespmem:s0], [sflag:$0x1] =	stream.linear.gather [hbm4b:s9+s0], $0x1F40, $0x38;
	[tilespmem:$0x1CF00] =	vst v63  }
0x1a8: {  	_ =	swait.ge [sflag:s22], $0x1F40  }
0x1a9: {  	[sflag:s22] =	ssyncset.done $0x0  }
0x1aa: {  	[sflag:s22] =	ssyncadd.s32 $0xFFFFE0C0  }
0x1ab: {  	[tilespmem:s23], [sflag:$0x1] =	stream.linear.gather [hbm4b:s10+s0], $0x1F40, $0x38;
	[tilespmem:$0x1CF00] =	vst v63  }
0x1ac: {  	_ =	swait.ge [sflag:s22], $0x1F40  }
0x1ad: {  	[sflag:s22] =	ssyncset.done $0x0  }
0x1ae: {  	s28 =	simm.s32 $0x0;
	s26 =	simm.s32 $0x40;
	[sflag:s22] =	ssyncadd.s32 $0xFFFFE0C0  }
.LBB2_36:
0x1af: {  	p0 =	sne.s32 s26, $0x7CC0;
	v18 =	vld [tilespmem:s28+$0x1F80];
	_ =	sdelay $0x2  }
0x1b0: {  	v19 =	vld [tilespmem:s28+$0x0];
	_ =	sdelay $0x1  }
0x1b1: {  	v20 =	vsub.s32 v18, v4  }
0x1b2: {  	v20 =	vmul.u32 $0xA00, v20  }
0x1b3: {  	vm0 =	vge.s32 v18, v4;
	vm1 =	vlt.s32 v18, v5  }
0x1b4: {  	vm0 =	vmand vm0, vm1;
	v18 =	vadd.s32 v19, v20  }
0x1b5: {  	v18 =	vnsel vm0, $0x0, v18  }
.Ltmp17:
0x1b6: {  	(pc) =	sbr.rel @p0 .LBB2_36-.Ltmp17, $2  }
0x1b7: {  	_ =	sdelay $0x2  }
0x1b8: {  	s28 =	sshra.s32 s26, $0x2;
	s26 =	sadd.s32 $0x40, s26;
	[tilespmem:v18+s24+$0x0] =	vst.idx.add.f32.msk vm0, v17  }
0x1b9: {  	v18 =	vld [tilespmem:s28+$0x1F80];
	_ =	sdelay $0x2  }
0x1ba: {  	v19 =	vld [tilespmem:s28+$0x0];
	_ =	sdelay $0x1  }
0x1bb: {  	v20 =	vsub.s32 v18, v4  }
0x1bc: {  	v20 =	vmul.u32 $0xA00, v20  }
0x1bd: {  	vm0 =	vge.s32 v18, v4;
	vm1 =	vlt.s32 v18, v5  }
0x1be: {  	vm0 =	vmand vm0, vm1;
	v18 =	vadd.s32 v19, v20  }
0x1bf: {  	v18 =	vnsel vm0, $0x0, v18;
	_ =	sdelay $0x4  }
0x1c0: {  	s0 =	simm.s32 $0x0;
	[tilespmem:v18+s24+$0x0] =	vst.idx.add.f32.msk vm0, v17  }
0x1c1: {  	[hbm4b:s15+s0] =	stream.linear.scatter [tilespmem:s24], [sflag:$0x1], $0x19000, $0x38;
	[tilespmem:$0x1CF00] =	vst v63  }
0x1c2: {  	_ =	swait.ge [sflag:s22], $0x19000  }
0x1c3: {  	[sflag:s22] =	ssyncset.done $0x0  }
0x1c4: {  	s26 =	simm.s32 $0x40;
	s28 =	simm.s32 $0x0;
	[sflag:s22] =	ssyncadd.s32 $0xFFFE7000  }
.LBB2_38:
0x1c5: {  	p0 =	sne.s32 s26, $0x63FC0;
	[tilespmem:s28+$0x3F00] =	vst v16;
	s0 =	smov.u32 s26;
	s26 =	sadd.s32 $0x40, s26  }
.Ltmp18:
0x1c6: {  	(pc) =	sbr.rel @p0 .LBB2_38-.Ltmp18, $2  }
0x1c7: {  	_ =	sdelay $0x2  }
0x1c8: {  	s28 =	sshra.s32 s0, $0x2  }
0x1c9: {  	[tilespmem:s28+$0x3F00] =	vst v16;
	s0 =	simm.s32 $0x0  }
0x1ca: {  	[tilespmem:s0], [sflag:$0x1] =	stream.linear.gather [hbm4b:s1+s0], $0x1F40, $0x38;
	[tilespmem:$0x1CF00] =	vst v63  }
0x1cb: {  	_ =	swait.ge [sflag:s22], $0x1F40  }
0x1cc: {  	[sflag:s22] =	ssyncset.done $0x0  }
0x1cd: {  	[sflag:s22] =	ssyncadd.s32 $0xFFFFE0C0  }
0x1ce: {  	[tilespmem:s23], [sflag:$0x1] =	stream.linear.gather [hbm4b:s2+s0], $0x1F40, $0x38;
	[tilespmem:$0x1CF00] =	vst v63  }
0x1cf: {  	_ =	swait.ge [sflag:s22], $0x1F40  }
0x1d0: {  	[sflag:s22] =	ssyncset.done $0x0  }
0x1d1: {  	s28 =	simm.s32 $0x0;
	s26 =	simm.s32 $0x40;
	[sflag:s22] =	ssyncadd.s32 $0xFFFFE0C0  }
.LBB2_40:
0x1d2: {  	p0 =	sne.s32 s26, $0x7CC0;
	v18 =	vld [tilespmem:s28+$0x1F80];
	_ =	sdelay $0x2  }
0x1d3: {  	v19 =	vld [tilespmem:s28+$0x0];
	_ =	sdelay $0x1  }
0x1d4: {  	v20 =	vsub.s32 v18, v6  }
0x1d5: {  	v20 =	vmul.u32 $0xA00, v20  }
0x1d6: {  	vm0 =	vge.s32 v18, v6;
	vm1 =	vlt.s32 v18, v7  }
0x1d7: {  	vm0 =	vmand vm0, vm1;
	v18 =	vadd.s32 v19, v20  }
0x1d8: {  	v18 =	vnsel vm0, $0x0, v18  }
.Ltmp19:
0x1d9: {  	(pc) =	sbr.rel @p0 .LBB2_40-.Ltmp19, $2  }
0x1da: {  	_ =	sdelay $0x2  }
0x1db: {  	s28 =	sshra.s32 s26, $0x2;
	s26 =	sadd.s32 $0x40, s26;
	[tilespmem:v18+s24+$0x0] =	vst.idx.add.f32.msk vm0, v17  }
0x1dc: {  	v18 =	vld [tilespmem:s28+$0x1F80];
	_ =	sdelay $0x2  }
0x1dd: {  	v19 =	vld [tilespmem:s28+$0x0];
	_ =	sdelay $0x1  }
0x1de: {  	v20 =	vsub.s32 v18, v6  }
0x1df: {  	v20 =	vmul.u32 $0xA00, v20  }
0x1e0: {  	vm0 =	vge.s32 v18, v6;
	vm1 =	vlt.s32 v18, v7  }
0x1e1: {  	vm0 =	vmand vm0, vm1;
	v18 =	vadd.s32 v19, v20  }
0x1e2: {  	v18 =	vnsel vm0, $0x0, v18;
	_ =	sdelay $0x4  }
0x1e3: {  	s0 =	simm.s32 $0x0;
	[tilespmem:v18+s24+$0x0] =	vst.idx.add.f32.msk vm0, v17  }
0x1e4: {  	[tilespmem:s0], [sflag:$0x1] =	stream.linear.gather [hbm4b:s3+s0], $0x1F40, $0x38;
	[tilespmem:$0x1CF00] =	vst v63  }
0x1e5: {  	_ =	swait.ge [sflag:s22], $0x1F40  }
0x1e6: {  	[sflag:s22] =	ssyncset.done $0x0  }
0x1e7: {  	[sflag:s22] =	ssyncadd.s32 $0xFFFFE0C0  }
0x1e8: {  	[tilespmem:s23], [sflag:$0x1] =	stream.linear.gather [hbm4b:s4+s0], $0x1F40, $0x38;
	[tilespmem:$0x1CF00] =	vst v63  }
0x1e9: {  	_ =	swait.ge [sflag:s22], $0x1F40  }
0x1ea: {  	[sflag:s22] =	ssyncset.done $0x0  }
0x1eb: {  	s28 =	simm.s32 $0x0;
	s26 =	simm.s32 $0x40;
	[sflag:s22] =	ssyncadd.s32 $0xFFFFE0C0  }
.LBB2_42:
0x1ec: {  	p0 =	sne.s32 s26, $0x7CC0;
	v18 =	vld [tilespmem:s28+$0x1F80];
	_ =	sdelay $0x2  }
0x1ed: {  	v19 =	vld [tilespmem:s28+$0x0];
	_ =	sdelay $0x1  }
0x1ee: {  	v20 =	vsub.s32 v18, v6  }
0x1ef: {  	v20 =	vmul.u32 $0xA00, v20  }
0x1f0: {  	vm0 =	vge.s32 v18, v6;
	vm1 =	vlt.s32 v18, v7  }
0x1f1: {  	vm0 =	vmand vm0, vm1;
	v18 =	vadd.s32 v19, v20  }
0x1f2: {  	v18 =	vnsel vm0, $0x0, v18  }
.Ltmp20:
0x1f3: {  	(pc) =	sbr.rel @p0 .LBB2_42-.Ltmp20, $2  }
0x1f4: {  	_ =	sdelay $0x2  }
0x1f5: {  	s28 =	sshra.s32 s26, $0x2;
	s26 =	sadd.s32 $0x40, s26;
	[tilespmem:v18+s24+$0x0] =	vst.idx.add.f32.msk vm0, v17  }
0x1f6: {  	v18 =	vld [tilespmem:s28+$0x1F80];
	_ =	sdelay $0x2  }
0x1f7: {  	v19 =	vld [tilespmem:s28+$0x0];
	_ =	sdelay $0x1  }
0x1f8: {  	v20 =	vsub.s32 v18, v6  }
0x1f9: {  	v20 =	vmul.u32 $0xA00, v20  }
0x1fa: {  	vm0 =	vge.s32 v18, v6;
	vm1 =	vlt.s32 v18, v7  }
0x1fb: {  	vm0 =	vmand vm0, vm1;
	v18 =	vadd.s32 v19, v20  }
0x1fc: {  	v18 =	vnsel vm0, $0x0, v18;
	_ =	sdelay $0x4  }
0x1fd: {  	s0 =	simm.s32 $0x0;
	[tilespmem:v18+s24+$0x0] =	vst.idx.add.f32.msk vm0, v17  }
0x1fe: {  	[tilespmem:s0], [sflag:$0x1] =	stream.linear.gather [hbm4b:s5+s0], $0x1F40, $0x38;
	[tilespmem:$0x1CF00] =	vst v63  }
0x1ff: {  	_ =	swait.ge [sflag:s22], $0x1F40  }
0x200: {  	[sflag:s22] =	ssyncset.done $0x0  }
0x201: {  	[sflag:s22] =	ssyncadd.s32 $0xFFFFE0C0  }
0x202: {  	[tilespmem:s23], [sflag:$0x1] =	stream.linear.gather [hbm4b:s6+s0], $0x1F40, $0x38;
	[tilespmem:$0x1CF00] =	vst v63  }
0x203: {  	_ =	swait.ge [sflag:s22], $0x1F40  }
0x204: {  	[sflag:s22] =	ssyncset.done $0x0  }
0x205: {  	s28 =	simm.s32 $0x0;
	s26 =	simm.s32 $0x40;
	[sflag:s22] =	ssyncadd.s32 $0xFFFFE0C0  }
.LBB2_44:
0x206: {  	p0 =	sne.s32 s26, $0x7CC0;
	v18 =	vld [tilespmem:s28+$0x1F80];
	_ =	sdelay $0x2  }
0x207: {  	v19 =	vld [tilespmem:s28+$0x0];
	_ =	sdelay $0x1  }
0x208: {  	v20 =	vsub.s32 v18, v6  }
0x209: {  	v20 =	vmul.u32 $0xA00, v20  }
0x20a: {  	vm0 =	vge.s32 v18, v6;
	vm1 =	vlt.s32 v18, v7  }
0x20b: {  	vm0 =	vmand vm0, vm1;
	v18 =	vadd.s32 v19, v20  }
0x20c: {  	v18 =	vnsel vm0, $0x0, v18  }
.Ltmp21:
0x20d: {  	(pc) =	sbr.rel @p0 .LBB2_44-.Ltmp21, $2  }
0x20e: {  	_ =	sdelay $0x2  }
0x20f: {  	s28 =	sshra.s32 s26, $0x2;
	s26 =	sadd.s32 $0x40, s26;
	[tilespmem:v18+s24+$0x0] =	vst.idx.add.f32.msk vm0, v17  }
0x210: {  	v18 =	vld [tilespmem:s28+$0x1F80];
	_ =	sdelay $0x2  }
0x211: {  	v19 =	vld [tilespmem:s28+$0x0];
	_ =	sdelay $0x1  }
0x212: {  	v20 =	vsub.s32 v18, v6  }
0x213: {  	v20 =	vmul.u32 $0xA00, v20  }
0x214: {  	vm0 =	vge.s32 v18, v6;
	vm1 =	vlt.s32 v18, v7  }
0x215: {  	vm0 =	vmand vm0, vm1;
	v18 =	vadd.s32 v19, v20  }
0x216: {  	v18 =	vnsel vm0, $0x0, v18;
	_ =	sdelay $0x4  }
0x217: {  	s0 =	simm.s32 $0x0;
	[tilespmem:v18+s24+$0x0] =	vst.idx.add.f32.msk vm0, v17  }
0x218: {  	[tilespmem:s0], [sflag:$0x1] =	stream.linear.gather [hbm4b:s7+s0], $0x1F40, $0x38;
	[tilespmem:$0x1CF00] =	vst v63  }
0x219: {  	_ =	swait.ge [sflag:s22], $0x1F40  }
0x21a: {  	[sflag:s22] =	ssyncset.done $0x0  }
0x21b: {  	[sflag:s22] =	ssyncadd.s32 $0xFFFFE0C0  }
0x21c: {  	[tilespmem:s23], [sflag:$0x1] =	stream.linear.gather [hbm4b:s8+s0], $0x1F40, $0x38;
	[tilespmem:$0x1CF00] =	vst v63  }
0x21d: {  	_ =	swait.ge [sflag:s22], $0x1F40  }
0x21e: {  	[sflag:s22] =	ssyncset.done $0x0  }
0x21f: {  	s28 =	simm.s32 $0x0;
	s26 =	simm.s32 $0x40;
	[sflag:s22] =	ssyncadd.s32 $0xFFFFE0C0  }
.LBB2_46:
0x220: {  	p0 =	sne.s32 s26, $0x7CC0;
	v18 =	vld [tilespmem:s28+$0x1F80];
	_ =	sdelay $0x2  }
0x221: {  	v19 =	vld [tilespmem:s28+$0x0];
	_ =	sdelay $0x1  }
0x222: {  	v20 =	vsub.s32 v18, v6  }
0x223: {  	v20 =	vmul.u32 $0xA00, v20  }
0x224: {  	vm0 =	vge.s32 v18, v6;
	vm1 =	vlt.s32 v18, v7  }
0x225: {  	vm0 =	vmand vm0, vm1;
	v18 =	vadd.s32 v19, v20  }
0x226: {  	v18 =	vnsel vm0, $0x0, v18  }
.Ltmp22:
0x227: {  	(pc) =	sbr.rel @p0 .LBB2_46-.Ltmp22, $2  }
0x228: {  	_ =	sdelay $0x2  }
0x229: {  	s28 =	sshra.s32 s26, $0x2;
	s26 =	sadd.s32 $0x40, s26;
	[tilespmem:v18+s24+$0x0] =	vst.idx.add.f32.msk vm0, v17  }
0x22a: {  	v18 =	vld [tilespmem:s28+$0x1F80];
	_ =	sdelay $0x2  }
0x22b: {  	v19 =	vld [tilespmem:s28+$0x0];
	_ =	sdelay $0x1  }
0x22c: {  	v20 =	vsub.s32 v18, v6  }
0x22d: {  	v20 =	vmul.u32 $0xA00, v20  }
0x22e: {  	vm0 =	vge.s32 v18, v6;
	vm1 =	vlt.s32 v18, v7  }
0x22f: {  	vm0 =	vmand vm0, vm1;
	v18 =	vadd.s32 v19, v20  }
0x230: {  	v18 =	vnsel vm0, $0x0, v18;
	_ =	sdelay $0x4  }
0x231: {  	s0 =	simm.s32 $0x0;
	[tilespmem:v18+s24+$0x0] =	vst.idx.add.f32.msk vm0, v17  }
0x232: {  	[tilespmem:s0], [sflag:$0x1] =	stream.linear.gather [hbm4b:s9+s0], $0x1F40, $0x38;
	[tilespmem:$0x1CF00] =	vst v63  }
0x233: {  	_ =	swait.ge [sflag:s22], $0x1F40  }
0x234: {  	[sflag:s22] =	ssyncset.done $0x0  }
0x235: {  	[sflag:s22] =	ssyncadd.s32 $0xFFFFE0C0  }
0x236: {  	[tilespmem:s23], [sflag:$0x1] =	stream.linear.gather [hbm4b:s10+s0], $0x1F40, $0x38;
	[tilespmem:$0x1CF00] =	vst v63  }
0x237: {  	_ =	swait.ge [sflag:s22], $0x1F40  }
0x238: {  	[sflag:s22] =	ssyncset.done $0x0  }
0x239: {  	s28 =	simm.s32 $0x0;
	s26 =	simm.s32 $0x40;
	[sflag:s22] =	ssyncadd.s32 $0xFFFFE0C0  }
.LBB2_48:
0x23a: {  	p0 =	sne.s32 s26, $0x7CC0;
	v18 =	vld [tilespmem:s28+$0x1F80];
	_ =	sdelay $0x2  }
0x23b: {  	v19 =	vld [tilespmem:s28+$0x0];
	_ =	sdelay $0x1  }
0x23c: {  	v20 =	vsub.s32 v18, v6  }
0x23d: {  	v20 =	vmul.u32 $0xA00, v20  }
0x23e: {  	vm0 =	vge.s32 v18, v6;
	vm1 =	vlt.s32 v18, v7  }
0x23f: {  	vm0 =	vmand vm0, vm1;
	v18 =	vadd.s32 v19, v20  }
0x240: {  	v18 =	vnsel vm0, $0x0, v18  }
.Ltmp23:
0x241: {  	(pc) =	sbr.rel @p0 .LBB2_48-.Ltmp23, $2  }
0x242: {  	_ =	sdelay $0x2  }
0x243: {  	s28 =	sshra.s32 s26, $0x2;
	s26 =	sadd.s32 $0x40, s26;
	[tilespmem:v18+s24+$0x0] =	vst.idx.add.f32.msk vm0, v17  }
0x244: {  	v18 =	vld [tilespmem:s28+$0x1F80];
	_ =	sdelay $0x2  }
0x245: {  	v19 =	vld [tilespmem:s28+$0x0];
	_ =	sdelay $0x1  }
0x246: {  	v20 =	vsub.s32 v18, v6  }
0x247: {  	v20 =	vmul.u32 $0xA00, v20  }
0x248: {  	vm0 =	vge.s32 v18, v6;
	vm1 =	vlt.s32 v18, v7  }
0x249: {  	vm0 =	vmand vm0, vm1;
	v18 =	vadd.s32 v19, v20  }
0x24a: {  	v18 =	vnsel vm0, $0x0, v18;
	_ =	sdelay $0x4  }
0x24b: {  	s0 =	simm.s32 $0x0;
	[tilespmem:v18+s24+$0x0] =	vst.idx.add.f32.msk vm0, v17  }
0x24c: {  	[hbm4b:s16+s0] =	stream.linear.scatter [tilespmem:s24], [sflag:$0x1], $0x19000, $0x38;
	[tilespmem:$0x1CF00] =	vst v63  }
0x24d: {  	_ =	swait.ge [sflag:s22], $0x19000  }
0x24e: {  	[sflag:s22] =	ssyncset.done $0x0  }
0x24f: {  	s26 =	simm.s32 $0x40;
	s28 =	simm.s32 $0x0;
	[sflag:s22] =	ssyncadd.s32 $0xFFFE7000  }
.LBB2_50:
0x250: {  	p0 =	sne.s32 s26, $0x63FC0;
	[tilespmem:s28+$0x3F00] =	vst v16;
	s0 =	smov.u32 s26;
	s26 =	sadd.s32 $0x40, s26  }
.Ltmp24:
0x251: {  	(pc) =	sbr.rel @p0 .LBB2_50-.Ltmp24, $2  }
0x252: {  	_ =	sdelay $0x2  }
0x253: {  	s28 =	sshra.s32 s0, $0x2  }
0x254: {  	[tilespmem:s28+$0x3F00] =	vst v16;
	s0 =	simm.s32 $0x0  }
0x255: {  	[tilespmem:s0], [sflag:$0x1] =	stream.linear.gather [hbm4b:s1+s0], $0x1F40, $0x38;
	[tilespmem:$0x1CF00] =	vst v63  }
0x256: {  	_ =	swait.ge [sflag:s22], $0x1F40  }
0x257: {  	[sflag:s22] =	ssyncset.done $0x0  }
0x258: {  	[sflag:s22] =	ssyncadd.s32 $0xFFFFE0C0  }
0x259: {  	[tilespmem:s23], [sflag:$0x1] =	stream.linear.gather [hbm4b:s2+s0], $0x1F40, $0x38;
	[tilespmem:$0x1CF00] =	vst v63  }
0x25a: {  	_ =	swait.ge [sflag:s22], $0x1F40  }
0x25b: {  	[sflag:s22] =	ssyncset.done $0x0  }
0x25c: {  	s28 =	simm.s32 $0x0;
	s26 =	simm.s32 $0x40;
	[sflag:s22] =	ssyncadd.s32 $0xFFFFE0C0  }
.LBB2_52:
0x25d: {  	p0 =	sne.s32 s26, $0x7CC0;
	v18 =	vld [tilespmem:s28+$0x1F80];
	_ =	sdelay $0x2  }
0x25e: {  	v19 =	vld [tilespmem:s28+$0x0];
	_ =	sdelay $0x1  }
0x25f: {  	v20 =	vsub.s32 v18, v8  }
0x260: {  	v20 =	vmul.u32 $0xA00, v20  }
0x261: {  	vm0 =	vge.s32 v18, v8;
	vm1 =	vlt.s32 v18, v9  }
0x262: {  	vm0 =	vmand vm0, vm1;
	v18 =	vadd.s32 v19, v20  }
0x263: {  	v18 =	vnsel vm0, $0x0, v18  }
.Ltmp25:
0x264: {  	(pc) =	sbr.rel @p0 .LBB2_52-.Ltmp25, $2  }
0x265: {  	_ =	sdelay $0x2  }
0x266: {  	s28 =	sshra.s32 s26, $0x2;
	s26 =	sadd.s32 $0x40, s26;
	[tilespmem:v18+s24+$0x0] =	vst.idx.add.f32.msk vm0, v17  }
0x267: {  	v18 =	vld [tilespmem:s28+$0x1F80];
	_ =	sdelay $0x2  }
0x268: {  	v19 =	vld [tilespmem:s28+$0x0];
	_ =	sdelay $0x1  }
0x269: {  	v20 =	vsub.s32 v18, v8  }
0x26a: {  	v20 =	vmul.u32 $0xA00, v20  }
0x26b: {  	vm0 =	vge.s32 v18, v8;
	vm1 =	vlt.s32 v18, v9  }
0x26c: {  	vm0 =	vmand vm0, vm1;
	v18 =	vadd.s32 v19, v20  }
0x26d: {  	v18 =	vnsel vm0, $0x0, v18;
	_ =	sdelay $0x4  }
0x26e: {  	s0 =	simm.s32 $0x0;
	[tilespmem:v18+s24+$0x0] =	vst.idx.add.f32.msk vm0, v17  }
0x26f: {  	[tilespmem:s0], [sflag:$0x1] =	stream.linear.gather [hbm4b:s3+s0], $0x1F40, $0x38;
	[tilespmem:$0x1CF00] =	vst v63  }
0x270: {  	_ =	swait.ge [sflag:s22], $0x1F40  }
0x271: {  	[sflag:s22] =	ssyncset.done $0x0  }
0x272: {  	[sflag:s22] =	ssyncadd.s32 $0xFFFFE0C0  }
0x273: {  	[tilespmem:s23], [sflag:$0x1] =	stream.linear.gather [hbm4b:s4+s0], $0x1F40, $0x38;
	[tilespmem:$0x1CF00] =	vst v63  }
0x274: {  	_ =	swait.ge [sflag:s22], $0x1F40  }
0x275: {  	[sflag:s22] =	ssyncset.done $0x0  }
0x276: {  	s28 =	simm.s32 $0x0;
	s26 =	simm.s32 $0x40;
	[sflag:s22] =	ssyncadd.s32 $0xFFFFE0C0  }
.LBB2_54:
0x277: {  	p0 =	sne.s32 s26, $0x7CC0;
	v18 =	vld [tilespmem:s28+$0x1F80];
	_ =	sdelay $0x2  }
0x278: {  	v19 =	vld [tilespmem:s28+$0x0];
	_ =	sdelay $0x1  }
0x279: {  	v20 =	vsub.s32 v18, v8  }
0x27a: {  	v20 =	vmul.u32 $0xA00, v20  }
0x27b: {  	vm0 =	vge.s32 v18, v8;
	vm1 =	vlt.s32 v18, v9  }
0x27c: {  	vm0 =	vmand vm0, vm1;
	v18 =	vadd.s32 v19, v20  }
0x27d: {  	v18 =	vnsel vm0, $0x0, v18  }
.Ltmp26:
0x27e: {  	(pc) =	sbr.rel @p0 .LBB2_54-.Ltmp26, $2  }
0x27f: {  	_ =	sdelay $0x2  }
0x280: {  	s28 =	sshra.s32 s26, $0x2;
	s26 =	sadd.s32 $0x40, s26;
	[tilespmem:v18+s24+$0x0] =	vst.idx.add.f32.msk vm0, v17  }
0x281: {  	v18 =	vld [tilespmem:s28+$0x1F80];
	_ =	sdelay $0x2  }
0x282: {  	v19 =	vld [tilespmem:s28+$0x0];
	_ =	sdelay $0x1  }
0x283: {  	v20 =	vsub.s32 v18, v8  }
0x284: {  	v20 =	vmul.u32 $0xA00, v20  }
0x285: {  	vm0 =	vge.s32 v18, v8;
	vm1 =	vlt.s32 v18, v9  }
0x286: {  	vm0 =	vmand vm0, vm1;
	v18 =	vadd.s32 v19, v20  }
0x287: {  	v18 =	vnsel vm0, $0x0, v18;
	_ =	sdelay $0x4  }
0x288: {  	s0 =	simm.s32 $0x0;
	[tilespmem:v18+s24+$0x0] =	vst.idx.add.f32.msk vm0, v17  }
0x289: {  	[tilespmem:s0], [sflag:$0x1] =	stream.linear.gather [hbm4b:s5+s0], $0x1F40, $0x38;
	[tilespmem:$0x1CF00] =	vst v63  }
0x28a: {  	_ =	swait.ge [sflag:s22], $0x1F40  }
0x28b: {  	[sflag:s22] =	ssyncset.done $0x0  }
0x28c: {  	[sflag:s22] =	ssyncadd.s32 $0xFFFFE0C0  }
0x28d: {  	[tilespmem:s23], [sflag:$0x1] =	stream.linear.gather [hbm4b:s6+s0], $0x1F40, $0x38;
	[tilespmem:$0x1CF00] =	vst v63  }
0x28e: {  	_ =	swait.ge [sflag:s22], $0x1F40  }
0x28f: {  	[sflag:s22] =	ssyncset.done $0x0  }
0x290: {  	s28 =	simm.s32 $0x0;
	s26 =	simm.s32 $0x40;
	[sflag:s22] =	ssyncadd.s32 $0xFFFFE0C0  }
.LBB2_56:
0x291: {  	p0 =	sne.s32 s26, $0x7CC0;
	v18 =	vld [tilespmem:s28+$0x1F80];
	_ =	sdelay $0x2  }
0x292: {  	v19 =	vld [tilespmem:s28+$0x0];
	_ =	sdelay $0x1  }
0x293: {  	v20 =	vsub.s32 v18, v8  }
0x294: {  	v20 =	vmul.u32 $0xA00, v20  }
0x295: {  	vm0 =	vge.s32 v18, v8;
	vm1 =	vlt.s32 v18, v9  }
0x296: {  	vm0 =	vmand vm0, vm1;
	v18 =	vadd.s32 v19, v20  }
0x297: {  	v18 =	vnsel vm0, $0x0, v18  }
.Ltmp27:
0x298: {  	(pc) =	sbr.rel @p0 .LBB2_56-.Ltmp27, $2  }
0x299: {  	_ =	sdelay $0x2  }
0x29a: {  	s28 =	sshra.s32 s26, $0x2;
	s26 =	sadd.s32 $0x40, s26;
	[tilespmem:v18+s24+$0x0] =	vst.idx.add.f32.msk vm0, v17  }
0x29b: {  	v18 =	vld [tilespmem:s28+$0x1F80];
	_ =	sdelay $0x2  }
0x29c: {  	v19 =	vld [tilespmem:s28+$0x0];
	_ =	sdelay $0x1  }
0x29d: {  	v20 =	vsub.s32 v18, v8  }
0x29e: {  	v20 =	vmul.u32 $0xA00, v20  }
0x29f: {  	vm0 =	vge.s32 v18, v8;
	vm1 =	vlt.s32 v18, v9  }
0x2a0: {  	vm0 =	vmand vm0, vm1;
	v18 =	vadd.s32 v19, v20  }
0x2a1: {  	v18 =	vnsel vm0, $0x0, v18;
	_ =	sdelay $0x4  }
0x2a2: {  	s0 =	simm.s32 $0x0;
	[tilespmem:v18+s24+$0x0] =	vst.idx.add.f32.msk vm0, v17  }
0x2a3: {  	[tilespmem:s0], [sflag:$0x1] =	stream.linear.gather [hbm4b:s7+s0], $0x1F40, $0x38;
	[tilespmem:$0x1CF00] =	vst v63  }
0x2a4: {  	_ =	swait.ge [sflag:s22], $0x1F40  }
0x2a5: {  	[sflag:s22] =	ssyncset.done $0x0  }
0x2a6: {  	[sflag:s22] =	ssyncadd.s32 $0xFFFFE0C0  }
0x2a7: {  	[tilespmem:s23], [sflag:$0x1] =	stream.linear.gather [hbm4b:s8+s0], $0x1F40, $0x38;
	[tilespmem:$0x1CF00] =	vst v63  }
0x2a8: {  	_ =	swait.ge [sflag:s22], $0x1F40  }
0x2a9: {  	[sflag:s22] =	ssyncset.done $0x0  }
0x2aa: {  	s28 =	simm.s32 $0x0;
	s26 =	simm.s32 $0x40;
	[sflag:s22] =	ssyncadd.s32 $0xFFFFE0C0  }
.LBB2_58:
0x2ab: {  	p0 =	sne.s32 s26, $0x7CC0;
	v18 =	vld [tilespmem:s28+$0x1F80];
	_ =	sdelay $0x2  }
0x2ac: {  	v19 =	vld [tilespmem:s28+$0x0];
	_ =	sdelay $0x1  }
0x2ad: {  	v20 =	vsub.s32 v18, v8  }
0x2ae: {  	v20 =	vmul.u32 $0xA00, v20  }
0x2af: {  	vm0 =	vge.s32 v18, v8;
	vm1 =	vlt.s32 v18, v9  }
0x2b0: {  	vm0 =	vmand vm0, vm1;
	v18 =	vadd.s32 v19, v20  }
0x2b1: {  	v18 =	vnsel vm0, $0x0, v18  }
.Ltmp28:
0x2b2: {  	(pc) =	sbr.rel @p0 .LBB2_58-.Ltmp28, $2  }
0x2b3: {  	_ =	sdelay $0x2  }
0x2b4: {  	s28 =	sshra.s32 s26, $0x2;
	s26 =	sadd.s32 $0x40, s26;
	[tilespmem:v18+s24+$0x0] =	vst.idx.add.f32.msk vm0, v17  }
0x2b5: {  	v18 =	vld [tilespmem:s28+$0x1F80];
	_ =	sdelay $0x2  }
0x2b6: {  	v19 =	vld [tilespmem:s28+$0x0];
	_ =	sdelay $0x1  }
0x2b7: {  	v20 =	vsub.s32 v18, v8  }
0x2b8: {  	v20 =	vmul.u32 $0xA00, v20  }
0x2b9: {  	vm0 =	vge.s32 v18, v8;
	vm1 =	vlt.s32 v18, v9  }
0x2ba: {  	vm0 =	vmand vm0, vm1;
	v18 =	vadd.s32 v19, v20  }
0x2bb: {  	v18 =	vnsel vm0, $0x0, v18;
	_ =	sdelay $0x4  }
0x2bc: {  	s0 =	simm.s32 $0x0;
	[tilespmem:v18+s24+$0x0] =	vst.idx.add.f32.msk vm0, v17  }
0x2bd: {  	[tilespmem:s0], [sflag:$0x1] =	stream.linear.gather [hbm4b:s9+s0], $0x1F40, $0x38;
	[tilespmem:$0x1CF00] =	vst v63  }
0x2be: {  	_ =	swait.ge [sflag:s22], $0x1F40  }
0x2bf: {  	[sflag:s22] =	ssyncset.done $0x0  }
0x2c0: {  	[sflag:s22] =	ssyncadd.s32 $0xFFFFE0C0  }
0x2c1: {  	[tilespmem:s23], [sflag:$0x1] =	stream.linear.gather [hbm4b:s10+s0], $0x1F40, $0x38;
	[tilespmem:$0x1CF00] =	vst v63  }
0x2c2: {  	_ =	swait.ge [sflag:s22], $0x1F40  }
0x2c3: {  	[sflag:s22] =	ssyncset.done $0x0  }
0x2c4: {  	s28 =	simm.s32 $0x0;
	s26 =	simm.s32 $0x40;
	[sflag:s22] =	ssyncadd.s32 $0xFFFFE0C0  }
.LBB2_60:
0x2c5: {  	p0 =	sne.s32 s26, $0x7CC0;
	v18 =	vld [tilespmem:s28+$0x1F80];
	_ =	sdelay $0x2  }
0x2c6: {  	v19 =	vld [tilespmem:s28+$0x0];
	_ =	sdelay $0x1  }
0x2c7: {  	v20 =	vsub.s32 v18, v8  }
0x2c8: {  	v20 =	vmul.u32 $0xA00, v20  }
0x2c9: {  	vm0 =	vge.s32 v18, v8;
	vm1 =	vlt.s32 v18, v9  }
0x2ca: {  	vm0 =	vmand vm0, vm1;
	v18 =	vadd.s32 v19, v20  }
0x2cb: {  	v18 =	vnsel vm0, $0x0, v18  }
.Ltmp29:
0x2cc: {  	(pc) =	sbr.rel @p0 .LBB2_60-.Ltmp29, $2  }
0x2cd: {  	_ =	sdelay $0x2  }
0x2ce: {  	s28 =	sshra.s32 s26, $0x2;
	s26 =	sadd.s32 $0x40, s26;
	[tilespmem:v18+s24+$0x0] =	vst.idx.add.f32.msk vm0, v17  }
0x2cf: {  	v18 =	vld [tilespmem:s28+$0x1F80];
	_ =	sdelay $0x2  }
0x2d0: {  	v19 =	vld [tilespmem:s28+$0x0];
	_ =	sdelay $0x1  }
0x2d1: {  	v20 =	vsub.s32 v18, v8  }
0x2d2: {  	v20 =	vmul.u32 $0xA00, v20  }
0x2d3: {  	vm0 =	vge.s32 v18, v8;
	vm1 =	vlt.s32 v18, v9  }
0x2d4: {  	vm0 =	vmand vm0, vm1;
	v18 =	vadd.s32 v19, v20  }
0x2d5: {  	v18 =	vnsel vm0, $0x0, v18;
	_ =	sdelay $0x4  }
0x2d6: {  	s0 =	simm.s32 $0x0;
	[tilespmem:v18+s24+$0x0] =	vst.idx.add.f32.msk vm0, v17  }
0x2d7: {  	[hbm4b:s17+s0] =	stream.linear.scatter [tilespmem:s24], [sflag:$0x1], $0x19000, $0x38;
	[tilespmem:$0x1CF00] =	vst v63  }
0x2d8: {  	_ =	swait.ge [sflag:s22], $0x19000  }
0x2d9: {  	[sflag:s22] =	ssyncset.done $0x0  }
0x2da: {  	s26 =	simm.s32 $0x40;
	s28 =	simm.s32 $0x0;
	[sflag:s22] =	ssyncadd.s32 $0xFFFE7000  }
.LBB2_62:
0x2db: {  	p0 =	sne.s32 s26, $0x63FC0;
	[tilespmem:s28+$0x3F00] =	vst v16;
	s0 =	smov.u32 s26;
	s26 =	sadd.s32 $0x40, s26  }
.Ltmp30:
0x2dc: {  	(pc) =	sbr.rel @p0 .LBB2_62-.Ltmp30, $2  }
0x2dd: {  	_ =	sdelay $0x2  }
0x2de: {  	s28 =	sshra.s32 s0, $0x2  }
0x2df: {  	[tilespmem:s28+$0x3F00] =	vst v16;
	s0 =	simm.s32 $0x0  }
0x2e0: {  	[tilespmem:s0], [sflag:$0x1] =	stream.linear.gather [hbm4b:s1+s0], $0x1F40, $0x38;
	[tilespmem:$0x1CF00] =	vst v63  }
0x2e1: {  	_ =	swait.ge [sflag:s22], $0x1F40  }
0x2e2: {  	[sflag:s22] =	ssyncset.done $0x0  }
0x2e3: {  	[sflag:s22] =	ssyncadd.s32 $0xFFFFE0C0  }
0x2e4: {  	[tilespmem:s23], [sflag:$0x1] =	stream.linear.gather [hbm4b:s2+s0], $0x1F40, $0x38;
	[tilespmem:$0x1CF00] =	vst v63  }
0x2e5: {  	_ =	swait.ge [sflag:s22], $0x1F40  }
0x2e6: {  	[sflag:s22] =	ssyncset.done $0x0  }
0x2e7: {  	s28 =	simm.s32 $0x0;
	s26 =	simm.s32 $0x40;
	[sflag:s22] =	ssyncadd.s32 $0xFFFFE0C0  }
.LBB2_64:
0x2e8: {  	p0 =	sne.s32 s26, $0x7CC0;
	v18 =	vld [tilespmem:s28+$0x1F80];
	_ =	sdelay $0x2  }
0x2e9: {  	v19 =	vld [tilespmem:s28+$0x0];
	_ =	sdelay $0x1  }
0x2ea: {  	v20 =	vsub.s32 v18, v10  }
0x2eb: {  	v20 =	vmul.u32 $0xA00, v20  }
0x2ec: {  	vm0 =	vge.s32 v18, v10;
	vm1 =	vlt.s32 v18, v11  }
0x2ed: {  	vm0 =	vmand vm0, vm1;
	v18 =	vadd.s32 v19, v20  }
0x2ee: {  	v18 =	vnsel vm0, $0x0, v18  }
.Ltmp31:
0x2ef: {  	(pc) =	sbr.rel @p0 .LBB2_64-.Ltmp31, $2  }
0x2f0: {  	_ =	sdelay $0x2  }
0x2f1: {  	s28 =	sshra.s32 s26, $0x2;
	s26 =	sadd.s32 $0x40, s26;
	[tilespmem:v18+s24+$0x0] =	vst.idx.add.f32.msk vm0, v17  }
0x2f2: {  	v18 =	vld [tilespmem:s28+$0x1F80];
	_ =	sdelay $0x2  }
0x2f3: {  	v19 =	vld [tilespmem:s28+$0x0];
	_ =	sdelay $0x1  }
0x2f4: {  	v20 =	vsub.s32 v18, v10  }
0x2f5: {  	v20 =	vmul.u32 $0xA00, v20  }
0x2f6: {  	vm0 =	vge.s32 v18, v10;
	vm1 =	vlt.s32 v18, v11  }
0x2f7: {  	vm0 =	vmand vm0, vm1;
	v18 =	vadd.s32 v19, v20  }
0x2f8: {  	v18 =	vnsel vm0, $0x0, v18;
	_ =	sdelay $0x4  }
0x2f9: {  	s0 =	simm.s32 $0x0;
	[tilespmem:v18+s24+$0x0] =	vst.idx.add.f32.msk vm0, v17  }
0x2fa: {  	[tilespmem:s0], [sflag:$0x1] =	stream.linear.gather [hbm4b:s3+s0], $0x1F40, $0x38;
	[tilespmem:$0x1CF00] =	vst v63  }
0x2fb: {  	_ =	swait.ge [sflag:s22], $0x1F40  }
0x2fc: {  	[sflag:s22] =	ssyncset.done $0x0  }
0x2fd: {  	[sflag:s22] =	ssyncadd.s32 $0xFFFFE0C0  }
0x2fe: {  	[tilespmem:s23], [sflag:$0x1] =	stream.linear.gather [hbm4b:s4+s0], $0x1F40, $0x38;
	[tilespmem:$0x1CF00] =	vst v63  }
0x2ff: {  	_ =	swait.ge [sflag:s22], $0x1F40  }
0x300: {  	[sflag:s22] =	ssyncset.done $0x0  }
0x301: {  	s28 =	simm.s32 $0x0;
	s26 =	simm.s32 $0x40;
	[sflag:s22] =	ssyncadd.s32 $0xFFFFE0C0  }
.LBB2_66:
0x302: {  	p0 =	sne.s32 s26, $0x7CC0;
	v18 =	vld [tilespmem:s28+$0x1F80];
	_ =	sdelay $0x2  }
0x303: {  	v19 =	vld [tilespmem:s28+$0x0];
	_ =	sdelay $0x1  }
0x304: {  	v20 =	vsub.s32 v18, v10  }
0x305: {  	v20 =	vmul.u32 $0xA00, v20  }
0x306: {  	vm0 =	vge.s32 v18, v10;
	vm1 =	vlt.s32 v18, v11  }
0x307: {  	vm0 =	vmand vm0, vm1;
	v18 =	vadd.s32 v19, v20  }
0x308: {  	v18 =	vnsel vm0, $0x0, v18  }
.Ltmp32:
0x309: {  	(pc) =	sbr.rel @p0 .LBB2_66-.Ltmp32, $2  }
0x30a: {  	_ =	sdelay $0x2  }
0x30b: {  	s28 =	sshra.s32 s26, $0x2;
	s26 =	sadd.s32 $0x40, s26;
	[tilespmem:v18+s24+$0x0] =	vst.idx.add.f32.msk vm0, v17  }
0x30c: {  	v18 =	vld [tilespmem:s28+$0x1F80];
	_ =	sdelay $0x2  }
0x30d: {  	v19 =	vld [tilespmem:s28+$0x0];
	_ =	sdelay $0x1  }
0x30e: {  	v20 =	vsub.s32 v18, v10  }
0x30f: {  	v20 =	vmul.u32 $0xA00, v20  }
0x310: {  	vm0 =	vge.s32 v18, v10;
	vm1 =	vlt.s32 v18, v11  }
0x311: {  	vm0 =	vmand vm0, vm1;
	v18 =	vadd.s32 v19, v20  }
0x312: {  	v18 =	vnsel vm0, $0x0, v18;
	_ =	sdelay $0x4  }
0x313: {  	s0 =	simm.s32 $0x0;
	[tilespmem:v18+s24+$0x0] =	vst.idx.add.f32.msk vm0, v17  }
0x314: {  	[tilespmem:s0], [sflag:$0x1] =	stream.linear.gather [hbm4b:s5+s0], $0x1F40, $0x38;
	[tilespmem:$0x1CF00] =	vst v63  }
0x315: {  	_ =	swait.ge [sflag:s22], $0x1F40  }
0x316: {  	[sflag:s22] =	ssyncset.done $0x0  }
0x317: {  	[sflag:s22] =	ssyncadd.s32 $0xFFFFE0C0  }
0x318: {  	[tilespmem:s23], [sflag:$0x1] =	stream.linear.gather [hbm4b:s6+s0], $0x1F40, $0x38;
	[tilespmem:$0x1CF00] =	vst v63  }
0x319: {  	_ =	swait.ge [sflag:s22], $0x1F40  }
0x31a: {  	[sflag:s22] =	ssyncset.done $0x0  }
0x31b: {  	s28 =	simm.s32 $0x0;
	s26 =	simm.s32 $0x40;
	[sflag:s22] =	ssyncadd.s32 $0xFFFFE0C0  }
.LBB2_68:
0x31c: {  	p0 =	sne.s32 s26, $0x7CC0;
	v18 =	vld [tilespmem:s28+$0x1F80];
	_ =	sdelay $0x2  }
0x31d: {  	v19 =	vld [tilespmem:s28+$0x0];
	_ =	sdelay $0x1  }
0x31e: {  	v20 =	vsub.s32 v18, v10  }
0x31f: {  	v20 =	vmul.u32 $0xA00, v20  }
0x320: {  	vm0 =	vge.s32 v18, v10;
	vm1 =	vlt.s32 v18, v11  }
0x321: {  	vm0 =	vmand vm0, vm1;
	v18 =	vadd.s32 v19, v20  }
0x322: {  	v18 =	vnsel vm0, $0x0, v18  }
.Ltmp33:
0x323: {  	(pc) =	sbr.rel @p0 .LBB2_68-.Ltmp33, $2  }
0x324: {  	_ =	sdelay $0x2  }
0x325: {  	s28 =	sshra.s32 s26, $0x2;
	s26 =	sadd.s32 $0x40, s26;
	[tilespmem:v18+s24+$0x0] =	vst.idx.add.f32.msk vm0, v17  }
0x326: {  	v18 =	vld [tilespmem:s28+$0x1F80];
	_ =	sdelay $0x2  }
0x327: {  	v19 =	vld [tilespmem:s28+$0x0];
	_ =	sdelay $0x1  }
0x328: {  	v20 =	vsub.s32 v18, v10  }
0x329: {  	v20 =	vmul.u32 $0xA00, v20  }
0x32a: {  	vm0 =	vge.s32 v18, v10;
	vm1 =	vlt.s32 v18, v11  }
0x32b: {  	vm0 =	vmand vm0, vm1;
	v18 =	vadd.s32 v19, v20  }
0x32c: {  	v18 =	vnsel vm0, $0x0, v18;
	_ =	sdelay $0x4  }
0x32d: {  	s0 =	simm.s32 $0x0;
	[tilespmem:v18+s24+$0x0] =	vst.idx.add.f32.msk vm0, v17  }
0x32e: {  	[tilespmem:s0], [sflag:$0x1] =	stream.linear.gather [hbm4b:s7+s0], $0x1F40, $0x38;
	[tilespmem:$0x1CF00] =	vst v63  }
0x32f: {  	_ =	swait.ge [sflag:s22], $0x1F40  }
0x330: {  	[sflag:s22] =	ssyncset.done $0x0  }
0x331: {  	[sflag:s22] =	ssyncadd.s32 $0xFFFFE0C0  }
0x332: {  	[tilespmem:s23], [sflag:$0x1] =	stream.linear.gather [hbm4b:s8+s0], $0x1F40, $0x38;
	[tilespmem:$0x1CF00] =	vst v63  }
0x333: {  	_ =	swait.ge [sflag:s22], $0x1F40  }
0x334: {  	[sflag:s22] =	ssyncset.done $0x0  }
0x335: {  	s28 =	simm.s32 $0x0;
	s26 =	simm.s32 $0x40;
	[sflag:s22] =	ssyncadd.s32 $0xFFFFE0C0  }
.LBB2_70:
0x336: {  	p0 =	sne.s32 s26, $0x7CC0;
	v18 =	vld [tilespmem:s28+$0x1F80];
	_ =	sdelay $0x2  }
0x337: {  	v19 =	vld [tilespmem:s28+$0x0];
	_ =	sdelay $0x1  }
0x338: {  	v20 =	vsub.s32 v18, v10  }
0x339: {  	v20 =	vmul.u32 $0xA00, v20  }
0x33a: {  	vm0 =	vge.s32 v18, v10;
	vm1 =	vlt.s32 v18, v11  }
0x33b: {  	vm0 =	vmand vm0, vm1;
	v18 =	vadd.s32 v19, v20  }
0x33c: {  	v18 =	vnsel vm0, $0x0, v18  }
.Ltmp34:
0x33d: {  	(pc) =	sbr.rel @p0 .LBB2_70-.Ltmp34, $2  }
0x33e: {  	_ =	sdelay $0x2  }
0x33f: {  	s28 =	sshra.s32 s26, $0x2;
	s26 =	sadd.s32 $0x40, s26;
	[tilespmem:v18+s24+$0x0] =	vst.idx.add.f32.msk vm0, v17  }
0x340: {  	v18 =	vld [tilespmem:s28+$0x1F80];
	_ =	sdelay $0x2  }
0x341: {  	v19 =	vld [tilespmem:s28+$0x0];
	_ =	sdelay $0x1  }
0x342: {  	v20 =	vsub.s32 v18, v10  }
0x343: {  	v20 =	vmul.u32 $0xA00, v20  }
0x344: {  	vm0 =	vge.s32 v18, v10;
	vm1 =	vlt.s32 v18, v11  }
0x345: {  	vm0 =	vmand vm0, vm1;
	v18 =	vadd.s32 v19, v20  }
0x346: {  	v18 =	vnsel vm0, $0x0, v18;
	_ =	sdelay $0x4  }
0x347: {  	s0 =	simm.s32 $0x0;
	[tilespmem:v18+s24+$0x0] =	vst.idx.add.f32.msk vm0, v17  }
0x348: {  	[tilespmem:s0], [sflag:$0x1] =	stream.linear.gather [hbm4b:s9+s0], $0x1F40, $0x38;
	[tilespmem:$0x1CF00] =	vst v63  }
0x349: {  	_ =	swait.ge [sflag:s22], $0x1F40  }
0x34a: {  	[sflag:s22] =	ssyncset.done $0x0  }
0x34b: {  	[sflag:s22] =	ssyncadd.s32 $0xFFFFE0C0  }
0x34c: {  	[tilespmem:s23], [sflag:$0x1] =	stream.linear.gather [hbm4b:s10+s0], $0x1F40, $0x38;
	[tilespmem:$0x1CF00] =	vst v63  }
0x34d: {  	_ =	swait.ge [sflag:s22], $0x1F40  }
0x34e: {  	[sflag:s22] =	ssyncset.done $0x0  }
0x34f: {  	s28 =	simm.s32 $0x0;
	s26 =	simm.s32 $0x40;
	[sflag:s22] =	ssyncadd.s32 $0xFFFFE0C0  }
.LBB2_72:
0x350: {  	p0 =	sne.s32 s26, $0x7CC0;
	v18 =	vld [tilespmem:s28+$0x1F80];
	_ =	sdelay $0x2  }
0x351: {  	v19 =	vld [tilespmem:s28+$0x0];
	_ =	sdelay $0x1  }
0x352: {  	v20 =	vsub.s32 v18, v10  }
0x353: {  	v20 =	vmul.u32 $0xA00, v20  }
0x354: {  	vm0 =	vge.s32 v18, v10;
	vm1 =	vlt.s32 v18, v11  }
0x355: {  	vm0 =	vmand vm0, vm1;
	v18 =	vadd.s32 v19, v20  }
0x356: {  	v18 =	vnsel vm0, $0x0, v18  }
.Ltmp35:
0x357: {  	(pc) =	sbr.rel @p0 .LBB2_72-.Ltmp35, $2  }
0x358: {  	_ =	sdelay $0x2  }
0x359: {  	s28 =	sshra.s32 s26, $0x2;
	s26 =	sadd.s32 $0x40, s26;
	[tilespmem:v18+s24+$0x0] =	vst.idx.add.f32.msk vm0, v17  }
0x35a: {  	v18 =	vld [tilespmem:s28+$0x1F80];
	_ =	sdelay $0x2  }
0x35b: {  	v19 =	vld [tilespmem:s28+$0x0];
	_ =	sdelay $0x1  }
0x35c: {  	v20 =	vsub.s32 v18, v10  }
0x35d: {  	v20 =	vmul.u32 $0xA00, v20  }
0x35e: {  	vm0 =	vge.s32 v18, v10;
	vm1 =	vlt.s32 v18, v11  }
0x35f: {  	vm0 =	vmand vm0, vm1;
	v18 =	vadd.s32 v19, v20  }
0x360: {  	v18 =	vnsel vm0, $0x0, v18;
	_ =	sdelay $0x4  }
0x361: {  	s0 =	simm.s32 $0x0;
	[tilespmem:v18+s24+$0x0] =	vst.idx.add.f32.msk vm0, v17  }
0x362: {  	[hbm4b:s18+s0] =	stream.linear.scatter [tilespmem:s24], [sflag:$0x1], $0x19000, $0x38;
	[tilespmem:$0x1CF00] =	vst v63  }
0x363: {  	_ =	swait.ge [sflag:s22], $0x19000  }
0x364: {  	[sflag:s22] =	ssyncset.done $0x0  }
0x365: {  	s26 =	simm.s32 $0x40;
	s28 =	simm.s32 $0x0;
	[sflag:s22] =	ssyncadd.s32 $0xFFFE7000  }
.LBB2_74:
0x366: {  	p0 =	sne.s32 s26, $0x63FC0;
	[tilespmem:s28+$0x3F00] =	vst v16;
	s0 =	smov.u32 s26;
	s26 =	sadd.s32 $0x40, s26  }
.Ltmp36:
0x367: {  	(pc) =	sbr.rel @p0 .LBB2_74-.Ltmp36, $2  }
0x368: {  	_ =	sdelay $0x2  }
0x369: {  	s28 =	sshra.s32 s0, $0x2  }
0x36a: {  	[tilespmem:s28+$0x3F00] =	vst v16;
	s0 =	simm.s32 $0x0  }
0x36b: {  	[tilespmem:s0], [sflag:$0x1] =	stream.linear.gather [hbm4b:s1+s0], $0x1F40, $0x38;
	[tilespmem:$0x1CF00] =	vst v63  }
0x36c: {  	_ =	swait.ge [sflag:s22], $0x1F40  }
0x36d: {  	[sflag:s22] =	ssyncset.done $0x0  }
0x36e: {  	[sflag:s22] =	ssyncadd.s32 $0xFFFFE0C0  }
0x36f: {  	[tilespmem:s23], [sflag:$0x1] =	stream.linear.gather [hbm4b:s2+s0], $0x1F40, $0x38;
	[tilespmem:$0x1CF00] =	vst v63  }
0x370: {  	_ =	swait.ge [sflag:s22], $0x1F40  }
0x371: {  	[sflag:s22] =	ssyncset.done $0x0  }
0x372: {  	s28 =	simm.s32 $0x0;
	s26 =	simm.s32 $0x40;
	[sflag:s22] =	ssyncadd.s32 $0xFFFFE0C0  }
.LBB2_76:
0x373: {  	p0 =	sne.s32 s26, $0x7CC0;
	v18 =	vld [tilespmem:s28+$0x1F80];
	_ =	sdelay $0x2  }
0x374: {  	v19 =	vld [tilespmem:s28+$0x0];
	_ =	sdelay $0x1  }
0x375: {  	v20 =	vsub.s32 v18, v12  }
0x376: {  	v20 =	vmul.u32 $0xA00, v20  }
0x377: {  	vm0 =	vge.s32 v18, v12;
	vm1 =	vlt.s32 v18, v13  }
0x378: {  	vm0 =	vmand vm0, vm1;
	v18 =	vadd.s32 v19, v20  }
0x379: {  	v18 =	vnsel vm0, $0x0, v18  }
.Ltmp37:
0x37a: {  	(pc) =	sbr.rel @p0 .LBB2_76-.Ltmp37, $2  }
0x37b: {  	_ =	sdelay $0x2  }
0x37c: {  	s28 =	sshra.s32 s26, $0x2;
	s26 =	sadd.s32 $0x40, s26;
	[tilespmem:v18+s24+$0x0] =	vst.idx.add.f32.msk vm0, v17  }
0x37d: {  	v18 =	vld [tilespmem:s28+$0x1F80];
	_ =	sdelay $0x2  }
0x37e: {  	v19 =	vld [tilespmem:s28+$0x0];
	_ =	sdelay $0x1  }
0x37f: {  	v20 =	vsub.s32 v18, v12  }
0x380: {  	v20 =	vmul.u32 $0xA00, v20  }
0x381: {  	vm0 =	vge.s32 v18, v12;
	vm1 =	vlt.s32 v18, v13  }
0x382: {  	vm0 =	vmand vm0, vm1;
	v18 =	vadd.s32 v19, v20  }
0x383: {  	v18 =	vnsel vm0, $0x0, v18;
	_ =	sdelay $0x4  }
0x384: {  	s0 =	simm.s32 $0x0;
	[tilespmem:v18+s24+$0x0] =	vst.idx.add.f32.msk vm0, v17  }
0x385: {  	[tilespmem:s0], [sflag:$0x1] =	stream.linear.gather [hbm4b:s3+s0], $0x1F40, $0x38;
	[tilespmem:$0x1CF00] =	vst v63  }
0x386: {  	_ =	swait.ge [sflag:s22], $0x1F40  }
0x387: {  	[sflag:s22] =	ssyncset.done $0x0  }
0x388: {  	[sflag:s22] =	ssyncadd.s32 $0xFFFFE0C0  }
0x389: {  	[tilespmem:s23], [sflag:$0x1] =	stream.linear.gather [hbm4b:s4+s0], $0x1F40, $0x38;
	[tilespmem:$0x1CF00] =	vst v63  }
0x38a: {  	_ =	swait.ge [sflag:s22], $0x1F40  }
0x38b: {  	[sflag:s22] =	ssyncset.done $0x0  }
0x38c: {  	s28 =	simm.s32 $0x0;
	s26 =	simm.s32 $0x40;
	[sflag:s22] =	ssyncadd.s32 $0xFFFFE0C0  }
.LBB2_78:
0x38d: {  	p0 =	sne.s32 s26, $0x7CC0;
	v18 =	vld [tilespmem:s28+$0x1F80];
	_ =	sdelay $0x2  }
0x38e: {  	v19 =	vld [tilespmem:s28+$0x0];
	_ =	sdelay $0x1  }
0x38f: {  	v20 =	vsub.s32 v18, v12  }
0x390: {  	v20 =	vmul.u32 $0xA00, v20  }
0x391: {  	vm0 =	vge.s32 v18, v12;
	vm1 =	vlt.s32 v18, v13  }
0x392: {  	vm0 =	vmand vm0, vm1;
	v18 =	vadd.s32 v19, v20  }
0x393: {  	v18 =	vnsel vm0, $0x0, v18  }
.Ltmp38:
0x394: {  	(pc) =	sbr.rel @p0 .LBB2_78-.Ltmp38, $2  }
0x395: {  	_ =	sdelay $0x2  }
0x396: {  	s28 =	sshra.s32 s26, $0x2;
	s26 =	sadd.s32 $0x40, s26;
	[tilespmem:v18+s24+$0x0] =	vst.idx.add.f32.msk vm0, v17  }
0x397: {  	v18 =	vld [tilespmem:s28+$0x1F80];
	_ =	sdelay $0x2  }
0x398: {  	v19 =	vld [tilespmem:s28+$0x0];
	_ =	sdelay $0x1  }
0x399: {  	v20 =	vsub.s32 v18, v12  }
0x39a: {  	v20 =	vmul.u32 $0xA00, v20  }
0x39b: {  	vm0 =	vge.s32 v18, v12;
	vm1 =	vlt.s32 v18, v13  }
0x39c: {  	vm0 =	vmand vm0, vm1;
	v18 =	vadd.s32 v19, v20  }
0x39d: {  	v18 =	vnsel vm0, $0x0, v18;
	_ =	sdelay $0x4  }
0x39e: {  	s0 =	simm.s32 $0x0;
	[tilespmem:v18+s24+$0x0] =	vst.idx.add.f32.msk vm0, v17  }
0x39f: {  	[tilespmem:s0], [sflag:$0x1] =	stream.linear.gather [hbm4b:s5+s0], $0x1F40, $0x38;
	[tilespmem:$0x1CF00] =	vst v63  }
0x3a0: {  	_ =	swait.ge [sflag:s22], $0x1F40  }
0x3a1: {  	[sflag:s22] =	ssyncset.done $0x0  }
0x3a2: {  	[sflag:s22] =	ssyncadd.s32 $0xFFFFE0C0  }
0x3a3: {  	[tilespmem:s23], [sflag:$0x1] =	stream.linear.gather [hbm4b:s6+s0], $0x1F40, $0x38;
	[tilespmem:$0x1CF00] =	vst v63  }
0x3a4: {  	_ =	swait.ge [sflag:s22], $0x1F40  }
0x3a5: {  	[sflag:s22] =	ssyncset.done $0x0  }
0x3a6: {  	s28 =	simm.s32 $0x0;
	s26 =	simm.s32 $0x40;
	[sflag:s22] =	ssyncadd.s32 $0xFFFFE0C0  }
.LBB2_80:
0x3a7: {  	p0 =	sne.s32 s26, $0x7CC0;
	v18 =	vld [tilespmem:s28+$0x1F80];
	_ =	sdelay $0x2  }
0x3a8: {  	v19 =	vld [tilespmem:s28+$0x0];
	_ =	sdelay $0x1  }
0x3a9: {  	v20 =	vsub.s32 v18, v12  }
0x3aa: {  	v20 =	vmul.u32 $0xA00, v20  }
0x3ab: {  	vm0 =	vge.s32 v18, v12;
	vm1 =	vlt.s32 v18, v13  }
0x3ac: {  	vm0 =	vmand vm0, vm1;
	v18 =	vadd.s32 v19, v20  }
0x3ad: {  	v18 =	vnsel vm0, $0x0, v18  }
.Ltmp39:
0x3ae: {  	(pc) =	sbr.rel @p0 .LBB2_80-.Ltmp39, $2  }
0x3af: {  	_ =	sdelay $0x2  }
0x3b0: {  	s28 =	sshra.s32 s26, $0x2;
	s26 =	sadd.s32 $0x40, s26;
	[tilespmem:v18+s24+$0x0] =	vst.idx.add.f32.msk vm0, v17  }
0x3b1: {  	v18 =	vld [tilespmem:s28+$0x1F80];
	_ =	sdelay $0x2  }
0x3b2: {  	v19 =	vld [tilespmem:s28+$0x0];
	_ =	sdelay $0x1  }
0x3b3: {  	v20 =	vsub.s32 v18, v12  }
0x3b4: {  	v20 =	vmul.u32 $0xA00, v20  }
0x3b5: {  	vm0 =	vge.s32 v18, v12;
	vm1 =	vlt.s32 v18, v13  }
0x3b6: {  	vm0 =	vmand vm0, vm1;
	v18 =	vadd.s32 v19, v20  }
0x3b7: {  	v18 =	vnsel vm0, $0x0, v18;
	_ =	sdelay $0x4  }
0x3b8: {  	s0 =	simm.s32 $0x0;
	[tilespmem:v18+s24+$0x0] =	vst.idx.add.f32.msk vm0, v17  }
0x3b9: {  	[tilespmem:s0], [sflag:$0x1] =	stream.linear.gather [hbm4b:s7+s0], $0x1F40, $0x38;
	[tilespmem:$0x1CF00] =	vst v63  }
0x3ba: {  	_ =	swait.ge [sflag:s22], $0x1F40  }
0x3bb: {  	[sflag:s22] =	ssyncset.done $0x0  }
0x3bc: {  	[sflag:s22] =	ssyncadd.s32 $0xFFFFE0C0  }
0x3bd: {  	[tilespmem:s23], [sflag:$0x1] =	stream.linear.gather [hbm4b:s8+s0], $0x1F40, $0x38;
	[tilespmem:$0x1CF00] =	vst v63  }
0x3be: {  	_ =	swait.ge [sflag:s22], $0x1F40  }
0x3bf: {  	[sflag:s22] =	ssyncset.done $0x0  }
0x3c0: {  	s28 =	simm.s32 $0x0;
	s26 =	simm.s32 $0x40;
	[sflag:s22] =	ssyncadd.s32 $0xFFFFE0C0  }
.LBB2_82:
0x3c1: {  	p0 =	sne.s32 s26, $0x7CC0;
	v18 =	vld [tilespmem:s28+$0x1F80];
	_ =	sdelay $0x2  }
0x3c2: {  	v19 =	vld [tilespmem:s28+$0x0];
	_ =	sdelay $0x1  }
0x3c3: {  	v20 =	vsub.s32 v18, v12  }
0x3c4: {  	v20 =	vmul.u32 $0xA00, v20  }
0x3c5: {  	vm0 =	vge.s32 v18, v12;
	vm1 =	vlt.s32 v18, v13  }
0x3c6: {  	vm0 =	vmand vm0, vm1;
	v18 =	vadd.s32 v19, v20  }
0x3c7: {  	v18 =	vnsel vm0, $0x0, v18  }
.Ltmp40:
0x3c8: {  	(pc) =	sbr.rel @p0 .LBB2_82-.Ltmp40, $2  }
0x3c9: {  	_ =	sdelay $0x2  }
0x3ca: {  	s28 =	sshra.s32 s26, $0x2;
	s26 =	sadd.s32 $0x40, s26;
	[tilespmem:v18+s24+$0x0] =	vst.idx.add.f32.msk vm0, v17  }
0x3cb: {  	v18 =	vld [tilespmem:s28+$0x1F80];
	_ =	sdelay $0x2  }
0x3cc: {  	v19 =	vld [tilespmem:s28+$0x0];
	_ =	sdelay $0x1  }
0x3cd: {  	v20 =	vsub.s32 v18, v12  }
0x3ce: {  	v20 =	vmul.u32 $0xA00, v20  }
0x3cf: {  	vm0 =	vge.s32 v18, v12;
	vm1 =	vlt.s32 v18, v13  }
0x3d0: {  	vm0 =	vmand vm0, vm1;
	v18 =	vadd.s32 v19, v20  }
0x3d1: {  	v18 =	vnsel vm0, $0x0, v18;
	_ =	sdelay $0x4  }
0x3d2: {  	s0 =	simm.s32 $0x0;
	[tilespmem:v18+s24+$0x0] =	vst.idx.add.f32.msk vm0, v17  }
0x3d3: {  	[tilespmem:s0], [sflag:$0x1] =	stream.linear.gather [hbm4b:s9+s0], $0x1F40, $0x38;
	[tilespmem:$0x1CF00] =	vst v63  }
0x3d4: {  	_ =	swait.ge [sflag:s22], $0x1F40  }
0x3d5: {  	[sflag:s22] =	ssyncset.done $0x0  }
0x3d6: {  	[sflag:s22] =	ssyncadd.s32 $0xFFFFE0C0  }
0x3d7: {  	[tilespmem:s23], [sflag:$0x1] =	stream.linear.gather [hbm4b:s10+s0], $0x1F40, $0x38;
	[tilespmem:$0x1CF00] =	vst v63  }
0x3d8: {  	_ =	swait.ge [sflag:s22], $0x1F40  }
0x3d9: {  	[sflag:s22] =	ssyncset.done $0x0  }
0x3da: {  	s28 =	simm.s32 $0x0;
	s26 =	simm.s32 $0x40;
	[sflag:s22] =	ssyncadd.s32 $0xFFFFE0C0  }
.LBB2_84:
0x3db: {  	p0 =	sne.s32 s26, $0x7CC0;
	v18 =	vld [tilespmem:s28+$0x1F80];
	_ =	sdelay $0x2  }
0x3dc: {  	v19 =	vld [tilespmem:s28+$0x0];
	_ =	sdelay $0x1  }
0x3dd: {  	v20 =	vsub.s32 v18, v12  }
0x3de: {  	v20 =	vmul.u32 $0xA00, v20  }
0x3df: {  	vm0 =	vge.s32 v18, v12;
	vm1 =	vlt.s32 v18, v13  }
0x3e0: {  	vm0 =	vmand vm0, vm1;
	v18 =	vadd.s32 v19, v20  }
0x3e1: {  	v18 =	vnsel vm0, $0x0, v18  }
.Ltmp41:
0x3e2: {  	(pc) =	sbr.rel @p0 .LBB2_84-.Ltmp41, $2  }
0x3e3: {  	_ =	sdelay $0x2  }
0x3e4: {  	s28 =	sshra.s32 s26, $0x2;
	s26 =	sadd.s32 $0x40, s26;
	[tilespmem:v18+s24+$0x0] =	vst.idx.add.f32.msk vm0, v17  }
0x3e5: {  	v18 =	vld [tilespmem:s28+$0x1F80];
	_ =	sdelay $0x2  }
0x3e6: {  	v19 =	vld [tilespmem:s28+$0x0];
	_ =	sdelay $0x1  }
0x3e7: {  	v20 =	vsub.s32 v18, v12  }
0x3e8: {  	v20 =	vmul.u32 $0xA00, v20  }
0x3e9: {  	vm0 =	vge.s32 v18, v12;
	vm1 =	vlt.s32 v18, v13  }
0x3ea: {  	vm0 =	vmand vm0, vm1;
	v18 =	vadd.s32 v19, v20  }
0x3eb: {  	v18 =	vnsel vm0, $0x0, v18;
	_ =	sdelay $0x4  }
0x3ec: {  	s0 =	simm.s32 $0x0;
	[tilespmem:v18+s24+$0x0] =	vst.idx.add.f32.msk vm0, v17  }
0x3ed: {  	[hbm4b:s19+s0] =	stream.linear.scatter [tilespmem:s24], [sflag:$0x1], $0x19000, $0x38;
	[tilespmem:$0x1CF00] =	vst v63  }
0x3ee: {  	_ =	swait.ge [sflag:s22], $0x19000  }
0x3ef: {  	[sflag:s22] =	ssyncset.done $0x0  }
0x3f0: {  	s26 =	simm.s32 $0x40;
	s28 =	simm.s32 $0x0;
	[sflag:s22] =	ssyncadd.s32 $0xFFFE7000  }
.LBB2_86:
0x3f1: {  	p0 =	sne.s32 s26, $0x63FC0;
	[tilespmem:s28+$0x3F00] =	vst v16;
	s0 =	smov.u32 s26;
	s26 =	sadd.s32 $0x40, s26  }
.Ltmp42:
0x3f2: {  	(pc) =	sbr.rel @p0 .LBB2_86-.Ltmp42, $2  }
0x3f3: {  	_ =	sdelay $0x2  }
0x3f4: {  	s28 =	sshra.s32 s0, $0x2  }
0x3f5: {  	[tilespmem:s28+$0x3F00] =	vst v16;
	s0 =	simm.s32 $0x0  }
0x3f6: {  	[tilespmem:s0], [sflag:$0x1] =	stream.linear.gather [hbm4b:s1+s0], $0x1F40, $0x38;
	[tilespmem:$0x1CF00] =	vst v63  }
0x3f7: {  	_ =	swait.ge [sflag:s22], $0x1F40  }
0x3f8: {  	[sflag:s22] =	ssyncset.done $0x0  }
0x3f9: {  	[sflag:s22] =	ssyncadd.s32 $0xFFFFE0C0  }
0x3fa: {  	[tilespmem:s23], [sflag:$0x1] =	stream.linear.gather [hbm4b:s2+s0], $0x1F40, $0x38;
	[tilespmem:$0x1CF00] =	vst v63  }
0x3fb: {  	_ =	swait.ge [sflag:s22], $0x1F40  }
0x3fc: {  	[sflag:s22] =	ssyncset.done $0x0  }
0x3fd: {  	s28 =	simm.s32 $0x0;
	s26 =	simm.s32 $0x40;
	[sflag:s22] =	ssyncadd.s32 $0xFFFFE0C0  }
.LBB2_88:
0x3fe: {  	p0 =	sne.s32 s26, $0x7CC0;
	v18 =	vld [tilespmem:s28+$0x1F80];
	_ =	sdelay $0x2  }
0x3ff: {  	v19 =	vld [tilespmem:s28+$0x0];
	_ =	sdelay $0x1  }
0x400: {  	v20 =	vsub.s32 v18, v14  }
0x401: {  	v20 =	vmul.u32 $0xA00, v20  }
0x402: {  	vm0 =	vge.s32 v18, v14;
	vm1 =	vlt.s32 v18, v15  }
0x403: {  	vm0 =	vmand vm0, vm1;
	v18 =	vadd.s32 v19, v20  }
0x404: {  	v18 =	vnsel vm0, $0x0, v18  }
.Ltmp43:
0x405: {  	(pc) =	sbr.rel @p0 .LBB2_88-.Ltmp43, $2  }
0x406: {  	_ =	sdelay $0x2  }
0x407: {  	s28 =	sshra.s32 s26, $0x2;
	s26 =	sadd.s32 $0x40, s26;
	[tilespmem:v18+s24+$0x0] =	vst.idx.add.f32.msk vm0, v17  }
0x408: {  	v18 =	vld [tilespmem:s28+$0x1F80];
	_ =	sdelay $0x2  }
0x409: {  	v19 =	vld [tilespmem:s28+$0x0];
	_ =	sdelay $0x1  }
0x40a: {  	v20 =	vsub.s32 v18, v14  }
0x40b: {  	v20 =	vmul.u32 $0xA00, v20  }
0x40c: {  	vm0 =	vge.s32 v18, v14;
	vm1 =	vlt.s32 v18, v15  }
0x40d: {  	vm0 =	vmand vm0, vm1;
	v18 =	vadd.s32 v19, v20  }
0x40e: {  	v18 =	vnsel vm0, $0x0, v18;
	_ =	sdelay $0x4  }
0x40f: {  	s0 =	simm.s32 $0x0;
	[tilespmem:v18+s24+$0x0] =	vst.idx.add.f32.msk vm0, v17  }
0x410: {  	[tilespmem:s0], [sflag:$0x1] =	stream.linear.gather [hbm4b:s3+s0], $0x1F40, $0x38;
	[tilespmem:$0x1CF00] =	vst v63  }
0x411: {  	_ =	swait.ge [sflag:s22], $0x1F40  }
0x412: {  	[sflag:s22] =	ssyncset.done $0x0  }
0x413: {  	[sflag:s22] =	ssyncadd.s32 $0xFFFFE0C0  }
0x414: {  	[tilespmem:s23], [sflag:$0x1] =	stream.linear.gather [hbm4b:s4+s0], $0x1F40, $0x38;
	[tilespmem:$0x1CF00] =	vst v63  }
0x415: {  	_ =	swait.ge [sflag:s22], $0x1F40  }
0x416: {  	[sflag:s22] =	ssyncset.done $0x0  }
0x417: {  	s28 =	simm.s32 $0x0;
	s26 =	simm.s32 $0x40;
	[sflag:s22] =	ssyncadd.s32 $0xFFFFE0C0  }
.LBB2_90:
0x418: {  	p0 =	sne.s32 s26, $0x7CC0;
	v18 =	vld [tilespmem:s28+$0x1F80];
	_ =	sdelay $0x2  }
0x419: {  	v19 =	vld [tilespmem:s28+$0x0];
	_ =	sdelay $0x1  }
0x41a: {  	v20 =	vsub.s32 v18, v14  }
0x41b: {  	v20 =	vmul.u32 $0xA00, v20  }
0x41c: {  	vm0 =	vge.s32 v18, v14;
	vm1 =	vlt.s32 v18, v15  }
0x41d: {  	vm0 =	vmand vm0, vm1;
	v18 =	vadd.s32 v19, v20  }
0x41e: {  	v18 =	vnsel vm0, $0x0, v18  }
.Ltmp44:
0x41f: {  	(pc) =	sbr.rel @p0 .LBB2_90-.Ltmp44, $2  }
0x420: {  	_ =	sdelay $0x2  }
0x421: {  	s28 =	sshra.s32 s26, $0x2;
	s26 =	sadd.s32 $0x40, s26;
	[tilespmem:v18+s24+$0x0] =	vst.idx.add.f32.msk vm0, v17  }
0x422: {  	v18 =	vld [tilespmem:s28+$0x1F80];
	_ =	sdelay $0x2  }
0x423: {  	v19 =	vld [tilespmem:s28+$0x0];
	_ =	sdelay $0x1  }
0x424: {  	v20 =	vsub.s32 v18, v14  }
0x425: {  	v20 =	vmul.u32 $0xA00, v20  }
0x426: {  	vm0 =	vge.s32 v18, v14;
	vm1 =	vlt.s32 v18, v15  }
0x427: {  	vm0 =	vmand vm0, vm1;
	v18 =	vadd.s32 v19, v20  }
0x428: {  	v18 =	vnsel vm0, $0x0, v18;
	_ =	sdelay $0x4  }
0x429: {  	s0 =	simm.s32 $0x0;
	[tilespmem:v18+s24+$0x0] =	vst.idx.add.f32.msk vm0, v17  }
0x42a: {  	[tilespmem:s0], [sflag:$0x1] =	stream.linear.gather [hbm4b:s5+s0], $0x1F40, $0x38;
	[tilespmem:$0x1CF00] =	vst v63  }
0x42b: {  	_ =	swait.ge [sflag:s22], $0x1F40  }
0x42c: {  	[sflag:s22] =	ssyncset.done $0x0  }
0x42d: {  	[sflag:s22] =	ssyncadd.s32 $0xFFFFE0C0  }
0x42e: {  	[tilespmem:s23], [sflag:$0x1] =	stream.linear.gather [hbm4b:s6+s0], $0x1F40, $0x38;
	[tilespmem:$0x1CF00] =	vst v63  }
0x42f: {  	_ =	swait.ge [sflag:s22], $0x1F40  }
0x430: {  	[sflag:s22] =	ssyncset.done $0x0  }
0x431: {  	s28 =	simm.s32 $0x0;
	s26 =	simm.s32 $0x40;
	[sflag:s22] =	ssyncadd.s32 $0xFFFFE0C0  }
.LBB2_92:
0x432: {  	p0 =	sne.s32 s26, $0x7CC0;
	v18 =	vld [tilespmem:s28+$0x1F80];
	_ =	sdelay $0x2  }
0x433: {  	v19 =	vld [tilespmem:s28+$0x0];
	_ =	sdelay $0x1  }
0x434: {  	v20 =	vsub.s32 v18, v14  }
0x435: {  	v20 =	vmul.u32 $0xA00, v20  }
0x436: {  	vm0 =	vge.s32 v18, v14;
	vm1 =	vlt.s32 v18, v15  }
0x437: {  	vm0 =	vmand vm0, vm1;
	v18 =	vadd.s32 v19, v20  }
0x438: {  	v18 =	vnsel vm0, $0x0, v18  }
.Ltmp45:
0x439: {  	(pc) =	sbr.rel @p0 .LBB2_92-.Ltmp45, $2  }
0x43a: {  	_ =	sdelay $0x2  }
0x43b: {  	s28 =	sshra.s32 s26, $0x2;
	s26 =	sadd.s32 $0x40, s26;
	[tilespmem:v18+s24+$0x0] =	vst.idx.add.f32.msk vm0, v17  }
0x43c: {  	v18 =	vld [tilespmem:s28+$0x1F80];
	_ =	sdelay $0x2  }
0x43d: {  	v19 =	vld [tilespmem:s28+$0x0];
	_ =	sdelay $0x1  }
0x43e: {  	v20 =	vsub.s32 v18, v14  }
0x43f: {  	v20 =	vmul.u32 $0xA00, v20  }
0x440: {  	vm0 =	vge.s32 v18, v14;
	vm1 =	vlt.s32 v18, v15  }
0x441: {  	vm0 =	vmand vm0, vm1;
	v18 =	vadd.s32 v19, v20  }
0x442: {  	v18 =	vnsel vm0, $0x0, v18;
	_ =	sdelay $0x4  }
0x443: {  	s0 =	simm.s32 $0x0;
	[tilespmem:v18+s24+$0x0] =	vst.idx.add.f32.msk vm0, v17  }
0x444: {  	[tilespmem:s0], [sflag:$0x1] =	stream.linear.gather [hbm4b:s7+s0], $0x1F40, $0x38;
	[tilespmem:$0x1CF00] =	vst v63  }
0x445: {  	_ =	swait.ge [sflag:s22], $0x1F40  }
0x446: {  	[sflag:s22] =	ssyncset.done $0x0  }
0x447: {  	[sflag:s22] =	ssyncadd.s32 $0xFFFFE0C0  }
0x448: {  	[tilespmem:s23], [sflag:$0x1] =	stream.linear.gather [hbm4b:s8+s0], $0x1F40, $0x38;
	[tilespmem:$0x1CF00] =	vst v63  }
0x449: {  	_ =	swait.ge [sflag:s22], $0x1F40  }
0x44a: {  	[sflag:s22] =	ssyncset.done $0x0  }
0x44b: {  	s28 =	simm.s32 $0x0;
	s26 =	simm.s32 $0x40;
	[sflag:s22] =	ssyncadd.s32 $0xFFFFE0C0  }
.LBB2_94:
0x44c: {  	p0 =	sne.s32 s26, $0x7CC0;
	v18 =	vld [tilespmem:s28+$0x1F80];
	_ =	sdelay $0x2  }
0x44d: {  	v19 =	vld [tilespmem:s28+$0x0];
	_ =	sdelay $0x1  }
0x44e: {  	v20 =	vsub.s32 v18, v14  }
0x44f: {  	v20 =	vmul.u32 $0xA00, v20  }
0x450: {  	vm0 =	vge.s32 v18, v14;
	vm1 =	vlt.s32 v18, v15  }
0x451: {  	vm0 =	vmand vm0, vm1;
	v18 =	vadd.s32 v19, v20  }
0x452: {  	v18 =	vnsel vm0, $0x0, v18  }
.Ltmp46:
0x453: {  	(pc) =	sbr.rel @p0 .LBB2_94-.Ltmp46, $2  }
0x454: {  	_ =	sdelay $0x2  }
0x455: {  	s28 =	sshra.s32 s26, $0x2;
	s26 =	sadd.s32 $0x40, s26;
	[tilespmem:v18+s24+$0x0] =	vst.idx.add.f32.msk vm0, v17  }
0x456: {  	v18 =	vld [tilespmem:s28+$0x1F80];
	_ =	sdelay $0x2  }
0x457: {  	v19 =	vld [tilespmem:s28+$0x0];
	_ =	sdelay $0x1  }
0x458: {  	v20 =	vsub.s32 v18, v14  }
0x459: {  	v20 =	vmul.u32 $0xA00, v20  }
0x45a: {  	vm0 =	vge.s32 v18, v14;
	vm1 =	vlt.s32 v18, v15  }
0x45b: {  	vm0 =	vmand vm0, vm1;
	v18 =	vadd.s32 v19, v20  }
0x45c: {  	v18 =	vnsel vm0, $0x0, v18;
	_ =	sdelay $0x4  }
0x45d: {  	s0 =	simm.s32 $0x0;
	[tilespmem:v18+s24+$0x0] =	vst.idx.add.f32.msk vm0, v17  }
0x45e: {  	[tilespmem:s0], [sflag:$0x1] =	stream.linear.gather [hbm4b:s9+s0], $0x1F40, $0x38;
	[tilespmem:$0x1CF00] =	vst v63  }
0x45f: {  	_ =	swait.ge [sflag:s22], $0x1F40  }
0x460: {  	[sflag:s22] =	ssyncset.done $0x0  }
0x461: {  	[sflag:s22] =	ssyncadd.s32 $0xFFFFE0C0  }
0x462: {  	[tilespmem:s23], [sflag:$0x1] =	stream.linear.gather [hbm4b:s10+s0], $0x1F40, $0x38;
	[tilespmem:$0x1CF00] =	vst v63  }
0x463: {  	_ =	swait.ge [sflag:s22], $0x1F40  }
0x464: {  	[sflag:s22] =	ssyncset.done $0x0  }
0x465: {  	s28 =	simm.s32 $0x0;
	s26 =	simm.s32 $0x40;
	[sflag:s22] =	ssyncadd.s32 $0xFFFFE0C0  }
.LBB2_96:
0x466: {  	p0 =	sne.s32 s26, $0x7CC0;
	v18 =	vld [tilespmem:s28+$0x1F80];
	_ =	sdelay $0x2  }
0x467: {  	v19 =	vld [tilespmem:s28+$0x0];
	_ =	sdelay $0x1  }
0x468: {  	v20 =	vsub.s32 v18, v14  }
0x469: {  	v20 =	vmul.u32 $0xA00, v20  }
0x46a: {  	vm0 =	vge.s32 v18, v14;
	vm1 =	vlt.s32 v18, v15  }
0x46b: {  	vm0 =	vmand vm0, vm1;
	v18 =	vadd.s32 v19, v20  }
0x46c: {  	v18 =	vnsel vm0, $0x0, v18  }
.Ltmp47:
0x46d: {  	(pc) =	sbr.rel @p0 .LBB2_96-.Ltmp47, $2  }
0x46e: {  	_ =	sdelay $0x2  }
0x46f: {  	s28 =	sshra.s32 s26, $0x2;
	s26 =	sadd.s32 $0x40, s26;
	[tilespmem:v18+s24+$0x0] =	vst.idx.add.f32.msk vm0, v17  }
0x470: {  	v18 =	vld [tilespmem:s28+$0x1F80];
	_ =	sdelay $0x2  }
0x471: {  	v19 =	vld [tilespmem:s28+$0x0];
	_ =	sdelay $0x1  }
0x472: {  	v20 =	vsub.s32 v18, v14  }
0x473: {  	v20 =	vmul.u32 $0xA00, v20  }
0x474: {  	vm0 =	vge.s32 v18, v14;
	vm1 =	vlt.s32 v18, v15  }
0x475: {  	vm0 =	vmand vm0, vm1;
	v18 =	vadd.s32 v19, v20  }
0x476: {  	v18 =	vnsel vm0, $0x0, v18;
	_ =	sdelay $0x2  }
0x477: {  	s25 =	sadd.s32 $0x1, s25  }
0x478: {  	p0 =	sne.s32 s25, s21  }
.Ltmp48:
0x479: {  	[tilespmem:v18+s24+$0x0] =	vst.idx.add.f32.msk vm0, v17;
	(pc) =	sbr.rel @p0 .LBB2_1-.Ltmp48, $4  }
0x47a: {  	[hbm4b:s20+s11] =	stream.linear.scatter [tilespmem:s24], [sflag:$0x1], $0x19000, $0x38;
	[tilespmem:$0x1CF00] =	vst v63  }
0x47b: {  	_ =	swait.ge [sflag:s22], $0x19000  }
0x47c: {  	[sflag:s22] =	ssyncset.done $0x0  }
0x47d: {  	[sflag:s22] =	ssyncadd.s32 $0xFFFE7000  }
0x47e: {  	_ =	sfence.sel $0x180000  }
0x47f: {  	[bflag:$0x0] =	sbarrier.arrive $0xFFFF  }
0x480: {  	_ =	strace $0x90000047  }
0x481: {  	s0 =	stileid.u32;
	[bflag:$0x2] =	sbarrier.arrive $0xFFFF  }
0x482: {  	p0 =	sne.s32 s0, $0x0;
	s0 =	rddreg [dreg:$0x2]  }
0x483: {  	s0 =	sadd.s32 @!p0 $0x100000, s0  }
0x484: {  	[sflag:s0] =	ssyncadd.tile.s32 @!p0 $0x1;
	_ =	shalt  }
.Lfunc_end2:
_tile_overlayer_lowered:
.L_overlay_start_2:
0x485: {  	(tag) =	ssettag $0x2  }
0x486: {  	s0 =	rddreg [dreg:$0x0];
	s2 =	stileid.u32  }
0x487: {  	s1 =	rddreg [dreg:$0x1];
	p0 =	sne.s32 s2, $0x0  }
0x488: {  	s3 =	rddreg [dreg:$0x2];
	[bflag:$0x3] =	sbarrier.arrive $0xFFFF;
	s2 =	simm.s32 @!p0 $0x1C01  }
0x489: {  	[timem:s3], [sflag:s2] =	dma.local @!p0 [hbm:s0], s1  }
0x48a: {  	s0 =	simm.s32 @!p0 $0x1  }
0x48b: {  	_ =	swait.ge @!p0 [sflag:s0], s1  }
0x48c: {  	s1 =	ssub.s32 @!p0 $0x0, s1;
	[sflag:s0] =	ssyncset.done @!p0 $0x0  }
0x48d: {  	[sflag:s0] =	ssyncadd.s32 @!p0 s1  }
0x48e: {  	[bflag:$0x3] =	sbarrier.arrive $0xFFFF  }
0x48f: {  	_ =	shalt  }

</sc_bundles>
